<compile_context>
chip_gen: v7x
topology: tpu7x:2x2x1
jax: 0.10.2.dev20260603
libtpu: 0.0.44.dev20260713+nightly
codegen_flags: <defaults>
</compile_context>

<pallas_src>
import functools

import jax
import jax.numpy as jnp
from jax import lax
from jax.experimental import pallas as pl
from jax.experimental.pallas import tpu as pltpu
from jax.experimental.pallas import tpu_sc as plsc

NUM_EXP = 64
CAP = 1024
N_TOK = 32768
HID = 1024
TBLK = 1024
NBLK = N_TOK // TBLK
SMAX = 2048
SSTR = 2048
KEEP_ALL = -1
DROP_ALL = 0x7F000000
IDX_PAD = 0x7FFFFFF


def _router_body(hs_ref, w_ref, e1_ref, e2_ref, p1_ref, p2_ref):
    hs = hs_ref[...]
    w = w_ref[...]
    logits = lax.dot_general(w, hs, (((1,), (1,)), ((), ())),
                             preferred_element_type=jnp.float32)
    m = jnp.max(logits, axis=0, keepdims=True)
    ex = jnp.exp(logits - m)
    z = jnp.sum(ex, axis=0, keepdims=True)
    probs = ex / z
    pmax = jnp.max(probs, axis=0, keepdims=True)
    iota = lax.broadcasted_iota(jnp.int32, (NUM_EXP, TBLK), 0)
    e1 = jnp.min(jnp.where(probs == pmax, iota, NUM_EXP), axis=0,
                 keepdims=True)
    oh1 = iota == e1
    lm = jnp.where(oh1, jnp.float32(-jnp.inf), logits)
    m2 = jnp.max(lm, axis=0, keepdims=True)
    e2 = jnp.min(jnp.where(lm == m2, iota, NUM_EXP), axis=0, keepdims=True)
    p2 = jnp.sum(jnp.where(iota == e2, probs, 0.0), axis=0, keepdims=True)
    e1_ref[...] = e1[None]
    e2_ref[...] = e2[None]
    p1_ref[...] = pmax[None]
    p2_ref[...] = p2[None]


def _run_router(hs2d, w):
    out_shape = [
        jax.ShapeDtypeStruct((NBLK, 1, TBLK), jnp.int32),
        jax.ShapeDtypeStruct((NBLK, 1, TBLK), jnp.int32),
        jax.ShapeDtypeStruct((NBLK, 1, TBLK), jnp.float32),
        jax.ShapeDtypeStruct((NBLK, 1, TBLK), jnp.float32),
    ]
    ospec = pl.BlockSpec((1, 1, TBLK), lambda i: (i, 0, 0))
    return pl.pallas_call(
        _router_body,
        grid=(NBLK,),
        in_specs=[pl.BlockSpec((TBLK, HID), lambda i: (i, 0)),
                  pl.BlockSpec((NUM_EXP, HID), lambda i: (0, 0))],
        out_specs=[ospec, ospec, ospec, ospec],
        out_shape=out_shape,
        compiler_params=pltpu.CompilerParams(
            dimension_semantics=("arbitrary",)),
    )(hs2d, w)


def _count_gt(bk_i32, base, nv, mid):
    def body(v, c):
        kb = bk_i32[pl.ds(base + v * 16, 16)]
        return c + jnp.sum((kb > mid).astype(jnp.int32))
    return lax.fori_loop(0, nv, body, jnp.int32(0))


def _select_threshold(bk, bi, base, n, t):
    nv = (n + 15) // 16

    def cnt(mid):
        def body(v, c):
            kb = bk[pl.ds(base + v * 16, 16)]
            return c + jnp.sum((kb > mid).astype(jnp.int32))
        return lax.fori_loop(0, nv, body, jnp.int32(0))

    def bis_body(_, lohi):
        lo, hi = lohi
        mid = (lo + hi) // 2
        below = cnt(mid) < t
        nlo = jnp.where(below, lo, mid + 1)
        nhi = jnp.where(below, mid, hi)
        live = lo < hi
        return (jnp.where(live, nlo, lo), jnp.where(live, nhi, hi))

    lo, _ = lax.fori_loop(0, 31, bis_body,
                          (jnp.int32(0), jnp.int32(0x3F800001)))
    vstar = lo
    c_gt = cnt(vstar)
    r = t - c_gt

    def cnt_idx(mid):
        def body(v, c):
            kb = bk[pl.ds(base + v * 16, 16)]
            ib = bi[pl.ds(base + v * 16, 16)]
            hit = (kb == vstar) & (ib <= mid)
            return c + jnp.sum(hit.astype(jnp.int32))
        return lax.fori_loop(0, nv, body, jnp.int32(0))

    def ibis_body(_, lohi):
        lo2, hi2 = lohi
        mid = (lo2 + hi2) // 2
        enough = cnt_idx(mid) >= r
        nlo = jnp.where(enough, lo2, mid + 1)
        nhi = jnp.where(enough, mid, hi2)
        live = lo2 < hi2
        return (jnp.where(live, nlo, lo2), jnp.where(live, nhi, hi2))

    ith, _ = lax.fori_loop(0, 16, ibis_body,
                           (jnp.int32(0), jnp.int32(N_TOK - 1)))
    return vstar, ith


def _sc_capacity_make():
    mesh = plsc.VectorSubcoreMesh(core_axis_name="c", subcore_axis_name="s")
    tbl = jax.ShapeDtypeStruct((32, 16), jnp.int32)
    tbl_i = jax.ShapeDtypeStruct((32, 16), jnp.int32)

    @functools.partial(
        pl.kernel,
        out_type=(tbl, tbl_i, tbl, tbl_i),
        mesh=mesh,
        compiler_params=pltpu.CompilerParams(needs_layout_passes=False),
        scratch_types=[
            pltpu.VMEM((N_TOK,), jnp.int32),
            pltpu.VMEM((N_TOK,), jnp.int32),
            pltpu.VMEM((N_TOK,), jnp.float32),
            pltpu.VMEM((SSTR + 64,), jnp.int32),
            pltpu.VMEM((SSTR + 64,), jnp.int32),
            pltpu.VMEM((SSTR + 64,), jnp.int32),
            pltpu.VMEM((SSTR + 64,), jnp.int32),
            pltpu.VMEM((4 * SMAX + 64,), jnp.int32),
            pltpu.VMEM((4 * SMAX + 64,), jnp.int32),
            pltpu.VMEM((16,), jnp.int32),
            pltpu.VMEM((16,), jnp.int32),
            pltpu.VMEM((16,), jnp.int32),
            pltpu.VMEM((16,), jnp.int32),
        ],
    )
    def _sc_capacity(e1_hbm, e2_hbm, key_hbm,
                     kth1_hbm, ith1_hbm, kth2_hbm, ith2_hbm,
                     e1_v, e2_v, key_v, sk1, sp1, sk2, sp2,
                     bk, bi, ob1k, ob1i, ob2k, ob2i):
        wid = lax.axis_index("s") * 2 + lax.axis_index("c")
        pltpu.sync_copy(e1_hbm, e1_v)
        pltpu.sync_copy(e2_hbm, e2_v)
        pltpu.sync_copy(key_hbm, key_v)

        lane16 = jnp.arange(16, dtype=jnp.int32)

        def pre(v, _):
            for u in range(4):
                bk[pl.ds((v * 4 + u) * 16, 16)] = \
                    jnp.full((16,), -1, jnp.int32)
                bi[pl.ds((v * 4 + u) * 16, 16)] = \
                    jnp.full((16,), IDX_PAD, jnp.int32)
            return 0
        lax.fori_loop(0, SMAX // 16 + 1, pre, 0)

        def pre2(v, _):
            for u in range(4):
                sp1[pl.ds((v * 4 + u) * 16, 16)] = \
                    jnp.full((16,), IDX_PAD, jnp.int32)
                sp2[pl.ds((v * 4 + u) * 16, 16)] = \
                    jnp.full((16,), IDX_PAD, jnp.int32)
            return 0
        lax.fori_loop(0, SSTR // 16 // 4 + 1, pre2, 0)

        UNR = 8

        def scan(v, offs):
            o1, o2 = offs
            o1c = jnp.minimum(o1, SSTR - 160)
            o2c = jnp.minimum(o2, SSTR - 160)
            cums1, cums2, kvs, pk1s, pk2s = [], [], [], [], []
            m1s, m2s = [], []
            for u in range(UNR):
                base = (v * UNR + u) * 16
                kv = plsc.bitcast(key_v[pl.ds(base, 16)], jnp.int32)
                e1v = e1_v[pl.ds(base, 16)]
                e2v = e2_v[pl.ds(base, 16)]
                idxv = lane16 + base
                m1 = (e1v >> 1) == wid
                m2 = (e2v >> 1) == wid
                cums1.append(plsc.cumsum(m1.astype(jnp.int32)))
                cums2.append(plsc.cumsum(m2.astype(jnp.int32)))
                kvs.append(kv)
                m1s.append(m1)
                m2s.append(m2)
                pk1s.append(idxv + ((e1v & 1) << 15))
                pk2s.append(idxv + ((e2v & 1) << 15))
            r1 = jnp.int32(0)
            r2 = jnp.int32(0)
            for u in range(UNR):
                cs1, cs2 = cums1[u], cums2[u]
                d1 = jnp.where(m1s[u], o1c + r1 + cs1 - 1, SSTR + lane16)
                plsc.store_scatter(sk1, [d1], kvs[u])
                plsc.store_scatter(sp1, [d1], pk1s[u])
                r1 = r1 + cs1[15]
                d2 = jnp.where(m2s[u], o2c + r2 + cs2 - 1, SSTR + lane16)
                plsc.store_scatter(sk2, [d2], kvs[u])
                plsc.store_scatter(sp2, [d2], pk2s[u])
                r2 = r2 + cs2[15]
            return (o1 + r1, o2 + r2)

        z = jnp.int32(0)
        o1, o2 = lax.fori_loop(0, N_TOK // 16 // UNR, scan, (z, z))

        def split(sk, sp, o, grp):
            nv = (jnp.minimum(o, SSTR) + 15) // 16

            def body(v, offs):
                res = list(offs)
                kb = sk[pl.ds(v * 16, 16)]
                pkv = sp[pl.ds(v * 16, 16)]
                bit = pkv >> 15
                idx = pkv & 0x7FFF
                for t in range(2):
                    m = bit == t
                    mi = m.astype(jnp.int32)
                    wo = ((grp * 2 + t) * SMAX
                          + jnp.minimum(res[t], SMAX - 16))
                    d = jnp.where(m, wo + plsc.cumsum(mi) - 1,
                                  4 * SMAX + lane16)
                    plsc.store_scatter(bk, [d], kb)
                    plsc.store_scatter(bi, [d], idx)
                    res[t] = res[t] + jnp.sum(mi)
                return tuple(res)

            return lax.fori_loop(0, nv, body, (z, z))

        c1a, c1b = split(sk1, sp1, o1, 0)
        c2a, c2b = split(sk2, sp2, o2, 1)

        def thresholds(t, cnt1, cnt2):
            slot1, slot2 = t, 2 + t
            n1 = jnp.minimum(cnt1, SMAX)
            n2 = jnp.minimum(cnt2, SMAX)
            k1, i1 = lax.cond(
                cnt1 <= CAP,
                lambda: (jnp.int32(KEEP_ALL), jnp.int32(0)),
                lambda: _select_threshold(bk, bi, slot1 * SMAX, n1,
                                          jnp.int32(CAP)))
            t2 = CAP - cnt1
            k2, i2 = lax.cond(
                t2 <= 0,
                lambda: (jnp.int32(DROP_ALL), jnp.int32(0)),
                lambda: lax.cond(
                    t2 >= cnt2,
                    lambda: (jnp.int32(KEEP_ALL), jnp.int32(0)),
                    lambda: _select_threshold(bk, bi, slot2 * SMAX, n2, t2)))
            return k1, i1, k2, i2

        k1a, i1a, k2a, i2a = thresholds(0, c1a, c2a)
        k1b, i1b, k2b, i2b = thresholds(1, c1b, c2b)

        lane = jnp.arange(16, dtype=jnp.int32)
        ob1k[...] = jnp.where(lane == 0, k1a, jnp.where(lane == 1, k1b, 0))
        ob1i[...] = jnp.where(lane == 0, i1a, jnp.where(lane == 1, i1b, 0))
        ob2k[...] = jnp.where(lane == 0, k2a, jnp.where(lane == 1, k2b, 0))
        ob2i[...] = jnp.where(lane == 0, i2a, jnp.where(lane == 1, i2b, 0))
        pltpu.sync_copy(ob1k, kth1_hbm.at[wid])
        pltpu.sync_copy(ob1i, ith1_hbm.at[wid])
        pltpu.sync_copy(ob2k, kth2_hbm.at[wid])
        pltpu.sync_copy(ob2i, ith2_hbm.at[wid])

    return _sc_capacity


CBLK = TBLK


def _finalize_body(e1_ref, e2_ref, p1_ref, p2_ref,
                   k1_ref, i1_ref, k2_ref, i2_ref,
                   mask_ref, comb_ref):
    blk = pl.program_id(0)
    e1 = e1_ref[0]
    e2 = e2_ref[0]
    p1 = p1_ref[0]
    p2 = p2_ref[0]
    p1b = lax.bitcast_convert_type(p1, jnp.int32)
    iota_e = lax.broadcasted_iota(jnp.int32, (NUM_EXP, CBLK), 0)
    oh1 = iota_e == e1
    oh2 = iota_e == e2
    k1t = k1_ref[:, 0:1]
    i1t = i1_ref[:, 0:1]
    k2t = k2_ref[:, 0:1]
    i2t = i2_ref[:, 0:1]
    k1g = jnp.sum(jnp.where(oh1, k1t, 0), axis=0, keepdims=True)
    i1g = jnp.sum(jnp.where(oh1, i1t, 0), axis=0, keepdims=True)
    k2g = jnp.sum(jnp.where(oh2, k2t, 0), axis=0, keepdims=True)
    i2g = jnp.sum(jnp.where(oh2, i2t, 0), axis=0, keepdims=True)
    tok = (lax.broadcasted_iota(jnp.int32, (1, CBLK), 1) + blk * CBLK)
    keep1 = (p1b > k1g) | ((p1b == k1g) & (tok <= i1g))
    keep2 = (p1b > k2g) | ((p1b == k2g) & (tok <= i2g))
    s1 = jnp.where(keep1, p1, 0.0)
    s2 = jnp.where(keep2, p2, 0.0)
    denom = jnp.maximum(s1 + s2, jnp.float32(jnp.finfo(jnp.float32).eps))
    g1 = s1 / denom
    g2 = s2 / denom
    mask_ref[...] = (oh1 & keep1).astype(jnp.int32)
    comb_ref[...] = jnp.where(oh1 & keep1, g1, 0.0) + \
        jnp.where(oh2 & keep2, g2, 0.0)


def _run_finalize(e1r, e2r, p1r, p2r, k1, i1, k2, i2):
    nblk = N_TOK // CBLK
    ispec = pl.BlockSpec((1, 1, CBLK), lambda i: (i, 0, 0))
    tspec = pl.BlockSpec((NUM_EXP, 128), lambda i: (0, 0))
    ospec = pl.BlockSpec((NUM_EXP, CBLK), lambda i: (0, i))
    return pl.pallas_call(
        _finalize_body,
        grid=(nblk,),
        in_specs=[ispec, ispec, ispec, ispec,
                  tspec, tspec, tspec, tspec],
        out_specs=[ospec, ospec],
        out_shape=[jax.ShapeDtypeStruct((NUM_EXP, N_TOK), jnp.int32),
                   jax.ShapeDtypeStruct((NUM_EXP, N_TOK), jnp.float32)],
        compiler_params=pltpu.CompilerParams(
            dimension_semantics=("arbitrary",)),
    )(e1r, e2r, p1r, p2r, k1, i1, k2, i2)


def kernel(hidden_states, W):
    b, s, h = hidden_states.shape
    hs2d = hidden_states.reshape(b * s, h).astype(jnp.float32)
    e1r, e2r, p1r, p2r = _run_router(hs2d, W)

    sc = _sc_capacity_make()
    kth1, ith1, kth2, ith2 = sc(e1r.reshape(N_TOK), e2r.reshape(N_TOK),
                                p1r.reshape(N_TOK))

    def tab(x):
        return jnp.broadcast_to(x[:, :2].reshape(NUM_EXP, 1), (NUM_EXP, 128))

    mask_t, comb_t = _run_finalize(
        e1r, e2r, p1r, p2r,
        tab(kth1), tab(ith1), tab(kth2), tab(ith2))
    return (mask_t.T, comb_t.T)

# --- scband reference (transcript-rebuilt; emitter-appended) ---
"""Pipeline reference for scband-nllb-moe-top2-router-20572893348642 (READ-ONLY COPY).

The authoritative reference and input builder live on the scoring server;
editing this copy changes nothing except your own understanding.
"""

import jax, jax.numpy as jnp
import numpy as np

NUM_EXPERTS = 64
EXPERT_CAPACITY = 1024
B, S, H = 4, 8192, 1024


def setup_inputs(seed: int = 0) -> dict:
    key = jax.random.key(seed)
    k1, k2 = jax.random.split(key)
    hidden_states = jax.random.normal(k1, (B, S, H), dtype=jnp.float32)
    # classifier: nn.Linear(hidden_size, num_experts, bias=False) -> weight [E, H]
    W = jax.random.normal(k2, (NUM_EXPERTS, H), dtype=jnp.float32) * 0.02
    return {"hidden_states": hidden_states, "W": W}


def reference(hidden_states, W):
    E = NUM_EXPERTS
    capacity = EXPERT_CAPACITY
    b, s, h = hidden_states.shape
    hs = hidden_states.reshape(b * s, h).astype(jnp.float32)
    router_logits = hs @ W.T
    router_probs = jax.nn.softmax(router_logits, axis=-1)
    # top-1 expert
    top_1_expert_index = jnp.argmax(router_probs, axis=-1)
    top_1_mask = jax.nn.one_hot(top_1_expert_index, E, dtype=jnp.int32)
    # second_expert_policy == 'all': no gumbel noise
    logits_except_top_1 = jnp.where(top_1_mask.astype(bool), -jnp.inf, router_logits)
    top_2_expert_index = jnp.argmax(logits_except_top_1, axis=-1)
    top_2_mask = jax.nn.one_hot(top_2_expert_index, E, dtype=jnp.int32)
    # batch_prioritized_routing == True
    importance_scores = -1.0 * jnp.max(router_probs, axis=1)
    order = jnp.argsort(importance_scores, axis=0)
    inv_order = jnp.argsort(order, axis=0)
    sorted_top_1_mask = top_1_mask[order]
    sorted_cumsum1 = (jnp.cumsum(sorted_top_1_mask, axis=0) - 1) * sorted_top_1_mask
    locations1 = sorted_cumsum1[inv_order]
    sorted_top_2_mask = top_2_mask[order]
    sorted_cumsum2 = (jnp.cumsum(sorted_top_2_mask, axis=0) - 1) * sorted_top_2_mask
    locations2 = sorted_cumsum2[inv_order]
    locations2 = locations2 + jnp.sum(top_1_mask, axis=0, keepdims=True)
    # training mode, expert_capacity is set (not None) -> use fixed capacity
    top_1_mask = top_1_mask * (locations1 < capacity).astype(jnp.int32)
    top_2_mask = top_2_mask * (locations2 < capacity).astype(jnp.int32)
    # normalize_router_prob_before_dropping == False -> normalize after dropping
    top_1_max_probs = jnp.sum(router_probs * top_1_mask, axis=1)
    top_2_max_probs = jnp.sum(router_probs * top_2_mask, axis=1)
    eps = jnp.finfo(router_probs.dtype).eps
    denom_s = jnp.maximum(top_1_max_probs + top_2_max_probs, eps)
    top_1_max_probs = top_1_max_probs / denom_s
    top_2_max_probs = top_2_max_probs / denom_s
    gates1 = top_1_max_probs[:, None] * top_1_mask
    gates2 = top_2_max_probs[:, None] * top_2_mask
    combined_router_probs = gates1 + gates2
    return (top_1_mask, combined_router_probs)

if __name__ == "__main__":
    import jax
    _d = setup_inputs()
    print(jax.jit(kernel)(*tuple(_d.values())))

</pallas_src>

<mosaic_0001>
#map = affine_map<(d0, d1) -> (0)>
#map1 = affine_map<(d0, d1) -> (0, 0)>
module attributes {stable_mosaic.version = 14 : i64} {
  func.func @_sc_capacity(%arg0: i32, %arg1: i32, %arg2: memref<32768xi32, #tpu.memory_space<hbm>>, %arg3: memref<32768xi32, #tpu.memory_space<hbm>>, %arg4: memref<32768xf32, #tpu.memory_space<hbm>>, %arg5: memref<32x16xi32, #tpu.memory_space<hbm>>, %arg6: memref<32x16xi32, #tpu.memory_space<hbm>>, %arg7: memref<32x16xi32, #tpu.memory_space<hbm>>, %arg8: memref<32x16xi32, #tpu.memory_space<hbm>>, %arg9: memref<32768xi32, #tpu.memory_space<vmem>>, %arg10: memref<32768xi32, #tpu.memory_space<vmem>>, %arg11: memref<32768xf32, #tpu.memory_space<vmem>>, %arg12: memref<2112xi32, #tpu.memory_space<vmem>>, %arg13: memref<2112xi32, #tpu.memory_space<vmem>>, %arg14: memref<2112xi32, #tpu.memory_space<vmem>>, %arg15: memref<2112xi32, #tpu.memory_space<vmem>>, %arg16: memref<8256xi32, #tpu.memory_space<vmem>>, %arg17: memref<8256xi32, #tpu.memory_space<vmem>>, %arg18: memref<16xi32, #tpu.memory_space<vmem>>, %arg19: memref<16xi32, #tpu.memory_space<vmem>>, %arg20: memref<16xi32, #tpu.memory_space<vmem>>, %arg21: memref<16xi32, #tpu.memory_space<vmem>>) attributes {dimension_semantics = [#tpu.dimension_semantics<core_parallel>, #tpu.dimension_semantics<subcore_parallel>], iteration_bounds = array<i64: 2, 16>, scalar_prefetch = 0 : i64, scratch_operands = 13 : i64, tpu.core_type = #tpu.core_type<sc_vector_subcore>, window_params = [{transform_indices = #map}, {transform_indices = #map}, {transform_indices = #map}, {transform_indices = #map1}, {transform_indices = #map1}, {transform_indices = #map1}, {transform_indices = #map1}]} {
    %mul3A = arith.constant 2 : i32
    %mul3A_0 = arith.muli %arg1, %mul3A : i32
    %add3A = arith.addi %mul3A_0, %arg0 : i32
    "tpu.region"() ({
      %run_scoped3A = tpu.sem_alloc : memref<!tpu.dma_semaphore, #tpu.memory_space<semaphore_mem>>
      tpu.enqueue_dma source(%arg2 : memref<32768xi32, #tpu.memory_space<hbm>>) target(%arg9 : memref<32768xi32, #tpu.memory_space<vmem>>) target_semaphore(%run_scoped3A : memref<!tpu.dma_semaphore, #tpu.memory_space<semaphore_mem>>)
      tpu.wait_dma2 semaphore(%run_scoped3A : memref<!tpu.dma_semaphore, #tpu.memory_space<semaphore_mem>>) src(%arg2 : memref<32768xi32, #tpu.memory_space<hbm>>) dst(%arg9 : memref<32768xi32, #tpu.memory_space<vmem>>)
      tpu.yield
    }) : () -> ()
    "tpu.region"() ({
      %run_scoped3A = tpu.sem_alloc : memref<!tpu.dma_semaphore, #tpu.memory_space<semaphore_mem>>
      tpu.enqueue_dma source(%arg3 : memref<32768xi32, #tpu.memory_space<hbm>>) target(%arg10 : memref<32768xi32, #tpu.memory_space<vmem>>) target_semaphore(%run_scoped3A : memref<!tpu.dma_semaphore, #tpu.memory_space<semaphore_mem>>)
      tpu.wait_dma2 semaphore(%run_scoped3A : memref<!tpu.dma_semaphore, #tpu.memory_space<semaphore_mem>>) src(%arg3 : memref<32768xi32, #tpu.memory_space<hbm>>) dst(%arg10 : memref<32768xi32, #tpu.memory_space<vmem>>)
      tpu.yield
    }) : () -> ()
    "tpu.region"() ({
      %run_scoped3A = tpu.sem_alloc : memref<!tpu.dma_semaphore, #tpu.memory_space<semaphore_mem>>
      tpu.enqueue_dma source(%arg4 : memref<32768xf32, #tpu.memory_space<hbm>>) target(%arg11 : memref<32768xf32, #tpu.memory_space<vmem>>) target_semaphore(%run_scoped3A : memref<!tpu.dma_semaphore, #tpu.memory_space<semaphore_mem>>)
      tpu.wait_dma2 semaphore(%run_scoped3A : memref<!tpu.dma_semaphore, #tpu.memory_space<semaphore_mem>>) src(%arg4 : memref<32768xf32, #tpu.memory_space<hbm>>) dst(%arg11 : memref<32768xf32, #tpu.memory_space<vmem>>)
      tpu.yield
    }) : () -> ()
    %iota3A = tpu.iota {dimensions = array<i32: 0>} : vector<16xi32>
    %scan3A = arith.constant 0 : i32
    %scan3A_1 = arith.constant 0 : i32
    %scan3A_2 = arith.constant 129 : i32
    %scan3A_3 = arith.addi %scan3A_1, %scan3A_2 : i32
    %scan3A_4 = arith.constant 1 : i32
    %scan3A_5 = scf.for %scan3A_181 = %scan3A_1 to %scan3A_3 step %scan3A_4 iter_args(%scan3A_182 = %scan3A) -> (i32)  : i32 {
      %broadcast_in_dim3A_183 = arith.constant -1 : i32
      %broadcast_in_dim3A_184 = vector.broadcast %broadcast_in_dim3A_183 : i32 to vector<16xi32>
      %mul3A_185 = arith.constant 4 : i32
      %mul3A_186 = arith.muli %scan3A_181, %mul3A_185 : i32
      %add3A_187 = arith.constant 0 : i32
      %add3A_188 = arith.addi %mul3A_186, %add3A_187 : i32
      %mul3A_189 = arith.constant 16 : i32
      %mul3A_190 = arith.muli %add3A_188, %mul3A_189 : i32
      %swap3A_191 = arith.index_cast %mul3A_190 : i32 to index
      %swap3A_192 = tpu.vector_load %arg16[%swap3A_191] {strides = array<i32>} : memref<8256xi32, #tpu.memory_space<vmem>>, vector<16xi32>,
      tpu.vector_store %arg16[%swap3A_191], %broadcast_in_dim3A_184 {strides = array<i32>} : memref<8256xi32, #tpu.memory_space<vmem>>, vector<16xi32>,
      %broadcast_in_dim3A_193 = arith.constant 134217727 : i32
      %broadcast_in_dim3A_194 = vector.broadcast %broadcast_in_dim3A_193 : i32 to vector<16xi32>
      %mul3A_195 = arith.constant 4 : i32
      %mul3A_196 = arith.muli %scan3A_181, %mul3A_195 : i32
      %add3A_197 = arith.constant 0 : i32
      %add3A_198 = arith.addi %mul3A_196, %add3A_197 : i32
      %mul3A_199 = arith.constant 16 : i32
      %mul3A_200 = arith.muli %add3A_198, %mul3A_199 : i32
      %swap3A_201 = arith.index_cast %mul3A_200 : i32 to index
      %swap3A_202 = tpu.vector_load %arg17[%swap3A_201] {strides = array<i32>} : memref<8256xi32, #tpu.memory_space<vmem>>, vector<16xi32>,
      tpu.vector_store %arg17[%swap3A_201], %broadcast_in_dim3A_194 {strides = array<i32>} : memref<8256xi32, #tpu.memory_space<vmem>>, vector<16xi32>,
      %broadcast_in_dim3A_203 = arith.constant -1 : i32
      %broadcast_in_dim3A_204 = vector.broadcast %broadcast_in_dim3A_203 : i32 to vector<16xi32>
      %mul3A_205 = arith.constant 4 : i32
      %mul3A_206 = arith.muli %scan3A_181, %mul3A_205 : i32
      %add3A_207 = arith.constant 1 : i32
      %add3A_208 = arith.addi %mul3A_206, %add3A_207 : i32
      %mul3A_209 = arith.constant 16 : i32
      %mul3A_210 = arith.muli %add3A_208, %mul3A_209 : i32
      %swap3A_211 = arith.index_cast %mul3A_210 : i32 to index
      %swap3A_212 = tpu.vector_load %arg16[%swap3A_211] {strides = array<i32>} : memref<8256xi32, #tpu.memory_space<vmem>>, vector<16xi32>,
      tpu.vector_store %arg16[%swap3A_211], %broadcast_in_dim3A_204 {strides = array<i32>} : memref<8256xi32, #tpu.memory_space<vmem>>, vector<16xi32>,
      %broadcast_in_dim3A_213 = arith.constant 134217727 : i32
      %broadcast_in_dim3A_214 = vector.broadcast %broadcast_in_dim3A_213 : i32 to vector<16xi32>
      %mul3A_215 = arith.constant 4 : i32
      %mul3A_216 = arith.muli %scan3A_181, %mul3A_215 : i32
      %add3A_217 = arith.constant 1 : i32
      %add3A_218 = arith.addi %mul3A_216, %add3A_217 : i32
      %mul3A_219 = arith.constant 16 : i32
      %mul3A_220 = arith.muli %add3A_218, %mul3A_219 : i32
      %swap3A_221 = arith.index_cast %mul3A_220 : i32 to index
      %swap3A_222 = tpu.vector_load %arg17[%swap3A_221] {strides = array<i32>} : memref<8256xi32, #tpu.memory_space<vmem>>, vector<16xi32>,
      tpu.vector_store %arg17[%swap3A_221], %broadcast_in_dim3A_214 {strides = array<i32>} : memref<8256xi32, #tpu.memory_space<vmem>>, vector<16xi32>,
      %broadcast_in_dim3A_223 = arith.constant -1 : i32
      %broadcast_in_dim3A_224 = vector.broadcast %broadcast_in_dim3A_223 : i32 to vector<16xi32>
      %mul3A_225 = arith.constant 4 : i32
      %mul3A_226 = arith.muli %scan3A_181, %mul3A_225 : i32
      %add3A_227 = arith.constant 2 : i32
      %add3A_228 = arith.addi %mul3A_226, %add3A_227 : i32
      %mul3A_229 = arith.constant 16 : i32
      %mul3A_230 = arith.muli %add3A_228, %mul3A_229 : i32
      %swap3A_231 = arith.index_cast %mul3A_230 : i32 to index
      %swap3A_232 = tpu.vector_load %arg16[%swap3A_231] {strides = array<i32>} : memref<8256xi32, #tpu.memory_space<vmem>>, vector<16xi32>,
      tpu.vector_store %arg16[%swap3A_231], %broadcast_in_dim3A_224 {strides = array<i32>} : memref<8256xi32, #tpu.memory_space<vmem>>, vector<16xi32>,
      %broadcast_in_dim3A_233 = arith.constant 134217727 : i32
      %broadcast_in_dim3A_234 = vector.broadcast %broadcast_in_dim3A_233 : i32 to vector<16xi32>
      %mul3A_235 = arith.constant 4 : i32
      %mul3A_236 = arith.muli %scan3A_181, %mul3A_235 : i32
      %add3A_237 = arith.constant 2 : i32
      %add3A_238 = arith.addi %mul3A_236, %add3A_237 : i32
      %mul3A_239 = arith.constant 16 : i32
      %mul3A_240 = arith.muli %add3A_238, %mul3A_239 : i32
      %swap3A_241 = arith.index_cast %mul3A_240 : i32 to index
      %swap3A_242 = tpu.vector_load %arg17[%swap3A_241] {strides = array<i32>} : memref<8256xi32, #tpu.memory_space<vmem>>, vector<16xi32>,
      tpu.vector_store %arg17[%swap3A_241], %broadcast_in_dim3A_234 {strides = array<i32>} : memref<8256xi32, #tpu.memory_space<vmem>>, vector<16xi32>,
      %broadcast_in_dim3A_243 = arith.constant -1 : i32
      %broadcast_in_dim3A_244 = vector.broadcast %broadcast_in_dim3A_243 : i32 to vector<16xi32>
      %mul3A_245 = arith.constant 4 : i32
      %mul3A_246 = arith.muli %scan3A_181, %mul3A_245 : i32
      %add3A_247 = arith.constant 3 : i32
      %add3A_248 = arith.addi %mul3A_246, %add3A_247 : i32
      %mul3A_249 = arith.constant 16 : i32
      %mul3A_250 = arith.muli %add3A_248, %mul3A_249 : i32
      %swap3A_251 = arith.index_cast %mul3A_250 : i32 to index
      %swap3A_252 = tpu.vector_load %arg16[%swap3A_251] {strides = array<i32>} : memref<8256xi32, #tpu.memory_space<vmem>>, vector<16xi32>,
      tpu.vector_store %arg16[%swap3A_251], %broadcast_in_dim3A_244 {strides = array<i32>} : memref<8256xi32, #tpu.memory_space<vmem>>, vector<16xi32>,
      %broadcast_in_dim3A_253 = arith.constant 134217727 : i32
      %broadcast_in_dim3A_254 = vector.broadcast %broadcast_in_dim3A_253 : i32 to vector<16xi32>
      %mul3A_255 = arith.constant 4 : i32
      %mul3A_256 = arith.muli %scan3A_181, %mul3A_255 : i32
      %add3A_257 = arith.constant 3 : i32
      %add3A_258 = arith.addi %mul3A_256, %add3A_257 : i32
      %mul3A_259 = arith.constant 16 : i32
      %mul3A_260 = arith.muli %add3A_258, %mul3A_259 : i32
      %swap3A_261 = arith.index_cast %mul3A_260 : i32 to index
      %swap3A_262 = tpu.vector_load %arg17[%swap3A_261] {strides = array<i32>} : memref<8256xi32, #tpu.memory_space<vmem>>, vector<16xi32>,
      tpu.vector_store %arg17[%swap3A_261], %broadcast_in_dim3A_254 {strides = array<i32>} : memref<8256xi32, #tpu.memory_space<vmem>>, vector<16xi32>,
      %scan3A_263 = arith.constant 0 : i32
      scf.yield %scan3A_263 : i32
    }
    %scan3A_6 = arith.constant 129 : i32
    %scan3A_7 = arith.constant 0 : i32
    %scan3A_8 = arith.constant 0 : i32
    %scan3A_9 = arith.constant 33 : i32
    %scan3A_10 = arith.addi %scan3A_8, %scan3A_9 : i32
    %scan3A_11 = arith.constant 1 : i32
    %scan3A_12 = scf.for %scan3A_181 = %scan3A_8 to %scan3A_10 step %scan3A_11 iter_args(%scan3A_182 = %scan3A_7) -> (i32)  : i32 {
      %broadcast_in_dim3A_183 = arith.constant 134217727 : i32
      %broadcast_in_dim3A_184 = vector.broadcast %broadcast_in_dim3A_183 : i32 to vector<16xi32>
      %mul3A_185 = arith.constant 4 : i32
      %mul3A_186 = arith.muli %scan3A_181, %mul3A_185 : i32
      %add3A_187 = arith.constant 0 : i32
      %add3A_188 = arith.addi %mul3A_186, %add3A_187 : i32
      %mul3A_189 = arith.constant 16 : i32
      %mul3A_190 = arith.muli %add3A_188, %mul3A_189 : i32
      %swap3A_191 = arith.index_cast %mul3A_190 : i32 to index
      %swap3A_192 = tpu.vector_load %arg13[%swap3A_191] {strides = array<i32>} : memref<2112xi32, #tpu.memory_space<vmem>>, vector<16xi32>,
      tpu.vector_store %arg13[%swap3A_191], %broadcast_in_dim3A_184 {strides = array<i32>} : memref<2112xi32, #tpu.memory_space<vmem>>, vector<16xi32>,
      %broadcast_in_dim3A_193 = arith.constant 134217727 : i32
      %broadcast_in_dim3A_194 = vector.broadcast %broadcast_in_dim3A_193 : i32 to vector<16xi32>
      %mul3A_195 = arith.constant 4 : i32
      %mul3A_196 = arith.muli %scan3A_181, %mul3A_195 : i32
      %add3A_197 = arith.constant 0 : i32
      %add3A_198 = arith.addi %mul3A_196, %add3A_197 : i32
      %mul3A_199 = arith.constant 16 : i32
      %mul3A_200 = arith.muli %add3A_198, %mul3A_199 : i32
      %swap3A_201 = arith.index_cast %mul3A_200 : i32 to index
      %swap3A_202 = tpu.vector_load %arg15[%swap3A_201] {strides = array<i32>} : memref<2112xi32, #tpu.memory_space<vmem>>, vector<16xi32>,
      tpu.vector_store %arg15[%swap3A_201], %broadcast_in_dim3A_194 {strides = array<i32>} : memref<2112xi32, #tpu.memory_space<vmem>>, vector<16xi32>,
      %broadcast_in_dim3A_203 = arith.constant 134217727 : i32
      %broadcast_in_dim3A_204 = vector.broadcast %broadcast_in_dim3A_203 : i32 to vector<16xi32>
      %mul3A_205 = arith.constant 4 : i32
      %mul3A_206 = arith.muli %scan3A_181, %mul3A_205 : i32
      %add3A_207 = arith.constant 1 : i32
      %add3A_208 = arith.addi %mul3A_206, %add3A_207 : i32
      %mul3A_209 = arith.constant 16 : i32
      %mul3A_210 = arith.muli %add3A_208, %mul3A_209 : i32
      %swap3A_211 = arith.index_cast %mul3A_210 : i32 to index
      %swap3A_212 = tpu.vector_load %arg13[%swap3A_211] {strides = array<i32>} : memref<2112xi32, #tpu.memory_space<vmem>>, vector<16xi32>,
      tpu.vector_store %arg13[%swap3A_211], %broadcast_in_dim3A_204 {strides = array<i32>} : memref<2112xi32, #tpu.memory_space<vmem>>, vector<16xi32>,
      %broadcast_in_dim3A_213 = arith.constant 134217727 : i32
      %broadcast_in_dim3A_214 = vector.broadcast %broadcast_in_dim3A_213 : i32 to vector<16xi32>
      %mul3A_215 = arith.constant 4 : i32
      %mul3A_216 = arith.muli %scan3A_181, %mul3A_215 : i32
      %add3A_217 = arith.constant 1 : i32
      %add3A_218 = arith.addi %mul3A_216, %add3A_217 : i32
      %mul3A_219 = arith.constant 16 : i32
      %mul3A_220 = arith.muli %add3A_218, %mul3A_219 : i32
      %swap3A_221 = arith.index_cast %mul3A_220 : i32 to index
      %swap3A_222 = tpu.vector_load %arg15[%swap3A_221] {strides = array<i32>} : memref<2112xi32, #tpu.memory_space<vmem>>, vector<16xi32>,
      tpu.vector_store %arg15[%swap3A_221], %broadcast_in_dim3A_214 {strides = array<i32>} : memref<2112xi32, #tpu.memory_space<vmem>>, vector<16xi32>,
      %broadcast_in_dim3A_223 = arith.constant 134217727 : i32
      %broadcast_in_dim3A_224 = vector.broadcast %broadcast_in_dim3A_223 : i32 to vector<16xi32>
      %mul3A_225 = arith.constant 4 : i32
      %mul3A_226 = arith.muli %scan3A_181, %mul3A_225 : i32
      %add3A_227 = arith.constant 2 : i32
      %add3A_228 = arith.addi %mul3A_226, %add3A_227 : i32
      %mul3A_229 = arith.constant 16 : i32
      %mul3A_230 = arith.muli %add3A_228, %mul3A_229 : i32
      %swap3A_231 = arith.index_cast %mul3A_230 : i32 to index
      %swap3A_232 = tpu.vector_load %arg13[%swap3A_231] {strides = array<i32>} : memref<2112xi32, #tpu.memory_space<vmem>>, vector<16xi32>,
      tpu.vector_store %arg13[%swap3A_231], %broadcast_in_dim3A_224 {strides = array<i32>} : memref<2112xi32, #tpu.memory_space<vmem>>, vector<16xi32>,
      %broadcast_in_dim3A_233 = arith.constant 134217727 : i32
      %broadcast_in_dim3A_234 = vector.broadcast %broadcast_in_dim3A_233 : i32 to vector<16xi32>
      %mul3A_235 = arith.constant 4 : i32
      %mul3A_236 = arith.muli %scan3A_181, %mul3A_235 : i32
      %add3A_237 = arith.constant 2 : i32
      %add3A_238 = arith.addi %mul3A_236, %add3A_237 : i32
      %mul3A_239 = arith.constant 16 : i32
      %mul3A_240 = arith.muli %add3A_238, %mul3A_239 : i32
      %swap3A_241 = arith.index_cast %mul3A_240 : i32 to index
      %swap3A_242 = tpu.vector_load %arg15[%swap3A_241] {strides = array<i32>} : memref<2112xi32, #tpu.memory_space<vmem>>, vector<16xi32>,
      tpu.vector_store %arg15[%swap3A_241], %broadcast_in_dim3A_234 {strides = array<i32>} : memref<2112xi32, #tpu.memory_space<vmem>>, vector<16xi32>,
      %broadcast_in_dim3A_243 = arith.constant 134217727 : i32
      %broadcast_in_dim3A_244 = vector.broadcast %broadcast_in_dim3A_243 : i32 to vector<16xi32>
      %mul3A_245 = arith.constant 4 : i32
      %mul3A_246 = arith.muli %scan3A_181, %mul3A_245 : i32
      %add3A_247 = arith.constant 3 : i32
      %add3A_248 = arith.addi %mul3A_246, %add3A_247 : i32
      %mul3A_249 = arith.constant 16 : i32
      %mul3A_250 = arith.muli %add3A_248, %mul3A_249 : i32
      %swap3A_251 = arith.index_cast %mul3A_250 : i32 to index
      %swap3A_252 = tpu.vector_load %arg13[%swap3A_251] {strides = array<i32>} : memref<2112xi32, #tpu.memory_space<vmem>>, vector<16xi32>,
      tpu.vector_store %arg13[%swap3A_251], %broadcast_in_dim3A_244 {strides = array<i32>} : memref<2112xi32, #tpu.memory_space<vmem>>, vector<16xi32>,
      %broadcast_in_dim3A_253 = arith.constant 134217727 : i32
      %broadcast_in_dim3A_254 = vector.broadcast %broadcast_in_dim3A_253 : i32 to vector<16xi32>
      %mul3A_255 = arith.constant 4 : i32
      %mul3A_256 = arith.muli %scan3A_181, %mul3A_255 : i32
      %add3A_257 = arith.constant 3 : i32
      %add3A_258 = arith.addi %mul3A_256, %add3A_257 : i32
      %mul3A_259 = arith.constant 16 : i32
      %mul3A_260 = arith.muli %add3A_258, %mul3A_259 : i32
      %swap3A_261 = arith.index_cast %mul3A_260 : i32 to index
      %swap3A_262 = tpu.vector_load %arg15[%swap3A_261] {strides = array<i32>} : memref<2112xi32, #tpu.memory_space<vmem>>, vector<16xi32>,
      tpu.vector_store %arg15[%swap3A_261], %broadcast_in_dim3A_254 {strides = array<i32>} : memref<2112xi32, #tpu.memory_space<vmem>>, vector<16xi32>,
      %scan3A_263 = arith.constant 0 : i32
      scf.yield %scan3A_263 : i32
    }
    %scan3A_13 = arith.constant 33 : i32
    %scan3A_14 = arith.constant 0 : i32
    %scan3A_15 = arith.constant 0 : i32
    %scan3A_16 = arith.constant 0 : i32
    %scan3A_17 = arith.constant 256 : i32
    %scan3A_18 = arith.addi %scan3A_16, %scan3A_17 : i32
    %scan3A_19 = arith.constant 1 : i32
    %scan3A_20:2 = scf.for %scan3A_181 = %scan3A_16 to %scan3A_18 step %scan3A_19 iter_args(%scan3A_182 = %scan3A_14, %scan3A_183 = %scan3A_15) -> (i32, i32)  : i32 {
      %min3A_184 = arith.constant 1888 : i32
      %min3A_185 = arith.minsi %scan3A_182, %min3A_184 : i32
      %min3A_186 = arith.constant 1888 : i32
      %min3A_187 = arith.minsi %scan3A_183, %min3A_186 : i32
      %mul3A_188 = arith.constant 8 : i32
      %mul3A_189 = arith.muli %scan3A_181, %mul3A_188 : i32
      %add3A_190 = arith.constant 0 : i32
      %add3A_191 = arith.addi %mul3A_189, %add3A_190 : i32
      %mul3A_192 = arith.constant 16 : i32
      %mul3A_193 = arith.muli %add3A_191, %mul3A_192 : i32
      %get3A = arith.index_cast %mul3A_193 : i32 to index
      %get3A_194 = tpu.vector_load %arg11[%get3A] {strides = array<i32>} : memref<32768xf32, #tpu.memory_space<vmem>>, vector<16xf32>,
      %bitcast3A = vector.bitcast %get3A_194 : vector<16xf32> to vector<16xi32>
      %get3A_195 = arith.index_cast %mul3A_193 : i32 to index
      %get3A_196 = tpu.vector_load %arg9[%get3A_195] {strides = array<i32>} : memref<32768xi32, #tpu.memory_space<vmem>>, vector<16xi32>,
      %get3A_197 = arith.index_cast %mul3A_193 : i32 to index
      %get3A_198 = tpu.vector_load %arg10[%get3A_197] {strides = array<i32>} : memref<32768xi32, #tpu.memory_space<vmem>>, vector<16xi32>,
      %add3A_199 = vector.broadcast %mul3A_193 : i32 to vector<16xi32>
      %add3A_200 = arith.addi %iota3A, %add3A_199 : vector<16xi32>
      %shift_right_arithmetic3A = arith.constant 1 : i32
      %shift_right_arithmetic3A_201 = vector.broadcast %shift_right_arithmetic3A : i32 to vector<16xi32>
      %shift_right_arithmetic3A_202 = arith.shrsi %get3A_196, %shift_right_arithmetic3A_201 : vector<16xi32>
      %eq3A_203 = vector.broadcast %add3A : i32 to vector<16xi32>
      %eq3A_204 = arith.cmpi eq, %shift_right_arithmetic3A_202, %eq3A_203 : vector<16xi32>
      %shift_right_arithmetic3A_205 = arith.constant 1 : i32
      %shift_right_arithmetic3A_206 = vector.broadcast %shift_right_arithmetic3A_205 : i32 to vector<16xi32>
      %shift_right_arithmetic3A_207 = arith.shrsi %get3A_198, %shift_right_arithmetic3A_206 : vector<16xi32>
      %eq3A_208 = vector.broadcast %add3A : i32 to vector<16xi32>
      %eq3A_209 = arith.cmpi eq, %shift_right_arithmetic3A_207, %eq3A_208 : vector<16xi32>
      %convert_element_type3A_210 = arith.extui %eq3A_204 : vector<16xi1> to vector<16xi32>
      %broadcast_in_dim3A_211 = arith.constant true
      %broadcast_in_dim3A_212 = vector.broadcast %broadcast_in_dim3A_211 : i1 to vector<16xi1>
      %masked_cumsum3A = tpu.scan <sum>, %convert_element_type3A_210 masked %broadcast_in_dim3A_212 : vector<16xi32>, vector<16xi1> -> vector<16xi32>
      %convert_element_type3A_213 = arith.extui %eq3A_209 : vector<16xi1> to vector<16xi32>
      %broadcast_in_dim3A_214 = arith.constant true
      %broadcast_in_dim3A_215 = vector.broadcast %broadcast_in_dim3A_214 : i1 to vector<16xi1>
      %masked_cumsum3A_216 = tpu.scan <sum>, %convert_element_type3A_213 masked %broadcast_in_dim3A_215 : vector<16xi32>, vector<16xi1> -> vector<16xi32>
      %and3A_217 = arith.constant 1 : i32
      %and3A_218 = vector.broadcast %and3A_217 : i32 to vector<16xi32>
      %and3A_219 = arith.andi %get3A_196, %and3A_218 : vector<16xi32>
      %shift_left3A = arith.constant 15 : i32
      %shift_left3A_220 = vector.broadcast %shift_left3A : i32 to vector<16xi32>
      %shift_left3A_221 = arith.shli %and3A_219, %shift_left3A_220 : vector<16xi32>
      %add3A_222 = arith.addi %add3A_200, %shift_left3A_221 : vector<16xi32>
      %and3A_223 = arith.constant 1 : i32
      %and3A_224 = vector.broadcast %and3A_223 : i32 to vector<16xi32>
      %and3A_225 = arith.andi %get3A_198, %and3A_224 : vector<16xi32>
      %shift_left3A_226 = arith.constant 15 : i32
      %shift_left3A_227 = vector.broadcast %shift_left3A_226 : i32 to vector<16xi32>
      %shift_left3A_228 = arith.shli %and3A_225, %shift_left3A_227 : vector<16xi32>
      %add3A_229 = arith.addi %add3A_200, %shift_left3A_228 : vector<16xi32>
      %mul3A_230 = arith.constant 8 : i32
      %mul3A_231 = arith.muli %scan3A_181, %mul3A_230 : i32
      %add3A_232 = arith.constant 1 : i32
      %add3A_233 = arith.addi %mul3A_231, %add3A_232 : i32
      %mul3A_234 = arith.constant 16 : i32
      %mul3A_235 = arith.muli %add3A_233, %mul3A_234 : i32
      %get3A_236 = arith.index_cast %mul3A_235 : i32 to index
      %get3A_237 = tpu.vector_load %arg11[%get3A_236] {strides = array<i32>} : memref<32768xf32, #tpu.memory_space<vmem>>, vector<16xf32>,
      %bitcast3A_238 = vector.bitcast %get3A_237 : vector<16xf32> to vector<16xi32>
      %get3A_239 = arith.index_cast %mul3A_235 : i32 to index
      %get3A_240 = tpu.vector_load %arg9[%get3A_239] {strides = array<i32>} : memref<32768xi32, #tpu.memory_space<vmem>>, vector<16xi32>,
      %get3A_241 = arith.index_cast %mul3A_235 : i32 to index
      %get3A_242 = tpu.vector_load %arg10[%get3A_241] {strides = array<i32>} : memref<32768xi32, #tpu.memory_space<vmem>>, vector<16xi32>,
      %add3A_243 = vector.broadcast %mul3A_235 : i32 to vector<16xi32>
      %add3A_244 = arith.addi %iota3A, %add3A_243 : vector<16xi32>
      %shift_right_arithmetic3A_245 = arith.constant 1 : i32
      %shift_right_arithmetic3A_246 = vector.broadcast %shift_right_arithmetic3A_245 : i32 to vector<16xi32>
      %shift_right_arithmetic3A_247 = arith.shrsi %get3A_240, %shift_right_arithmetic3A_246 : vector<16xi32>
      %eq3A_248 = vector.broadcast %add3A : i32 to vector<16xi32>
      %eq3A_249 = arith.cmpi eq, %shift_right_arithmetic3A_247, %eq3A_248 : vector<16xi32>
      %shift_right_arithmetic3A_250 = arith.constant 1 : i32
      %shift_right_arithmetic3A_251 = vector.broadcast %shift_right_arithmetic3A_250 : i32 to vector<16xi32>
      %shift_right_arithmetic3A_252 = arith.shrsi %get3A_242, %shift_right_arithmetic3A_251 : vector<16xi32>
      %eq3A_253 = vector.broadcast %add3A : i32 to vector<16xi32>
      %eq3A_254 = arith.cmpi eq, %shift_right_arithmetic3A_252, %eq3A_253 : vector<16xi32>
      %convert_element_type3A_255 = arith.extui %eq3A_249 : vector<16xi1> to vector<16xi32>
      %broadcast_in_dim3A_256 = arith.constant true
      %broadcast_in_dim3A_257 = vector.broadcast %broadcast_in_dim3A_256 : i1 to vector<16xi1>
      %masked_cumsum3A_258 = tpu.scan <sum>, %convert_element_type3A_255 masked %broadcast_in_dim3A_257 : vector<16xi32>, vector<16xi1> -> vector<16xi32>
      %convert_element_type3A_259 = arith.extui %eq3A_254 : vector<16xi1> to vector<16xi32>
      %broadcast_in_dim3A_260 = arith.constant true
      %broadcast_in_dim3A_261 = vector.broadcast %broadcast_in_dim3A_260 : i1 to vector<16xi1>
      %masked_cumsum3A_262 = tpu.scan <sum>, %convert_element_type3A_259 masked %broadcast_in_dim3A_261 : vector<16xi32>, vector<16xi1> -> vector<16xi32>
      %and3A_263 = arith.constant 1 : i32
      %and3A_264 = vector.broadcast %and3A_263 : i32 to vector<16xi32>
      %and3A_265 = arith.andi %get3A_240, %and3A_264 : vector<16xi32>
      %shift_left3A_266 = arith.constant 15 : i32
      %shift_left3A_267 = vector.broadcast %shift_left3A_266 : i32 to vector<16xi32>
      %shift_left3A_268 = arith.shli %and3A_265, %shift_left3A_267 : vector<16xi32>
      %add3A_269 = arith.addi %add3A_244, %shift_left3A_268 : vector<16xi32>
      %and3A_270 = arith.constant 1 : i32
      %and3A_271 = vector.broadcast %and3A_270 : i32 to vector<16xi32>
      %and3A_272 = arith.andi %get3A_242, %and3A_271 : vector<16xi32>
      %shift_left3A_273 = arith.constant 15 : i32
      %shift_left3A_274 = vector.broadcast %shift_left3A_273 : i32 to vector<16xi32>
      %shift_left3A_275 = arith.shli %and3A_272, %shift_left3A_274 : vector<16xi32>
      %add3A_276 = arith.addi %add3A_244, %shift_left3A_275 : vector<16xi32>
      %mul3A_277 = arith.constant 8 : i32
      %mul3A_278 = arith.muli %scan3A_181, %mul3A_277 : i32
      %add3A_279 = arith.constant 2 : i32
      %add3A_280 = arith.addi %mul3A_278, %add3A_279 : i32
      %mul3A_281 = arith.constant 16 : i32
      %mul3A_282 = arith.muli %add3A_280, %mul3A_281 : i32
      %get3A_283 = arith.index_cast %mul3A_282 : i32 to index
      %get3A_284 = tpu.vector_load %arg11[%get3A_283] {strides = array<i32>} : memref<32768xf32, #tpu.memory_space<vmem>>, vector<16xf32>,
      %bitcast3A_285 = vector.bitcast %get3A_284 : vector<16xf32> to vector<16xi32>
      %get3A_286 = arith.index_cast %mul3A_282 : i32 to index
      %get3A_287 = tpu.vector_load %arg9[%get3A_286] {strides = array<i32>} : memref<32768xi32, #tpu.memory_space<vmem>>, vector<16xi32>,
      %get3A_288 = arith.index_cast %mul3A_282 : i32 to index
      %get3A_289 = tpu.vector_load %arg10[%get3A_288] {strides = array<i32>} : memref<32768xi32, #tpu.memory_space<vmem>>, vector<16xi32>,
      %add3A_290 = vector.broadcast %mul3A_282 : i32 to vector<16xi32>
      %add3A_291 = arith.addi %iota3A, %add3A_290 : vector<16xi32>
      %shift_right_arithmetic3A_292 = arith.constant 1 : i32
      %shift_right_arithmetic3A_293 = vector.broadcast %shift_right_arithmetic3A_292 : i32 to vector<16xi32>
      %shift_right_arithmetic3A_294 = arith.shrsi %get3A_287, %shift_right_arithmetic3A_293 : vector<16xi32>
      %eq3A_295 = vector.broadcast %add3A : i32 to vector<16xi32>
      %eq3A_296 = arith.cmpi eq, %shift_right_arithmetic3A_294, %eq3A_295 : vector<16xi32>
      %shift_right_arithmetic3A_297 = arith.constant 1 : i32
      %shift_right_arithmetic3A_298 = vector.broadcast %shift_right_arithmetic3A_297 : i32 to vector<16xi32>
      %shift_right_arithmetic3A_299 = arith.shrsi %get3A_289, %shift_right_arithmetic3A_298 : vector<16xi32>
      %eq3A_300 = vector.broadcast %add3A : i32 to vector<16xi32>
      %eq3A_301 = arith.cmpi eq, %shift_right_arithmetic3A_299, %eq3A_300 : vector<16xi32>
      %convert_element_type3A_302 = arith.extui %eq3A_296 : vector<16xi1> to vector<16xi32>
      %broadcast_in_dim3A_303 = arith.constant true
      %broadcast_in_dim3A_304 = vector.broadcast %broadcast_in_dim3A_303 : i1 to vector<16xi1>
      %masked_cumsum3A_305 = tpu.scan <sum>, %convert_element_type3A_302 masked %broadcast_in_dim3A_304 : vector<16xi32>, vector<16xi1> -> vector<16xi32>
      %convert_element_type3A_306 = arith.extui %eq3A_301 : vector<16xi1> to vector<16xi32>
      %broadcast_in_dim3A_307 = arith.constant true
      %broadcast_in_dim3A_308 = vector.broadcast %broadcast_in_dim3A_307 : i1 to vector<16xi1>
      %masked_cumsum3A_309 = tpu.scan <sum>, %convert_element_type3A_306 masked %broadcast_in_dim3A_308 : vector<16xi32>, vector<16xi1> -> vector<16xi32>
      %and3A_310 = arith.constant 1 : i32
      %and3A_311 = vector.broadcast %and3A_310 : i32 to vector<16xi32>
      %and3A_312 = arith.andi %get3A_287, %and3A_311 : vector<16xi32>
      %shift_left3A_313 = arith.constant 15 : i32
      %shift_left3A_314 = vector.broadcast %shift_left3A_313 : i32 to vector<16xi32>
      %shift_left3A_315 = arith.shli %and3A_312, %shift_left3A_314 : vector<16xi32>
      %add3A_316 = arith.addi %add3A_291, %shift_left3A_315 : vector<16xi32>
      %and3A_317 = arith.constant 1 : i32
      %and3A_318 = vector.broadcast %and3A_317 : i32 to vector<16xi32>
      %and3A_319 = arith.andi %get3A_289, %and3A_318 : vector<16xi32>
      %shift_left3A_320 = arith.constant 15 : i32
      %shift_left3A_321 = vector.broadcast %shift_left3A_320 : i32 to vector<16xi32>
      %shift_left3A_322 = arith.shli %and3A_319, %shift_left3A_321 : vector<16xi32>
      %add3A_323 = arith.addi %add3A_291, %shift_left3A_322 : vector<16xi32>
      %mul3A_324 = arith.constant 8 : i32
      %mul3A_325 = arith.muli %scan3A_181, %mul3A_324 : i32
      %add3A_326 = arith.constant 3 : i32
      %add3A_327 = arith.addi %mul3A_325, %add3A_326 : i32
      %mul3A_328 = arith.constant 16 : i32
      %mul3A_329 = arith.muli %add3A_327, %mul3A_328 : i32
      %get3A_330 = arith.index_cast %mul3A_329 : i32 to index
      %get3A_331 = tpu.vector_load %arg11[%get3A_330] {strides = array<i32>} : memref<32768xf32, #tpu.memory_space<vmem>>, vector<16xf32>,
      %bitcast3A_332 = vector.bitcast %get3A_331 : vector<16xf32> to vector<16xi32>
      %get3A_333 = arith.index_cast %mul3A_329 : i32 to index
      %get3A_334 = tpu.vector_load %arg9[%get3A_333] {strides = array<i32>} : memref<32768xi32, #tpu.memory_space<vmem>>, vector<16xi32>,
      %get3A_335 = arith.index_cast %mul3A_329 : i32 to index
      %get3A_336 = tpu.vector_load %arg10[%get3A_335] {strides = array<i32>} : memref<32768xi32, #tpu.memory_space<vmem>>, vector<16xi32>,
      %add3A_337 = vector.broadcast %mul3A_329 : i32 to vector<16xi32>
      %add3A_338 = arith.addi %iota3A, %add3A_337 : vector<16xi32>
      %shift_right_arithmetic3A_339 = arith.constant 1 : i32
      %shift_right_arithmetic3A_340 = vector.broadcast %shift_right_arithmetic3A_339 : i32 to vector<16xi32>
      %shift_right_arithmetic3A_341 = arith.shrsi %get3A_334, %shift_right_arithmetic3A_340 : vector<16xi32>
      %eq3A_342 = vector.broadcast %add3A : i32 to vector<16xi32>
      %eq3A_343 = arith.cmpi eq, %shift_right_arithmetic3A_341, %eq3A_342 : vector<16xi32>
      %shift_right_arithmetic3A_344 = arith.constant 1 : i32
      %shift_right_arithmetic3A_345 = vector.broadcast %shift_right_arithmetic3A_344 : i32 to vector<16xi32>
      %shift_right_arithmetic3A_346 = arith.shrsi %get3A_336, %shift_right_arithmetic3A_345 : vector<16xi32>
      %eq3A_347 = vector.broadcast %add3A : i32 to vector<16xi32>
      %eq3A_348 = arith.cmpi eq, %shift_right_arithmetic3A_346, %eq3A_347 : vector<16xi32>
      %convert_element_type3A_349 = arith.extui %eq3A_343 : vector<16xi1> to vector<16xi32>
      %broadcast_in_dim3A_350 = arith.constant true
      %broadcast_in_dim3A_351 = vector.broadcast %broadcast_in_dim3A_350 : i1 to vector<16xi1>
      %masked_cumsum3A_352 = tpu.scan <sum>, %convert_element_type3A_349 masked %broadcast_in_dim3A_351 : vector<16xi32>, vector<16xi1> -> vector<16xi32>
      %convert_element_type3A_353 = arith.extui %eq3A_348 : vector<16xi1> to vector<16xi32>
      %broadcast_in_dim3A_354 = arith.constant true
      %broadcast_in_dim3A_355 = vector.broadcast %broadcast_in_dim3A_354 : i1 to vector<16xi1>
      %masked_cumsum3A_356 = tpu.scan <sum>, %convert_element_type3A_353 masked %broadcast_in_dim3A_355 : vector<16xi32>, vector<16xi1> -> vector<16xi32>
      %and3A_357 = arith.constant 1 : i32
      %and3A_358 = vector.broadcast %and3A_357 : i32 to vector<16xi32>
      %and3A_359 = arith.andi %get3A_334, %and3A_358 : vector<16xi32>
      %shift_left3A_360 = arith.constant 15 : i32
      %shift_left3A_361 = vector.broadcast %shift_left3A_360 : i32 to vector<16xi32>
      %shift_left3A_362 = arith.shli %and3A_359, %shift_left3A_361 : vector<16xi32>
      %add3A_363 = arith.addi %add3A_338, %shift_left3A_362 : vector<16xi32>
      %and3A_364 = arith.constant 1 : i32
      %and3A_365 = vector.broadcast %and3A_364 : i32 to vector<16xi32>
      %and3A_366 = arith.andi %get3A_336, %and3A_365 : vector<16xi32>
      %shift_left3A_367 = arith.constant 15 : i32
      %shift_left3A_368 = vector.broadcast %shift_left3A_367 : i32 to vector<16xi32>
      %shift_left3A_369 = arith.shli %and3A_366, %shift_left3A_368 : vector<16xi32>
      %add3A_370 = arith.addi %add3A_338, %shift_left3A_369 : vector<16xi32>
      %mul3A_371 = arith.constant 8 : i32
      %mul3A_372 = arith.muli %scan3A_181, %mul3A_371 : i32
      %add3A_373 = arith.constant 4 : i32
      %add3A_374 = arith.addi %mul3A_372, %add3A_373 : i32
      %mul3A_375 = arith.constant 16 : i32
      %mul3A_376 = arith.muli %add3A_374, %mul3A_375 : i32
      %get3A_377 = arith.index_cast %mul3A_376 : i32 to index
      %get3A_378 = tpu.vector_load %arg11[%get3A_377] {strides = array<i32>} : memref<32768xf32, #tpu.memory_space<vmem>>, vector<16xf32>,
      %bitcast3A_379 = vector.bitcast %get3A_378 : vector<16xf32> to vector<16xi32>
      %get3A_380 = arith.index_cast %mul3A_376 : i32 to index
      %get3A_381 = tpu.vector_load %arg9[%get3A_380] {strides = array<i32>} : memref<32768xi32, #tpu.memory_space<vmem>>, vector<16xi32>,
      %get3A_382 = arith.index_cast %mul3A_376 : i32 to index
      %get3A_383 = tpu.vector_load %arg10[%get3A_382] {strides = array<i32>} : memref<32768xi32, #tpu.memory_space<vmem>>, vector<16xi32>,
      %add3A_384 = vector.broadcast %mul3A_376 : i32 to vector<16xi32>
      %add3A_385 = arith.addi %iota3A, %add3A_384 : vector<16xi32>
      %shift_right_arithmetic3A_386 = arith.constant 1 : i32
      %shift_right_arithmetic3A_387 = vector.broadcast %shift_right_arithmetic3A_386 : i32 to vector<16xi32>
      %shift_right_arithmetic3A_388 = arith.shrsi %get3A_381, %shift_right_arithmetic3A_387 : vector<16xi32>
      %eq3A_389 = vector.broadcast %add3A : i32 to vector<16xi32>
      %eq3A_390 = arith.cmpi eq, %shift_right_arithmetic3A_388, %eq3A_389 : vector<16xi32>
      %shift_right_arithmetic3A_391 = arith.constant 1 : i32
      %shift_right_arithmetic3A_392 = vector.broadcast %shift_right_arithmetic3A_391 : i32 to vector<16xi32>
      %shift_right_arithmetic3A_393 = arith.shrsi %get3A_383, %shift_right_arithmetic3A_392 : vector<16xi32>
      %eq3A_394 = vector.broadcast %add3A : i32 to vector<16xi32>
      %eq3A_395 = arith.cmpi eq, %shift_right_arithmetic3A_393, %eq3A_394 : vector<16xi32>
      %convert_element_type3A_396 = arith.extui %eq3A_390 : vector<16xi1> to vector<16xi32>
      %broadcast_in_dim3A_397 = arith.constant true
      %broadcast_in_dim3A_398 = vector.broadcast %broadcast_in_dim3A_397 : i1 to vector<16xi1>
      %masked_cumsum3A_399 = tpu.scan <sum>, %convert_element_type3A_396 masked %broadcast_in_dim3A_398 : vector<16xi32>, vector<16xi1> -> vector<16xi32>
      %convert_element_type3A_400 = arith.extui %eq3A_395 : vector<16xi1> to vector<16xi32>
      %broadcast_in_dim3A_401 = arith.constant true
      %broadcast_in_dim3A_402 = vector.broadcast %broadcast_in_dim3A_401 : i1 to vector<16xi1>
      %masked_cumsum3A_403 = tpu.scan <sum>, %convert_element_type3A_400 masked %broadcast_in_dim3A_402 : vector<16xi32>, vector<16xi1> -> vector<16xi32>
      %and3A_404 = arith.constant 1 : i32
      %and3A_405 = vector.broadcast %and3A_404 : i32 to vector<16xi32>
      %and3A_406 = arith.andi %get3A_381, %and3A_405 : vector<16xi32>
      %shift_left3A_407 = arith.constant 15 : i32
      %shift_left3A_408 = vector.broadcast %shift_left3A_407 : i32 to vector<16xi32>
      %shift_left3A_409 = arith.shli %and3A_406, %shift_left3A_408 : vector<16xi32>
      %add3A_410 = arith.addi %add3A_385, %shift_left3A_409 : vector<16xi32>
      %and3A_411 = arith.constant 1 : i32
      %and3A_412 = vector.broadcast %and3A_411 : i32 to vector<16xi32>
      %and3A_413 = arith.andi %get3A_383, %and3A_412 : vector<16xi32>
      %shift_left3A_414 = arith.constant 15 : i32
      %shift_left3A_415 = vector.broadcast %shift_left3A_414 : i32 to vector<16xi32>
      %shift_left3A_416 = arith.shli %and3A_413, %shift_left3A_415 : vector<16xi32>
      %add3A_417 = arith.addi %add3A_385, %shift_left3A_416 : vector<16xi32>
      %mul3A_418 = arith.constant 8 : i32
      %mul3A_419 = arith.muli %scan3A_181, %mul3A_418 : i32
      %add3A_420 = arith.constant 5 : i32
      %add3A_421 = arith.addi %mul3A_419, %add3A_420 : i32
      %mul3A_422 = arith.constant 16 : i32
      %mul3A_423 = arith.muli %add3A_421, %mul3A_422 : i32
      %get3A_424 = arith.index_cast %mul3A_423 : i32 to index
      %get3A_425 = tpu.vector_load %arg11[%get3A_424] {strides = array<i32>} : memref<32768xf32, #tpu.memory_space<vmem>>, vector<16xf32>,
      %bitcast3A_426 = vector.bitcast %get3A_425 : vector<16xf32> to vector<16xi32>
      %get3A_427 = arith.index_cast %mul3A_423 : i32 to index
      %get3A_428 = tpu.vector_load %arg9[%get3A_427] {strides = array<i32>} : memref<32768xi32, #tpu.memory_space<vmem>>, vector<16xi32>,
      %get3A_429 = arith.index_cast %mul3A_423 : i32 to index
      %get3A_430 = tpu.vector_load %arg10[%get3A_429] {strides = array<i32>} : memref<32768xi32, #tpu.memory_space<vmem>>, vector<16xi32>,
      %add3A_431 = vector.broadcast %mul3A_423 : i32 to vector<16xi32>
      %add3A_432 = arith.addi %iota3A, %add3A_431 : vector<16xi32>
      %shift_right_arithmetic3A_433 = arith.constant 1 : i32
      %shift_right_arithmetic3A_434 = vector.broadcast %shift_right_arithmetic3A_433 : i32 to vector<16xi32>
      %shift_right_arithmetic3A_435 = arith.shrsi %get3A_428, %shift_right_arithmetic3A_434 : vector<16xi32>
      %eq3A_436 = vector.broadcast %add3A : i32 to vector<16xi32>
      %eq3A_437 = arith.cmpi eq, %shift_right_arithmetic3A_435, %eq3A_436 : vector<16xi32>
      %shift_right_arithmetic3A_438 = arith.constant 1 : i32
      %shift_right_arithmetic3A_439 = vector.broadcast %shift_right_arithmetic3A_438 : i32 to vector<16xi32>
      %shift_right_arithmetic3A_440 = arith.shrsi %get3A_430, %shift_right_arithmetic3A_439 : vector<16xi32>
      %eq3A_441 = vector.broadcast %add3A : i32 to vector<16xi32>
      %eq3A_442 = arith.cmpi eq, %shift_right_arithmetic3A_440, %eq3A_441 : vector<16xi32>
      %convert_element_type3A_443 = arith.extui %eq3A_437 : vector<16xi1> to vector<16xi32>
      %broadcast_in_dim3A_444 = arith.constant true
      %broadcast_in_dim3A_445 = vector.broadcast %broadcast_in_dim3A_444 : i1 to vector<16xi1>
      %masked_cumsum3A_446 = tpu.scan <sum>, %convert_element_type3A_443 masked %broadcast_in_dim3A_445 : vector<16xi32>, vector<16xi1> -> vector<16xi32>
      %convert_element_type3A_447 = arith.extui %eq3A_442 : vector<16xi1> to vector<16xi32>
      %broadcast_in_dim3A_448 = arith.constant true
      %broadcast_in_dim3A_449 = vector.broadcast %broadcast_in_dim3A_448 : i1 to vector<16xi1>
      %masked_cumsum3A_450 = tpu.scan <sum>, %convert_element_type3A_447 masked %broadcast_in_dim3A_449 : vector<16xi32>, vector<16xi1> -> vector<16xi32>
      %and3A_451 = arith.constant 1 : i32
      %and3A_452 = vector.broadcast %and3A_451 : i32 to vector<16xi32>
      %and3A_453 = arith.andi %get3A_428, %and3A_452 : vector<16xi32>
      %shift_left3A_454 = arith.constant 15 : i32
      %shift_left3A_455 = vector.broadcast %shift_left3A_454 : i32 to vector<16xi32>
      %shift_left3A_456 = arith.shli %and3A_453, %shift_left3A_455 : vector<16xi32>
      %add3A_457 = arith.addi %add3A_432, %shift_left3A_456 : vector<16xi32>
      %and3A_458 = arith.constant 1 : i32
      %and3A_459 = vector.broadcast %and3A_458 : i32 to vector<16xi32>
      %and3A_460 = arith.andi %get3A_430, %and3A_459 : vector<16xi32>
      %shift_left3A_461 = arith.constant 15 : i32
      %shift_left3A_462 = vector.broadcast %shift_left3A_461 : i32 to vector<16xi32>
      %shift_left3A_463 = arith.shli %and3A_460, %shift_left3A_462 : vector<16xi32>
      %add3A_464 = arith.addi %add3A_432, %shift_left3A_463 : vector<16xi32>
      %mul3A_465 = arith.constant 8 : i32
      %mul3A_466 = arith.muli %scan3A_181, %mul3A_465 : i32
      %add3A_467 = arith.constant 6 : i32
      %add3A_468 = arith.addi %mul3A_466, %add3A_467 : i32
      %mul3A_469 = arith.constant 16 : i32
      %mul3A_470 = arith.muli %add3A_468, %mul3A_469 : i32
      %get3A_471 = arith.index_cast %mul3A_470 : i32 to index
      %get3A_472 = tpu.vector_load %arg11[%get3A_471] {strides = array<i32>} : memref<32768xf32, #tpu.memory_space<vmem>>, vector<16xf32>,
      %bitcast3A_473 = vector.bitcast %get3A_472 : vector<16xf32> to vector<16xi32>
      %get3A_474 = arith.index_cast %mul3A_470 : i32 to index
      %get3A_475 = tpu.vector_load %arg9[%get3A_474] {strides = array<i32>} : memref<32768xi32, #tpu.memory_space<vmem>>, vector<16xi32>,
      %get3A_476 = arith.index_cast %mul3A_470 : i32 to index
      %get3A_477 = tpu.vector_load %arg10[%get3A_476] {strides = array<i32>} : memref<32768xi32, #tpu.memory_space<vmem>>, vector<16xi32>,
      %add3A_478 = vector.broadcast %mul3A_470 : i32 to vector<16xi32>
      %add3A_479 = arith.addi %iota3A, %add3A_478 : vector<16xi32>
      %shift_right_arithmetic3A_480 = arith.constant 1 : i32
      %shift_right_arithmetic3A_481 = vector.broadcast %shift_right_arithmetic3A_480 : i32 to vector<16xi32>
      %shift_right_arithmetic3A_482 = arith.shrsi %get3A_475, %shift_right_arithmetic3A_481 : vector<16xi32>
      %eq3A_483 = vector.broadcast %add3A : i32 to vector<16xi32>
      %eq3A_484 = arith.cmpi eq, %shift_right_arithmetic3A_482, %eq3A_483 : vector<16xi32>
      %shift_right_arithmetic3A_485 = arith.constant 1 : i32
      %shift_right_arithmetic3A_486 = vector.broadcast %shift_right_arithmetic3A_485 : i32 to vector<16xi32>
      %shift_right_arithmetic3A_487 = arith.shrsi %get3A_477, %shift_right_arithmetic3A_486 : vector<16xi32>
      %eq3A_488 = vector.broadcast %add3A : i32 to vector<16xi32>
      %eq3A_489 = arith.cmpi eq, %shift_right_arithmetic3A_487, %eq3A_488 : vector<16xi32>
      %convert_element_type3A_490 = arith.extui %eq3A_484 : vector<16xi1> to vector<16xi32>
      %broadcast_in_dim3A_491 = arith.constant true
      %broadcast_in_dim3A_492 = vector.broadcast %broadcast_in_dim3A_491 : i1 to vector<16xi1>
      %masked_cumsum3A_493 = tpu.scan <sum>, %convert_element_type3A_490 masked %broadcast_in_dim3A_492 : vector<16xi32>, vector<16xi1> -> vector<16xi32>
      %convert_element_type3A_494 = arith.extui %eq3A_489 : vector<16xi1> to vector<16xi32>
      %broadcast_in_dim3A_495 = arith.constant true
      %broadcast_in_dim3A_496 = vector.broadcast %broadcast_in_dim3A_495 : i1 to vector<16xi1>
      %masked_cumsum3A_497 = tpu.scan <sum>, %convert_element_type3A_494 masked %broadcast_in_dim3A_496 : vector<16xi32>, vector<16xi1> -> vector<16xi32>
      %and3A_498 = arith.constant 1 : i32
      %and3A_499 = vector.broadcast %and3A_498 : i32 to vector<16xi32>
      %and3A_500 = arith.andi %get3A_475, %and3A_499 : vector<16xi32>
      %shift_left3A_501 = arith.constant 15 : i32
      %shift_left3A_502 = vector.broadcast %shift_left3A_501 : i32 to vector<16xi32>
      %shift_left3A_503 = arith.shli %and3A_500, %shift_left3A_502 : vector<16xi32>
      %add3A_504 = arith.addi %add3A_479, %shift_left3A_503 : vector<16xi32>
      %and3A_505 = arith.constant 1 : i32
      %and3A_506 = vector.broadcast %and3A_505 : i32 to vector<16xi32>
      %and3A_507 = arith.andi %get3A_477, %and3A_506 : vector<16xi32>
      %shift_left3A_508 = arith.constant 15 : i32
      %shift_left3A_509 = vector.broadcast %shift_left3A_508 : i32 to vector<16xi32>
      %shift_left3A_510 = arith.shli %and3A_507, %shift_left3A_509 : vector<16xi32>
      %add3A_511 = arith.addi %add3A_479, %shift_left3A_510 : vector<16xi32>
      %mul3A_512 = arith.constant 8 : i32
      %mul3A_513 = arith.muli %scan3A_181, %mul3A_512 : i32
      %add3A_514 = arith.constant 7 : i32
      %add3A_515 = arith.addi %mul3A_513, %add3A_514 : i32
      %mul3A_516 = arith.constant 16 : i32
      %mul3A_517 = arith.muli %add3A_515, %mul3A_516 : i32
      %get3A_518 = arith.index_cast %mul3A_517 : i32 to index
      %get3A_519 = tpu.vector_load %arg11[%get3A_518] {strides = array<i32>} : memref<32768xf32, #tpu.memory_space<vmem>>, vector<16xf32>,
      %bitcast3A_520 = vector.bitcast %get3A_519 : vector<16xf32> to vector<16xi32>
      %get3A_521 = arith.index_cast %mul3A_517 : i32 to index
      %get3A_522 = tpu.vector_load %arg9[%get3A_521] {strides = array<i32>} : memref<32768xi32, #tpu.memory_space<vmem>>, vector<16xi32>,
      %get3A_523 = arith.index_cast %mul3A_517 : i32 to index
      %get3A_524 = tpu.vector_load %arg10[%get3A_523] {strides = array<i32>} : memref<32768xi32, #tpu.memory_space<vmem>>, vector<16xi32>,
      %add3A_525 = vector.broadcast %mul3A_517 : i32 to vector<16xi32>
      %add3A_526 = arith.addi %iota3A, %add3A_525 : vector<16xi32>
      %shift_right_arithmetic3A_527 = arith.constant 1 : i32
      %shift_right_arithmetic3A_528 = vector.broadcast %shift_right_arithmetic3A_527 : i32 to vector<16xi32>
      %shift_right_arithmetic3A_529 = arith.shrsi %get3A_522, %shift_right_arithmetic3A_528 : vector<16xi32>
      %eq3A_530 = vector.broadcast %add3A : i32 to vector<16xi32>
      %eq3A_531 = arith.cmpi eq, %shift_right_arithmetic3A_529, %eq3A_530 : vector<16xi32>
      %shift_right_arithmetic3A_532 = arith.constant 1 : i32
      %shift_right_arithmetic3A_533 = vector.broadcast %shift_right_arithmetic3A_532 : i32 to vector<16xi32>
      %shift_right_arithmetic3A_534 = arith.shrsi %get3A_524, %shift_right_arithmetic3A_533 : vector<16xi32>
      %eq3A_535 = vector.broadcast %add3A : i32 to vector<16xi32>
      %eq3A_536 = arith.cmpi eq, %shift_right_arithmetic3A_534, %eq3A_535 : vector<16xi32>
      %convert_element_type3A_537 = arith.extui %eq3A_531 : vector<16xi1> to vector<16xi32>
      %broadcast_in_dim3A_538 = arith.constant true
      %broadcast_in_dim3A_539 = vector.broadcast %broadcast_in_dim3A_538 : i1 to vector<16xi1>
      %masked_cumsum3A_540 = tpu.scan <sum>, %convert_element_type3A_537 masked %broadcast_in_dim3A_539 : vector<16xi32>, vector<16xi1> -> vector<16xi32>
      %convert_element_type3A_541 = arith.extui %eq3A_536 : vector<16xi1> to vector<16xi32>
      %broadcast_in_dim3A_542 = arith.constant true
      %broadcast_in_dim3A_543 = vector.broadcast %broadcast_in_dim3A_542 : i1 to vector<16xi1>
      %masked_cumsum3A_544 = tpu.scan <sum>, %convert_element_type3A_541 masked %broadcast_in_dim3A_543 : vector<16xi32>, vector<16xi1> -> vector<16xi32>
      %and3A_545 = arith.constant 1 : i32
      %and3A_546 = vector.broadcast %and3A_545 : i32 to vector<16xi32>
      %and3A_547 = arith.andi %get3A_522, %and3A_546 : vector<16xi32>
      %shift_left3A_548 = arith.constant 15 : i32
      %shift_left3A_549 = vector.broadcast %shift_left3A_548 : i32 to vector<16xi32>
      %shift_left3A_550 = arith.shli %and3A_547, %shift_left3A_549 : vector<16xi32>
      %add3A_551 = arith.addi %add3A_526, %shift_left3A_550 : vector<16xi32>
      %and3A_552 = arith.constant 1 : i32
      %and3A_553 = vector.broadcast %and3A_552 : i32 to vector<16xi32>
      %and3A_554 = arith.andi %get3A_524, %and3A_553 : vector<16xi32>
      %shift_left3A_555 = arith.constant 15 : i32
      %shift_left3A_556 = vector.broadcast %shift_left3A_555 : i32 to vector<16xi32>
      %shift_left3A_557 = arith.shli %and3A_554, %shift_left3A_556 : vector<16xi32>
      %add3A_558 = arith.addi %add3A_526, %shift_left3A_557 : vector<16xi32>
      %add3A_559 = arith.constant 0 : i32
      %add3A_560 = arith.addi %min3A_185, %add3A_559 : i32
      %add3A_561 = vector.broadcast %add3A_560 : i32 to vector<16xi32>
      %add3A_562 = arith.addi %add3A_561, %masked_cumsum3A : vector<16xi32>
      %sub3A_563 = arith.constant 1 : i32
      %sub3A_564 = vector.broadcast %sub3A_563 : i32 to vector<16xi32>
      %sub3A_565 = arith.subi %add3A_562, %sub3A_564 : vector<16xi32>
      %add3A_566 = arith.constant 2048 : i32
      %add3A_567 = vector.broadcast %add3A_566 : i32 to vector<16xi32>
      %add3A_568 = arith.addi %add3A_567, %iota3A : vector<16xi32>
      %select_n3A_569 = arith.select %eq3A_204, %sub3A_565, %add3A_568 : vector<16xi1>, vector<16xi32>
      tpu.vector_store_idx %arg12[%select_n3A_569], %bitcast3A : memref<2112xi32, #tpu.memory_space<vmem>>[vector<16xi32>], vector<16xi32>,
      tpu.vector_store_idx %arg13[%select_n3A_569], %add3A_222 : memref<2112xi32, #tpu.memory_space<vmem>>[vector<16xi32>], vector<16xi32>,
      %slice3A = vector.extract_strided_slice %masked_cumsum3A {offsets = [15], sizes = [1], strides = [1]} : vector<16xi32> to vector<1xi32>
      %squeeze3A = vector.extract %slice3A[0] : i32 from vector<1xi32>
      %add3A_570 = arith.constant 0 : i32
      %add3A_571 = arith.addi %add3A_570, %squeeze3A : i32
      %add3A_572 = arith.constant 0 : i32
      %add3A_573 = arith.addi %min3A_187, %add3A_572 : i32
      %add3A_574 = vector.broadcast %add3A_573 : i32 to vector<16xi32>
      %add3A_575 = arith.addi %add3A_574, %masked_cumsum3A_216 : vector<16xi32>
      %sub3A_576 = arith.constant 1 : i32
      %sub3A_577 = vector.broadcast %sub3A_576 : i32 to vector<16xi32>
      %sub3A_578 = arith.subi %add3A_575, %sub3A_577 : vector<16xi32>
      %add3A_579 = arith.constant 2048 : i32
      %add3A_580 = vector.broadcast %add3A_579 : i32 to vector<16xi32>
      %add3A_581 = arith.addi %add3A_580, %iota3A : vector<16xi32>
      %select_n3A_582 = arith.select %eq3A_209, %sub3A_578, %add3A_581 : vector<16xi1>, vector<16xi32>
      tpu.vector_store_idx %arg14[%select_n3A_582], %bitcast3A : memref<2112xi32, #tpu.memory_space<vmem>>[vector<16xi32>], vector<16xi32>,
      tpu.vector_store_idx %arg15[%select_n3A_582], %add3A_229 : memref<2112xi32, #tpu.memory_space<vmem>>[vector<16xi32>], vector<16xi32>,
      %slice3A_583 = vector.extract_strided_slice %masked_cumsum3A_216 {offsets = [15], sizes = [1], strides = [1]} : vector<16xi32> to vector<1xi32>
      %squeeze3A_584 = vector.extract %slice3A_583[0] : i32 from vector<1xi32>
      %add3A_585 = arith.constant 0 : i32
      %add3A_586 = arith.addi %add3A_585, %squeeze3A_584 : i32
      %add3A_587 = arith.addi %min3A_185, %add3A_571 : i32
      %add3A_588 = vector.broadcast %add3A_587 : i32 to vector<16xi32>
      %add3A_589 = arith.addi %add3A_588, %masked_cumsum3A_258 : vector<16xi32>
      %sub3A_590 = arith.constant 1 : i32
      %sub3A_591 = vector.broadcast %sub3A_590 : i32 to vector<16xi32>
      %sub3A_592 = arith.subi %add3A_589, %sub3A_591 : vector<16xi32>
      %add3A_593 = arith.constant 2048 : i32
      %add3A_594 = vector.broadcast %add3A_593 : i32 to vector<16xi32>
      %add3A_595 = arith.addi %add3A_594, %iota3A : vector<16xi32>
      %select_n3A_596 = arith.select %eq3A_249, %sub3A_592, %add3A_595 : vector<16xi1>, vector<16xi32>
      tpu.vector_store_idx %arg12[%select_n3A_596], %bitcast3A_238 : memref<2112xi32, #tpu.memory_space<vmem>>[vector<16xi32>], vector<16xi32>,
      tpu.vector_store_idx %arg13[%select_n3A_596], %add3A_269 : memref<2112xi32, #tpu.memory_space<vmem>>[vector<16xi32>], vector<16xi32>,
      %slice3A_597 = vector.extract_strided_slice %masked_cumsum3A_258 {offsets = [15], sizes = [1], strides = [1]} : vector<16xi32> to vector<1xi32>
      %squeeze3A_598 = vector.extract %slice3A_597[0] : i32 from vector<1xi32>
      %add3A_599 = arith.addi %add3A_571, %squeeze3A_598 : i32
      %add3A_600 = arith.addi %min3A_187, %add3A_586 : i32
      %add3A_601 = vector.broadcast %add3A_600 : i32 to vector<16xi32>
      %add3A_602 = arith.addi %add3A_601, %masked_cumsum3A_262 : vector<16xi32>
      %sub3A_603 = arith.constant 1 : i32
      %sub3A_604 = vector.broadcast %sub3A_603 : i32 to vector<16xi32>
      %sub3A_605 = arith.subi %add3A_602, %sub3A_604 : vector<16xi32>
      %add3A_606 = arith.constant 2048 : i32
      %add3A_607 = vector.broadcast %add3A_606 : i32 to vector<16xi32>
      %add3A_608 = arith.addi %add3A_607, %iota3A : vector<16xi32>
      %select_n3A_609 = arith.select %eq3A_254, %sub3A_605, %add3A_608 : vector<16xi1>, vector<16xi32>
      tpu.vector_store_idx %arg14[%select_n3A_609], %bitcast3A_238 : memref<2112xi32, #tpu.memory_space<vmem>>[vector<16xi32>], vector<16xi32>,
      tpu.vector_store_idx %arg15[%select_n3A_609], %add3A_276 : memref<2112xi32, #tpu.memory_space<vmem>>[vector<16xi32>], vector<16xi32>,
      %slice3A_610 = vector.extract_strided_slice %masked_cumsum3A_262 {offsets = [15], sizes = [1], strides = [1]} : vector<16xi32> to vector<1xi32>
      %squeeze3A_611 = vector.extract %slice3A_610[0] : i32 from vector<1xi32>
      %add3A_612 = arith.addi %add3A_586, %squeeze3A_611 : i32
      %add3A_613 = arith.addi %min3A_185, %add3A_599 : i32
      %add3A_614 = vector.broadcast %add3A_613 : i32 to vector<16xi32>
      %add3A_615 = arith.addi %add3A_614, %masked_cumsum3A_305 : vector<16xi32>
      %sub3A_616 = arith.constant 1 : i32
      %sub3A_617 = vector.broadcast %sub3A_616 : i32 to vector<16xi32>
      %sub3A_618 = arith.subi %add3A_615, %sub3A_617 : vector<16xi32>
      %add3A_619 = arith.constant 2048 : i32
      %add3A_620 = vector.broadcast %add3A_619 : i32 to vector<16xi32>
      %add3A_621 = arith.addi %add3A_620, %iota3A : vector<16xi32>
      %select_n3A_622 = arith.select %eq3A_296, %sub3A_618, %add3A_621 : vector<16xi1>, vector<16xi32>
      tpu.vector_store_idx %arg12[%select_n3A_622], %bitcast3A_285 : memref<2112xi32, #tpu.memory_space<vmem>>[vector<16xi32>], vector<16xi32>,
      tpu.vector_store_idx %arg13[%select_n3A_622], %add3A_316 : memref<2112xi32, #tpu.memory_space<vmem>>[vector<16xi32>], vector<16xi32>,
      %slice3A_623 = vector.extract_strided_slice %masked_cumsum3A_305 {offsets = [15], sizes = [1], strides = [1]} : vector<16xi32> to vector<1xi32>
      %squeeze3A_624 = vector.extract %slice3A_623[0] : i32 from vector<1xi32>
      %add3A_625 = arith.addi %add3A_599, %squeeze3A_624 : i32
      %add3A_626 = arith.addi %min3A_187, %add3A_612 : i32
      %add3A_627 = vector.broadcast %add3A_626 : i32 to vector<16xi32>
      %add3A_628 = arith.addi %add3A_627, %masked_cumsum3A_309 : vector<16xi32>
      %sub3A_629 = arith.constant 1 : i32
      %sub3A_630 = vector.broadcast %sub3A_629 : i32 to vector<16xi32>
      %sub3A_631 = arith.subi %add3A_628, %sub3A_630 : vector<16xi32>
      %add3A_632 = arith.constant 2048 : i32
      %add3A_633 = vector.broadcast %add3A_632 : i32 to vector<16xi32>
      %add3A_634 = arith.addi %add3A_633, %iota3A : vector<16xi32>
      %select_n3A_635 = arith.select %eq3A_301, %sub3A_631, %add3A_634 : vector<16xi1>, vector<16xi32>
      tpu.vector_store_idx %arg14[%select_n3A_635], %bitcast3A_285 : memref<2112xi32, #tpu.memory_space<vmem>>[vector<16xi32>], vector<16xi32>,
      tpu.vector_store_idx %arg15[%select_n3A_635], %add3A_323 : memref<2112xi32, #tpu.memory_space<vmem>>[vector<16xi32>], vector<16xi32>,
      %slice3A_636 = vector.extract_strided_slice %masked_cumsum3A_309 {offsets = [15], sizes = [1], strides = [1]} : vector<16xi32> to vector<1xi32>
      %squeeze3A_637 = vector.extract %slice3A_636[0] : i32 from vector<1xi32>
      %add3A_638 = arith.addi %add3A_612, %squeeze3A_637 : i32
      %add3A_639 = arith.addi %min3A_185, %add3A_625 : i32
      %add3A_640 = vector.broadcast %add3A_639 : i32 to vector<16xi32>
      %add3A_641 = arith.addi %add3A_640, %masked_cumsum3A_352 : vector<16xi32>
      %sub3A_642 = arith.constant 1 : i32
      %sub3A_643 = vector.broadcast %sub3A_642 : i32 to vector<16xi32>
      %sub3A_644 = arith.subi %add3A_641, %sub3A_643 : vector<16xi32>
      %add3A_645 = arith.constant 2048 : i32
      %add3A_646 = vector.broadcast %add3A_645 : i32 to vector<16xi32>
      %add3A_647 = arith.addi %add3A_646, %iota3A : vector<16xi32>
      %select_n3A_648 = arith.select %eq3A_343, %sub3A_644, %add3A_647 : vector<16xi1>, vector<16xi32>
      tpu.vector_store_idx %arg12[%select_n3A_648], %bitcast3A_332 : memref<2112xi32, #tpu.memory_space<vmem>>[vector<16xi32>], vector<16xi32>,
      tpu.vector_store_idx %arg13[%select_n3A_648], %add3A_363 : memref<2112xi32, #tpu.memory_space<vmem>>[vector<16xi32>], vector<16xi32>,
      %slice3A_649 = vector.extract_strided_slice %masked_cumsum3A_352 {offsets = [15], sizes = [1], strides = [1]} : vector<16xi32> to vector<1xi32>
      %squeeze3A_650 = vector.extract %slice3A_649[0] : i32 from vector<1xi32>
      %add3A_651 = arith.addi %add3A_625, %squeeze3A_650 : i32
      %add3A_652 = arith.addi %min3A_187, %add3A_638 : i32
      %add3A_653 = vector.broadcast %add3A_652 : i32 to vector<16xi32>
      %add3A_654 = arith.addi %add3A_653, %masked_cumsum3A_356 : vector<16xi32>
      %sub3A_655 = arith.constant 1 : i32
      %sub3A_656 = vector.broadcast %sub3A_655 : i32 to vector<16xi32>
      %sub3A_657 = arith.subi %add3A_654, %sub3A_656 : vector<16xi32>
      %add3A_658 = arith.constant 2048 : i32
      %add3A_659 = vector.broadcast %add3A_658 : i32 to vector<16xi32>
      %add3A_660 = arith.addi %add3A_659, %iota3A : vector<16xi32>
      %select_n3A_661 = arith.select %eq3A_348, %sub3A_657, %add3A_660 : vector<16xi1>, vector<16xi32>
      tpu.vector_store_idx %arg14[%select_n3A_661], %bitcast3A_332 : memref<2112xi32, #tpu.memory_space<vmem>>[vector<16xi32>], vector<16xi32>,
      tpu.vector_store_idx %arg15[%select_n3A_661], %add3A_370 : memref<2112xi32, #tpu.memory_space<vmem>>[vector<16xi32>], vector<16xi32>,
      %slice3A_662 = vector.extract_strided_slice %masked_cumsum3A_356 {offsets = [15], sizes = [1], strides = [1]} : vector<16xi32> to vector<1xi32>
      %squeeze3A_663 = vector.extract %slice3A_662[0] : i32 from vector<1xi32>
      %add3A_664 = arith.addi %add3A_638, %squeeze3A_663 : i32
      %add3A_665 = arith.addi %min3A_185, %add3A_651 : i32
      %add3A_666 = vector.broadcast %add3A_665 : i32 to vector<16xi32>
      %add3A_667 = arith.addi %add3A_666, %masked_cumsum3A_399 : vector<16xi32>
      %sub3A_668 = arith.constant 1 : i32
      %sub3A_669 = vector.broadcast %sub3A_668 : i32 to vector<16xi32>
      %sub3A_670 = arith.subi %add3A_667, %sub3A_669 : vector<16xi32>
      %add3A_671 = arith.constant 2048 : i32
      %add3A_672 = vector.broadcast %add3A_671 : i32 to vector<16xi32>
      %add3A_673 = arith.addi %add3A_672, %iota3A : vector<16xi32>
      %select_n3A_674 = arith.select %eq3A_390, %sub3A_670, %add3A_673 : vector<16xi1>, vector<16xi32>
      tpu.vector_store_idx %arg12[%select_n3A_674], %bitcast3A_379 : memref<2112xi32, #tpu.memory_space<vmem>>[vector<16xi32>], vector<16xi32>,
      tpu.vector_store_idx %arg13[%select_n3A_674], %add3A_410 : memref<2112xi32, #tpu.memory_space<vmem>>[vector<16xi32>], vector<16xi32>,
      %slice3A_675 = vector.extract_strided_slice %masked_cumsum3A_399 {offsets = [15], sizes = [1], strides = [1]} : vector<16xi32> to vector<1xi32>
      %squeeze3A_676 = vector.extract %slice3A_675[0] : i32 from vector<1xi32>
      %add3A_677 = arith.addi %add3A_651, %squeeze3A_676 : i32
      %add3A_678 = arith.addi %min3A_187, %add3A_664 : i32
      %add3A_679 = vector.broadcast %add3A_678 : i32 to vector<16xi32>
      %add3A_680 = arith.addi %add3A_679, %masked_cumsum3A_403 : vector<16xi32>
      %sub3A_681 = arith.constant 1 : i32
      %sub3A_682 = vector.broadcast %sub3A_681 : i32 to vector<16xi32>
      %sub3A_683 = arith.subi %add3A_680, %sub3A_682 : vector<16xi32>
      %add3A_684 = arith.constant 2048 : i32
      %add3A_685 = vector.broadcast %add3A_684 : i32 to vector<16xi32>
      %add3A_686 = arith.addi %add3A_685, %iota3A : vector<16xi32>
      %select_n3A_687 = arith.select %eq3A_395, %sub3A_683, %add3A_686 : vector<16xi1>, vector<16xi32>
      tpu.vector_store_idx %arg14[%select_n3A_687], %bitcast3A_379 : memref<2112xi32, #tpu.memory_space<vmem>>[vector<16xi32>], vector<16xi32>,
      tpu.vector_store_idx %arg15[%select_n3A_687], %add3A_417 : memref<2112xi32, #tpu.memory_space<vmem>>[vector<16xi32>], vector<16xi32>,
      %slice3A_688 = vector.extract_strided_slice %masked_cumsum3A_403 {offsets = [15], sizes = [1], strides = [1]} : vector<16xi32> to vector<1xi32>
      %squeeze3A_689 = vector.extract %slice3A_688[0] : i32 from vector<1xi32>
      %add3A_690 = arith.addi %add3A_664, %squeeze3A_689 : i32
      %add3A_691 = arith.addi %min3A_185, %add3A_677 : i32
      %add3A_692 = vector.broadcast %add3A_691 : i32 to vector<16xi32>
      %add3A_693 = arith.addi %add3A_692, %masked_cumsum3A_446 : vector<16xi32>
      %sub3A_694 = arith.constant 1 : i32
      %sub3A_695 = vector.broadcast %sub3A_694 : i32 to vector<16xi32>
      %sub3A_696 = arith.subi %add3A_693, %sub3A_695 : vector<16xi32>
      %add3A_697 = arith.constant 2048 : i32
      %add3A_698 = vector.broadcast %add3A_697 : i32 to vector<16xi32>
      %add3A_699 = arith.addi %add3A_698, %iota3A : vector<16xi32>
      %select_n3A_700 = arith.select %eq3A_437, %sub3A_696, %add3A_699 : vector<16xi1>, vector<16xi32>
      tpu.vector_store_idx %arg12[%select_n3A_700], %bitcast3A_426 : memref<2112xi32, #tpu.memory_space<vmem>>[vector<16xi32>], vector<16xi32>,
      tpu.vector_store_idx %arg13[%select_n3A_700], %add3A_457 : memref<2112xi32, #tpu.memory_space<vmem>>[vector<16xi32>], vector<16xi32>,
      %slice3A_701 = vector.extract_strided_slice %masked_cumsum3A_446 {offsets = [15], sizes = [1], strides = [1]} : vector<16xi32> to vector<1xi32>
      %squeeze3A_702 = vector.extract %slice3A_701[0] : i32 from vector<1xi32>
      %add3A_703 = arith.addi %add3A_677, %squeeze3A_702 : i32
      %add3A_704 = arith.addi %min3A_187, %add3A_690 : i32
      %add3A_705 = vector.broadcast %add3A_704 : i32 to vector<16xi32>
      %add3A_706 = arith.addi %add3A_705, %masked_cumsum3A_450 : vector<16xi32>
      %sub3A_707 = arith.constant 1 : i32
      %sub3A_708 = vector.broadcast %sub3A_707 : i32 to vector<16xi32>
      %sub3A_709 = arith.subi %add3A_706, %sub3A_708 : vector<16xi32>
      %add3A_710 = arith.constant 2048 : i32
      %add3A_711 = vector.broadcast %add3A_710 : i32 to vector<16xi32>
      %add3A_712 = arith.addi %add3A_711, %iota3A : vector<16xi32>
      %select_n3A_713 = arith.select %eq3A_442, %sub3A_709, %add3A_712 : vector<16xi1>, vector<16xi32>
      tpu.vector_store_idx %arg14[%select_n3A_713], %bitcast3A_426 : memref<2112xi32, #tpu.memory_space<vmem>>[vector<16xi32>], vector<16xi32>,
      tpu.vector_store_idx %arg15[%select_n3A_713], %add3A_464 : memref<2112xi32, #tpu.memory_space<vmem>>[vector<16xi32>], vector<16xi32>,
      %slice3A_714 = vector.extract_strided_slice %masked_cumsum3A_450 {offsets = [15], sizes = [1], strides = [1]} : vector<16xi32> to vector<1xi32>
      %squeeze3A_715 = vector.extract %slice3A_714[0] : i32 from vector<1xi32>
      %add3A_716 = arith.addi %add3A_690, %squeeze3A_715 : i32
      %add3A_717 = arith.addi %min3A_185, %add3A_703 : i32
      %add3A_718 = vector.broadcast %add3A_717 : i32 to vector<16xi32>
      %add3A_719 = arith.addi %add3A_718, %masked_cumsum3A_493 : vector<16xi32>
      %sub3A_720 = arith.constant 1 : i32
      %sub3A_721 = vector.broadcast %sub3A_720 : i32 to vector<16xi32>
      %sub3A_722 = arith.subi %add3A_719, %sub3A_721 : vector<16xi32>
      %add3A_723 = arith.constant 2048 : i32
      %add3A_724 = vector.broadcast %add3A_723 : i32 to vector<16xi32>
      %add3A_725 = arith.addi %add3A_724, %iota3A : vector<16xi32>
      %select_n3A_726 = arith.select %eq3A_484, %sub3A_722, %add3A_725 : vector<16xi1>, vector<16xi32>
      tpu.vector_store_idx %arg12[%select_n3A_726], %bitcast3A_473 : memref<2112xi32, #tpu.memory_space<vmem>>[vector<16xi32>], vector<16xi32>,
      tpu.vector_store_idx %arg13[%select_n3A_726], %add3A_504 : memref<2112xi32, #tpu.memory_space<vmem>>[vector<16xi32>], vector<16xi32>,
      %slice3A_727 = vector.extract_strided_slice %masked_cumsum3A_493 {offsets = [15], sizes = [1], strides = [1]} : vector<16xi32> to vector<1xi32>
      %squeeze3A_728 = vector.extract %slice3A_727[0] : i32 from vector<1xi32>
      %add3A_729 = arith.addi %add3A_703, %squeeze3A_728 : i32
      %add3A_730 = arith.addi %min3A_187, %add3A_716 : i32
      %add3A_731 = vector.broadcast %add3A_730 : i32 to vector<16xi32>
      %add3A_732 = arith.addi %add3A_731, %masked_cumsum3A_497 : vector<16xi32>
      %sub3A_733 = arith.constant 1 : i32
      %sub3A_734 = vector.broadcast %sub3A_733 : i32 to vector<16xi32>
      %sub3A_735 = arith.subi %add3A_732, %sub3A_734 : vector<16xi32>
      %add3A_736 = arith.constant 2048 : i32
      %add3A_737 = vector.broadcast %add3A_736 : i32 to vector<16xi32>
      %add3A_738 = arith.addi %add3A_737, %iota3A : vector<16xi32>
      %select_n3A_739 = arith.select %eq3A_489, %sub3A_735, %add3A_738 : vector<16xi1>, vector<16xi32>
      tpu.vector_store_idx %arg14[%select_n3A_739], %bitcast3A_473 : memref<2112xi32, #tpu.memory_space<vmem>>[vector<16xi32>], vector<16xi32>,
      tpu.vector_store_idx %arg15[%select_n3A_739], %add3A_511 : memref<2112xi32, #tpu.memory_space<vmem>>[vector<16xi32>], vector<16xi32>,
      %slice3A_740 = vector.extract_strided_slice %masked_cumsum3A_497 {offsets = [15], sizes = [1], strides = [1]} : vector<16xi32> to vector<1xi32>
      %squeeze3A_741 = vector.extract %slice3A_740[0] : i32 from vector<1xi32>
      %add3A_742 = arith.addi %add3A_716, %squeeze3A_741 : i32
      %add3A_743 = arith.addi %min3A_185, %add3A_729 : i32
      %add3A_744 = vector.broadcast %add3A_743 : i32 to vector<16xi32>
      %add3A_745 = arith.addi %add3A_744, %masked_cumsum3A_540 : vector<16xi32>
      %sub3A_746 = arith.constant 1 : i32
      %sub3A_747 = vector.broadcast %sub3A_746 : i32 to vector<16xi32>
      %sub3A_748 = arith.subi %add3A_745, %sub3A_747 : vector<16xi32>
      %add3A_749 = arith.constant 2048 : i32
      %add3A_750 = vector.broadcast %add3A_749 : i32 to vector<16xi32>
      %add3A_751 = arith.addi %add3A_750, %iota3A : vector<16xi32>
      %select_n3A_752 = arith.select %eq3A_531, %sub3A_748, %add3A_751 : vector<16xi1>, vector<16xi32>
      tpu.vector_store_idx %arg12[%select_n3A_752], %bitcast3A_520 : memref<2112xi32, #tpu.memory_space<vmem>>[vector<16xi32>], vector<16xi32>,
      tpu.vector_store_idx %arg13[%select_n3A_752], %add3A_551 : memref<2112xi32, #tpu.memory_space<vmem>>[vector<16xi32>], vector<16xi32>,
      %slice3A_753 = vector.extract_strided_slice %masked_cumsum3A_540 {offsets = [15], sizes = [1], strides = [1]} : vector<16xi32> to vector<1xi32>
      %squeeze3A_754 = vector.extract %slice3A_753[0] : i32 from vector<1xi32>
      %add3A_755 = arith.addi %add3A_729, %squeeze3A_754 : i32
      %add3A_756 = arith.addi %min3A_187, %add3A_742 : i32
      %add3A_757 = vector.broadcast %add3A_756 : i32 to vector<16xi32>
      %add3A_758 = arith.addi %add3A_757, %masked_cumsum3A_544 : vector<16xi32>
      %sub3A_759 = arith.constant 1 : i32
      %sub3A_760 = vector.broadcast %sub3A_759 : i32 to vector<16xi32>
      %sub3A_761 = arith.subi %add3A_758, %sub3A_760 : vector<16xi32>
      %add3A_762 = arith.constant 2048 : i32
      %add3A_763 = vector.broadcast %add3A_762 : i32 to vector<16xi32>
      %add3A_764 = arith.addi %add3A_763, %iota3A : vector<16xi32>
      %select_n3A_765 = arith.select %eq3A_536, %sub3A_761, %add3A_764 : vector<16xi1>, vector<16xi32>
      tpu.vector_store_idx %arg14[%select_n3A_765], %bitcast3A_520 : memref<2112xi32, #tpu.memory_space<vmem>>[vector<16xi32>], vector<16xi32>,
      tpu.vector_store_idx %arg15[%select_n3A_765], %add3A_558 : memref<2112xi32, #tpu.memory_space<vmem>>[vector<16xi32>], vector<16xi32>,
      %slice3A_766 = vector.extract_strided_slice %masked_cumsum3A_544 {offsets = [15], sizes = [1], strides = [1]} : vector<16xi32> to vector<1xi32>
      %squeeze3A_767 = vector.extract %slice3A_766[0] : i32 from vector<1xi32>
      %add3A_768 = arith.addi %add3A_742, %squeeze3A_767 : i32
      %add3A_769 = arith.addi %scan3A_182, %add3A_755 : i32
      %add3A_770 = arith.addi %scan3A_183, %add3A_768 : i32
      scf.yield %add3A_769, %add3A_770 : i32, i32
    }
    %scan3A_21 = arith.constant 256 : i32
    %min3A = arith.constant 2048 : i32
    %min3A_22 = arith.minsi %scan3A_20#0, %min3A : i32
    %add3A_23 = arith.constant 15 : i32
    %add3A_24 = arith.addi %min3A_22, %add3A_23 : i32
    %jit3A = arith.constant 16 : i32
    %div3A = arith.divsi %add3A_24, %jit3A : i32
    %sign3A = arith.constant 0 : i32
    %sign3A_25 = arith.cmpi sgt, %add3A_24, %sign3A : i32
    %sign3A_26 = arith.extui %sign3A_25 : i1 to i32
    %sign3A_27 = arith.constant 0 : i32
    %sign3A_28 = arith.cmpi slt, %add3A_24, %sign3A_27 : i32
    %sign3A_29 = arith.extui %sign3A_28 : i1 to i32
    %sign3A_30 = arith.subi %sign3A_26, %sign3A_29 : i32
    %sign3A_31 = arith.constant 0 : i32
    %sign3A_32 = arith.cmpi sgt, %jit3A, %sign3A_31 : i32
    %sign3A_33 = arith.extui %sign3A_32 : i1 to i32
    %sign3A_34 = arith.constant 0 : i32
    %sign3A_35 = arith.cmpi slt, %jit3A, %sign3A_34 : i32
    %sign3A_36 = arith.extui %sign3A_35 : i1 to i32
    %sign3A_37 = arith.subi %sign3A_33, %sign3A_36 : i32
    %ne3A = arith.cmpi ne, %sign3A_30, %sign3A_37 : i32
    %rem3A = arith.remsi %add3A_24, %jit3A : i32
    %ne3A_38 = arith.constant 0 : i32
    %ne3A_39 = arith.cmpi ne, %rem3A, %ne3A_38 : i32
    %and3A = arith.andi %ne3A, %ne3A_39 : i1
    %sub3A = arith.constant 1 : i32
    %sub3A_40 = arith.subi %div3A, %sub3A : i32
    %select_n3A = arith.select %and3A, %sub3A_40, %div3A : i32
    %while3A = arith.constant 0 : i32
    %while3A_41 = arith.constant 0 : i32
    %while3A_42 = arith.constant 0 : i32
    %while3A_43 = arith.subi %select_n3A, %while3A : i32
    %while3A_44 = arith.addi %while3A, %while3A_43 : i32
    %while3A_45 = arith.constant 1 : i32
    %while3A_46 = arith.divsi %while3A_43, %while3A_45 : i32
    %while3A_47 = arith.muli %while3A_46, %while3A_45 : i32
    %while3A_48 = arith.addi %while3A, %while3A_47 : i32
    %while3A_49 = arith.constant 1 : i32
    %while3A_50:2 = scf.for %while3A_181 = %while3A to %while3A_48 step %while3A_49 iter_args(%while3A_182 = %while3A_41, %while3A_183 = %while3A_42) -> (i32, i32)  : i32 {
      %mul3A_184 = arith.constant 16 : i32
      %mul3A_185 = arith.muli %while3A_181, %mul3A_184 : i32
      %get3A = arith.index_cast %mul3A_185 : i32 to index
      %get3A_186 = tpu.vector_load %arg12[%get3A] {strides = array<i32>} : memref<2112xi32, #tpu.memory_space<vmem>>, vector<16xi32>,
      %mul3A_187 = arith.constant 16 : i32
      %mul3A_188 = arith.muli %while3A_181, %mul3A_187 : i32
      %get3A_189 = arith.index_cast %mul3A_188 : i32 to index
      %get3A_190 = tpu.vector_load %arg13[%get3A_189] {strides = array<i32>} : memref<2112xi32, #tpu.memory_space<vmem>>, vector<16xi32>,
      %shift_right_arithmetic3A = arith.constant 15 : i32
      %shift_right_arithmetic3A_191 = vector.broadcast %shift_right_arithmetic3A : i32 to vector<16xi32>
      %shift_right_arithmetic3A_192 = arith.shrsi %get3A_190, %shift_right_arithmetic3A_191 : vector<16xi32>
      %and3A_193 = arith.constant 32767 : i32
      %and3A_194 = vector.broadcast %and3A_193 : i32 to vector<16xi32>
      %and3A_195 = arith.andi %get3A_190, %and3A_194 : vector<16xi32>
      %eq3A_196 = arith.constant 0 : i32
      %eq3A_197 = vector.broadcast %eq3A_196 : i32 to vector<16xi32>
      %eq3A_198 = arith.cmpi eq, %shift_right_arithmetic3A_192, %eq3A_197 : vector<16xi32>
      %convert_element_type3A_199 = arith.extui %eq3A_198 : vector<16xi1> to vector<16xi32>
      %min3A_200 = arith.constant 2032 : i32
      %min3A_201 = arith.minsi %while3A_182, %min3A_200 : i32
      %add3A_202 = arith.constant 0 : i32
      %add3A_203 = arith.addi %add3A_202, %min3A_201 : i32
      %broadcast_in_dim3A_204 = arith.constant true
      %broadcast_in_dim3A_205 = vector.broadcast %broadcast_in_dim3A_204 : i1 to vector<16xi1>
      %masked_cumsum3A = tpu.scan <sum>, %convert_element_type3A_199 masked %broadcast_in_dim3A_205 : vector<16xi32>, vector<16xi1> -> vector<16xi32>
      %add3A_206 = vector.broadcast %add3A_203 : i32 to vector<16xi32>
      %add3A_207 = arith.addi %add3A_206, %masked_cumsum3A : vector<16xi32>
      %sub3A_208 = arith.constant 1 : i32
      %sub3A_209 = vector.broadcast %sub3A_208 : i32 to vector<16xi32>
      %sub3A_210 = arith.subi %add3A_207, %sub3A_209 : vector<16xi32>
      %add3A_211 = arith.constant 8192 : i32
      %add3A_212 = vector.broadcast %add3A_211 : i32 to vector<16xi32>
      %add3A_213 = arith.addi %add3A_212, %iota3A : vector<16xi32>
      %select_n3A_214 = arith.select %eq3A_198, %sub3A_210, %add3A_213 : vector<16xi1>, vector<16xi32>
      tpu.vector_store_idx %arg16[%select_n3A_214], %get3A_186 : memref<8256xi32, #tpu.memory_space<vmem>>[vector<16xi32>], vector<16xi32>,
      tpu.vector_store_idx %arg17[%select_n3A_214], %and3A_195 : memref<8256xi32, #tpu.memory_space<vmem>>[vector<16xi32>], vector<16xi32>,
      %reduce_sum3A = arith.constant true
      %reduce_sum3A_215 = vector.broadcast %reduce_sum3A : i1 to vector<16xi1>
      %reduce_sum3A_216 = tpu.scan <sum>, %convert_element_type3A_199 masked %reduce_sum3A_215 : vector<16xi32>, vector<16xi1> -> vector<16xi32>
      %reduce_sum3A_217 = vector.extract %reduce_sum3A_216[15] : i32 from vector<16xi32>
      %add3A_218 = arith.addi %while3A_182, %reduce_sum3A_217 : i32
      %eq3A_219 = arith.constant 1 : i32
      %eq3A_220 = vector.broadcast %eq3A_219 : i32 to vector<16xi32>
      %eq3A_221 = arith.cmpi eq, %shift_right_arithmetic3A_192, %eq3A_220 : vector<16xi32>
      %convert_element_type3A_222 = arith.extui %eq3A_221 : vector<16xi1> to vector<16xi32>
      %min3A_223 = arith.constant 2032 : i32
      %min3A_224 = arith.minsi %while3A_183, %min3A_223 : i32
      %add3A_225 = arith.constant 2048 : i32
      %add3A_226 = arith.addi %add3A_225, %min3A_224 : i32
      %broadcast_in_dim3A_227 = arith.constant true
      %broadcast_in_dim3A_228 = vector.broadcast %broadcast_in_dim3A_227 : i1 to vector<16xi1>
      %masked_cumsum3A_229 = tpu.scan <sum>, %convert_element_type3A_222 masked %broadcast_in_dim3A_228 : vector<16xi32>, vector<16xi1> -> vector<16xi32>
      %add3A_230 = vector.broadcast %add3A_226 : i32 to vector<16xi32>
      %add3A_231 = arith.addi %add3A_230, %masked_cumsum3A_229 : vector<16xi32>
      %sub3A_232 = arith.constant 1 : i32
      %sub3A_233 = vector.broadcast %sub3A_232 : i32 to vector<16xi32>
      %sub3A_234 = arith.subi %add3A_231, %sub3A_233 : vector<16xi32>
      %add3A_235 = arith.constant 8192 : i32
      %add3A_236 = vector.broadcast %add3A_235 : i32 to vector<16xi32>
      %add3A_237 = arith.addi %add3A_236, %iota3A : vector<16xi32>
      %select_n3A_238 = arith.select %eq3A_221, %sub3A_234, %add3A_237 : vector<16xi1>, vector<16xi32>
      tpu.vector_store_idx %arg16[%select_n3A_238], %get3A_186 : memref<8256xi32, #tpu.memory_space<vmem>>[vector<16xi32>], vector<16xi32>,
      tpu.vector_store_idx %arg17[%select_n3A_238], %and3A_195 : memref<8256xi32, #tpu.memory_space<vmem>>[vector<16xi32>], vector<16xi32>,
      %reduce_sum3A_239 = arith.constant true
      %reduce_sum3A_240 = vector.broadcast %reduce_sum3A_239 : i1 to vector<16xi1>
      %reduce_sum3A_241 = tpu.scan <sum>, %convert_element_type3A_222 masked %reduce_sum3A_240 : vector<16xi32>, vector<16xi1> -> vector<16xi32>
      %reduce_sum3A_242 = vector.extract %reduce_sum3A_241[15] : i32 from vector<16xi32>
      %add3A_243 = arith.addi %while3A_183, %reduce_sum3A_242 : i32
      scf.yield %add3A_218, %add3A_243 : i32, i32
    }
    %while3A_51 = arith.constant 1 : i32
    %while3A_52:2 = scf.for %while3A_181 = %while3A_48 to %while3A_44 step %while3A_51 iter_args(%while3A_182 = %while3A_50#0, %while3A_183 = %while3A_50#1) -> (i32, i32)  : i32 {
      %mul3A_184 = arith.constant 16 : i32
      %mul3A_185 = arith.muli %while3A_181, %mul3A_184 : i32
      %get3A = arith.index_cast %mul3A_185 : i32 to index
      %get3A_186 = tpu.vector_load %arg12[%get3A] {strides = array<i32>} : memref<2112xi32, #tpu.memory_space<vmem>>, vector<16xi32>,
      %mul3A_187 = arith.constant 16 : i32
      %mul3A_188 = arith.muli %while3A_181, %mul3A_187 : i32
      %get3A_189 = arith.index_cast %mul3A_188 : i32 to index
      %get3A_190 = tpu.vector_load %arg13[%get3A_189] {strides = array<i32>} : memref<2112xi32, #tpu.memory_space<vmem>>, vector<16xi32>,
      %shift_right_arithmetic3A = arith.constant 15 : i32
      %shift_right_arithmetic3A_191 = vector.broadcast %shift_right_arithmetic3A : i32 to vector<16xi32>
      %shift_right_arithmetic3A_192 = arith.shrsi %get3A_190, %shift_right_arithmetic3A_191 : vector<16xi32>
      %and3A_193 = arith.constant 32767 : i32
      %and3A_194 = vector.broadcast %and3A_193 : i32 to vector<16xi32>
      %and3A_195 = arith.andi %get3A_190, %and3A_194 : vector<16xi32>
      %eq3A_196 = arith.constant 0 : i32
      %eq3A_197 = vector.broadcast %eq3A_196 : i32 to vector<16xi32>
      %eq3A_198 = arith.cmpi eq, %shift_right_arithmetic3A_192, %eq3A_197 : vector<16xi32>
      %convert_element_type3A_199 = arith.extui %eq3A_198 : vector<16xi1> to vector<16xi32>
      %min3A_200 = arith.constant 2032 : i32
      %min3A_201 = arith.minsi %while3A_182, %min3A_200 : i32
      %add3A_202 = arith.constant 0 : i32
      %add3A_203 = arith.addi %add3A_202, %min3A_201 : i32
      %broadcast_in_dim3A_204 = arith.constant true
      %broadcast_in_dim3A_205 = vector.broadcast %broadcast_in_dim3A_204 : i1 to vector<16xi1>
      %masked_cumsum3A = tpu.scan <sum>, %convert_element_type3A_199 masked %broadcast_in_dim3A_205 : vector<16xi32>, vector<16xi1> -> vector<16xi32>
      %add3A_206 = vector.broadcast %add3A_203 : i32 to vector<16xi32>
      %add3A_207 = arith.addi %add3A_206, %masked_cumsum3A : vector<16xi32>
      %sub3A_208 = arith.constant 1 : i32
      %sub3A_209 = vector.broadcast %sub3A_208 : i32 to vector<16xi32>
      %sub3A_210 = arith.subi %add3A_207, %sub3A_209 : vector<16xi32>
      %add3A_211 = arith.constant 8192 : i32
      %add3A_212 = vector.broadcast %add3A_211 : i32 to vector<16xi32>
      %add3A_213 = arith.addi %add3A_212, %iota3A : vector<16xi32>
      %select_n3A_214 = arith.select %eq3A_198, %sub3A_210, %add3A_213 : vector<16xi1>, vector<16xi32>
      tpu.vector_store_idx %arg16[%select_n3A_214], %get3A_186 : memref<8256xi32, #tpu.memory_space<vmem>>[vector<16xi32>], vector<16xi32>,
      tpu.vector_store_idx %arg17[%select_n3A_214], %and3A_195 : memref<8256xi32, #tpu.memory_space<vmem>>[vector<16xi32>], vector<16xi32>,
      %reduce_sum3A = arith.constant true
      %reduce_sum3A_215 = vector.broadcast %reduce_sum3A : i1 to vector<16xi1>
      %reduce_sum3A_216 = tpu.scan <sum>, %convert_element_type3A_199 masked %reduce_sum3A_215 : vector<16xi32>, vector<16xi1> -> vector<16xi32>
      %reduce_sum3A_217 = vector.extract %reduce_sum3A_216[15] : i32 from vector<16xi32>
      %add3A_218 = arith.addi %while3A_182, %reduce_sum3A_217 : i32
      %eq3A_219 = arith.constant 1 : i32
      %eq3A_220 = vector.broadcast %eq3A_219 : i32 to vector<16xi32>
      %eq3A_221 = arith.cmpi eq, %shift_right_arithmetic3A_192, %eq3A_220 : vector<16xi32>
      %convert_element_type3A_222 = arith.extui %eq3A_221 : vector<16xi1> to vector<16xi32>
      %min3A_223 = arith.constant 2032 : i32
      %min3A_224 = arith.minsi %while3A_183, %min3A_223 : i32
      %add3A_225 = arith.constant 2048 : i32
      %add3A_226 = arith.addi %add3A_225, %min3A_224 : i32
      %broadcast_in_dim3A_227 = arith.constant true
      %broadcast_in_dim3A_228 = vector.broadcast %broadcast_in_dim3A_227 : i1 to vector<16xi1>
      %masked_cumsum3A_229 = tpu.scan <sum>, %convert_element_type3A_222 masked %broadcast_in_dim3A_228 : vector<16xi32>, vector<16xi1> -> vector<16xi32>
      %add3A_230 = vector.broadcast %add3A_226 : i32 to vector<16xi32>
      %add3A_231 = arith.addi %add3A_230, %masked_cumsum3A_229 : vector<16xi32>
      %sub3A_232 = arith.constant 1 : i32
      %sub3A_233 = vector.broadcast %sub3A_232 : i32 to vector<16xi32>
      %sub3A_234 = arith.subi %add3A_231, %sub3A_233 : vector<16xi32>
      %add3A_235 = arith.constant 8192 : i32
      %add3A_236 = vector.broadcast %add3A_235 : i32 to vector<16xi32>
      %add3A_237 = arith.addi %add3A_236, %iota3A : vector<16xi32>
      %select_n3A_238 = arith.select %eq3A_221, %sub3A_234, %add3A_237 : vector<16xi1>, vector<16xi32>
      tpu.vector_store_idx %arg16[%select_n3A_238], %get3A_186 : memref<8256xi32, #tpu.memory_space<vmem>>[vector<16xi32>], vector<16xi32>,
      tpu.vector_store_idx %arg17[%select_n3A_238], %and3A_195 : memref<8256xi32, #tpu.memory_space<vmem>>[vector<16xi32>], vector<16xi32>,
      %reduce_sum3A_239 = arith.constant true
      %reduce_sum3A_240 = vector.broadcast %reduce_sum3A_239 : i1 to vector<16xi1>
      %reduce_sum3A_241 = tpu.scan <sum>, %convert_element_type3A_222 masked %reduce_sum3A_240 : vector<16xi32>, vector<16xi1> -> vector<16xi32>
      %reduce_sum3A_242 = vector.extract %reduce_sum3A_241[15] : i32 from vector<16xi32>
      %add3A_243 = arith.addi %while3A_183, %reduce_sum3A_242 : i32
      scf.yield %add3A_218, %add3A_243 : i32, i32
    }
    %min3A_53 = arith.constant 2048 : i32
    %min3A_54 = arith.minsi %scan3A_20#1, %min3A_53 : i32
    %add3A_55 = arith.constant 15 : i32
    %add3A_56 = arith.addi %min3A_54, %add3A_55 : i32
    %jit3A_57 = arith.constant 16 : i32
    %div3A_58 = arith.divsi %add3A_56, %jit3A_57 : i32
    %sign3A_59 = arith.constant 0 : i32
    %sign3A_60 = arith.cmpi sgt, %add3A_56, %sign3A_59 : i32
    %sign3A_61 = arith.extui %sign3A_60 : i1 to i32
    %sign3A_62 = arith.constant 0 : i32
    %sign3A_63 = arith.cmpi slt, %add3A_56, %sign3A_62 : i32
    %sign3A_64 = arith.extui %sign3A_63 : i1 to i32
    %sign3A_65 = arith.subi %sign3A_61, %sign3A_64 : i32
    %sign3A_66 = arith.constant 0 : i32
    %sign3A_67 = arith.cmpi sgt, %jit3A_57, %sign3A_66 : i32
    %sign3A_68 = arith.extui %sign3A_67 : i1 to i32
    %sign3A_69 = arith.constant 0 : i32
    %sign3A_70 = arith.cmpi slt, %jit3A_57, %sign3A_69 : i32
    %sign3A_71 = arith.extui %sign3A_70 : i1 to i32
    %sign3A_72 = arith.subi %sign3A_68, %sign3A_71 : i32
    %ne3A_73 = arith.cmpi ne, %sign3A_65, %sign3A_72 : i32
    %rem3A_74 = arith.remsi %add3A_56, %jit3A_57 : i32
    %ne3A_75 = arith.constant 0 : i32
    %ne3A_76 = arith.cmpi ne, %rem3A_74, %ne3A_75 : i32
    %and3A_77 = arith.andi %ne3A_73, %ne3A_76 : i1
    %sub3A_78 = arith.constant 1 : i32
    %sub3A_79 = arith.subi %div3A_58, %sub3A_78 : i32
    %select_n3A_80 = arith.select %and3A_77, %sub3A_79, %div3A_58 : i32
    %while3A_81 = arith.constant 0 : i32
    %while3A_82 = arith.constant 0 : i32
    %while3A_83 = arith.constant 0 : i32
    %while3A_84 = arith.subi %select_n3A_80, %while3A_81 : i32
    %while3A_85 = arith.addi %while3A_81, %while3A_84 : i32
    %while3A_86 = arith.constant 1 : i32
    %while3A_87 = arith.divsi %while3A_84, %while3A_86 : i32
    %while3A_88 = arith.muli %while3A_87, %while3A_86 : i32
    %while3A_89 = arith.addi %while3A_81, %while3A_88 : i32
    %while3A_90 = arith.constant 1 : i32
    %while3A_91:2 = scf.for %while3A_181 = %while3A_81 to %while3A_89 step %while3A_90 iter_args(%while3A_182 = %while3A_82, %while3A_183 = %while3A_83) -> (i32, i32)  : i32 {
      %mul3A_184 = arith.constant 16 : i32
      %mul3A_185 = arith.muli %while3A_181, %mul3A_184 : i32
      %get3A = arith.index_cast %mul3A_185 : i32 to index
      %get3A_186 = tpu.vector_load %arg14[%get3A] {strides = array<i32>} : memref<2112xi32, #tpu.memory_space<vmem>>, vector<16xi32>,
      %mul3A_187 = arith.constant 16 : i32
      %mul3A_188 = arith.muli %while3A_181, %mul3A_187 : i32
      %get3A_189 = arith.index_cast %mul3A_188 : i32 to index
      %get3A_190 = tpu.vector_load %arg15[%get3A_189] {strides = array<i32>} : memref<2112xi32, #tpu.memory_space<vmem>>, vector<16xi32>,
      %shift_right_arithmetic3A = arith.constant 15 : i32
      %shift_right_arithmetic3A_191 = vector.broadcast %shift_right_arithmetic3A : i32 to vector<16xi32>
      %shift_right_arithmetic3A_192 = arith.shrsi %get3A_190, %shift_right_arithmetic3A_191 : vector<16xi32>
      %and3A_193 = arith.constant 32767 : i32
      %and3A_194 = vector.broadcast %and3A_193 : i32 to vector<16xi32>
      %and3A_195 = arith.andi %get3A_190, %and3A_194 : vector<16xi32>
      %eq3A_196 = arith.constant 0 : i32
      %eq3A_197 = vector.broadcast %eq3A_196 : i32 to vector<16xi32>
      %eq3A_198 = arith.cmpi eq, %shift_right_arithmetic3A_192, %eq3A_197 : vector<16xi32>
      %convert_element_type3A_199 = arith.extui %eq3A_198 : vector<16xi1> to vector<16xi32>
      %min3A_200 = arith.constant 2032 : i32
      %min3A_201 = arith.minsi %while3A_182, %min3A_200 : i32
      %add3A_202 = arith.constant 4096 : i32
      %add3A_203 = arith.addi %add3A_202, %min3A_201 : i32
      %broadcast_in_dim3A_204 = arith.constant true
      %broadcast_in_dim3A_205 = vector.broadcast %broadcast_in_dim3A_204 : i1 to vector<16xi1>
      %masked_cumsum3A = tpu.scan <sum>, %convert_element_type3A_199 masked %broadcast_in_dim3A_205 : vector<16xi32>, vector<16xi1> -> vector<16xi32>
      %add3A_206 = vector.broadcast %add3A_203 : i32 to vector<16xi32>
      %add3A_207 = arith.addi %add3A_206, %masked_cumsum3A : vector<16xi32>
      %sub3A_208 = arith.constant 1 : i32
      %sub3A_209 = vector.broadcast %sub3A_208 : i32 to vector<16xi32>
      %sub3A_210 = arith.subi %add3A_207, %sub3A_209 : vector<16xi32>
      %add3A_211 = arith.constant 8192 : i32
      %add3A_212 = vector.broadcast %add3A_211 : i32 to vector<16xi32>
      %add3A_213 = arith.addi %add3A_212, %iota3A : vector<16xi32>
      %select_n3A_214 = arith.select %eq3A_198, %sub3A_210, %add3A_213 : vector<16xi1>, vector<16xi32>
      tpu.vector_store_idx %arg16[%select_n3A_214], %get3A_186 : memref<8256xi32, #tpu.memory_space<vmem>>[vector<16xi32>], vector<16xi32>,
      tpu.vector_store_idx %arg17[%select_n3A_214], %and3A_195 : memref<8256xi32, #tpu.memory_space<vmem>>[vector<16xi32>], vector<16xi32>,
      %reduce_sum3A = arith.constant true
      %reduce_sum3A_215 = vector.broadcast %reduce_sum3A : i1 to vector<16xi1>
      %reduce_sum3A_216 = tpu.scan <sum>, %convert_element_type3A_199 masked %reduce_sum3A_215 : vector<16xi32>, vector<16xi1> -> vector<16xi32>
      %reduce_sum3A_217 = vector.extract %reduce_sum3A_216[15] : i32 from vector<16xi32>
      %add3A_218 = arith.addi %while3A_182, %reduce_sum3A_217 : i32
      %eq3A_219 = arith.constant 1 : i32
      %eq3A_220 = vector.broadcast %eq3A_219 : i32 to vector<16xi32>
      %eq3A_221 = arith.cmpi eq, %shift_right_arithmetic3A_192, %eq3A_220 : vector<16xi32>
      %convert_element_type3A_222 = arith.extui %eq3A_221 : vector<16xi1> to vector<16xi32>
      %min3A_223 = arith.constant 2032 : i32
      %min3A_224 = arith.minsi %while3A_183, %min3A_223 : i32
      %add3A_225 = arith.constant 6144 : i32
      %add3A_226 = arith.addi %add3A_225, %min3A_224 : i32
      %broadcast_in_dim3A_227 = arith.constant true
      %broadcast_in_dim3A_228 = vector.broadcast %broadcast_in_dim3A_227 : i1 to vector<16xi1>
      %masked_cumsum3A_229 = tpu.scan <sum>, %convert_element_type3A_222 masked %broadcast_in_dim3A_228 : vector<16xi32>, vector<16xi1> -> vector<16xi32>
      %add3A_230 = vector.broadcast %add3A_226 : i32 to vector<16xi32>
      %add3A_231 = arith.addi %add3A_230, %masked_cumsum3A_229 : vector<16xi32>
      %sub3A_232 = arith.constant 1 : i32
      %sub3A_233 = vector.broadcast %sub3A_232 : i32 to vector<16xi32>
      %sub3A_234 = arith.subi %add3A_231, %sub3A_233 : vector<16xi32>
      %add3A_235 = arith.constant 8192 : i32
      %add3A_236 = vector.broadcast %add3A_235 : i32 to vector<16xi32>
      %add3A_237 = arith.addi %add3A_236, %iota3A : vector<16xi32>
      %select_n3A_238 = arith.select %eq3A_221, %sub3A_234, %add3A_237 : vector<16xi1>, vector<16xi32>
      tpu.vector_store_idx %arg16[%select_n3A_238], %get3A_186 : memref<8256xi32, #tpu.memory_space<vmem>>[vector<16xi32>], vector<16xi32>,
      tpu.vector_store_idx %arg17[%select_n3A_238], %and3A_195 : memref<8256xi32, #tpu.memory_space<vmem>>[vector<16xi32>], vector<16xi32>,
      %reduce_sum3A_239 = arith.constant true
      %reduce_sum3A_240 = vector.broadcast %reduce_sum3A_239 : i1 to vector<16xi1>
      %reduce_sum3A_241 = tpu.scan <sum>, %convert_element_type3A_222 masked %reduce_sum3A_240 : vector<16xi32>, vector<16xi1> -> vector<16xi32>
      %reduce_sum3A_242 = vector.extract %reduce_sum3A_241[15] : i32 from vector<16xi32>
      %add3A_243 = arith.addi %while3A_183, %reduce_sum3A_242 : i32
      scf.yield %add3A_218, %add3A_243 : i32, i32
    }
    %while3A_92 = arith.constant 1 : i32
    %while3A_93:2 = scf.for %while3A_181 = %while3A_89 to %while3A_85 step %while3A_92 iter_args(%while3A_182 = %while3A_91#0, %while3A_183 = %while3A_91#1) -> (i32, i32)  : i32 {
      %mul3A_184 = arith.constant 16 : i32
      %mul3A_185 = arith.muli %while3A_181, %mul3A_184 : i32
      %get3A = arith.index_cast %mul3A_185 : i32 to index
      %get3A_186 = tpu.vector_load %arg14[%get3A] {strides = array<i32>} : memref<2112xi32, #tpu.memory_space<vmem>>, vector<16xi32>,
      %mul3A_187 = arith.constant 16 : i32
      %mul3A_188 = arith.muli %while3A_181, %mul3A_187 : i32
      %get3A_189 = arith.index_cast %mul3A_188 : i32 to index
      %get3A_190 = tpu.vector_load %arg15[%get3A_189] {strides = array<i32>} : memref<2112xi32, #tpu.memory_space<vmem>>, vector<16xi32>,
      %shift_right_arithmetic3A = arith.constant 15 : i32
      %shift_right_arithmetic3A_191 = vector.broadcast %shift_right_arithmetic3A : i32 to vector<16xi32>
      %shift_right_arithmetic3A_192 = arith.shrsi %get3A_190, %shift_right_arithmetic3A_191 : vector<16xi32>
      %and3A_193 = arith.constant 32767 : i32
      %and3A_194 = vector.broadcast %and3A_193 : i32 to vector<16xi32>
      %and3A_195 = arith.andi %get3A_190, %and3A_194 : vector<16xi32>
      %eq3A_196 = arith.constant 0 : i32
      %eq3A_197 = vector.broadcast %eq3A_196 : i32 to vector<16xi32>
      %eq3A_198 = arith.cmpi eq, %shift_right_arithmetic3A_192, %eq3A_197 : vector<16xi32>
      %convert_element_type3A_199 = arith.extui %eq3A_198 : vector<16xi1> to vector<16xi32>
      %min3A_200 = arith.constant 2032 : i32
      %min3A_201 = arith.minsi %while3A_182, %min3A_200 : i32
      %add3A_202 = arith.constant 4096 : i32
      %add3A_203 = arith.addi %add3A_202, %min3A_201 : i32
      %broadcast_in_dim3A_204 = arith.constant true
      %broadcast_in_dim3A_205 = vector.broadcast %broadcast_in_dim3A_204 : i1 to vector<16xi1>
      %masked_cumsum3A = tpu.scan <sum>, %convert_element_type3A_199 masked %broadcast_in_dim3A_205 : vector<16xi32>, vector<16xi1> -> vector<16xi32>
      %add3A_206 = vector.broadcast %add3A_203 : i32 to vector<16xi32>
      %add3A_207 = arith.addi %add3A_206, %masked_cumsum3A : vector<16xi32>
      %sub3A_208 = arith.constant 1 : i32
      %sub3A_209 = vector.broadcast %sub3A_208 : i32 to vector<16xi32>
      %sub3A_210 = arith.subi %add3A_207, %sub3A_209 : vector<16xi32>
      %add3A_211 = arith.constant 8192 : i32
      %add3A_212 = vector.broadcast %add3A_211 : i32 to vector<16xi32>
      %add3A_213 = arith.addi %add3A_212, %iota3A : vector<16xi32>
      %select_n3A_214 = arith.select %eq3A_198, %sub3A_210, %add3A_213 : vector<16xi1>, vector<16xi32>
      tpu.vector_store_idx %arg16[%select_n3A_214], %get3A_186 : memref<8256xi32, #tpu.memory_space<vmem>>[vector<16xi32>], vector<16xi32>,
      tpu.vector_store_idx %arg17[%select_n3A_214], %and3A_195 : memref<8256xi32, #tpu.memory_space<vmem>>[vector<16xi32>], vector<16xi32>,
      %reduce_sum3A = arith.constant true
      %reduce_sum3A_215 = vector.broadcast %reduce_sum3A : i1 to vector<16xi1>
      %reduce_sum3A_216 = tpu.scan <sum>, %convert_element_type3A_199 masked %reduce_sum3A_215 : vector<16xi32>, vector<16xi1> -> vector<16xi32>
      %reduce_sum3A_217 = vector.extract %reduce_sum3A_216[15] : i32 from vector<16xi32>
      %add3A_218 = arith.addi %while3A_182, %reduce_sum3A_217 : i32
      %eq3A_219 = arith.constant 1 : i32
      %eq3A_220 = vector.broadcast %eq3A_219 : i32 to vector<16xi32>
      %eq3A_221 = arith.cmpi eq, %shift_right_arithmetic3A_192, %eq3A_220 : vector<16xi32>
      %convert_element_type3A_222 = arith.extui %eq3A_221 : vector<16xi1> to vector<16xi32>
      %min3A_223 = arith.constant 2032 : i32
      %min3A_224 = arith.minsi %while3A_183, %min3A_223 : i32
      %add3A_225 = arith.constant 6144 : i32
      %add3A_226 = arith.addi %add3A_225, %min3A_224 : i32
      %broadcast_in_dim3A_227 = arith.constant true
      %broadcast_in_dim3A_228 = vector.broadcast %broadcast_in_dim3A_227 : i1 to vector<16xi1>
      %masked_cumsum3A_229 = tpu.scan <sum>, %convert_element_type3A_222 masked %broadcast_in_dim3A_228 : vector<16xi32>, vector<16xi1> -> vector<16xi32>
      %add3A_230 = vector.broadcast %add3A_226 : i32 to vector<16xi32>
      %add3A_231 = arith.addi %add3A_230, %masked_cumsum3A_229 : vector<16xi32>
      %sub3A_232 = arith.constant 1 : i32
      %sub3A_233 = vector.broadcast %sub3A_232 : i32 to vector<16xi32>
      %sub3A_234 = arith.subi %add3A_231, %sub3A_233 : vector<16xi32>
      %add3A_235 = arith.constant 8192 : i32
      %add3A_236 = vector.broadcast %add3A_235 : i32 to vector<16xi32>
      %add3A_237 = arith.addi %add3A_236, %iota3A : vector<16xi32>
      %select_n3A_238 = arith.select %eq3A_221, %sub3A_234, %add3A_237 : vector<16xi1>, vector<16xi32>
      tpu.vector_store_idx %arg16[%select_n3A_238], %get3A_186 : memref<8256xi32, #tpu.memory_space<vmem>>[vector<16xi32>], vector<16xi32>,
      tpu.vector_store_idx %arg17[%select_n3A_238], %and3A_195 : memref<8256xi32, #tpu.memory_space<vmem>>[vector<16xi32>], vector<16xi32>,
      %reduce_sum3A_239 = arith.constant true
      %reduce_sum3A_240 = vector.broadcast %reduce_sum3A_239 : i1 to vector<16xi1>
      %reduce_sum3A_241 = tpu.scan <sum>, %convert_element_type3A_222 masked %reduce_sum3A_240 : vector<16xi32>, vector<16xi1> -> vector<16xi32>
      %reduce_sum3A_242 = vector.extract %reduce_sum3A_241[15] : i32 from vector<16xi32>
      %add3A_243 = arith.addi %while3A_183, %reduce_sum3A_242 : i32
      scf.yield %add3A_218, %add3A_243 : i32, i32
    }
    %min3A_94 = arith.constant 2048 : i32
    %min3A_95 = arith.minsi %while3A_52#0, %min3A_94 : i32
    %min3A_96 = arith.constant 2048 : i32
    %min3A_97 = arith.minsi %while3A_93#0, %min3A_96 : i32
    %le3A = arith.constant 1024 : i32
    %le3A_98 = arith.cmpi sle, %while3A_52#0, %le3A : i32
    %convert_element_type3A = arith.extui %le3A_98 : i1 to i32
    %cond3A = arith.constant 0 : i32
    %cond3A_99 = arith.cmpi ne, %convert_element_type3A, %cond3A : i32
    %cond3A_100:2 = scf.if %cond3A_99 -> (i32, i32) {
      %cond3A_181 = arith.constant -1 : i32
      %cond3A_182 = arith.constant 0 : i32
      scf.yield %cond3A_181, %cond3A_182 : i32, i32
    } else {
      %add3A_181 = arith.constant 15 : i32
      %add3A_182 = arith.addi %min3A_95, %add3A_181 : i32
      %jit3A_183 = arith.constant 16 : i32
      %div3A_184 = arith.divsi %add3A_182, %jit3A_183 : i32
      %sign3A_185 = arith.constant 0 : i32
      %sign3A_186 = arith.cmpi sgt, %add3A_182, %sign3A_185 : i32
      %sign3A_187 = arith.extui %sign3A_186 : i1 to i32
      %sign3A_188 = arith.constant 0 : i32
      %sign3A_189 = arith.cmpi slt, %add3A_182, %sign3A_188 : i32
      %sign3A_190 = arith.extui %sign3A_189 : i1 to i32
      %sign3A_191 = arith.subi %sign3A_187, %sign3A_190 : i32
      %sign3A_192 = arith.constant 0 : i32
      %sign3A_193 = arith.cmpi sgt, %jit3A_183, %sign3A_192 : i32
      %sign3A_194 = arith.extui %sign3A_193 : i1 to i32
      %sign3A_195 = arith.constant 0 : i32
      %sign3A_196 = arith.cmpi slt, %jit3A_183, %sign3A_195 : i32
      %sign3A_197 = arith.extui %sign3A_196 : i1 to i32
      %sign3A_198 = arith.subi %sign3A_194, %sign3A_197 : i32
      %ne3A_199 = arith.cmpi ne, %sign3A_191, %sign3A_198 : i32
      %rem3A_200 = arith.remsi %add3A_182, %jit3A_183 : i32
      %ne3A_201 = arith.constant 0 : i32
      %ne3A_202 = arith.cmpi ne, %rem3A_200, %ne3A_201 : i32
      %and3A_203 = arith.andi %ne3A_199, %ne3A_202 : i1
      %sub3A_204 = arith.constant 1 : i32
      %sub3A_205 = arith.subi %div3A_184, %sub3A_204 : i32
      %select_n3A_206 = arith.select %and3A_203, %sub3A_205, %div3A_184 : i32
      %scan3A_207 = arith.constant 1024 : i32
      %scan3A_208 = arith.constant 0 : i32
      %scan3A_209 = arith.constant 1065353217 : i32
      %scan3A_210 = arith.constant 0 : i32
      %scan3A_211 = arith.constant 31 : i32
      %scan3A_212 = arith.addi %scan3A_210, %scan3A_211 : i32
      %scan3A_213 = arith.constant 1 : i32
      %scan3A_214:2 = scf.for %scan3A_238 = %scan3A_210 to %scan3A_212 step %scan3A_213 iter_args(%scan3A_239 = %scan3A_208, %scan3A_240 = %scan3A_209) -> (i32, i32)  : i32 {
        %add3A_241 = arith.addi %scan3A_239, %scan3A_240 : i32
        %jit3A_242 = arith.constant 2 : i32
        %div3A_243 = arith.divsi %add3A_241, %jit3A_242 : i32
        %sign3A_244 = arith.constant 0 : i32
        %sign3A_245 = arith.cmpi sgt, %add3A_241, %sign3A_244 : i32
        %sign3A_246 = arith.extui %sign3A_245 : i1 to i32
        %sign3A_247 = arith.constant 0 : i32
        %sign3A_248 = arith.cmpi slt, %add3A_241, %sign3A_247 : i32
        %sign3A_249 = arith.extui %sign3A_248 : i1 to i32
        %sign3A_250 = arith.subi %sign3A_246, %sign3A_249 : i32
        %sign3A_251 = arith.constant 0 : i32
        %sign3A_252 = arith.cmpi sgt, %jit3A_242, %sign3A_251 : i32
        %sign3A_253 = arith.extui %sign3A_252 : i1 to i32
        %sign3A_254 = arith.constant 0 : i32
        %sign3A_255 = arith.cmpi slt, %jit3A_242, %sign3A_254 : i32
        %sign3A_256 = arith.extui %sign3A_255 : i1 to i32
        %sign3A_257 = arith.subi %sign3A_253, %sign3A_256 : i32
        %ne3A_258 = arith.cmpi ne, %sign3A_250, %sign3A_257 : i32
        %rem3A_259 = arith.remsi %add3A_241, %jit3A_242 : i32
        %ne3A_260 = arith.constant 0 : i32
        %ne3A_261 = arith.cmpi ne, %rem3A_259, %ne3A_260 : i32
        %and3A_262 = arith.andi %ne3A_258, %ne3A_261 : i1
        %sub3A_263 = arith.constant 1 : i32
        %sub3A_264 = arith.subi %div3A_243, %sub3A_263 : i32
        %select_n3A_265 = arith.select %and3A_262, %sub3A_264, %div3A_243 : i32
        %while3A_266 = arith.constant 0 : i32
        %while3A_267 = arith.constant 0 : i32
        %while3A_268 = arith.subi %select_n3A_206, %while3A_266 : i32
        %while3A_269 = arith.addi %while3A_266, %while3A_268 : i32
        %while3A_270 = arith.constant 1 : i32
        %while3A_271 = arith.divsi %while3A_268, %while3A_270 : i32
        %while3A_272 = arith.muli %while3A_271, %while3A_270 : i32
        %while3A_273 = arith.addi %while3A_266, %while3A_272 : i32
        %while3A_274 = arith.constant 1 : i32
        %while3A_275 = scf.for %while3A_285 = %while3A_266 to %while3A_273 step %while3A_274 iter_args(%while3A_286 = %while3A_267) -> (i32)  : i32 {
          %mul3A_287 = arith.constant 16 : i32
          %mul3A_288 = arith.muli %while3A_285, %mul3A_287 : i32
          %add3A_289 = arith.constant 0 : i32
          %add3A_290 = arith.addi %add3A_289, %mul3A_288 : i32
          %get3A = arith.index_cast %add3A_290 : i32 to index
          %get3A_291 = tpu.vector_load %arg16[%get3A] {strides = array<i32>} : memref<8256xi32, #tpu.memory_space<vmem>>, vector<16xi32>,
          %gt3A = vector.broadcast %select_n3A_265 : i32 to vector<16xi32>
          %gt3A_292 = arith.cmpi sgt, %get3A_291, %gt3A : vector<16xi32>
          %convert_element_type3A_293 = arith.extui %gt3A_292 : vector<16xi1> to vector<16xi32>
          %reduce_sum3A = arith.constant true
          %reduce_sum3A_294 = vector.broadcast %reduce_sum3A : i1 to vector<16xi1>
          %reduce_sum3A_295 = tpu.scan <sum>, %convert_element_type3A_293 masked %reduce_sum3A_294 : vector<16xi32>, vector<16xi1> -> vector<16xi32>
          %reduce_sum3A_296 = vector.extract %reduce_sum3A_295[15] : i32 from vector<16xi32>
          %add3A_297 = arith.addi %while3A_286, %reduce_sum3A_296 : i32
          scf.yield %add3A_297 : i32
        }
        %while3A_276 = arith.constant 1 : i32
        %while3A_277 = scf.for %while3A_285 = %while3A_273 to %while3A_269 step %while3A_276 iter_args(%while3A_286 = %while3A_275) -> (i32)  : i32 {
          %mul3A_287 = arith.constant 16 : i32
          %mul3A_288 = arith.muli %while3A_285, %mul3A_287 : i32
          %add3A_289 = arith.constant 0 : i32
          %add3A_290 = arith.addi %add3A_289, %mul3A_288 : i32
          %get3A = arith.index_cast %add3A_290 : i32 to index
          %get3A_291 = tpu.vector_load %arg16[%get3A] {strides = array<i32>} : memref<8256xi32, #tpu.memory_space<vmem>>, vector<16xi32>,
          %gt3A = vector.broadcast %select_n3A_265 : i32 to vector<16xi32>
          %gt3A_292 = arith.cmpi sgt, %get3A_291, %gt3A : vector<16xi32>
          %convert_element_type3A_293 = arith.extui %gt3A_292 : vector<16xi1> to vector<16xi32>
          %reduce_sum3A = arith.constant true
          %reduce_sum3A_294 = vector.broadcast %reduce_sum3A : i1 to vector<16xi1>
          %reduce_sum3A_295 = tpu.scan <sum>, %convert_element_type3A_293 masked %reduce_sum3A_294 : vector<16xi32>, vector<16xi1> -> vector<16xi32>
          %reduce_sum3A_296 = vector.extract %reduce_sum3A_295[15] : i32 from vector<16xi32>
          %add3A_297 = arith.addi %while3A_286, %reduce_sum3A_296 : i32
          scf.yield %add3A_297 : i32
        }
        %lt3A = arith.cmpi slt, %while3A_277, %scan3A_207 : i32
        %add3A_278 = arith.constant 1 : i32
        %add3A_279 = arith.addi %select_n3A_265, %add3A_278 : i32
        %select_n3A_280 = arith.select %lt3A, %scan3A_239, %add3A_279 : i32
        %select_n3A_281 = arith.select %lt3A, %select_n3A_265, %scan3A_240 : i32
        %lt3A_282 = arith.cmpi slt, %scan3A_239, %scan3A_240 : i32
        %select_n3A_283 = arith.select %lt3A_282, %select_n3A_280, %scan3A_239 : i32
        %select_n3A_284 = arith.select %lt3A_282, %select_n3A_281, %scan3A_240 : i32
        scf.yield %select_n3A_283, %select_n3A_284 : i32, i32
      }
      %scan3A_215 = arith.constant 31 : i32
      %while3A_216 = arith.constant 0 : i32
      %while3A_217 = arith.constant 0 : i32
      %while3A_218 = arith.subi %select_n3A_206, %while3A_216 : i32
      %while3A_219 = arith.addi %while3A_216, %while3A_218 : i32
      %while3A_220 = arith.constant 1 : i32
      %while3A_221 = arith.divsi %while3A_218, %while3A_220 : i32
      %while3A_222 = arith.muli %while3A_221, %while3A_220 : i32
      %while3A_223 = arith.addi %while3A_216, %while3A_222 : i32
      %while3A_224 = arith.constant 1 : i32
      %while3A_225 = scf.for %while3A_238 = %while3A_216 to %while3A_223 step %while3A_224 iter_args(%while3A_239 = %while3A_217) -> (i32)  : i32 {
        %mul3A_240 = arith.constant 16 : i32
        %mul3A_241 = arith.muli %while3A_238, %mul3A_240 : i32
        %add3A_242 = arith.constant 0 : i32
        %add3A_243 = arith.addi %add3A_242, %mul3A_241 : i32
        %get3A = arith.index_cast %add3A_243 : i32 to index
        %get3A_244 = tpu.vector_load %arg16[%get3A] {strides = array<i32>} : memref<8256xi32, #tpu.memory_space<vmem>>, vector<16xi32>,
        %gt3A = vector.broadcast %scan3A_214#0 : i32 to vector<16xi32>
        %gt3A_245 = arith.cmpi sgt, %get3A_244, %gt3A : vector<16xi32>
        %convert_element_type3A_246 = arith.extui %gt3A_245 : vector<16xi1> to vector<16xi32>
        %reduce_sum3A = arith.constant true
        %reduce_sum3A_247 = vector.broadcast %reduce_sum3A : i1 to vector<16xi1>
        %reduce_sum3A_248 = tpu.scan <sum>, %convert_element_type3A_246 masked %reduce_sum3A_247 : vector<16xi32>, vector<16xi1> -> vector<16xi32>
        %reduce_sum3A_249 = vector.extract %reduce_sum3A_248[15] : i32 from vector<16xi32>
        %add3A_250 = arith.addi %while3A_239, %reduce_sum3A_249 : i32
        scf.yield %add3A_250 : i32
      }
      %while3A_226 = arith.constant 1 : i32
      %while3A_227 = scf.for %while3A_238 = %while3A_223 to %while3A_219 step %while3A_226 iter_args(%while3A_239 = %while3A_225) -> (i32)  : i32 {
        %mul3A_240 = arith.constant 16 : i32
        %mul3A_241 = arith.muli %while3A_238, %mul3A_240 : i32
        %add3A_242 = arith.constant 0 : i32
        %add3A_243 = arith.addi %add3A_242, %mul3A_241 : i32
        %get3A = arith.index_cast %add3A_243 : i32 to index
        %get3A_244 = tpu.vector_load %arg16[%get3A] {strides = array<i32>} : memref<8256xi32, #tpu.memory_space<vmem>>, vector<16xi32>,
        %gt3A = vector.broadcast %scan3A_214#0 : i32 to vector<16xi32>
        %gt3A_245 = arith.cmpi sgt, %get3A_244, %gt3A : vector<16xi32>
        %convert_element_type3A_246 = arith.extui %gt3A_245 : vector<16xi1> to vector<16xi32>
        %reduce_sum3A = arith.constant true
        %reduce_sum3A_247 = vector.broadcast %reduce_sum3A : i1 to vector<16xi1>
        %reduce_sum3A_248 = tpu.scan <sum>, %convert_element_type3A_246 masked %reduce_sum3A_247 : vector<16xi32>, vector<16xi1> -> vector<16xi32>
        %reduce_sum3A_249 = vector.extract %reduce_sum3A_248[15] : i32 from vector<16xi32>
        %add3A_250 = arith.addi %while3A_239, %reduce_sum3A_249 : i32
        scf.yield %add3A_250 : i32
      }
      %sub3A_228 = arith.constant 1024 : i32
      %sub3A_229 = arith.subi %sub3A_228, %while3A_227 : i32
      %scan3A_230 = arith.constant 0 : i32
      %scan3A_231 = arith.constant 32767 : i32
      %scan3A_232 = arith.constant 0 : i32
      %scan3A_233 = arith.constant 16 : i32
      %scan3A_234 = arith.addi %scan3A_232, %scan3A_233 : i32
      %scan3A_235 = arith.constant 1 : i32
      %scan3A_236:2 = scf.for %scan3A_238 = %scan3A_232 to %scan3A_234 step %scan3A_235 iter_args(%scan3A_239 = %scan3A_230, %scan3A_240 = %scan3A_231) -> (i32, i32)  : i32 {
        %add3A_241 = arith.addi %scan3A_239, %scan3A_240 : i32
        %jit3A_242 = arith.constant 2 : i32
        %div3A_243 = arith.divsi %add3A_241, %jit3A_242 : i32
        %sign3A_244 = arith.constant 0 : i32
        %sign3A_245 = arith.cmpi sgt, %add3A_241, %sign3A_244 : i32
        %sign3A_246 = arith.extui %sign3A_245 : i1 to i32
        %sign3A_247 = arith.constant 0 : i32
        %sign3A_248 = arith.cmpi slt, %add3A_241, %sign3A_247 : i32
        %sign3A_249 = arith.extui %sign3A_248 : i1 to i32
        %sign3A_250 = arith.subi %sign3A_246, %sign3A_249 : i32
        %sign3A_251 = arith.constant 0 : i32
        %sign3A_252 = arith.cmpi sgt, %jit3A_242, %sign3A_251 : i32
        %sign3A_253 = arith.extui %sign3A_252 : i1 to i32
        %sign3A_254 = arith.constant 0 : i32
        %sign3A_255 = arith.cmpi slt, %jit3A_242, %sign3A_254 : i32
        %sign3A_256 = arith.extui %sign3A_255 : i1 to i32
        %sign3A_257 = arith.subi %sign3A_253, %sign3A_256 : i32
        %ne3A_258 = arith.cmpi ne, %sign3A_250, %sign3A_257 : i32
        %rem3A_259 = arith.remsi %add3A_241, %jit3A_242 : i32
        %ne3A_260 = arith.constant 0 : i32
        %ne3A_261 = arith.cmpi ne, %rem3A_259, %ne3A_260 : i32
        %and3A_262 = arith.andi %ne3A_258, %ne3A_261 : i1
        %sub3A_263 = arith.constant 1 : i32
        %sub3A_264 = arith.subi %div3A_243, %sub3A_263 : i32
        %select_n3A_265 = arith.select %and3A_262, %sub3A_264, %div3A_243 : i32
        %while3A_266 = arith.constant 0 : i32
        %while3A_267 = arith.constant 0 : i32
        %while3A_268 = arith.subi %select_n3A_206, %while3A_266 : i32
        %while3A_269 = arith.addi %while3A_266, %while3A_268 : i32
        %while3A_270 = arith.constant 1 : i32
        %while3A_271 = arith.divsi %while3A_268, %while3A_270 : i32
        %while3A_272 = arith.muli %while3A_271, %while3A_270 : i32
        %while3A_273 = arith.addi %while3A_266, %while3A_272 : i32
        %while3A_274 = arith.constant 1 : i32
        %while3A_275 = scf.for %while3A_284 = %while3A_266 to %while3A_273 step %while3A_274 iter_args(%while3A_285 = %while3A_267) -> (i32)  : i32 {
          %mul3A_286 = arith.constant 16 : i32
          %mul3A_287 = arith.muli %while3A_284, %mul3A_286 : i32
          %add3A_288 = arith.constant 0 : i32
          %add3A_289 = arith.addi %add3A_288, %mul3A_287 : i32
          %get3A = arith.index_cast %add3A_289 : i32 to index
          %get3A_290 = tpu.vector_load %arg16[%get3A] {strides = array<i32>} : memref<8256xi32, #tpu.memory_space<vmem>>, vector<16xi32>,
          %mul3A_291 = arith.constant 16 : i32
          %mul3A_292 = arith.muli %while3A_284, %mul3A_291 : i32
          %add3A_293 = arith.constant 0 : i32
          %add3A_294 = arith.addi %add3A_293, %mul3A_292 : i32
          %get3A_295 = arith.index_cast %add3A_294 : i32 to index
          %get3A_296 = tpu.vector_load %arg17[%get3A_295] {strides = array<i32>} : memref<8256xi32, #tpu.memory_space<vmem>>, vector<16xi32>,
          %eq3A_297 = vector.broadcast %scan3A_214#0 : i32 to vector<16xi32>
          %eq3A_298 = arith.cmpi eq, %get3A_290, %eq3A_297 : vector<16xi32>
          %le3A_299 = vector.broadcast %select_n3A_265 : i32 to vector<16xi32>
          %le3A_300 = arith.cmpi sle, %get3A_296, %le3A_299 : vector<16xi32>
          %and3A_301 = arith.andi %eq3A_298, %le3A_300 : vector<16xi1>
          %convert_element_type3A_302 = arith.extui %and3A_301 : vector<16xi1> to vector<16xi32>
          %reduce_sum3A = arith.constant true
          %reduce_sum3A_303 = vector.broadcast %reduce_sum3A : i1 to vector<16xi1>
          %reduce_sum3A_304 = tpu.scan <sum>, %convert_element_type3A_302 masked %reduce_sum3A_303 : vector<16xi32>, vector<16xi1> -> vector<16xi32>
          %reduce_sum3A_305 = vector.extract %reduce_sum3A_304[15] : i32 from vector<16xi32>
          %add3A_306 = arith.addi %while3A_285, %reduce_sum3A_305 : i32
          scf.yield %add3A_306 : i32
        }
        %while3A_276 = arith.constant 1 : i32
        %while3A_277 = scf.for %while3A_284 = %while3A_273 to %while3A_269 step %while3A_276 iter_args(%while3A_285 = %while3A_275) -> (i32)  : i32 {
          %mul3A_286 = arith.constant 16 : i32
          %mul3A_287 = arith.muli %while3A_284, %mul3A_286 : i32
          %add3A_288 = arith.constant 0 : i32
          %add3A_289 = arith.addi %add3A_288, %mul3A_287 : i32
          %get3A = arith.index_cast %add3A_289 : i32 to index
          %get3A_290 = tpu.vector_load %arg16[%get3A] {strides = array<i32>} : memref<8256xi32, #tpu.memory_space<vmem>>, vector<16xi32>,
          %mul3A_291 = arith.constant 16 : i32
          %mul3A_292 = arith.muli %while3A_284, %mul3A_291 : i32
          %add3A_293 = arith.constant 0 : i32
          %add3A_294 = arith.addi %add3A_293, %mul3A_292 : i32
          %get3A_295 = arith.index_cast %add3A_294 : i32 to index
          %get3A_296 = tpu.vector_load %arg17[%get3A_295] {strides = array<i32>} : memref<8256xi32, #tpu.memory_space<vmem>>, vector<16xi32>,
          %eq3A_297 = vector.broadcast %scan3A_214#0 : i32 to vector<16xi32>
          %eq3A_298 = arith.cmpi eq, %get3A_290, %eq3A_297 : vector<16xi32>
          %le3A_299 = vector.broadcast %select_n3A_265 : i32 to vector<16xi32>
          %le3A_300 = arith.cmpi sle, %get3A_296, %le3A_299 : vector<16xi32>
          %and3A_301 = arith.andi %eq3A_298, %le3A_300 : vector<16xi1>
          %convert_element_type3A_302 = arith.extui %and3A_301 : vector<16xi1> to vector<16xi32>
          %reduce_sum3A = arith.constant true
          %reduce_sum3A_303 = vector.broadcast %reduce_sum3A : i1 to vector<16xi1>
          %reduce_sum3A_304 = tpu.scan <sum>, %convert_element_type3A_302 masked %reduce_sum3A_303 : vector<16xi32>, vector<16xi1> -> vector<16xi32>
          %reduce_sum3A_305 = vector.extract %reduce_sum3A_304[15] : i32 from vector<16xi32>
          %add3A_306 = arith.addi %while3A_285, %reduce_sum3A_305 : i32
          scf.yield %add3A_306 : i32
        }
        %ge3A = arith.cmpi sge, %while3A_277, %sub3A_229 : i32
        %add3A_278 = arith.constant 1 : i32
        %add3A_279 = arith.addi %select_n3A_265, %add3A_278 : i32
        %select_n3A_280 = arith.select %ge3A, %scan3A_239, %add3A_279 : i32
        %select_n3A_281 = arith.select %ge3A, %select_n3A_265, %scan3A_240 : i32
        %lt3A = arith.cmpi slt, %scan3A_239, %scan3A_240 : i32
        %select_n3A_282 = arith.select %lt3A, %select_n3A_280, %scan3A_239 : i32
        %select_n3A_283 = arith.select %lt3A, %select_n3A_281, %scan3A_240 : i32
        scf.yield %select_n3A_282, %select_n3A_283 : i32, i32
      }
      %scan3A_237 = arith.constant 16 : i32
      scf.yield %scan3A_214#0, %scan3A_236#0 : i32, i32
    }
    %sub3A_101 = arith.constant 1024 : i32
    %sub3A_102 = arith.subi %sub3A_101, %while3A_52#0 : i32
    %le3A_103 = arith.constant 0 : i32
    %le3A_104 = arith.cmpi sle, %sub3A_102, %le3A_103 : i32
    %convert_element_type3A_105 = arith.extui %le3A_104 : i1 to i32
    %cond3A_106 = arith.constant 0 : i32
    %cond3A_107 = arith.cmpi ne, %convert_element_type3A_105, %cond3A_106 : i32
    %cond3A_108:2 = scf.if %cond3A_107 -> (i32, i32) {
      %cond3A_181 = arith.constant 2130706432 : i32
      %cond3A_182 = arith.constant 0 : i32
      scf.yield %cond3A_181, %cond3A_182 : i32, i32
    } else {
      %ge3A = arith.cmpi sge, %sub3A_102, %while3A_93#0 : i32
      %convert_element_type3A_181 = arith.extui %ge3A : i1 to i32
      %cond3A_182 = arith.constant 0 : i32
      %cond3A_183 = arith.cmpi ne, %convert_element_type3A_181, %cond3A_182 : i32
      %cond3A_184:2 = scf.if %cond3A_183 -> (i32, i32) {
        %cond3A_185 = arith.constant -1 : i32
        %cond3A_186 = arith.constant 0 : i32
        scf.yield %cond3A_185, %cond3A_186 : i32, i32
      } else {
        %add3A_185 = arith.constant 15 : i32
        %add3A_186 = arith.addi %min3A_97, %add3A_185 : i32
        %jit3A_187 = arith.constant 16 : i32
        %div3A_188 = arith.divsi %add3A_186, %jit3A_187 : i32
        %sign3A_189 = arith.constant 0 : i32
        %sign3A_190 = arith.cmpi sgt, %add3A_186, %sign3A_189 : i32
        %sign3A_191 = arith.extui %sign3A_190 : i1 to i32
        %sign3A_192 = arith.constant 0 : i32
        %sign3A_193 = arith.cmpi slt, %add3A_186, %sign3A_192 : i32
        %sign3A_194 = arith.extui %sign3A_193 : i1 to i32
        %sign3A_195 = arith.subi %sign3A_191, %sign3A_194 : i32
        %sign3A_196 = arith.constant 0 : i32
        %sign3A_197 = arith.cmpi sgt, %jit3A_187, %sign3A_196 : i32
        %sign3A_198 = arith.extui %sign3A_197 : i1 to i32
        %sign3A_199 = arith.constant 0 : i32
        %sign3A_200 = arith.cmpi slt, %jit3A_187, %sign3A_199 : i32
        %sign3A_201 = arith.extui %sign3A_200 : i1 to i32
        %sign3A_202 = arith.subi %sign3A_198, %sign3A_201 : i32
        %ne3A_203 = arith.cmpi ne, %sign3A_195, %sign3A_202 : i32
        %rem3A_204 = arith.remsi %add3A_186, %jit3A_187 : i32
        %ne3A_205 = arith.constant 0 : i32
        %ne3A_206 = arith.cmpi ne, %rem3A_204, %ne3A_205 : i32
        %and3A_207 = arith.andi %ne3A_203, %ne3A_206 : i1
        %sub3A_208 = arith.constant 1 : i32
        %sub3A_209 = arith.subi %div3A_188, %sub3A_208 : i32
        %select_n3A_210 = arith.select %and3A_207, %sub3A_209, %div3A_188 : i32
        %scan3A_211 = arith.constant 0 : i32
        %scan3A_212 = arith.constant 1065353217 : i32
        %scan3A_213 = arith.constant 0 : i32
        %scan3A_214 = arith.constant 31 : i32
        %scan3A_215 = arith.addi %scan3A_213, %scan3A_214 : i32
        %scan3A_216 = arith.constant 1 : i32
        %scan3A_217:2 = scf.for %scan3A_240 = %scan3A_213 to %scan3A_215 step %scan3A_216 iter_args(%scan3A_241 = %scan3A_211, %scan3A_242 = %scan3A_212) -> (i32, i32)  : i32 {
          %add3A_243 = arith.addi %scan3A_241, %scan3A_242 : i32
          %jit3A_244 = arith.constant 2 : i32
          %div3A_245 = arith.divsi %add3A_243, %jit3A_244 : i32
          %sign3A_246 = arith.constant 0 : i32
          %sign3A_247 = arith.cmpi sgt, %add3A_243, %sign3A_246 : i32
          %sign3A_248 = arith.extui %sign3A_247 : i1 to i32
          %sign3A_249 = arith.constant 0 : i32
          %sign3A_250 = arith.cmpi slt, %add3A_243, %sign3A_249 : i32
          %sign3A_251 = arith.extui %sign3A_250 : i1 to i32
          %sign3A_252 = arith.subi %sign3A_248, %sign3A_251 : i32
          %sign3A_253 = arith.constant 0 : i32
          %sign3A_254 = arith.cmpi sgt, %jit3A_244, %sign3A_253 : i32
          %sign3A_255 = arith.extui %sign3A_254 : i1 to i32
          %sign3A_256 = arith.constant 0 : i32
          %sign3A_257 = arith.cmpi slt, %jit3A_244, %sign3A_256 : i32
          %sign3A_258 = arith.extui %sign3A_257 : i1 to i32
          %sign3A_259 = arith.subi %sign3A_255, %sign3A_258 : i32
          %ne3A_260 = arith.cmpi ne, %sign3A_252, %sign3A_259 : i32
          %rem3A_261 = arith.remsi %add3A_243, %jit3A_244 : i32
          %ne3A_262 = arith.constant 0 : i32
          %ne3A_263 = arith.cmpi ne, %rem3A_261, %ne3A_262 : i32
          %and3A_264 = arith.andi %ne3A_260, %ne3A_263 : i1
          %sub3A_265 = arith.constant 1 : i32
          %sub3A_266 = arith.subi %div3A_245, %sub3A_265 : i32
          %select_n3A_267 = arith.select %and3A_264, %sub3A_266, %div3A_245 : i32
          %while3A_268 = arith.constant 0 : i32
          %while3A_269 = arith.constant 0 : i32
          %while3A_270 = arith.subi %select_n3A_210, %while3A_268 : i32
          %while3A_271 = arith.addi %while3A_268, %while3A_270 : i32
          %while3A_272 = arith.constant 1 : i32
          %while3A_273 = arith.divsi %while3A_270, %while3A_272 : i32
          %while3A_274 = arith.muli %while3A_273, %while3A_272 : i32
          %while3A_275 = arith.addi %while3A_268, %while3A_274 : i32
          %while3A_276 = arith.constant 1 : i32
          %while3A_277 = scf.for %while3A_287 = %while3A_268 to %while3A_275 step %while3A_276 iter_args(%while3A_288 = %while3A_269) -> (i32)  : i32 {
            %mul3A_289 = arith.constant 16 : i32
            %mul3A_290 = arith.muli %while3A_287, %mul3A_289 : i32
            %add3A_291 = arith.constant 4096 : i32
            %add3A_292 = arith.addi %add3A_291, %mul3A_290 : i32
            %get3A = arith.index_cast %add3A_292 : i32 to index
            %get3A_293 = tpu.vector_load %arg16[%get3A] {strides = array<i32>} : memref<8256xi32, #tpu.memory_space<vmem>>, vector<16xi32>,
            %gt3A = vector.broadcast %select_n3A_267 : i32 to vector<16xi32>
            %gt3A_294 = arith.cmpi sgt, %get3A_293, %gt3A : vector<16xi32>
            %convert_element_type3A_295 = arith.extui %gt3A_294 : vector<16xi1> to vector<16xi32>
            %reduce_sum3A = arith.constant true
            %reduce_sum3A_296 = vector.broadcast %reduce_sum3A : i1 to vector<16xi1>
            %reduce_sum3A_297 = tpu.scan <sum>, %convert_element_type3A_295 masked %reduce_sum3A_296 : vector<16xi32>, vector<16xi1> -> vector<16xi32>
            %reduce_sum3A_298 = vector.extract %reduce_sum3A_297[15] : i32 from vector<16xi32>
            %add3A_299 = arith.addi %while3A_288, %reduce_sum3A_298 : i32
            scf.yield %add3A_299 : i32
          }
          %while3A_278 = arith.constant 1 : i32
          %while3A_279 = scf.for %while3A_287 = %while3A_275 to %while3A_271 step %while3A_278 iter_args(%while3A_288 = %while3A_277) -> (i32)  : i32 {
            %mul3A_289 = arith.constant 16 : i32
            %mul3A_290 = arith.muli %while3A_287, %mul3A_289 : i32
            %add3A_291 = arith.constant 4096 : i32
            %add3A_292 = arith.addi %add3A_291, %mul3A_290 : i32
            %get3A = arith.index_cast %add3A_292 : i32 to index
            %get3A_293 = tpu.vector_load %arg16[%get3A] {strides = array<i32>} : memref<8256xi32, #tpu.memory_space<vmem>>, vector<16xi32>,
            %gt3A = vector.broadcast %select_n3A_267 : i32 to vector<16xi32>
            %gt3A_294 = arith.cmpi sgt, %get3A_293, %gt3A : vector<16xi32>
            %convert_element_type3A_295 = arith.extui %gt3A_294 : vector<16xi1> to vector<16xi32>
            %reduce_sum3A = arith.constant true
            %reduce_sum3A_296 = vector.broadcast %reduce_sum3A : i1 to vector<16xi1>
            %reduce_sum3A_297 = tpu.scan <sum>, %convert_element_type3A_295 masked %reduce_sum3A_296 : vector<16xi32>, vector<16xi1> -> vector<16xi32>
            %reduce_sum3A_298 = vector.extract %reduce_sum3A_297[15] : i32 from vector<16xi32>
            %add3A_299 = arith.addi %while3A_288, %reduce_sum3A_298 : i32
            scf.yield %add3A_299 : i32
          }
          %lt3A = arith.cmpi slt, %while3A_279, %sub3A_102 : i32
          %add3A_280 = arith.constant 1 : i32
          %add3A_281 = arith.addi %select_n3A_267, %add3A_280 : i32
          %select_n3A_282 = arith.select %lt3A, %scan3A_241, %add3A_281 : i32
          %select_n3A_283 = arith.select %lt3A, %select_n3A_267, %scan3A_242 : i32
          %lt3A_284 = arith.cmpi slt, %scan3A_241, %scan3A_242 : i32
          %select_n3A_285 = arith.select %lt3A_284, %select_n3A_282, %scan3A_241 : i32
          %select_n3A_286 = arith.select %lt3A_284, %select_n3A_283, %scan3A_242 : i32
          scf.yield %select_n3A_285, %select_n3A_286 : i32, i32
        }
        %scan3A_218 = arith.constant 31 : i32
        %while3A_219 = arith.constant 0 : i32
        %while3A_220 = arith.constant 0 : i32
        %while3A_221 = arith.subi %select_n3A_210, %while3A_219 : i32
        %while3A_222 = arith.addi %while3A_219, %while3A_221 : i32
        %while3A_223 = arith.constant 1 : i32
        %while3A_224 = arith.divsi %while3A_221, %while3A_223 : i32
        %while3A_225 = arith.muli %while3A_224, %while3A_223 : i32
        %while3A_226 = arith.addi %while3A_219, %while3A_225 : i32
        %while3A_227 = arith.constant 1 : i32
        %while3A_228 = scf.for %while3A_240 = %while3A_219 to %while3A_226 step %while3A_227 iter_args(%while3A_241 = %while3A_220) -> (i32)  : i32 {
          %mul3A_242 = arith.constant 16 : i32
          %mul3A_243 = arith.muli %while3A_240, %mul3A_242 : i32
          %add3A_244 = arith.constant 4096 : i32
          %add3A_245 = arith.addi %add3A_244, %mul3A_243 : i32
          %get3A = arith.index_cast %add3A_245 : i32 to index
          %get3A_246 = tpu.vector_load %arg16[%get3A] {strides = array<i32>} : memref<8256xi32, #tpu.memory_space<vmem>>, vector<16xi32>,
          %gt3A = vector.broadcast %scan3A_217#0 : i32 to vector<16xi32>
          %gt3A_247 = arith.cmpi sgt, %get3A_246, %gt3A : vector<16xi32>
          %convert_element_type3A_248 = arith.extui %gt3A_247 : vector<16xi1> to vector<16xi32>
          %reduce_sum3A = arith.constant true
          %reduce_sum3A_249 = vector.broadcast %reduce_sum3A : i1 to vector<16xi1>
          %reduce_sum3A_250 = tpu.scan <sum>, %convert_element_type3A_248 masked %reduce_sum3A_249 : vector<16xi32>, vector<16xi1> -> vector<16xi32>
          %reduce_sum3A_251 = vector.extract %reduce_sum3A_250[15] : i32 from vector<16xi32>
          %add3A_252 = arith.addi %while3A_241, %reduce_sum3A_251 : i32
          scf.yield %add3A_252 : i32
        }
        %while3A_229 = arith.constant 1 : i32
        %while3A_230 = scf.for %while3A_240 = %while3A_226 to %while3A_222 step %while3A_229 iter_args(%while3A_241 = %while3A_228) -> (i32)  : i32 {
          %mul3A_242 = arith.constant 16 : i32
          %mul3A_243 = arith.muli %while3A_240, %mul3A_242 : i32
          %add3A_244 = arith.constant 4096 : i32
          %add3A_245 = arith.addi %add3A_244, %mul3A_243 : i32
          %get3A = arith.index_cast %add3A_245 : i32 to index
          %get3A_246 = tpu.vector_load %arg16[%get3A] {strides = array<i32>} : memref<8256xi32, #tpu.memory_space<vmem>>, vector<16xi32>,
          %gt3A = vector.broadcast %scan3A_217#0 : i32 to vector<16xi32>
          %gt3A_247 = arith.cmpi sgt, %get3A_246, %gt3A : vector<16xi32>
          %convert_element_type3A_248 = arith.extui %gt3A_247 : vector<16xi1> to vector<16xi32>
          %reduce_sum3A = arith.constant true
          %reduce_sum3A_249 = vector.broadcast %reduce_sum3A : i1 to vector<16xi1>
          %reduce_sum3A_250 = tpu.scan <sum>, %convert_element_type3A_248 masked %reduce_sum3A_249 : vector<16xi32>, vector<16xi1> -> vector<16xi32>
          %reduce_sum3A_251 = vector.extract %reduce_sum3A_250[15] : i32 from vector<16xi32>
          %add3A_252 = arith.addi %while3A_241, %reduce_sum3A_251 : i32
          scf.yield %add3A_252 : i32
        }
        %sub3A_231 = arith.subi %sub3A_102, %while3A_230 : i32
        %scan3A_232 = arith.constant 0 : i32
        %scan3A_233 = arith.constant 32767 : i32
        %scan3A_234 = arith.constant 0 : i32
        %scan3A_235 = arith.constant 16 : i32
        %scan3A_236 = arith.addi %scan3A_234, %scan3A_235 : i32
        %scan3A_237 = arith.constant 1 : i32
        %scan3A_238:2 = scf.for %scan3A_240 = %scan3A_234 to %scan3A_236 step %scan3A_237 iter_args(%scan3A_241 = %scan3A_232, %scan3A_242 = %scan3A_233) -> (i32, i32)  : i32 {
          %add3A_243 = arith.addi %scan3A_241, %scan3A_242 : i32
          %jit3A_244 = arith.constant 2 : i32
          %div3A_245 = arith.divsi %add3A_243, %jit3A_244 : i32
          %sign3A_246 = arith.constant 0 : i32
          %sign3A_247 = arith.cmpi sgt, %add3A_243, %sign3A_246 : i32
          %sign3A_248 = arith.extui %sign3A_247 : i1 to i32
          %sign3A_249 = arith.constant 0 : i32
          %sign3A_250 = arith.cmpi slt, %add3A_243, %sign3A_249 : i32
          %sign3A_251 = arith.extui %sign3A_250 : i1 to i32
          %sign3A_252 = arith.subi %sign3A_248, %sign3A_251 : i32
          %sign3A_253 = arith.constant 0 : i32
          %sign3A_254 = arith.cmpi sgt, %jit3A_244, %sign3A_253 : i32
          %sign3A_255 = arith.extui %sign3A_254 : i1 to i32
          %sign3A_256 = arith.constant 0 : i32
          %sign3A_257 = arith.cmpi slt, %jit3A_244, %sign3A_256 : i32
          %sign3A_258 = arith.extui %sign3A_257 : i1 to i32
          %sign3A_259 = arith.subi %sign3A_255, %sign3A_258 : i32
          %ne3A_260 = arith.cmpi ne, %sign3A_252, %sign3A_259 : i32
          %rem3A_261 = arith.remsi %add3A_243, %jit3A_244 : i32
          %ne3A_262 = arith.constant 0 : i32
          %ne3A_263 = arith.cmpi ne, %rem3A_261, %ne3A_262 : i32
          %and3A_264 = arith.andi %ne3A_260, %ne3A_263 : i1
          %sub3A_265 = arith.constant 1 : i32
          %sub3A_266 = arith.subi %div3A_245, %sub3A_265 : i32
          %select_n3A_267 = arith.select %and3A_264, %sub3A_266, %div3A_245 : i32
          %while3A_268 = arith.constant 0 : i32
          %while3A_269 = arith.constant 0 : i32
          %while3A_270 = arith.subi %select_n3A_210, %while3A_268 : i32
          %while3A_271 = arith.addi %while3A_268, %while3A_270 : i32
          %while3A_272 = arith.constant 1 : i32
          %while3A_273 = arith.divsi %while3A_270, %while3A_272 : i32
          %while3A_274 = arith.muli %while3A_273, %while3A_272 : i32
          %while3A_275 = arith.addi %while3A_268, %while3A_274 : i32
          %while3A_276 = arith.constant 1 : i32
          %while3A_277 = scf.for %while3A_287 = %while3A_268 to %while3A_275 step %while3A_276 iter_args(%while3A_288 = %while3A_269) -> (i32)  : i32 {
            %mul3A_289 = arith.constant 16 : i32
            %mul3A_290 = arith.muli %while3A_287, %mul3A_289 : i32
            %add3A_291 = arith.constant 4096 : i32
            %add3A_292 = arith.addi %add3A_291, %mul3A_290 : i32
            %get3A = arith.index_cast %add3A_292 : i32 to index
            %get3A_293 = tpu.vector_load %arg16[%get3A] {strides = array<i32>} : memref<8256xi32, #tpu.memory_space<vmem>>, vector<16xi32>,
            %mul3A_294 = arith.constant 16 : i32
            %mul3A_295 = arith.muli %while3A_287, %mul3A_294 : i32
            %add3A_296 = arith.constant 4096 : i32
            %add3A_297 = arith.addi %add3A_296, %mul3A_295 : i32
            %get3A_298 = arith.index_cast %add3A_297 : i32 to index
            %get3A_299 = tpu.vector_load %arg17[%get3A_298] {strides = array<i32>} : memref<8256xi32, #tpu.memory_space<vmem>>, vector<16xi32>,
            %eq3A_300 = vector.broadcast %scan3A_217#0 : i32 to vector<16xi32>
            %eq3A_301 = arith.cmpi eq, %get3A_293, %eq3A_300 : vector<16xi32>
            %le3A_302 = vector.broadcast %select_n3A_267 : i32 to vector<16xi32>
            %le3A_303 = arith.cmpi sle, %get3A_299, %le3A_302 : vector<16xi32>
            %and3A_304 = arith.andi %eq3A_301, %le3A_303 : vector<16xi1>
            %convert_element_type3A_305 = arith.extui %and3A_304 : vector<16xi1> to vector<16xi32>
            %reduce_sum3A = arith.constant true
            %reduce_sum3A_306 = vector.broadcast %reduce_sum3A : i1 to vector<16xi1>
            %reduce_sum3A_307 = tpu.scan <sum>, %convert_element_type3A_305 masked %reduce_sum3A_306 : vector<16xi32>, vector<16xi1> -> vector<16xi32>
            %reduce_sum3A_308 = vector.extract %reduce_sum3A_307[15] : i32 from vector<16xi32>
            %add3A_309 = arith.addi %while3A_288, %reduce_sum3A_308 : i32
            scf.yield %add3A_309 : i32
          }
          %while3A_278 = arith.constant 1 : i32
          %while3A_279 = scf.for %while3A_287 = %while3A_275 to %while3A_271 step %while3A_278 iter_args(%while3A_288 = %while3A_277) -> (i32)  : i32 {
            %mul3A_289 = arith.constant 16 : i32
            %mul3A_290 = arith.muli %while3A_287, %mul3A_289 : i32
            %add3A_291 = arith.constant 4096 : i32
            %add3A_292 = arith.addi %add3A_291, %mul3A_290 : i32
            %get3A = arith.index_cast %add3A_292 : i32 to index
            %get3A_293 = tpu.vector_load %arg16[%get3A] {strides = array<i32>} : memref<8256xi32, #tpu.memory_space<vmem>>, vector<16xi32>,
            %mul3A_294 = arith.constant 16 : i32
            %mul3A_295 = arith.muli %while3A_287, %mul3A_294 : i32
            %add3A_296 = arith.constant 4096 : i32
            %add3A_297 = arith.addi %add3A_296, %mul3A_295 : i32
            %get3A_298 = arith.index_cast %add3A_297 : i32 to index
            %get3A_299 = tpu.vector_load %arg17[%get3A_298] {strides = array<i32>} : memref<8256xi32, #tpu.memory_space<vmem>>, vector<16xi32>,
            %eq3A_300 = vector.broadcast %scan3A_217#0 : i32 to vector<16xi32>
            %eq3A_301 = arith.cmpi eq, %get3A_293, %eq3A_300 : vector<16xi32>
            %le3A_302 = vector.broadcast %select_n3A_267 : i32 to vector<16xi32>
            %le3A_303 = arith.cmpi sle, %get3A_299, %le3A_302 : vector<16xi32>
            %and3A_304 = arith.andi %eq3A_301, %le3A_303 : vector<16xi1>
            %convert_element_type3A_305 = arith.extui %and3A_304 : vector<16xi1> to vector<16xi32>
            %reduce_sum3A = arith.constant true
            %reduce_sum3A_306 = vector.broadcast %reduce_sum3A : i1 to vector<16xi1>
            %reduce_sum3A_307 = tpu.scan <sum>, %convert_element_type3A_305 masked %reduce_sum3A_306 : vector<16xi32>, vector<16xi1> -> vector<16xi32>
            %reduce_sum3A_308 = vector.extract %reduce_sum3A_307[15] : i32 from vector<16xi32>
            %add3A_309 = arith.addi %while3A_288, %reduce_sum3A_308 : i32
            scf.yield %add3A_309 : i32
          }
          %ge3A_280 = arith.cmpi sge, %while3A_279, %sub3A_231 : i32
          %add3A_281 = arith.constant 1 : i32
          %add3A_282 = arith.addi %select_n3A_267, %add3A_281 : i32
          %select_n3A_283 = arith.select %ge3A_280, %scan3A_241, %add3A_282 : i32
          %select_n3A_284 = arith.select %ge3A_280, %select_n3A_267, %scan3A_242 : i32
          %lt3A = arith.cmpi slt, %scan3A_241, %scan3A_242 : i32
          %select_n3A_285 = arith.select %lt3A, %select_n3A_283, %scan3A_241 : i32
          %select_n3A_286 = arith.select %lt3A, %select_n3A_284, %scan3A_242 : i32
          scf.yield %select_n3A_285, %select_n3A_286 : i32, i32
        }
        %scan3A_239 = arith.constant 16 : i32
        scf.yield %scan3A_217#0, %scan3A_238#0 : i32, i32
      }
      scf.yield %cond3A_184#0, %cond3A_184#1 : i32, i32
    }
    %min3A_109 = arith.constant 2048 : i32
    %min3A_110 = arith.minsi %while3A_52#1, %min3A_109 : i32
    %min3A_111 = arith.constant 2048 : i32
    %min3A_112 = arith.minsi %while3A_93#1, %min3A_111 : i32
    %le3A_113 = arith.constant 1024 : i32
    %le3A_114 = arith.cmpi sle, %while3A_52#1, %le3A_113 : i32
    %convert_element_type3A_115 = arith.extui %le3A_114 : i1 to i32
    %cond3A_116 = arith.constant 0 : i32
    %cond3A_117 = arith.cmpi ne, %convert_element_type3A_115, %cond3A_116 : i32
    %cond3A_118:2 = scf.if %cond3A_117 -> (i32, i32) {
      %cond3A_181 = arith.constant -1 : i32
      %cond3A_182 = arith.constant 0 : i32
      scf.yield %cond3A_181, %cond3A_182 : i32, i32
    } else {
      %add3A_181 = arith.constant 15 : i32
      %add3A_182 = arith.addi %min3A_110, %add3A_181 : i32
      %jit3A_183 = arith.constant 16 : i32
      %div3A_184 = arith.divsi %add3A_182, %jit3A_183 : i32
      %sign3A_185 = arith.constant 0 : i32
      %sign3A_186 = arith.cmpi sgt, %add3A_182, %sign3A_185 : i32
      %sign3A_187 = arith.extui %sign3A_186 : i1 to i32
      %sign3A_188 = arith.constant 0 : i32
      %sign3A_189 = arith.cmpi slt, %add3A_182, %sign3A_188 : i32
      %sign3A_190 = arith.extui %sign3A_189 : i1 to i32
      %sign3A_191 = arith.subi %sign3A_187, %sign3A_190 : i32
      %sign3A_192 = arith.constant 0 : i32
      %sign3A_193 = arith.cmpi sgt, %jit3A_183, %sign3A_192 : i32
      %sign3A_194 = arith.extui %sign3A_193 : i1 to i32
      %sign3A_195 = arith.constant 0 : i32
      %sign3A_196 = arith.cmpi slt, %jit3A_183, %sign3A_195 : i32
      %sign3A_197 = arith.extui %sign3A_196 : i1 to i32
      %sign3A_198 = arith.subi %sign3A_194, %sign3A_197 : i32
      %ne3A_199 = arith.cmpi ne, %sign3A_191, %sign3A_198 : i32
      %rem3A_200 = arith.remsi %add3A_182, %jit3A_183 : i32
      %ne3A_201 = arith.constant 0 : i32
      %ne3A_202 = arith.cmpi ne, %rem3A_200, %ne3A_201 : i32
      %and3A_203 = arith.andi %ne3A_199, %ne3A_202 : i1
      %sub3A_204 = arith.constant 1 : i32
      %sub3A_205 = arith.subi %div3A_184, %sub3A_204 : i32
      %select_n3A_206 = arith.select %and3A_203, %sub3A_205, %div3A_184 : i32
      %scan3A_207 = arith.constant 1024 : i32
      %scan3A_208 = arith.constant 0 : i32
      %scan3A_209 = arith.constant 1065353217 : i32
      %scan3A_210 = arith.constant 0 : i32
      %scan3A_211 = arith.constant 31 : i32
      %scan3A_212 = arith.addi %scan3A_210, %scan3A_211 : i32
      %scan3A_213 = arith.constant 1 : i32
      %scan3A_214:2 = scf.for %scan3A_238 = %scan3A_210 to %scan3A_212 step %scan3A_213 iter_args(%scan3A_239 = %scan3A_208, %scan3A_240 = %scan3A_209) -> (i32, i32)  : i32 {
        %add3A_241 = arith.addi %scan3A_239, %scan3A_240 : i32
        %jit3A_242 = arith.constant 2 : i32
        %div3A_243 = arith.divsi %add3A_241, %jit3A_242 : i32
        %sign3A_244 = arith.constant 0 : i32
        %sign3A_245 = arith.cmpi sgt, %add3A_241, %sign3A_244 : i32
        %sign3A_246 = arith.extui %sign3A_245 : i1 to i32
        %sign3A_247 = arith.constant 0 : i32
        %sign3A_248 = arith.cmpi slt, %add3A_241, %sign3A_247 : i32
        %sign3A_249 = arith.extui %sign3A_248 : i1 to i32
        %sign3A_250 = arith.subi %sign3A_246, %sign3A_249 : i32
        %sign3A_251 = arith.constant 0 : i32
        %sign3A_252 = arith.cmpi sgt, %jit3A_242, %sign3A_251 : i32
        %sign3A_253 = arith.extui %sign3A_252 : i1 to i32
        %sign3A_254 = arith.constant 0 : i32
        %sign3A_255 = arith.cmpi slt, %jit3A_242, %sign3A_254 : i32
        %sign3A_256 = arith.extui %sign3A_255 : i1 to i32
        %sign3A_257 = arith.subi %sign3A_253, %sign3A_256 : i32
        %ne3A_258 = arith.cmpi ne, %sign3A_250, %sign3A_257 : i32
        %rem3A_259 = arith.remsi %add3A_241, %jit3A_242 : i32
        %ne3A_260 = arith.constant 0 : i32
        %ne3A_261 = arith.cmpi ne, %rem3A_259, %ne3A_260 : i32
        %and3A_262 = arith.andi %ne3A_258, %ne3A_261 : i1
        %sub3A_263 = arith.constant 1 : i32
        %sub3A_264 = arith.subi %div3A_243, %sub3A_263 : i32
        %select_n3A_265 = arith.select %and3A_262, %sub3A_264, %div3A_243 : i32
        %while3A_266 = arith.constant 0 : i32
        %while3A_267 = arith.constant 0 : i32
        %while3A_268 = arith.subi %select_n3A_206, %while3A_266 : i32
        %while3A_269 = arith.addi %while3A_266, %while3A_268 : i32
        %while3A_270 = arith.constant 1 : i32
        %while3A_271 = arith.divsi %while3A_268, %while3A_270 : i32
        %while3A_272 = arith.muli %while3A_271, %while3A_270 : i32
        %while3A_273 = arith.addi %while3A_266, %while3A_272 : i32
        %while3A_274 = arith.constant 1 : i32
        %while3A_275 = scf.for %while3A_285 = %while3A_266 to %while3A_273 step %while3A_274 iter_args(%while3A_286 = %while3A_267) -> (i32)  : i32 {
          %mul3A_287 = arith.constant 16 : i32
          %mul3A_288 = arith.muli %while3A_285, %mul3A_287 : i32
          %add3A_289 = arith.constant 2048 : i32
          %add3A_290 = arith.addi %add3A_289, %mul3A_288 : i32
          %get3A = arith.index_cast %add3A_290 : i32 to index
          %get3A_291 = tpu.vector_load %arg16[%get3A] {strides = array<i32>} : memref<8256xi32, #tpu.memory_space<vmem>>, vector<16xi32>,
          %gt3A = vector.broadcast %select_n3A_265 : i32 to vector<16xi32>
          %gt3A_292 = arith.cmpi sgt, %get3A_291, %gt3A : vector<16xi32>
          %convert_element_type3A_293 = arith.extui %gt3A_292 : vector<16xi1> to vector<16xi32>
          %reduce_sum3A = arith.constant true
          %reduce_sum3A_294 = vector.broadcast %reduce_sum3A : i1 to vector<16xi1>
          %reduce_sum3A_295 = tpu.scan <sum>, %convert_element_type3A_293 masked %reduce_sum3A_294 : vector<16xi32>, vector<16xi1> -> vector<16xi32>
          %reduce_sum3A_296 = vector.extract %reduce_sum3A_295[15] : i32 from vector<16xi32>
          %add3A_297 = arith.addi %while3A_286, %reduce_sum3A_296 : i32
          scf.yield %add3A_297 : i32
        }
        %while3A_276 = arith.constant 1 : i32
        %while3A_277 = scf.for %while3A_285 = %while3A_273 to %while3A_269 step %while3A_276 iter_args(%while3A_286 = %while3A_275) -> (i32)  : i32 {
          %mul3A_287 = arith.constant 16 : i32
          %mul3A_288 = arith.muli %while3A_285, %mul3A_287 : i32
          %add3A_289 = arith.constant 2048 : i32
          %add3A_290 = arith.addi %add3A_289, %mul3A_288 : i32
          %get3A = arith.index_cast %add3A_290 : i32 to index
          %get3A_291 = tpu.vector_load %arg16[%get3A] {strides = array<i32>} : memref<8256xi32, #tpu.memory_space<vmem>>, vector<16xi32>,
          %gt3A = vector.broadcast %select_n3A_265 : i32 to vector<16xi32>
          %gt3A_292 = arith.cmpi sgt, %get3A_291, %gt3A : vector<16xi32>
          %convert_element_type3A_293 = arith.extui %gt3A_292 : vector<16xi1> to vector<16xi32>
          %reduce_sum3A = arith.constant true
          %reduce_sum3A_294 = vector.broadcast %reduce_sum3A : i1 to vector<16xi1>
          %reduce_sum3A_295 = tpu.scan <sum>, %convert_element_type3A_293 masked %reduce_sum3A_294 : vector<16xi32>, vector<16xi1> -> vector<16xi32>
          %reduce_sum3A_296 = vector.extract %reduce_sum3A_295[15] : i32 from vector<16xi32>
          %add3A_297 = arith.addi %while3A_286, %reduce_sum3A_296 : i32
          scf.yield %add3A_297 : i32
        }
        %lt3A = arith.cmpi slt, %while3A_277, %scan3A_207 : i32
        %add3A_278 = arith.constant 1 : i32
        %add3A_279 = arith.addi %select_n3A_265, %add3A_278 : i32
        %select_n3A_280 = arith.select %lt3A, %scan3A_239, %add3A_279 : i32
        %select_n3A_281 = arith.select %lt3A, %select_n3A_265, %scan3A_240 : i32
        %lt3A_282 = arith.cmpi slt, %scan3A_239, %scan3A_240 : i32
        %select_n3A_283 = arith.select %lt3A_282, %select_n3A_280, %scan3A_239 : i32
        %select_n3A_284 = arith.select %lt3A_282, %select_n3A_281, %scan3A_240 : i32
        scf.yield %select_n3A_283, %select_n3A_284 : i32, i32
      }
      %scan3A_215 = arith.constant 31 : i32
      %while3A_216 = arith.constant 0 : i32
      %while3A_217 = arith.constant 0 : i32
      %while3A_218 = arith.subi %select_n3A_206, %while3A_216 : i32
      %while3A_219 = arith.addi %while3A_216, %while3A_218 : i32
      %while3A_220 = arith.constant 1 : i32
      %while3A_221 = arith.divsi %while3A_218, %while3A_220 : i32
      %while3A_222 = arith.muli %while3A_221, %while3A_220 : i32
      %while3A_223 = arith.addi %while3A_216, %while3A_222 : i32
      %while3A_224 = arith.constant 1 : i32
      %while3A_225 = scf.for %while3A_238 = %while3A_216 to %while3A_223 step %while3A_224 iter_args(%while3A_239 = %while3A_217) -> (i32)  : i32 {
        %mul3A_240 = arith.constant 16 : i32
        %mul3A_241 = arith.muli %while3A_238, %mul3A_240 : i32
        %add3A_242 = arith.constant 2048 : i32
        %add3A_243 = arith.addi %add3A_242, %mul3A_241 : i32
        %get3A = arith.index_cast %add3A_243 : i32 to index
        %get3A_244 = tpu.vector_load %arg16[%get3A] {strides = array<i32>} : memref<8256xi32, #tpu.memory_space<vmem>>, vector<16xi32>,
        %gt3A = vector.broadcast %scan3A_214#0 : i32 to vector<16xi32>
        %gt3A_245 = arith.cmpi sgt, %get3A_244, %gt3A : vector<16xi32>
        %convert_element_type3A_246 = arith.extui %gt3A_245 : vector<16xi1> to vector<16xi32>
        %reduce_sum3A = arith.constant true
        %reduce_sum3A_247 = vector.broadcast %reduce_sum3A : i1 to vector<16xi1>
        %reduce_sum3A_248 = tpu.scan <sum>, %convert_element_type3A_246 masked %reduce_sum3A_247 : vector<16xi32>, vector<16xi1> -> vector<16xi32>
        %reduce_sum3A_249 = vector.extract %reduce_sum3A_248[15] : i32 from vector<16xi32>
        %add3A_250 = arith.addi %while3A_239, %reduce_sum3A_249 : i32
        scf.yield %add3A_250 : i32
      }
      %while3A_226 = arith.constant 1 : i32
      %while3A_227 = scf.for %while3A_238 = %while3A_223 to %while3A_219 step %while3A_226 iter_args(%while3A_239 = %while3A_225) -> (i32)  : i32 {
        %mul3A_240 = arith.constant 16 : i32
        %mul3A_241 = arith.muli %while3A_238, %mul3A_240 : i32
        %add3A_242 = arith.constant 2048 : i32
        %add3A_243 = arith.addi %add3A_242, %mul3A_241 : i32
        %get3A = arith.index_cast %add3A_243 : i32 to index
        %get3A_244 = tpu.vector_load %arg16[%get3A] {strides = array<i32>} : memref<8256xi32, #tpu.memory_space<vmem>>, vector<16xi32>,
        %gt3A = vector.broadcast %scan3A_214#0 : i32 to vector<16xi32>
        %gt3A_245 = arith.cmpi sgt, %get3A_244, %gt3A : vector<16xi32>
        %convert_element_type3A_246 = arith.extui %gt3A_245 : vector<16xi1> to vector<16xi32>
        %reduce_sum3A = arith.constant true
        %reduce_sum3A_247 = vector.broadcast %reduce_sum3A : i1 to vector<16xi1>
        %reduce_sum3A_248 = tpu.scan <sum>, %convert_element_type3A_246 masked %reduce_sum3A_247 : vector<16xi32>, vector<16xi1> -> vector<16xi32>
        %reduce_sum3A_249 = vector.extract %reduce_sum3A_248[15] : i32 from vector<16xi32>
        %add3A_250 = arith.addi %while3A_239, %reduce_sum3A_249 : i32
        scf.yield %add3A_250 : i32
      }
      %sub3A_228 = arith.constant 1024 : i32
      %sub3A_229 = arith.subi %sub3A_228, %while3A_227 : i32
      %scan3A_230 = arith.constant 0 : i32
      %scan3A_231 = arith.constant 32767 : i32
      %scan3A_232 = arith.constant 0 : i32
      %scan3A_233 = arith.constant 16 : i32
      %scan3A_234 = arith.addi %scan3A_232, %scan3A_233 : i32
      %scan3A_235 = arith.constant 1 : i32
      %scan3A_236:2 = scf.for %scan3A_238 = %scan3A_232 to %scan3A_234 step %scan3A_235 iter_args(%scan3A_239 = %scan3A_230, %scan3A_240 = %scan3A_231) -> (i32, i32)  : i32 {
        %add3A_241 = arith.addi %scan3A_239, %scan3A_240 : i32
        %jit3A_242 = arith.constant 2 : i32
        %div3A_243 = arith.divsi %add3A_241, %jit3A_242 : i32
        %sign3A_244 = arith.constant 0 : i32
        %sign3A_245 = arith.cmpi sgt, %add3A_241, %sign3A_244 : i32
        %sign3A_246 = arith.extui %sign3A_245 : i1 to i32
        %sign3A_247 = arith.constant 0 : i32
        %sign3A_248 = arith.cmpi slt, %add3A_241, %sign3A_247 : i32
        %sign3A_249 = arith.extui %sign3A_248 : i1 to i32
        %sign3A_250 = arith.subi %sign3A_246, %sign3A_249 : i32
        %sign3A_251 = arith.constant 0 : i32
        %sign3A_252 = arith.cmpi sgt, %jit3A_242, %sign3A_251 : i32
        %sign3A_253 = arith.extui %sign3A_252 : i1 to i32
        %sign3A_254 = arith.constant 0 : i32
        %sign3A_255 = arith.cmpi slt, %jit3A_242, %sign3A_254 : i32
        %sign3A_256 = arith.extui %sign3A_255 : i1 to i32
        %sign3A_257 = arith.subi %sign3A_253, %sign3A_256 : i32
        %ne3A_258 = arith.cmpi ne, %sign3A_250, %sign3A_257 : i32
        %rem3A_259 = arith.remsi %add3A_241, %jit3A_242 : i32
        %ne3A_260 = arith.constant 0 : i32
        %ne3A_261 = arith.cmpi ne, %rem3A_259, %ne3A_260 : i32
        %and3A_262 = arith.andi %ne3A_258, %ne3A_261 : i1
        %sub3A_263 = arith.constant 1 : i32
        %sub3A_264 = arith.subi %div3A_243, %sub3A_263 : i32
        %select_n3A_265 = arith.select %and3A_262, %sub3A_264, %div3A_243 : i32
        %while3A_266 = arith.constant 0 : i32
        %while3A_267 = arith.constant 0 : i32
        %while3A_268 = arith.subi %select_n3A_206, %while3A_266 : i32
        %while3A_269 = arith.addi %while3A_266, %while3A_268 : i32
        %while3A_270 = arith.constant 1 : i32
        %while3A_271 = arith.divsi %while3A_268, %while3A_270 : i32
        %while3A_272 = arith.muli %while3A_271, %while3A_270 : i32
        %while3A_273 = arith.addi %while3A_266, %while3A_272 : i32
        %while3A_274 = arith.constant 1 : i32
        %while3A_275 = scf.for %while3A_284 = %while3A_266 to %while3A_273 step %while3A_274 iter_args(%while3A_285 = %while3A_267) -> (i32)  : i32 {
          %mul3A_286 = arith.constant 16 : i32
          %mul3A_287 = arith.muli %while3A_284, %mul3A_286 : i32
          %add3A_288 = arith.constant 2048 : i32
          %add3A_289 = arith.addi %add3A_288, %mul3A_287 : i32
          %get3A = arith.index_cast %add3A_289 : i32 to index
          %get3A_290 = tpu.vector_load %arg16[%get3A] {strides = array<i32>} : memref<8256xi32, #tpu.memory_space<vmem>>, vector<16xi32>,
          %mul3A_291 = arith.constant 16 : i32
          %mul3A_292 = arith.muli %while3A_284, %mul3A_291 : i32
          %add3A_293 = arith.constant 2048 : i32
          %add3A_294 = arith.addi %add3A_293, %mul3A_292 : i32
          %get3A_295 = arith.index_cast %add3A_294 : i32 to index
          %get3A_296 = tpu.vector_load %arg17[%get3A_295] {strides = array<i32>} : memref<8256xi32, #tpu.memory_space<vmem>>, vector<16xi32>,
          %eq3A_297 = vector.broadcast %scan3A_214#0 : i32 to vector<16xi32>
          %eq3A_298 = arith.cmpi eq, %get3A_290, %eq3A_297 : vector<16xi32>
          %le3A_299 = vector.broadcast %select_n3A_265 : i32 to vector<16xi32>
          %le3A_300 = arith.cmpi sle, %get3A_296, %le3A_299 : vector<16xi32>
          %and3A_301 = arith.andi %eq3A_298, %le3A_300 : vector<16xi1>
          %convert_element_type3A_302 = arith.extui %and3A_301 : vector<16xi1> to vector<16xi32>
          %reduce_sum3A = arith.constant true
          %reduce_sum3A_303 = vector.broadcast %reduce_sum3A : i1 to vector<16xi1>
          %reduce_sum3A_304 = tpu.scan <sum>, %convert_element_type3A_302 masked %reduce_sum3A_303 : vector<16xi32>, vector<16xi1> -> vector<16xi32>
          %reduce_sum3A_305 = vector.extract %reduce_sum3A_304[15] : i32 from vector<16xi32>
          %add3A_306 = arith.addi %while3A_285, %reduce_sum3A_305 : i32
          scf.yield %add3A_306 : i32
        }
        %while3A_276 = arith.constant 1 : i32
        %while3A_277 = scf.for %while3A_284 = %while3A_273 to %while3A_269 step %while3A_276 iter_args(%while3A_285 = %while3A_275) -> (i32)  : i32 {
          %mul3A_286 = arith.constant 16 : i32
          %mul3A_287 = arith.muli %while3A_284, %mul3A_286 : i32
          %add3A_288 = arith.constant 2048 : i32
          %add3A_289 = arith.addi %add3A_288, %mul3A_287 : i32
          %get3A = arith.index_cast %add3A_289 : i32 to index
          %get3A_290 = tpu.vector_load %arg16[%get3A] {strides = array<i32>} : memref<8256xi32, #tpu.memory_space<vmem>>, vector<16xi32>,
          %mul3A_291 = arith.constant 16 : i32
          %mul3A_292 = arith.muli %while3A_284, %mul3A_291 : i32
          %add3A_293 = arith.constant 2048 : i32
          %add3A_294 = arith.addi %add3A_293, %mul3A_292 : i32
          %get3A_295 = arith.index_cast %add3A_294 : i32 to index
          %get3A_296 = tpu.vector_load %arg17[%get3A_295] {strides = array<i32>} : memref<8256xi32, #tpu.memory_space<vmem>>, vector<16xi32>,
          %eq3A_297 = vector.broadcast %scan3A_214#0 : i32 to vector<16xi32>
          %eq3A_298 = arith.cmpi eq, %get3A_290, %eq3A_297 : vector<16xi32>
          %le3A_299 = vector.broadcast %select_n3A_265 : i32 to vector<16xi32>
          %le3A_300 = arith.cmpi sle, %get3A_296, %le3A_299 : vector<16xi32>
          %and3A_301 = arith.andi %eq3A_298, %le3A_300 : vector<16xi1>
          %convert_element_type3A_302 = arith.extui %and3A_301 : vector<16xi1> to vector<16xi32>
          %reduce_sum3A = arith.constant true
          %reduce_sum3A_303 = vector.broadcast %reduce_sum3A : i1 to vector<16xi1>
          %reduce_sum3A_304 = tpu.scan <sum>, %convert_element_type3A_302 masked %reduce_sum3A_303 : vector<16xi32>, vector<16xi1> -> vector<16xi32>
          %reduce_sum3A_305 = vector.extract %reduce_sum3A_304[15] : i32 from vector<16xi32>
          %add3A_306 = arith.addi %while3A_285, %reduce_sum3A_305 : i32
          scf.yield %add3A_306 : i32
        }
        %ge3A = arith.cmpi sge, %while3A_277, %sub3A_229 : i32
        %add3A_278 = arith.constant 1 : i32
        %add3A_279 = arith.addi %select_n3A_265, %add3A_278 : i32
        %select_n3A_280 = arith.select %ge3A, %scan3A_239, %add3A_279 : i32
        %select_n3A_281 = arith.select %ge3A, %select_n3A_265, %scan3A_240 : i32
        %lt3A = arith.cmpi slt, %scan3A_239, %scan3A_240 : i32
        %select_n3A_282 = arith.select %lt3A, %select_n3A_280, %scan3A_239 : i32
        %select_n3A_283 = arith.select %lt3A, %select_n3A_281, %scan3A_240 : i32
        scf.yield %select_n3A_282, %select_n3A_283 : i32, i32
      }
      %scan3A_237 = arith.constant 16 : i32
      scf.yield %scan3A_214#0, %scan3A_236#0 : i32, i32
    }
    %sub3A_119 = arith.constant 1024 : i32
    %sub3A_120 = arith.subi %sub3A_119, %while3A_52#1 : i32
    %le3A_121 = arith.constant 0 : i32
    %le3A_122 = arith.cmpi sle, %sub3A_120, %le3A_121 : i32
    %convert_element_type3A_123 = arith.extui %le3A_122 : i1 to i32
    %cond3A_124 = arith.constant 0 : i32
    %cond3A_125 = arith.cmpi ne, %convert_element_type3A_123, %cond3A_124 : i32
    %cond3A_126:2 = scf.if %cond3A_125 -> (i32, i32) {
      %cond3A_181 = arith.constant 2130706432 : i32
      %cond3A_182 = arith.constant 0 : i32
      scf.yield %cond3A_181, %cond3A_182 : i32, i32
    } else {
      %ge3A = arith.cmpi sge, %sub3A_120, %while3A_93#1 : i32
      %convert_element_type3A_181 = arith.extui %ge3A : i1 to i32
      %cond3A_182 = arith.constant 0 : i32
      %cond3A_183 = arith.cmpi ne, %convert_element_type3A_181, %cond3A_182 : i32
      %cond3A_184:2 = scf.if %cond3A_183 -> (i32, i32) {
        %cond3A_185 = arith.constant -1 : i32
        %cond3A_186 = arith.constant 0 : i32
        scf.yield %cond3A_185, %cond3A_186 : i32, i32
      } else {
        %add3A_185 = arith.constant 15 : i32
        %add3A_186 = arith.addi %min3A_112, %add3A_185 : i32
        %jit3A_187 = arith.constant 16 : i32
        %div3A_188 = arith.divsi %add3A_186, %jit3A_187 : i32
        %sign3A_189 = arith.constant 0 : i32
        %sign3A_190 = arith.cmpi sgt, %add3A_186, %sign3A_189 : i32
        %sign3A_191 = arith.extui %sign3A_190 : i1 to i32
        %sign3A_192 = arith.constant 0 : i32
        %sign3A_193 = arith.cmpi slt, %add3A_186, %sign3A_192 : i32
        %sign3A_194 = arith.extui %sign3A_193 : i1 to i32
        %sign3A_195 = arith.subi %sign3A_191, %sign3A_194 : i32
        %sign3A_196 = arith.constant 0 : i32
        %sign3A_197 = arith.cmpi sgt, %jit3A_187, %sign3A_196 : i32
        %sign3A_198 = arith.extui %sign3A_197 : i1 to i32
        %sign3A_199 = arith.constant 0 : i32
        %sign3A_200 = arith.cmpi slt, %jit3A_187, %sign3A_199 : i32
        %sign3A_201 = arith.extui %sign3A_200 : i1 to i32
        %sign3A_202 = arith.subi %sign3A_198, %sign3A_201 : i32
        %ne3A_203 = arith.cmpi ne, %sign3A_195, %sign3A_202 : i32
        %rem3A_204 = arith.remsi %add3A_186, %jit3A_187 : i32
        %ne3A_205 = arith.constant 0 : i32
        %ne3A_206 = arith.cmpi ne, %rem3A_204, %ne3A_205 : i32
        %and3A_207 = arith.andi %ne3A_203, %ne3A_206 : i1
        %sub3A_208 = arith.constant 1 : i32
        %sub3A_209 = arith.subi %div3A_188, %sub3A_208 : i32
        %select_n3A_210 = arith.select %and3A_207, %sub3A_209, %div3A_188 : i32
        %scan3A_211 = arith.constant 0 : i32
        %scan3A_212 = arith.constant 1065353217 : i32
        %scan3A_213 = arith.constant 0 : i32
        %scan3A_214 = arith.constant 31 : i32
        %scan3A_215 = arith.addi %scan3A_213, %scan3A_214 : i32
        %scan3A_216 = arith.constant 1 : i32
        %scan3A_217:2 = scf.for %scan3A_240 = %scan3A_213 to %scan3A_215 step %scan3A_216 iter_args(%scan3A_241 = %scan3A_211, %scan3A_242 = %scan3A_212) -> (i32, i32)  : i32 {
          %add3A_243 = arith.addi %scan3A_241, %scan3A_242 : i32
          %jit3A_244 = arith.constant 2 : i32
          %div3A_245 = arith.divsi %add3A_243, %jit3A_244 : i32
          %sign3A_246 = arith.constant 0 : i32
          %sign3A_247 = arith.cmpi sgt, %add3A_243, %sign3A_246 : i32
          %sign3A_248 = arith.extui %sign3A_247 : i1 to i32
          %sign3A_249 = arith.constant 0 : i32
          %sign3A_250 = arith.cmpi slt, %add3A_243, %sign3A_249 : i32
          %sign3A_251 = arith.extui %sign3A_250 : i1 to i32
          %sign3A_252 = arith.subi %sign3A_248, %sign3A_251 : i32
          %sign3A_253 = arith.constant 0 : i32
          %sign3A_254 = arith.cmpi sgt, %jit3A_244, %sign3A_253 : i32
          %sign3A_255 = arith.extui %sign3A_254 : i1 to i32
          %sign3A_256 = arith.constant 0 : i32
          %sign3A_257 = arith.cmpi slt, %jit3A_244, %sign3A_256 : i32
          %sign3A_258 = arith.extui %sign3A_257 : i1 to i32
          %sign3A_259 = arith.subi %sign3A_255, %sign3A_258 : i32
          %ne3A_260 = arith.cmpi ne, %sign3A_252, %sign3A_259 : i32
          %rem3A_261 = arith.remsi %add3A_243, %jit3A_244 : i32
          %ne3A_262 = arith.constant 0 : i32
          %ne3A_263 = arith.cmpi ne, %rem3A_261, %ne3A_262 : i32
          %and3A_264 = arith.andi %ne3A_260, %ne3A_263 : i1
          %sub3A_265 = arith.constant 1 : i32
          %sub3A_266 = arith.subi %div3A_245, %sub3A_265 : i32
          %select_n3A_267 = arith.select %and3A_264, %sub3A_266, %div3A_245 : i32
          %while3A_268 = arith.constant 0 : i32
          %while3A_269 = arith.constant 0 : i32
          %while3A_270 = arith.subi %select_n3A_210, %while3A_268 : i32
          %while3A_271 = arith.addi %while3A_268, %while3A_270 : i32
          %while3A_272 = arith.constant 1 : i32
          %while3A_273 = arith.divsi %while3A_270, %while3A_272 : i32
          %while3A_274 = arith.muli %while3A_273, %while3A_272 : i32
          %while3A_275 = arith.addi %while3A_268, %while3A_274 : i32
          %while3A_276 = arith.constant 1 : i32
          %while3A_277 = scf.for %while3A_287 = %while3A_268 to %while3A_275 step %while3A_276 iter_args(%while3A_288 = %while3A_269) -> (i32)  : i32 {
            %mul3A_289 = arith.constant 16 : i32
            %mul3A_290 = arith.muli %while3A_287, %mul3A_289 : i32
            %add3A_291 = arith.constant 6144 : i32
            %add3A_292 = arith.addi %add3A_291, %mul3A_290 : i32
            %get3A = arith.index_cast %add3A_292 : i32 to index
            %get3A_293 = tpu.vector_load %arg16[%get3A] {strides = array<i32>} : memref<8256xi32, #tpu.memory_space<vmem>>, vector<16xi32>,
            %gt3A = vector.broadcast %select_n3A_267 : i32 to vector<16xi32>
            %gt3A_294 = arith.cmpi sgt, %get3A_293, %gt3A : vector<16xi32>
            %convert_element_type3A_295 = arith.extui %gt3A_294 : vector<16xi1> to vector<16xi32>
            %reduce_sum3A = arith.constant true
            %reduce_sum3A_296 = vector.broadcast %reduce_sum3A : i1 to vector<16xi1>
            %reduce_sum3A_297 = tpu.scan <sum>, %convert_element_type3A_295 masked %reduce_sum3A_296 : vector<16xi32>, vector<16xi1> -> vector<16xi32>
            %reduce_sum3A_298 = vector.extract %reduce_sum3A_297[15] : i32 from vector<16xi32>
            %add3A_299 = arith.addi %while3A_288, %reduce_sum3A_298 : i32
            scf.yield %add3A_299 : i32
          }
          %while3A_278 = arith.constant 1 : i32
          %while3A_279 = scf.for %while3A_287 = %while3A_275 to %while3A_271 step %while3A_278 iter_args(%while3A_288 = %while3A_277) -> (i32)  : i32 {
            %mul3A_289 = arith.constant 16 : i32
            %mul3A_290 = arith.muli %while3A_287, %mul3A_289 : i32
            %add3A_291 = arith.constant 6144 : i32
            %add3A_292 = arith.addi %add3A_291, %mul3A_290 : i32
            %get3A = arith.index_cast %add3A_292 : i32 to index
            %get3A_293 = tpu.vector_load %arg16[%get3A] {strides = array<i32>} : memref<8256xi32, #tpu.memory_space<vmem>>, vector<16xi32>,
            %gt3A = vector.broadcast %select_n3A_267 : i32 to vector<16xi32>
            %gt3A_294 = arith.cmpi sgt, %get3A_293, %gt3A : vector<16xi32>
            %convert_element_type3A_295 = arith.extui %gt3A_294 : vector<16xi1> to vector<16xi32>
            %reduce_sum3A = arith.constant true
            %reduce_sum3A_296 = vector.broadcast %reduce_sum3A : i1 to vector<16xi1>
            %reduce_sum3A_297 = tpu.scan <sum>, %convert_element_type3A_295 masked %reduce_sum3A_296 : vector<16xi32>, vector<16xi1> -> vector<16xi32>
            %reduce_sum3A_298 = vector.extract %reduce_sum3A_297[15] : i32 from vector<16xi32>
            %add3A_299 = arith.addi %while3A_288, %reduce_sum3A_298 : i32
            scf.yield %add3A_299 : i32
          }
          %lt3A = arith.cmpi slt, %while3A_279, %sub3A_120 : i32
          %add3A_280 = arith.constant 1 : i32
          %add3A_281 = arith.addi %select_n3A_267, %add3A_280 : i32
          %select_n3A_282 = arith.select %lt3A, %scan3A_241, %add3A_281 : i32
          %select_n3A_283 = arith.select %lt3A, %select_n3A_267, %scan3A_242 : i32
          %lt3A_284 = arith.cmpi slt, %scan3A_241, %scan3A_242 : i32
          %select_n3A_285 = arith.select %lt3A_284, %select_n3A_282, %scan3A_241 : i32
          %select_n3A_286 = arith.select %lt3A_284, %select_n3A_283, %scan3A_242 : i32
          scf.yield %select_n3A_285, %select_n3A_286 : i32, i32
        }
        %scan3A_218 = arith.constant 31 : i32
        %while3A_219 = arith.constant 0 : i32
        %while3A_220 = arith.constant 0 : i32
        %while3A_221 = arith.subi %select_n3A_210, %while3A_219 : i32
        %while3A_222 = arith.addi %while3A_219, %while3A_221 : i32
        %while3A_223 = arith.constant 1 : i32
        %while3A_224 = arith.divsi %while3A_221, %while3A_223 : i32
        %while3A_225 = arith.muli %while3A_224, %while3A_223 : i32
        %while3A_226 = arith.addi %while3A_219, %while3A_225 : i32
        %while3A_227 = arith.constant 1 : i32
        %while3A_228 = scf.for %while3A_240 = %while3A_219 to %while3A_226 step %while3A_227 iter_args(%while3A_241 = %while3A_220) -> (i32)  : i32 {
          %mul3A_242 = arith.constant 16 : i32
          %mul3A_243 = arith.muli %while3A_240, %mul3A_242 : i32
          %add3A_244 = arith.constant 6144 : i32
          %add3A_245 = arith.addi %add3A_244, %mul3A_243 : i32
          %get3A = arith.index_cast %add3A_245 : i32 to index
          %get3A_246 = tpu.vector_load %arg16[%get3A] {strides = array<i32>} : memref<8256xi32, #tpu.memory_space<vmem>>, vector<16xi32>,
          %gt3A = vector.broadcast %scan3A_217#0 : i32 to vector<16xi32>
          %gt3A_247 = arith.cmpi sgt, %get3A_246, %gt3A : vector<16xi32>
          %convert_element_type3A_248 = arith.extui %gt3A_247 : vector<16xi1> to vector<16xi32>
          %reduce_sum3A = arith.constant true
          %reduce_sum3A_249 = vector.broadcast %reduce_sum3A : i1 to vector<16xi1>
          %reduce_sum3A_250 = tpu.scan <sum>, %convert_element_type3A_248 masked %reduce_sum3A_249 : vector<16xi32>, vector<16xi1> -> vector<16xi32>
          %reduce_sum3A_251 = vector.extract %reduce_sum3A_250[15] : i32 from vector<16xi32>
          %add3A_252 = arith.addi %while3A_241, %reduce_sum3A_251 : i32
          scf.yield %add3A_252 : i32
        }
        %while3A_229 = arith.constant 1 : i32
        %while3A_230 = scf.for %while3A_240 = %while3A_226 to %while3A_222 step %while3A_229 iter_args(%while3A_241 = %while3A_228) -> (i32)  : i32 {
          %mul3A_242 = arith.constant 16 : i32
          %mul3A_243 = arith.muli %while3A_240, %mul3A_242 : i32
          %add3A_244 = arith.constant 6144 : i32
          %add3A_245 = arith.addi %add3A_244, %mul3A_243 : i32
          %get3A = arith.index_cast %add3A_245 : i32 to index
          %get3A_246 = tpu.vector_load %arg16[%get3A] {strides = array<i32>} : memref<8256xi32, #tpu.memory_space<vmem>>, vector<16xi32>,
          %gt3A = vector.broadcast %scan3A_217#0 : i32 to vector<16xi32>
          %gt3A_247 = arith.cmpi sgt, %get3A_246, %gt3A : vector<16xi32>
          %convert_element_type3A_248 = arith.extui %gt3A_247 : vector<16xi1> to vector<16xi32>
          %reduce_sum3A = arith.constant true
          %reduce_sum3A_249 = vector.broadcast %reduce_sum3A : i1 to vector<16xi1>
          %reduce_sum3A_250 = tpu.scan <sum>, %convert_element_type3A_248 masked %reduce_sum3A_249 : vector<16xi32>, vector<16xi1> -> vector<16xi32>
          %reduce_sum3A_251 = vector.extract %reduce_sum3A_250[15] : i32 from vector<16xi32>
          %add3A_252 = arith.addi %while3A_241, %reduce_sum3A_251 : i32
          scf.yield %add3A_252 : i32
        }
        %sub3A_231 = arith.subi %sub3A_120, %while3A_230 : i32
        %scan3A_232 = arith.constant 0 : i32
        %scan3A_233 = arith.constant 32767 : i32
        %scan3A_234 = arith.constant 0 : i32
        %scan3A_235 = arith.constant 16 : i32
        %scan3A_236 = arith.addi %scan3A_234, %scan3A_235 : i32
        %scan3A_237 = arith.constant 1 : i32
        %scan3A_238:2 = scf.for %scan3A_240 = %scan3A_234 to %scan3A_236 step %scan3A_237 iter_args(%scan3A_241 = %scan3A_232, %scan3A_242 = %scan3A_233) -> (i32, i32)  : i32 {
          %add3A_243 = arith.addi %scan3A_241, %scan3A_242 : i32
          %jit3A_244 = arith.constant 2 : i32
          %div3A_245 = arith.divsi %add3A_243, %jit3A_244 : i32
          %sign3A_246 = arith.constant 0 : i32
          %sign3A_247 = arith.cmpi sgt, %add3A_243, %sign3A_246 : i32
          %sign3A_248 = arith.extui %sign3A_247 : i1 to i32
          %sign3A_249 = arith.constant 0 : i32
          %sign3A_250 = arith.cmpi slt, %add3A_243, %sign3A_249 : i32
          %sign3A_251 = arith.extui %sign3A_250 : i1 to i32
          %sign3A_252 = arith.subi %sign3A_248, %sign3A_251 : i32
          %sign3A_253 = arith.constant 0 : i32
          %sign3A_254 = arith.cmpi sgt, %jit3A_244, %sign3A_253 : i32
          %sign3A_255 = arith.extui %sign3A_254 : i1 to i32
          %sign3A_256 = arith.constant 0 : i32
          %sign3A_257 = arith.cmpi slt, %jit3A_244, %sign3A_256 : i32
          %sign3A_258 = arith.extui %sign3A_257 : i1 to i32
          %sign3A_259 = arith.subi %sign3A_255, %sign3A_258 : i32
          %ne3A_260 = arith.cmpi ne, %sign3A_252, %sign3A_259 : i32
          %rem3A_261 = arith.remsi %add3A_243, %jit3A_244 : i32
          %ne3A_262 = arith.constant 0 : i32
          %ne3A_263 = arith.cmpi ne, %rem3A_261, %ne3A_262 : i32
          %and3A_264 = arith.andi %ne3A_260, %ne3A_263 : i1
          %sub3A_265 = arith.constant 1 : i32
          %sub3A_266 = arith.subi %div3A_245, %sub3A_265 : i32
          %select_n3A_267 = arith.select %and3A_264, %sub3A_266, %div3A_245 : i32
          %while3A_268 = arith.constant 0 : i32
          %while3A_269 = arith.constant 0 : i32
          %while3A_270 = arith.subi %select_n3A_210, %while3A_268 : i32
          %while3A_271 = arith.addi %while3A_268, %while3A_270 : i32
          %while3A_272 = arith.constant 1 : i32
          %while3A_273 = arith.divsi %while3A_270, %while3A_272 : i32
          %while3A_274 = arith.muli %while3A_273, %while3A_272 : i32
          %while3A_275 = arith.addi %while3A_268, %while3A_274 : i32
          %while3A_276 = arith.constant 1 : i32
          %while3A_277 = scf.for %while3A_287 = %while3A_268 to %while3A_275 step %while3A_276 iter_args(%while3A_288 = %while3A_269) -> (i32)  : i32 {
            %mul3A_289 = arith.constant 16 : i32
            %mul3A_290 = arith.muli %while3A_287, %mul3A_289 : i32
            %add3A_291 = arith.constant 6144 : i32
            %add3A_292 = arith.addi %add3A_291, %mul3A_290 : i32
            %get3A = arith.index_cast %add3A_292 : i32 to index
            %get3A_293 = tpu.vector_load %arg16[%get3A] {strides = array<i32>} : memref<8256xi32, #tpu.memory_space<vmem>>, vector<16xi32>,
            %mul3A_294 = arith.constant 16 : i32
            %mul3A_295 = arith.muli %while3A_287, %mul3A_294 : i32
            %add3A_296 = arith.constant 6144 : i32
            %add3A_297 = arith.addi %add3A_296, %mul3A_295 : i32
            %get3A_298 = arith.index_cast %add3A_297 : i32 to index
            %get3A_299 = tpu.vector_load %arg17[%get3A_298] {strides = array<i32>} : memref<8256xi32, #tpu.memory_space<vmem>>, vector<16xi32>,
            %eq3A_300 = vector.broadcast %scan3A_217#0 : i32 to vector<16xi32>
            %eq3A_301 = arith.cmpi eq, %get3A_293, %eq3A_300 : vector<16xi32>
            %le3A_302 = vector.broadcast %select_n3A_267 : i32 to vector<16xi32>
            %le3A_303 = arith.cmpi sle, %get3A_299, %le3A_302 : vector<16xi32>
            %and3A_304 = arith.andi %eq3A_301, %le3A_303 : vector<16xi1>
            %convert_element_type3A_305 = arith.extui %and3A_304 : vector<16xi1> to vector<16xi32>
            %reduce_sum3A = arith.constant true
            %reduce_sum3A_306 = vector.broadcast %reduce_sum3A : i1 to vector<16xi1>
            %reduce_sum3A_307 = tpu.scan <sum>, %convert_element_type3A_305 masked %reduce_sum3A_306 : vector<16xi32>, vector<16xi1> -> vector<16xi32>
            %reduce_sum3A_308 = vector.extract %reduce_sum3A_307[15] : i32 from vector<16xi32>
            %add3A_309 = arith.addi %while3A_288, %reduce_sum3A_308 : i32
            scf.yield %add3A_309 : i32
          }
          %while3A_278 = arith.constant 1 : i32
          %while3A_279 = scf.for %while3A_287 = %while3A_275 to %while3A_271 step %while3A_278 iter_args(%while3A_288 = %while3A_277) -> (i32)  : i32 {
            %mul3A_289 = arith.constant 16 : i32
            %mul3A_290 = arith.muli %while3A_287, %mul3A_289 : i32
            %add3A_291 = arith.constant 6144 : i32
            %add3A_292 = arith.addi %add3A_291, %mul3A_290 : i32
            %get3A = arith.index_cast %add3A_292 : i32 to index
            %get3A_293 = tpu.vector_load %arg16[%get3A] {strides = array<i32>} : memref<8256xi32, #tpu.memory_space<vmem>>, vector<16xi32>,
            %mul3A_294 = arith.constant 16 : i32
            %mul3A_295 = arith.muli %while3A_287, %mul3A_294 : i32
            %add3A_296 = arith.constant 6144 : i32
            %add3A_297 = arith.addi %add3A_296, %mul3A_295 : i32
            %get3A_298 = arith.index_cast %add3A_297 : i32 to index
            %get3A_299 = tpu.vector_load %arg17[%get3A_298] {strides = array<i32>} : memref<8256xi32, #tpu.memory_space<vmem>>, vector<16xi32>,
            %eq3A_300 = vector.broadcast %scan3A_217#0 : i32 to vector<16xi32>
            %eq3A_301 = arith.cmpi eq, %get3A_293, %eq3A_300 : vector<16xi32>
            %le3A_302 = vector.broadcast %select_n3A_267 : i32 to vector<16xi32>
            %le3A_303 = arith.cmpi sle, %get3A_299, %le3A_302 : vector<16xi32>
            %and3A_304 = arith.andi %eq3A_301, %le3A_303 : vector<16xi1>
            %convert_element_type3A_305 = arith.extui %and3A_304 : vector<16xi1> to vector<16xi32>
            %reduce_sum3A = arith.constant true
            %reduce_sum3A_306 = vector.broadcast %reduce_sum3A : i1 to vector<16xi1>
            %reduce_sum3A_307 = tpu.scan <sum>, %convert_element_type3A_305 masked %reduce_sum3A_306 : vector<16xi32>, vector<16xi1> -> vector<16xi32>
            %reduce_sum3A_308 = vector.extract %reduce_sum3A_307[15] : i32 from vector<16xi32>
            %add3A_309 = arith.addi %while3A_288, %reduce_sum3A_308 : i32
            scf.yield %add3A_309 : i32
          }
          %ge3A_280 = arith.cmpi sge, %while3A_279, %sub3A_231 : i32
          %add3A_281 = arith.constant 1 : i32
          %add3A_282 = arith.addi %select_n3A_267, %add3A_281 : i32
          %select_n3A_283 = arith.select %ge3A_280, %scan3A_241, %add3A_282 : i32
          %select_n3A_284 = arith.select %ge3A_280, %select_n3A_267, %scan3A_242 : i32
          %lt3A = arith.cmpi slt, %scan3A_241, %scan3A_242 : i32
          %select_n3A_285 = arith.select %lt3A, %select_n3A_283, %scan3A_241 : i32
          %select_n3A_286 = arith.select %lt3A, %select_n3A_284, %scan3A_242 : i32
          scf.yield %select_n3A_285, %select_n3A_286 : i32, i32
        }
        %scan3A_239 = arith.constant 16 : i32
        scf.yield %scan3A_217#0, %scan3A_238#0 : i32, i32
      }
      scf.yield %cond3A_184#0, %cond3A_184#1 : i32, i32
    }
    %iota3A_127 = tpu.iota {dimensions = array<i32: 0>} : vector<16xi32>
    %eq3A = arith.constant 0 : i32
    %eq3A_128 = vector.broadcast %eq3A : i32 to vector<16xi32>
    %eq3A_129 = arith.cmpi eq, %iota3A_127, %eq3A_128 : vector<16xi32>
    %eq3A_130 = arith.constant 1 : i32
    %eq3A_131 = vector.broadcast %eq3A_130 : i32 to vector<16xi32>
    %eq3A_132 = arith.cmpi eq, %iota3A_127, %eq3A_131 : vector<16xi32>
    %jit3A_133 = arith.constant 0 : i32
    %broadcast_in_dim3A = vector.broadcast %cond3A_118#0 : i32 to vector<16xi32>
    %broadcast_in_dim3A_134 = vector.broadcast %jit3A_133 : i32 to vector<16xi32>
    %select_n3A_135 = arith.select %eq3A_132, %broadcast_in_dim3A, %broadcast_in_dim3A_134 : vector<16xi1>, vector<16xi32>
    %broadcast_in_dim3A_136 = vector.broadcast %cond3A_100#0 : i32 to vector<16xi32>
    %select_n3A_137 = arith.select %eq3A_129, %broadcast_in_dim3A_136, %select_n3A_135 : vector<16xi1>, vector<16xi32>
    %swap3A = arith.constant 0 : index
    %swap3A_138 = tpu.vector_load %arg18[%swap3A] {strides = array<i32>} : memref<16xi32, #tpu.memory_space<vmem>>, vector<16xi32>,
    tpu.vector_store %arg18[%swap3A], %select_n3A_137 {strides = array<i32>} : memref<16xi32, #tpu.memory_space<vmem>>, vector<16xi32>,
    %eq3A_139 = arith.constant 0 : i32
    %eq3A_140 = vector.broadcast %eq3A_139 : i32 to vector<16xi32>
    %eq3A_141 = arith.cmpi eq, %iota3A_127, %eq3A_140 : vector<16xi32>
    %eq3A_142 = arith.constant 1 : i32
    %eq3A_143 = vector.broadcast %eq3A_142 : i32 to vector<16xi32>
    %eq3A_144 = arith.cmpi eq, %iota3A_127, %eq3A_143 : vector<16xi32>
    %jit3A_145 = arith.constant 0 : i32
    %broadcast_in_dim3A_146 = vector.broadcast %cond3A_118#1 : i32 to vector<16xi32>
    %broadcast_in_dim3A_147 = vector.broadcast %jit3A_145 : i32 to vector<16xi32>
    %select_n3A_148 = arith.select %eq3A_144, %broadcast_in_dim3A_146, %broadcast_in_dim3A_147 : vector<16xi1>, vector<16xi32>
    %broadcast_in_dim3A_149 = vector.broadcast %cond3A_100#1 : i32 to vector<16xi32>
    %select_n3A_150 = arith.select %eq3A_141, %broadcast_in_dim3A_149, %select_n3A_148 : vector<16xi1>, vector<16xi32>
    %swap3A_151 = arith.constant 0 : index
    %swap3A_152 = tpu.vector_load %arg19[%swap3A_151] {strides = array<i32>} : memref<16xi32, #tpu.memory_space<vmem>>, vector<16xi32>,
    tpu.vector_store %arg19[%swap3A_151], %select_n3A_150 {strides = array<i32>} : memref<16xi32, #tpu.memory_space<vmem>>, vector<16xi32>,
    %eq3A_153 = arith.constant 0 : i32
    %eq3A_154 = vector.broadcast %eq3A_153 : i32 to vector<16xi32>
    %eq3A_155 = arith.cmpi eq, %iota3A_127, %eq3A_154 : vector<16xi32>
    %eq3A_156 = arith.constant 1 : i32
    %eq3A_157 = vector.broadcast %eq3A_156 : i32 to vector<16xi32>
    %eq3A_158 = arith.cmpi eq, %iota3A_127, %eq3A_157 : vector<16xi32>
    %jit3A_159 = arith.constant 0 : i32
    %broadcast_in_dim3A_160 = vector.broadcast %cond3A_126#0 : i32 to vector<16xi32>
    %broadcast_in_dim3A_161 = vector.broadcast %jit3A_159 : i32 to vector<16xi32>
    %select_n3A_162 = arith.select %eq3A_158, %broadcast_in_dim3A_160, %broadcast_in_dim3A_161 : vector<16xi1>, vector<16xi32>
    %broadcast_in_dim3A_163 = vector.broadcast %cond3A_108#0 : i32 to vector<16xi32>
    %select_n3A_164 = arith.select %eq3A_155, %broadcast_in_dim3A_163, %select_n3A_162 : vector<16xi1>, vector<16xi32>
    %swap3A_165 = arith.constant 0 : index
    %swap3A_166 = tpu.vector_load %arg20[%swap3A_165] {strides = array<i32>} : memref<16xi32, #tpu.memory_space<vmem>>, vector<16xi32>,
    tpu.vector_store %arg20[%swap3A_165], %select_n3A_164 {strides = array<i32>} : memref<16xi32, #tpu.memory_space<vmem>>, vector<16xi32>,
    %eq3A_167 = arith.constant 0 : i32
    %eq3A_168 = vector.broadcast %eq3A_167 : i32 to vector<16xi32>
    %eq3A_169 = arith.cmpi eq, %iota3A_127, %eq3A_168 : vector<16xi32>
    %eq3A_170 = arith.constant 1 : i32
    %eq3A_171 = vector.broadcast %eq3A_170 : i32 to vector<16xi32>
    %eq3A_172 = arith.cmpi eq, %iota3A_127, %eq3A_171 : vector<16xi32>
    %jit3A_173 = arith.constant 0 : i32
    %broadcast_in_dim3A_174 = vector.broadcast %cond3A_126#1 : i32 to vector<16xi32>
    %broadcast_in_dim3A_175 = vector.broadcast %jit3A_173 : i32 to vector<16xi32>
    %select_n3A_176 = arith.select %eq3A_172, %broadcast_in_dim3A_174, %broadcast_in_dim3A_175 : vector<16xi1>, vector<16xi32>
    %broadcast_in_dim3A_177 = vector.broadcast %cond3A_108#1 : i32 to vector<16xi32>
    %select_n3A_178 = arith.select %eq3A_169, %broadcast_in_dim3A_177, %select_n3A_176 : vector<16xi1>, vector<16xi32>
    %swap3A_179 = arith.constant 0 : index
    %swap3A_180 = tpu.vector_load %arg21[%swap3A_179] {strides = array<i32>} : memref<16xi32, #tpu.memory_space<vmem>>, vector<16xi32>,
    tpu.vector_store %arg21[%swap3A_179], %select_n3A_178 {strides = array<i32>} : memref<16xi32, #tpu.memory_space<vmem>>, vector<16xi32>,
    "tpu.region"() ({
      %run_scoped3A = tpu.sem_alloc : memref<!tpu.dma_semaphore, #tpu.memory_space<semaphore_mem>>
      %dma_start3A = arith.constant 0 : i32
      %dma_start3A_181 = tpu.memref_slice %arg5[%add3A, %dma_start3A] : memref<32x16xi32, #tpu.memory_space<hbm>> -> memref<1x16xi32, #tpu.memory_space<hbm>>
      %dma_start3A_182 = tpu.memref_squeeze %dma_start3A_181 : memref<1x16xi32, #tpu.memory_space<hbm>> -> memref<16xi32, #tpu.memory_space<hbm>>
      %dma_start3A_183 = arith.constant 0 : i32
      %dma_start3A_184 = tpu.memref_slice %arg5[%add3A, %dma_start3A_183] : memref<32x16xi32, #tpu.memory_space<hbm>> -> memref<1x16xi32, #tpu.memory_space<hbm>>
      %dma_start3A_185 = tpu.memref_squeeze %dma_start3A_184 : memref<1x16xi32, #tpu.memory_space<hbm>> -> memref<16xi32, #tpu.memory_space<hbm>>
      tpu.enqueue_dma source(%arg18 : memref<16xi32, #tpu.memory_space<vmem>>) target(%dma_start3A_185 : memref<16xi32, #tpu.memory_space<hbm>>) target_semaphore(%run_scoped3A : memref<!tpu.dma_semaphore, #tpu.memory_space<semaphore_mem>>)
      %dma_wait3A = arith.constant 0 : i32
      %dma_wait3A_186 = tpu.memref_slice %arg5[%add3A, %dma_wait3A] : memref<32x16xi32, #tpu.memory_space<hbm>> -> memref<1x16xi32, #tpu.memory_space<hbm>>
      %dma_wait3A_187 = tpu.memref_squeeze %dma_wait3A_186 : memref<1x16xi32, #tpu.memory_space<hbm>> -> memref<16xi32, #tpu.memory_space<hbm>>
      %dma_wait3A_188 = arith.constant 0 : i32
      %dma_wait3A_189 = tpu.memref_slice %arg5[%add3A, %dma_wait3A_188] : memref<32x16xi32, #tpu.memory_space<hbm>> -> memref<1x16xi32, #tpu.memory_space<hbm>>
      %dma_wait3A_190 = tpu.memref_squeeze %dma_wait3A_189 : memref<1x16xi32, #tpu.memory_space<hbm>> -> memref<16xi32, #tpu.memory_space<hbm>>
      tpu.wait_dma2 semaphore(%run_scoped3A : memref<!tpu.dma_semaphore, #tpu.memory_space<semaphore_mem>>) src(%arg18 : memref<16xi32, #tpu.memory_space<vmem>>) dst(%dma_wait3A_190 : memref<16xi32, #tpu.memory_space<hbm>>)
      tpu.yield
    }) : () -> ()
    "tpu.region"() ({
      %run_scoped3A = tpu.sem_alloc : memref<!tpu.dma_semaphore, #tpu.memory_space<semaphore_mem>>
      %dma_start3A = arith.constant 0 : i32
      %dma_start3A_181 = tpu.memref_slice %arg6[%add3A, %dma_start3A] : memref<32x16xi32, #tpu.memory_space<hbm>> -> memref<1x16xi32, #tpu.memory_space<hbm>>
      %dma_start3A_182 = tpu.memref_squeeze %dma_start3A_181 : memref<1x16xi32, #tpu.memory_space<hbm>> -> memref<16xi32, #tpu.memory_space<hbm>>
      %dma_start3A_183 = arith.constant 0 : i32
      %dma_start3A_184 = tpu.memref_slice %arg6[%add3A, %dma_start3A_183] : memref<32x16xi32, #tpu.memory_space<hbm>> -> memref<1x16xi32, #tpu.memory_space<hbm>>
      %dma_start3A_185 = tpu.memref_squeeze %dma_start3A_184 : memref<1x16xi32, #tpu.memory_space<hbm>> -> memref<16xi32, #tpu.memory_space<hbm>>
      tpu.enqueue_dma source(%arg19 : memref<16xi32, #tpu.memory_space<vmem>>) target(%dma_start3A_185 : memref<16xi32, #tpu.memory_space<hbm>>) target_semaphore(%run_scoped3A : memref<!tpu.dma_semaphore, #tpu.memory_space<semaphore_mem>>)
      %dma_wait3A = arith.constant 0 : i32
      %dma_wait3A_186 = tpu.memref_slice %arg6[%add3A, %dma_wait3A] : memref<32x16xi32, #tpu.memory_space<hbm>> -> memref<1x16xi32, #tpu.memory_space<hbm>>
      %dma_wait3A_187 = tpu.memref_squeeze %dma_wait3A_186 : memref<1x16xi32, #tpu.memory_space<hbm>> -> memref<16xi32, #tpu.memory_space<hbm>>
      %dma_wait3A_188 = arith.constant 0 : i32
      %dma_wait3A_189 = tpu.memref_slice %arg6[%add3A, %dma_wait3A_188] : memref<32x16xi32, #tpu.memory_space<hbm>> -> memref<1x16xi32, #tpu.memory_space<hbm>>
      %dma_wait3A_190 = tpu.memref_squeeze %dma_wait3A_189 : memref<1x16xi32, #tpu.memory_space<hbm>> -> memref<16xi32, #tpu.memory_space<hbm>>
      tpu.wait_dma2 semaphore(%run_scoped3A : memref<!tpu.dma_semaphore, #tpu.memory_space<semaphore_mem>>) src(%arg19 : memref<16xi32, #tpu.memory_space<vmem>>) dst(%dma_wait3A_190 : memref<16xi32, #tpu.memory_space<hbm>>)
      tpu.yield
    }) : () -> ()
    "tpu.region"() ({
      %run_scoped3A = tpu.sem_alloc : memref<!tpu.dma_semaphore, #tpu.memory_space<semaphore_mem>>
      %dma_start3A = arith.constant 0 : i32
      %dma_start3A_181 = tpu.memref_slice %arg7[%add3A, %dma_start3A] : memref<32x16xi32, #tpu.memory_space<hbm>> -> memref<1x16xi32, #tpu.memory_space<hbm>>
      %dma_start3A_182 = tpu.memref_squeeze %dma_start3A_181 : memref<1x16xi32, #tpu.memory_space<hbm>> -> memref<16xi32, #tpu.memory_space<hbm>>
      %dma_start3A_183 = arith.constant 0 : i32
      %dma_start3A_184 = tpu.memref_slice %arg7[%add3A, %dma_start3A_183] : memref<32x16xi32, #tpu.memory_space<hbm>> -> memref<1x16xi32, #tpu.memory_space<hbm>>
      %dma_start3A_185 = tpu.memref_squeeze %dma_start3A_184 : memref<1x16xi32, #tpu.memory_space<hbm>> -> memref<16xi32, #tpu.memory_space<hbm>>
      tpu.enqueue_dma source(%arg20 : memref<16xi32, #tpu.memory_space<vmem>>) target(%dma_start3A_185 : memref<16xi32, #tpu.memory_space<hbm>>) target_semaphore(%run_scoped3A : memref<!tpu.dma_semaphore, #tpu.memory_space<semaphore_mem>>)
      %dma_wait3A = arith.constant 0 : i32
      %dma_wait3A_186 = tpu.memref_slice %arg7[%add3A, %dma_wait3A] : memref<32x16xi32, #tpu.memory_space<hbm>> -> memref<1x16xi32, #tpu.memory_space<hbm>>
      %dma_wait3A_187 = tpu.memref_squeeze %dma_wait3A_186 : memref<1x16xi32, #tpu.memory_space<hbm>> -> memref<16xi32, #tpu.memory_space<hbm>>
      %dma_wait3A_188 = arith.constant 0 : i32
      %dma_wait3A_189 = tpu.memref_slice %arg7[%add3A, %dma_wait3A_188] : memref<32x16xi32, #tpu.memory_space<hbm>> -> memref<1x16xi32, #tpu.memory_space<hbm>>
      %dma_wait3A_190 = tpu.memref_squeeze %dma_wait3A_189 : memref<1x16xi32, #tpu.memory_space<hbm>> -> memref<16xi32, #tpu.memory_space<hbm>>
      tpu.wait_dma2 semaphore(%run_scoped3A : memref<!tpu.dma_semaphore, #tpu.memory_space<semaphore_mem>>) src(%arg20 : memref<16xi32, #tpu.memory_space<vmem>>) dst(%dma_wait3A_190 : memref<16xi32, #tpu.memory_space<hbm>>)
      tpu.yield
    }) : () -> ()
    "tpu.region"() ({
      %run_scoped3A = tpu.sem_alloc : memref<!tpu.dma_semaphore, #tpu.memory_space<semaphore_mem>>
      %dma_start3A = arith.constant 0 : i32
      %dma_start3A_181 = tpu.memref_slice %arg8[%add3A, %dma_start3A] : memref<32x16xi32, #tpu.memory_space<hbm>> -> memref<1x16xi32, #tpu.memory_space<hbm>>
      %dma_start3A_182 = tpu.memref_squeeze %dma_start3A_181 : memref<1x16xi32, #tpu.memory_space<hbm>> -> memref<16xi32, #tpu.memory_space<hbm>>
      %dma_start3A_183 = arith.constant 0 : i32
      %dma_start3A_184 = tpu.memref_slice %arg8[%add3A, %dma_start3A_183] : memref<32x16xi32, #tpu.memory_space<hbm>> -> memref<1x16xi32, #tpu.memory_space<hbm>>
      %dma_start3A_185 = tpu.memref_squeeze %dma_start3A_184 : memref<1x16xi32, #tpu.memory_space<hbm>> -> memref<16xi32, #tpu.memory_space<hbm>>
      tpu.enqueue_dma source(%arg21 : memref<16xi32, #tpu.memory_space<vmem>>) target(%dma_start3A_185 : memref<16xi32, #tpu.memory_space<hbm>>) target_semaphore(%run_scoped3A : memref<!tpu.dma_semaphore, #tpu.memory_space<semaphore_mem>>)
      %dma_wait3A = arith.constant 0 : i32
      %dma_wait3A_186 = tpu.memref_slice %arg8[%add3A, %dma_wait3A] : memref<32x16xi32, #tpu.memory_space<hbm>> -> memref<1x16xi32, #tpu.memory_space<hbm>>
      %dma_wait3A_187 = tpu.memref_squeeze %dma_wait3A_186 : memref<1x16xi32, #tpu.memory_space<hbm>> -> memref<16xi32, #tpu.memory_space<hbm>>
      %dma_wait3A_188 = arith.constant 0 : i32
      %dma_wait3A_189 = tpu.memref_slice %arg8[%add3A, %dma_wait3A_188] : memref<32x16xi32, #tpu.memory_space<hbm>> -> memref<1x16xi32, #tpu.memory_space<hbm>>
      %dma_wait3A_190 = tpu.memref_squeeze %dma_wait3A_189 : memref<1x16xi32, #tpu.memory_space<hbm>> -> memref<16xi32, #tpu.memory_space<hbm>>
      tpu.wait_dma2 semaphore(%run_scoped3A : memref<!tpu.dma_semaphore, #tpu.memory_space<semaphore_mem>>) src(%arg21 : memref<16xi32, #tpu.memory_space<vmem>>) dst(%dma_wait3A_190 : memref<16xi32, #tpu.memory_space<hbm>>)
      tpu.yield
    }) : () -> ()
    return
  }
}

module attributes {stable_mosaic.version = 14 : i64} {
  func.func @_finalize_body(%arg0: i32, %arg1: memref<1x1x1024xi32, #tpu.memory_space<vmem>>, %arg2: memref<1x1x1024xi32, #tpu.memory_space<vmem>>, %arg3: memref<1x1x1024xf32, #tpu.memory_space<vmem>>, %arg4: memref<1x1x1024xf32, #tpu.memory_space<vmem>>, %arg5: memref<64x128xi32, #tpu.memory_space<vmem>>, %arg6: memref<64x128xi32, #tpu.memory_space<vmem>>, %arg7: memref<64x128xi32, #tpu.memory_space<vmem>>, %arg8: memref<64x128xi32, #tpu.memory_space<vmem>>, %arg9: memref<64x1024xi32, #tpu.memory_space<vmem>>, %arg10: memref<64x1024xf32, #tpu.memory_space<vmem>>) attributes {dimension_semantics = [#tpu.dimension_semantics<arbitrary>], iteration_bounds = array<i64: 32>, scalar_prefetch = 0 : i64, scratch_operands = 0 : i64, tpu.core_type = #tpu.core_type<tc>, window_params = [{transform_indices = @transform_0, window_bounds = array<i64: 1, 1, 1024>}, {transform_indices = @transform_1, window_bounds = array<i64: 1, 1, 1024>}, {transform_indices = @transform_2, window_bounds = array<i64: 1, 1, 1024>}, {transform_indices = @transform_3, window_bounds = array<i64: 1, 1, 1024>}, {pipeline_mode = #tpu.pipeline_mode<synchronous>, transform_indices = @transform_4, window_bounds = array<i64: 64, 128>}, {pipeline_mode = #tpu.pipeline_mode<synchronous>, transform_indices = @transform_5, window_bounds = array<i64: 64, 128>}, {pipeline_mode = #tpu.pipeline_mode<synchronous>, transform_indices = @transform_6, window_bounds = array<i64: 64, 128>}, {pipeline_mode = #tpu.pipeline_mode<synchronous>, transform_indices = @transform_7, window_bounds = array<i64: 64, 128>}, {transform_indices = @transform_8, window_bounds = array<i64: 64, 1024>}, {transform_indices = @transform_9, window_bounds = array<i64: 64, 1024>}]} {
    %get3A = arith.constant 0 : index
    %get3A_0 = arith.constant 0 : index
    %get3A_1 = arith.constant 0 : index
    %get3A_2 = vector.load %arg1[%get3A, %get3A_0, %get3A_1] : memref<1x1x1024xi32, #tpu.memory_space<vmem>>, vector<1x1x1024xi32>
    %get3A_3 = vector.shape_cast %get3A_2 : vector<1x1x1024xi32> to vector<1x1024xi32>
    %get3A_4 = arith.constant 0 : index
    %get3A_5 = arith.constant 0 : index
    %get3A_6 = arith.constant 0 : index
    %get3A_7 = vector.load %arg2[%get3A_4, %get3A_5, %get3A_6] : memref<1x1x1024xi32, #tpu.memory_space<vmem>>, vector<1x1x1024xi32>
    %get3A_8 = vector.shape_cast %get3A_7 : vector<1x1x1024xi32> to vector<1x1024xi32>
    %get3A_9 = arith.constant 0 : index
    %get3A_10 = arith.constant 0 : index
    %get3A_11 = arith.constant 0 : index
    %get3A_12 = vector.load %arg3[%get3A_9, %get3A_10, %get3A_11] : memref<1x1x1024xf32, #tpu.memory_space<vmem>>, vector<1x1x1024xf32>
    %get3A_13 = vector.shape_cast %get3A_12 : vector<1x1x1024xf32> to vector<1x1024xf32>
    %get3A_14 = arith.constant 0 : index
    %get3A_15 = arith.constant 0 : index
    %get3A_16 = arith.constant 0 : index
    %get3A_17 = vector.load %arg4[%get3A_14, %get3A_15, %get3A_16] : memref<1x1x1024xf32, #tpu.memory_space<vmem>>, vector<1x1x1024xf32>
    %get3A_18 = vector.shape_cast %get3A_17 : vector<1x1x1024xf32> to vector<1x1024xf32>
    %bitcast_convert_type3A = tpu.bitcast %get3A_13 : vector<1x1024xf32> -> vector<1x1024xi32>
    %iota3A = tpu.iota {dimensions = array<i32: 0>} : vector<64x1024xi32>
    %eq3A = vector.broadcast %get3A_3 : vector<1x1024xi32> to vector<64x1024xi32>
    %eq3A_19 = arith.cmpi eq, %iota3A, %eq3A : vector<64x1024xi32>
    %eq3A_20 = vector.broadcast %get3A_8 : vector<1x1024xi32> to vector<64x1024xi32>
    %eq3A_21 = arith.cmpi eq, %iota3A, %eq3A_20 : vector<64x1024xi32>
    %get3A_22 = arith.constant 0 : index
    %get3A_23 = arith.constant 0 : index
    %get3A_24 = vector.load %arg5[%get3A_22, %get3A_23] : memref<64x128xi32, #tpu.memory_space<vmem>>, vector<64x1xi32>
    %get3A_25 = arith.constant 0 : index
    %get3A_26 = arith.constant 0 : index
    %get3A_27 = vector.load %arg6[%get3A_25, %get3A_26] : memref<64x128xi32, #tpu.memory_space<vmem>>, vector<64x1xi32>
    %get3A_28 = arith.constant 0 : index
    %get3A_29 = arith.constant 0 : index
    %get3A_30 = vector.load %arg7[%get3A_28, %get3A_29] : memref<64x128xi32, #tpu.memory_space<vmem>>, vector<64x1xi32>
    %get3A_31 = arith.constant 0 : index
    %get3A_32 = arith.constant 0 : index
    %get3A_33 = vector.load %arg8[%get3A_31, %get3A_32] : memref<64x128xi32, #tpu.memory_space<vmem>>, vector<64x1xi32>
    %jit3A = arith.constant 0 : i32
    %broadcast_in_dim3A = vector.shape_cast %get3A_24 : vector<64x1xi32> to vector<64x1xi32>
    %broadcast_in_dim3A_34 = vector.broadcast %broadcast_in_dim3A : vector<64x1xi32> to vector<64x1024xi32>
    %broadcast_in_dim3A_35 = vector.broadcast %jit3A : i32 to vector<64x1024xi32>
    %select_n3A = arith.select %eq3A_19, %broadcast_in_dim3A_34, %broadcast_in_dim3A_35 : vector<64x1024xi1>, vector<64x1024xi32>
    %reduce_sum3A = arith.constant dense<0> : vector<1024xi32>
    %reduce_sum3A_36 = vector.multi_reduction <add>, %select_n3A, %reduce_sum3A [0] : vector<64x1024xi32> to vector<1024xi32>
    %broadcast_in_dim3A_37 = vector.shape_cast %reduce_sum3A_36 : vector<1024xi32> to vector<1x1024xi32>
    %jit3A_38 = arith.constant 0 : i32
    %broadcast_in_dim3A_39 = vector.shape_cast %get3A_27 : vector<64x1xi32> to vector<64x1xi32>
    %broadcast_in_dim3A_40 = vector.broadcast %broadcast_in_dim3A_39 : vector<64x1xi32> to vector<64x1024xi32>
    %broadcast_in_dim3A_41 = vector.broadcast %jit3A_38 : i32 to vector<64x1024xi32>
    %select_n3A_42 = arith.select %eq3A_19, %broadcast_in_dim3A_40, %broadcast_in_dim3A_41 : vector<64x1024xi1>, vector<64x1024xi32>
    %reduce_sum3A_43 = arith.constant dense<0> : vector<1024xi32>
    %reduce_sum3A_44 = vector.multi_reduction <add>, %select_n3A_42, %reduce_sum3A_43 [0] : vector<64x1024xi32> to vector<1024xi32>
    %broadcast_in_dim3A_45 = vector.shape_cast %reduce_sum3A_44 : vector<1024xi32> to vector<1x1024xi32>
    %jit3A_46 = arith.constant 0 : i32
    %broadcast_in_dim3A_47 = vector.shape_cast %get3A_30 : vector<64x1xi32> to vector<64x1xi32>
    %broadcast_in_dim3A_48 = vector.broadcast %broadcast_in_dim3A_47 : vector<64x1xi32> to vector<64x1024xi32>
    %broadcast_in_dim3A_49 = vector.broadcast %jit3A_46 : i32 to vector<64x1024xi32>
    %select_n3A_50 = arith.select %eq3A_21, %broadcast_in_dim3A_48, %broadcast_in_dim3A_49 : vector<64x1024xi1>, vector<64x1024xi32>
    %reduce_sum3A_51 = arith.constant dense<0> : vector<1024xi32>
    %reduce_sum3A_52 = vector.multi_reduction <add>, %select_n3A_50, %reduce_sum3A_51 [0] : vector<64x1024xi32> to vector<1024xi32>
    %broadcast_in_dim3A_53 = vector.shape_cast %reduce_sum3A_52 : vector<1024xi32> to vector<1x1024xi32>
    %jit3A_54 = arith.constant 0 : i32
    %broadcast_in_dim3A_55 = vector.shape_cast %get3A_33 : vector<64x1xi32> to vector<64x1xi32>
    %broadcast_in_dim3A_56 = vector.broadcast %broadcast_in_dim3A_55 : vector<64x1xi32> to vector<64x1024xi32>
    %broadcast_in_dim3A_57 = vector.broadcast %jit3A_54 : i32 to vector<64x1024xi32>
    %select_n3A_58 = arith.select %eq3A_21, %broadcast_in_dim3A_56, %broadcast_in_dim3A_57 : vector<64x1024xi1>, vector<64x1024xi32>
    %reduce_sum3A_59 = arith.constant dense<0> : vector<1024xi32>
    %reduce_sum3A_60 = vector.multi_reduction <add>, %select_n3A_58, %reduce_sum3A_59 [0] : vector<64x1024xi32> to vector<1024xi32>
    %broadcast_in_dim3A_61 = vector.shape_cast %reduce_sum3A_60 : vector<1024xi32> to vector<1x1024xi32>
    %iota3A_62 = tpu.iota {dimensions = array<i32: 1>} : vector<1x1024xi32>
    %mul3A = arith.constant 1024 : i32
    %mul3A_63 = arith.muli %arg0, %mul3A : i32
    %add3A = vector.broadcast %mul3A_63 : i32 to vector<1x1024xi32>
    %add3A_64 = arith.addi %iota3A_62, %add3A : vector<1x1024xi32>
    %gt3A = arith.cmpi sgt, %bitcast_convert_type3A, %broadcast_in_dim3A_37 : vector<1x1024xi32>
    %eq3A_65 = arith.cmpi eq, %bitcast_convert_type3A, %broadcast_in_dim3A_37 : vector<1x1024xi32>
    %le3A = arith.cmpi sle, %add3A_64, %broadcast_in_dim3A_45 : vector<1x1024xi32>
    %and3A = arith.andi %eq3A_65, %le3A : vector<1x1024xi1>
    %or3A = arith.ori %gt3A, %and3A : vector<1x1024xi1>
    %gt3A_66 = arith.cmpi sgt, %bitcast_convert_type3A, %broadcast_in_dim3A_53 : vector<1x1024xi32>
    %eq3A_67 = arith.cmpi eq, %bitcast_convert_type3A, %broadcast_in_dim3A_53 : vector<1x1024xi32>
    %le3A_68 = arith.cmpi sle, %add3A_64, %broadcast_in_dim3A_61 : vector<1x1024xi32>
    %and3A_69 = arith.andi %eq3A_67, %le3A_68 : vector<1x1024xi1>
    %or3A_70 = arith.ori %gt3A_66, %and3A_69 : vector<1x1024xi1>
    %jit3A_71 = arith.constant 0.000000e+00 : f32
    %broadcast_in_dim3A_72 = vector.broadcast %jit3A_71 : f32 to vector<1x1024xf32>
    %select_n3A_73 = arith.select %or3A, %get3A_13, %broadcast_in_dim3A_72 : vector<1x1024xi1>, vector<1x1024xf32>
    %jit3A_74 = arith.constant 0.000000e+00 : f32
    %broadcast_in_dim3A_75 = vector.broadcast %jit3A_74 : f32 to vector<1x1024xf32>
    %select_n3A_76 = arith.select %or3A_70, %get3A_18, %broadcast_in_dim3A_75 : vector<1x1024xi1>, vector<1x1024xf32>
    %add3A_77 = arith.addf %select_n3A_73, %select_n3A_76 : vector<1x1024xf32>
    %max3A = arith.constant 1.1920929E-7 : f32
    %max3A_78 = vector.broadcast %max3A : f32 to vector<1x1024xf32>
    %max3A_79 = arith.maximumf %add3A_77, %max3A_78 : vector<1x1024xf32>
    %div3A = arith.divf %select_n3A_73, %max3A_79 : vector<1x1024xf32>
    %div3A_80 = arith.divf %select_n3A_76, %max3A_79 : vector<1x1024xf32>
    %and3A_81 = vector.broadcast %or3A : vector<1x1024xi1> to vector<64x1024xi1>
    %and3A_82 = arith.andi %eq3A_19, %and3A_81 : vector<64x1024xi1>
    %convert_element_type3A = arith.extui %and3A_82 : vector<64x1024xi1> to vector<64x1024xi32>
    %swap3A = arith.constant 0 : index
    %swap3A_83 = arith.constant 0 : index
    %swap3A_84 = vector.load %arg9[%swap3A, %swap3A_83] : memref<64x1024xi32, #tpu.memory_space<vmem>>, vector<64x1024xi32>
    tpu.vector_store %arg9[%swap3A, %swap3A_83], %convert_element_type3A {strides = array<i32>} : memref<64x1024xi32, #tpu.memory_space<vmem>>, vector<64x1024xi32>,
    %and3A_85 = vector.broadcast %or3A : vector<1x1024xi1> to vector<64x1024xi1>
    %and3A_86 = arith.andi %eq3A_19, %and3A_85 : vector<64x1024xi1>
    %jit3A_87 = arith.constant 0.000000e+00 : f32
    %broadcast_in_dim3A_88 = vector.shape_cast %div3A : vector<1x1024xf32> to vector<1x1024xf32>
    %broadcast_in_dim3A_89 = vector.broadcast %broadcast_in_dim3A_88 : vector<1x1024xf32> to vector<64x1024xf32>
    %broadcast_in_dim3A_90 = vector.broadcast %jit3A_87 : f32 to vector<64x1024xf32>
    %select_n3A_91 = arith.select %and3A_86, %broadcast_in_dim3A_89, %broadcast_in_dim3A_90 : vector<64x1024xi1>, vector<64x1024xf32>
    %and3A_92 = vector.broadcast %or3A_70 : vector<1x1024xi1> to vector<64x1024xi1>
    %and3A_93 = arith.andi %eq3A_21, %and3A_92 : vector<64x1024xi1>
    %jit3A_94 = arith.constant 0.000000e+00 : f32
    %broadcast_in_dim3A_95 = vector.shape_cast %div3A_80 : vector<1x1024xf32> to vector<1x1024xf32>
    %broadcast_in_dim3A_96 = vector.broadcast %broadcast_in_dim3A_95 : vector<1x1024xf32> to vector<64x1024xf32>
    %broadcast_in_dim3A_97 = vector.broadcast %jit3A_94 : f32 to vector<64x1024xf32>
    %select_n3A_98 = arith.select %and3A_93, %broadcast_in_dim3A_96, %broadcast_in_dim3A_97 : vector<64x1024xi1>, vector<64x1024xf32>
    %add3A_99 = arith.addf %select_n3A_91, %select_n3A_98 : vector<64x1024xf32>
    %swap3A_100 = arith.constant 0 : index
    %swap3A_101 = arith.constant 0 : index
    %swap3A_102 = vector.load %arg10[%swap3A_100, %swap3A_101] : memref<64x1024xf32, #tpu.memory_space<vmem>>, vector<64x1024xf32>
    tpu.vector_store %arg10[%swap3A_100, %swap3A_101], %add3A_99 {strides = array<i32>} : memref<64x1024xf32, #tpu.memory_space<vmem>>, vector<64x1024xf32>,
    return
  }
  func.func @transform_0(%arg0: i32) -> (i32, i32, i32) {
    %c0_i32 = arith.constant 0 : i32
    %c0_i32_0 = arith.constant 0 : i32
    %c0_i32_1 = arith.constant 0 : i32
    return %arg0, %c0_i32, %c0_i32_0 : i32, i32, i32
  }
  func.func @transform_1(%arg0: i32) -> (i32, i32, i32) {
    %c0_i32 = arith.constant 0 : i32
    %c0_i32_0 = arith.constant 0 : i32
    %c0_i32_1 = arith.constant 0 : i32
    return %arg0, %c0_i32, %c0_i32_0 : i32, i32, i32
  }
  func.func @transform_2(%arg0: i32) -> (i32, i32, i32) {
    %c0_i32 = arith.constant 0 : i32
    %c0_i32_0 = arith.constant 0 : i32
    %c0_i32_1 = arith.constant 0 : i32
    return %arg0, %c0_i32, %c0_i32_0 : i32, i32, i32
  }
  func.func @transform_3(%arg0: i32) -> (i32, i32, i32) {
    %c0_i32 = arith.constant 0 : i32
    %c0_i32_0 = arith.constant 0 : i32
    %c0_i32_1 = arith.constant 0 : i32
    return %arg0, %c0_i32, %c0_i32_0 : i32, i32, i32
  }
  func.func @transform_4(%arg0: i32) -> (i32, i32) {
    %c0_i32 = arith.constant 0 : i32
    %c0_i32_0 = arith.constant 0 : i32
    %c0_i32_1 = arith.constant 0 : i32
    return %c0_i32, %c0_i32_0 : i32, i32
  }
  func.func @transform_5(%arg0: i32) -> (i32, i32) {
    %c0_i32 = arith.constant 0 : i32
    %c0_i32_0 = arith.constant 0 : i32
    %c0_i32_1 = arith.constant 0 : i32
    return %c0_i32, %c0_i32_0 : i32, i32
  }
  func.func @transform_6(%arg0: i32) -> (i32, i32) {
    %c0_i32 = arith.constant 0 : i32
    %c0_i32_0 = arith.constant 0 : i32
    %c0_i32_1 = arith.constant 0 : i32
    return %c0_i32, %c0_i32_0 : i32, i32
  }
  func.func @transform_7(%arg0: i32) -> (i32, i32) {
    %c0_i32 = arith.constant 0 : i32
    %c0_i32_0 = arith.constant 0 : i32
    %c0_i32_1 = arith.constant 0 : i32
    return %c0_i32, %c0_i32_0 : i32, i32
  }
  func.func @transform_8(%arg0: i32) -> (i32, i32) {
    %c0_i32 = arith.constant 0 : i32
    %c0_i32_0 = arith.constant 0 : i32
    return %c0_i32, %arg0 : i32, i32
  }
  func.func @transform_9(%arg0: i32) -> (i32, i32) {
    %c0_i32 = arith.constant 0 : i32
    %c0_i32_0 = arith.constant 0 : i32
    return %c0_i32, %arg0 : i32, i32
  }
}

module attributes {stable_mosaic.version = 14 : i64} {
  func.func @_router_body(%arg0: i32, %arg1: memref<1024x1024xf32, #tpu.memory_space<vmem>>, %arg2: memref<64x1024xf32, #tpu.memory_space<vmem>>, %arg3: memref<1x1x1024xi32, #tpu.memory_space<vmem>>, %arg4: memref<1x1x1024xi32, #tpu.memory_space<vmem>>, %arg5: memref<1x1x1024xf32, #tpu.memory_space<vmem>>, %arg6: memref<1x1x1024xf32, #tpu.memory_space<vmem>>) attributes {dimension_semantics = [#tpu.dimension_semantics<arbitrary>], iteration_bounds = array<i64: 32>, scalar_prefetch = 0 : i64, scratch_operands = 0 : i64, tpu.core_type = #tpu.core_type<tc>, window_params = [{transform_indices = @transform_0, window_bounds = array<i64: 1024, 1024>}, {pipeline_mode = #tpu.pipeline_mode<synchronous>, transform_indices = @transform_1, window_bounds = array<i64: 64, 1024>}, {transform_indices = @transform_2, window_bounds = array<i64: 1, 1, 1024>}, {transform_indices = @transform_3, window_bounds = array<i64: 1, 1, 1024>}, {transform_indices = @transform_4, window_bounds = array<i64: 1, 1, 1024>}, {transform_indices = @transform_5, window_bounds = array<i64: 1, 1, 1024>}]} {
    %get3A = arith.constant 0 : index
    %get3A_0 = arith.constant 0 : index
    %get3A_1 = vector.load %arg1[%get3A, %get3A_0] : memref<1024x1024xf32, #tpu.memory_space<vmem>>, vector<1024x1024xf32>
    %get3A_2 = arith.constant 0 : index
    %get3A_3 = arith.constant 0 : index
    %get3A_4 = vector.load %arg2[%get3A_2, %get3A_3] : memref<64x1024xf32, #tpu.memory_space<vmem>>, vector<64x1024xf32>
    %dot_general3A = arith.constant dense<0.000000e+00> : vector<64x1024xf32>
    %dot_general3A_5 = tpu.matmul %get3A_4, %get3A_1, %dot_general3A {dimension_numbers = #tpu.dot_dimension_numbers<[1], [1], [0], [0], [0, 0, 1, 0], [], []>, transpose_lhs_hint = false} : vector<64x1024xf32>, vector<1024x1024xf32>, vector<64x1024xf32> -> vector<64x1024xf32>
    %reduce_max3A = arith.constant dense<0xFF800000> : vector<1024xf32>
    %reduce_max3A_6 = vector.multi_reduction <maximumf>, %dot_general3A_5, %reduce_max3A [0] : vector<64x1024xf32> to vector<1024xf32>
    %broadcast_in_dim3A = vector.shape_cast %reduce_max3A_6 : vector<1024xf32> to vector<1x1024xf32>
    %sub3A = vector.broadcast %broadcast_in_dim3A : vector<1x1024xf32> to vector<64x1024xf32>
    %sub3A_7 = arith.subf %dot_general3A_5, %sub3A : vector<64x1024xf32>
    %exp3A = math.exp %sub3A_7 : vector<64x1024xf32>
    %reduce_sum3A = arith.constant dense<0.000000e+00> : vector<1024xf32>
    %reduce_sum3A_8 = vector.multi_reduction <add>, %exp3A, %reduce_sum3A [0] : vector<64x1024xf32> to vector<1024xf32>
    %broadcast_in_dim3A_9 = vector.shape_cast %reduce_sum3A_8 : vector<1024xf32> to vector<1x1024xf32>
    %div3A = vector.broadcast %broadcast_in_dim3A_9 : vector<1x1024xf32> to vector<64x1024xf32>
    %div3A_10 = arith.divf %exp3A, %div3A : vector<64x1024xf32>
    %reduce_max3A_11 = arith.constant dense<0xFF800000> : vector<1024xf32>
    %reduce_max3A_12 = vector.multi_reduction <maximumf>, %div3A_10, %reduce_max3A_11 [0] : vector<64x1024xf32> to vector<1024xf32>
    %broadcast_in_dim3A_13 = vector.shape_cast %reduce_max3A_12 : vector<1024xf32> to vector<1x1024xf32>
    %iota3A = tpu.iota {dimensions = array<i32: 0>} : vector<64x1024xi32>
    %eq3A = vector.broadcast %broadcast_in_dim3A_13 : vector<1x1024xf32> to vector<64x1024xf32>
    %eq3A_14 = arith.cmpf oeq, %div3A_10, %eq3A : vector<64x1024xf32>
    %jit3A = arith.constant 64 : i32
    %broadcast_in_dim3A_15 = vector.broadcast %jit3A : i32 to vector<64x1024xi32>
    %select_n3A = arith.select %eq3A_14, %iota3A, %broadcast_in_dim3A_15 : vector<64x1024xi1>, vector<64x1024xi32>
    %reduce_min3A = arith.constant dense<2147483647> : vector<1024xi32>
    %reduce_min3A_16 = vector.multi_reduction <minsi>, %select_n3A, %reduce_min3A [0] : vector<64x1024xi32> to vector<1024xi32>
    %broadcast_in_dim3A_17 = vector.shape_cast %reduce_min3A_16 : vector<1024xi32> to vector<1x1024xi32>
    %eq3A_18 = vector.broadcast %broadcast_in_dim3A_17 : vector<1x1024xi32> to vector<64x1024xi32>
    %eq3A_19 = arith.cmpi eq, %iota3A, %eq3A_18 : vector<64x1024xi32>
    %jit3A_20 = arith.constant 0xFF800000 : f32
    %broadcast_in_dim3A_21 = vector.broadcast %jit3A_20 : f32 to vector<64x1024xf32>
    %select_n3A_22 = arith.select %eq3A_19, %broadcast_in_dim3A_21, %dot_general3A_5 : vector<64x1024xi1>, vector<64x1024xf32>
    %reduce_max3A_23 = arith.constant dense<0xFF800000> : vector<1024xf32>
    %reduce_max3A_24 = vector.multi_reduction <maximumf>, %select_n3A_22, %reduce_max3A_23 [0] : vector<64x1024xf32> to vector<1024xf32>
    %broadcast_in_dim3A_25 = vector.shape_cast %reduce_max3A_24 : vector<1024xf32> to vector<1x1024xf32>
    %eq3A_26 = vector.broadcast %broadcast_in_dim3A_25 : vector<1x1024xf32> to vector<64x1024xf32>
    %eq3A_27 = arith.cmpf oeq, %select_n3A_22, %eq3A_26 : vector<64x1024xf32>
    %jit3A_28 = arith.constant 64 : i32
    %broadcast_in_dim3A_29 = vector.broadcast %jit3A_28 : i32 to vector<64x1024xi32>
    %select_n3A_30 = arith.select %eq3A_27, %iota3A, %broadcast_in_dim3A_29 : vector<64x1024xi1>, vector<64x1024xi32>
    %reduce_min3A_31 = arith.constant dense<2147483647> : vector<1024xi32>
    %reduce_min3A_32 = vector.multi_reduction <minsi>, %select_n3A_30, %reduce_min3A_31 [0] : vector<64x1024xi32> to vector<1024xi32>
    %broadcast_in_dim3A_33 = vector.shape_cast %reduce_min3A_32 : vector<1024xi32> to vector<1x1024xi32>
    %eq3A_34 = vector.broadcast %broadcast_in_dim3A_33 : vector<1x1024xi32> to vector<64x1024xi32>
    %eq3A_35 = arith.cmpi eq, %iota3A, %eq3A_34 : vector<64x1024xi32>
    %jit3A_36 = arith.constant 0.000000e+00 : f32
    %broadcast_in_dim3A_37 = vector.broadcast %jit3A_36 : f32 to vector<64x1024xf32>
    %select_n3A_38 = arith.select %eq3A_35, %div3A_10, %broadcast_in_dim3A_37 : vector<64x1024xi1>, vector<64x1024xf32>
    %reduce_sum3A_39 = arith.constant dense<0.000000e+00> : vector<1024xf32>
    %reduce_sum3A_40 = vector.multi_reduction <add>, %select_n3A_38, %reduce_sum3A_39 [0] : vector<64x1024xf32> to vector<1024xf32>
    %broadcast_in_dim3A_41 = vector.shape_cast %reduce_sum3A_40 : vector<1024xf32> to vector<1x1024xf32>
    %broadcast_in_dim3A_42 = vector.shape_cast %broadcast_in_dim3A_17 : vector<1x1024xi32> to vector<1x1x1024xi32>
    %swap3A = arith.constant 0 : index
    %swap3A_43 = arith.constant 0 : index
    %swap3A_44 = arith.constant 0 : index
    %swap3A_45 = vector.load %arg3[%swap3A, %swap3A_43, %swap3A_44] : memref<1x1x1024xi32, #tpu.memory_space<vmem>>, vector<1x1x1024xi32>
    tpu.vector_store %arg3[%swap3A, %swap3A_43, %swap3A_44], %broadcast_in_dim3A_42 {strides = array<i32>} : memref<1x1x1024xi32, #tpu.memory_space<vmem>>, vector<1x1x1024xi32>,
    %broadcast_in_dim3A_46 = vector.shape_cast %broadcast_in_dim3A_33 : vector<1x1024xi32> to vector<1x1x1024xi32>
    %swap3A_47 = arith.constant 0 : index
    %swap3A_48 = arith.constant 0 : index
    %swap3A_49 = arith.constant 0 : index
    %swap3A_50 = vector.load %arg4[%swap3A_47, %swap3A_48, %swap3A_49] : memref<1x1x1024xi32, #tpu.memory_space<vmem>>, vector<1x1x1024xi32>
    tpu.vector_store %arg4[%swap3A_47, %swap3A_48, %swap3A_49], %broadcast_in_dim3A_46 {strides = array<i32>} : memref<1x1x1024xi32, #tpu.memory_space<vmem>>, vector<1x1x1024xi32>,
    %broadcast_in_dim3A_51 = vector.shape_cast %broadcast_in_dim3A_13 : vector<1x1024xf32> to vector<1x1x1024xf32>
    %swap3A_52 = arith.constant 0 : index
    %swap3A_53 = arith.constant 0 : index
    %swap3A_54 = arith.constant 0 : index
    %swap3A_55 = vector.load %arg5[%swap3A_52, %swap3A_53, %swap3A_54] : memref<1x1x1024xf32, #tpu.memory_space<vmem>>, vector<1x1x1024xf32>
    tpu.vector_store %arg5[%swap3A_52, %swap3A_53, %swap3A_54], %broadcast_in_dim3A_51 {strides = array<i32>} : memref<1x1x1024xf32, #tpu.memory_space<vmem>>, vector<1x1x1024xf32>,
    %broadcast_in_dim3A_56 = vector.shape_cast %broadcast_in_dim3A_41 : vector<1x1024xf32> to vector<1x1x1024xf32>
    %swap3A_57 = arith.constant 0 : index
    %swap3A_58 = arith.constant 0 : index
    %swap3A_59 = arith.constant 0 : index
    %swap3A_60 = vector.load %arg6[%swap3A_57, %swap3A_58, %swap3A_59] : memref<1x1x1024xf32, #tpu.memory_space<vmem>>, vector<1x1x1024xf32>
    tpu.vector_store %arg6[%swap3A_57, %swap3A_58, %swap3A_59], %broadcast_in_dim3A_56 {strides = array<i32>} : memref<1x1x1024xf32, #tpu.memory_space<vmem>>, vector<1x1x1024xf32>,
    return
  }
  func.func @transform_0(%arg0: i32) -> (i32, i32) {
    %c0_i32 = arith.constant 0 : i32
    %c0_i32_0 = arith.constant 0 : i32
    return %arg0, %c0_i32 : i32, i32
  }
  func.func @transform_1(%arg0: i32) -> (i32, i32) {
    %c0_i32 = arith.constant 0 : i32
    %c0_i32_0 = arith.constant 0 : i32
    %c0_i32_1 = arith.constant 0 : i32
    return %c0_i32, %c0_i32_0 : i32, i32
  }
  func.func @transform_2(%arg0: i32) -> (i32, i32, i32) {
    %c0_i32 = arith.constant 0 : i32
    %c0_i32_0 = arith.constant 0 : i32
    %c0_i32_1 = arith.constant 0 : i32
    return %arg0, %c0_i32, %c0_i32_0 : i32, i32, i32
  }
  func.func @transform_3(%arg0: i32) -> (i32, i32, i32) {
    %c0_i32 = arith.constant 0 : i32
    %c0_i32_0 = arith.constant 0 : i32
    %c0_i32_1 = arith.constant 0 : i32
    return %arg0, %c0_i32, %c0_i32_0 : i32, i32, i32
  }
  func.func @transform_4(%arg0: i32) -> (i32, i32, i32) {
    %c0_i32 = arith.constant 0 : i32
    %c0_i32_0 = arith.constant 0 : i32
    %c0_i32_1 = arith.constant 0 : i32
    return %arg0, %c0_i32, %c0_i32_0 : i32, i32, i32
  }
  func.func @transform_5(%arg0: i32) -> (i32, i32, i32) {
    %c0_i32 = arith.constant 0 : i32
    %c0_i32_0 = arith.constant 0 : i32
    %c0_i32_1 = arith.constant 0 : i32
    return %arg0, %c0_i32, %c0_i32_0 : i32, i32, i32
  }
}

</mosaic_0001>

<sc_bundles>
// kernel: kernel.5.cloned.1.call-start
scs
__scs_entry_jumppad:
0x0: {  	(pc) =	sbr.rel $0x88, $3  }
0x1: {  	(tag) =	ssettag $0x0;
	lr =	simm.s32 $0x1  }
0x2: {  	[smem:$0x3F9F] =	sst lr;
	_ =	strace $0xD0000000  }
0x3: {  	_ = 	snop  }
0x4: {  	_ = 	snop  }
0x5: {  	_ = 	snop  }
0x6: {  	_ = 	snop  }
0x7: {  	_ = 	snop  }
__scs_overlays_trampoline_lowered:
0x8: {  	[smem:$0x3FAE] =	sst s0  }
0x9: {  	[smem:$0x3FAF] =	sst s1  }
0xa: {  	[smem:$0x3FB0] =	sst s2  }
0xb: {  	[smem:$0x3FB1] =	sst s3  }
0xc: {  	[smem:$0x3FB2] =	sst s4  }
0xd: {  	[smem:$0x3FB3] =	sst s5  }
0xe: {  	[smem:$0x3FB4] =	sst s6  }
0xf: {  	[smem:$0x3FB5] =	sst s7  }
0x10: {  	[smem:$0x3FB6] =	sst s8  }
0x11: {  	[smem:$0x3FB7] =	sst s9;
	s0 =	simm.s32 @!p0 $0x0  }
0x12: {  	s1 =	sld [smem:$0x3F9D];
	s0 =	simm.s32 @p0 $0x1  }
0x13: {  	[smem:$0x3FB8] =	sst s0;
	s0 =	simm.s32 @!p1 $0x0  }
0x14: {  	s2 =	sld [smem:$0x3F9C];
	s0 =	simm.s32 @p1 $0x1  }
0x15: {  	[smem:$0x3FB9] =	sst s0;
	s0 =	simm.s32 @!p2 $0x0  }
0x16: {  	s3 =	sld [smem:$0x3FDB];
	s0 =	simm.s32 @p2 $0x1  }
0x17: {  	s4 =	simm.s32 $0x1BF5;
	[smem:$0x3FBB] =	sst s0  }
0x18: {  	s0 =	sld [smem:$0x3F9E];
	_ =	swait.ge [sflag:s4], $0x0  }
0x19: {  	s7 =	sld [smem:$0x3F9F]  }
0x1a: {  	s8 =	sadd.s32 $0xFFFFE003, lr  }
0x1b: {  	s9 =	sadd.s32 $0xFFFFFEF7, lr;
	s5 =	simm.s32 $0xFFFFFFFF;
	p2 =	slt.u32 s8, $0xFFFFF086  }
0x1c: {  	p1 =	slt.u32 s9, $0xF7A;
	s5 =	simm.s32 @!p2 $0x0  }
0x1d: {  	s5 =	simm.s32 @p1 $0x1;
	p0 =	seq.s32 s7, s2  }
0x1e: {  	s7 =	smul.u32 @!p0 $0xF7A, s2;
	p2 =	seq.s32 @!p0 s5, $0x0  }
0x1f: {  	s9 =	smul.u32 $0xF7A, s1;
	s8 =	simm.s32 @!p0 $0x1BF5;
	p2 =	por !p2, p0  }
0x20: {  	[sflag:s8] =	ssyncset.s32 @!p0 $0xFFFFF086;
	s6 =	sadd.s32 @!p0 s3, s7;
	s7 =	simm.s32 @!p0 $0x108  }
0x21: {  	s3 =	sadd.s32 s3, s9;
	s6 =	sadd.s32 @!p0 $0x88, s6;
	s7 =	simm.s32 @p2 $0x1082  }
0x22: {  	[simem:s7], [sflag:s8] =	dma.local @!p0 [hbm:s6], $0xF7A  }
0x23: {  	s9 =	sor.u32 $0xD0000000, s2;
	s6 =	simm.s32 $0x108;
	_ =	swait.ge @!p0 [sflag:s8], $0x0  }
0x24: {  	s3 =	sadd.s32 $0x88, s3;
	s6 =	simm.s32 @!p1 $0x1082;
	[sflag:s4] =	ssyncset.s32 $0xFFFFF086  }
0x25: {  	[simem:s6], [sflag:s4] =	dma.local [hbm:s3], $0xF7A  }
0x26: {  	[smem:$0x3F9F] =	sst s1;
	(tag) =	ssettag s2;
	_ =	strace s9  }
0x27: {  	s1 =	sld [smem:$0x3FAF]  }
0x28: {  	s2 =	sld [smem:$0x3FB0]  }
0x29: {  	s4 =	sld [smem:$0x3FB2]  }
0x2a: {  	p0 =	seq.s32 s5, $0x0;
	s5 =	sld [smem:$0x3FB3]  }
0x2b: {  	s6 =	sld [smem:$0x3FB4]  }
0x2c: {  	s7 =	sld [smem:$0x3FB5]  }
0x2d: {  	s3 =	simm.s32 $0x108;
	s8 =	sld [smem:$0x3FB6]  }
0x2e: {  	s3 =	simm.s32 @!p0 $0x1082;
	s9 =	sld [smem:$0x3FB7]  }
0x2f: {  	lr =	sadd.s32 s0, s3;
	s0 =	sld [smem:$0x3FAE]  }
0x30: {  	s3 =	sld [smem:$0x3FB1]  }
0x31: {  	[smem:$0x3FBA] =	sst s10  }
0x32: {  	s10 =	sld [smem:$0x3FB8];
	_ =	sdelay $0x3  }
0x33: {  	p0 =	seq.s32 s10, $0x1;
	s10 =	sld [smem:$0x3FBA];
	_ =	sdelay $0x3  }
0x34: {  	[smem:$0x3FBA] =	sst s10  }
0x35: {  	s10 =	sld [smem:$0x3FB9];
	_ =	sdelay $0x3  }
0x36: {  	p1 =	seq.s32 s10, $0x1;
	s10 =	sld [smem:$0x3FBA];
	_ =	sdelay $0x3  }
0x37: {  	[smem:$0x3FBA] =	sst s10  }
0x38: {  	s10 =	sld [smem:$0x3FBB]  }
0x39: {  	_ = 	snop;
	(pc) =	sbr.ind lr, $3  }
0x3a: {  	_ = 	snop  }
0x3b: {  	_ = 	snop  }
0x3c: {  	p2 =	seq.s32 s10, $0x1;
	s10 =	sld [smem:$0x3FBA]  }
0x3d: {  	_ =	shalt  }
0x3e: {  	_ =	shalt  }
0x3f: {  	_ =	shalt  }
0x40: {  	_ =	shalt  }
0x41: {  	_ =	shalt  }
0x42: {  	_ =	shalt  }
0x43: {  	_ =	shalt  }
0x44: {  	_ =	shalt  }
0x45: {  	_ =	shalt  }
0x46: {  	_ =	shalt  }
0x47: {  	_ =	shalt  }
0x48: {  	_ =	shalt  }
0x49: {  	_ =	shalt  }
0x4a: {  	_ =	shalt  }
0x4b: {  	_ =	shalt  }
0x4c: {  	_ =	shalt  }
0x4d: {  	_ =	shalt  }
0x4e: {  	_ =	shalt  }
0x4f: {  	_ =	shalt  }
0x50: {  	_ =	shalt  }
0x51: {  	_ =	shalt  }
0x52: {  	_ =	shalt  }
0x53: {  	_ =	shalt  }
0x54: {  	_ =	shalt  }
0x55: {  	_ =	shalt  }
0x56: {  	_ =	shalt  }
0x57: {  	_ =	shalt  }
0x58: {  	_ =	shalt  }
0x59: {  	_ =	shalt  }
0x5a: {  	_ =	shalt  }
0x5b: {  	_ =	shalt  }
0x5c: {  	_ =	shalt  }
0x5d: {  	_ =	shalt  }
0x5e: {  	_ =	shalt  }
0x5f: {  	_ =	shalt  }
0x60: {  	_ =	shalt  }
0x61: {  	_ =	shalt  }
0x62: {  	_ =	shalt  }
0x63: {  	_ =	shalt  }
0x64: {  	_ =	shalt  }
0x65: {  	_ =	shalt  }
0x66: {  	_ =	shalt  }
0x67: {  	_ =	shalt  }
0x68: {  	_ =	shalt  }
0x69: {  	_ =	shalt  }
0x6a: {  	_ =	shalt  }
0x6b: {  	_ =	shalt  }
0x6c: {  	_ =	shalt  }
0x6d: {  	_ =	shalt  }
0x6e: {  	_ =	shalt  }
0x6f: {  	_ =	shalt  }
0x70: {  	_ =	shalt  }
0x71: {  	_ =	shalt  }
0x72: {  	_ =	shalt  }
0x73: {  	_ =	shalt  }
0x74: {  	_ =	shalt  }
0x75: {  	_ =	shalt  }
0x76: {  	_ =	shalt  }
0x77: {  	_ =	shalt  }
0x78: {  	_ =	shalt  }
0x79: {  	_ =	shalt  }
0x7a: {  	_ =	shalt  }
0x7b: {  	_ =	shalt  }
0x7c: {  	_ =	shalt  }
0x7d: {  	_ =	shalt  }
0x7e: {  	_ =	shalt  }
0x7f: {  	_ =	shalt  }
0x80: {  	_ =	shalt  }
0x81: {  	_ =	shalt  }
0x82: {  	_ =	shalt  }
0x83: {  	_ =	shalt  }
0x84: {  	_ =	shalt  }
0x85: {  	_ =	shalt  }
0x86: {  	_ =	shalt  }
0x87: {  	_ =	shalt  }
.Lfunc_end0:
.L_simem_size_0:
called_computation_lowered:
.L_overlay_start_0:
0x88: {  	s2 =	sld [smem:$0x3FD9]  }
0x89: {  	s3 =	sld [smem:$0x3FFE];
	_ =	sdelay $0x1  }
0x8a: {  	s1 =	srdreg.scid  }
0x8b: {  	s0 =	sand.u32 $0x1, s1  }
0x8c: {  	s14 =	sshll.u32 s0, $0xA;
	s2 =	sadd.s32 s3, s2  }
0x8d: {  	s2 =	sadd.s32 s2, s14  }
0x8e: {  	[smem:$0x3FC6] =	sst s2  }
0x8f: {  	_ = 	snop  }
0x90: {  	s2 =	sld [smem:$0x3FD0];
	_ =	sdelay $0x2  }
0x91: {  	s15 =	simm.s32 $0xA;
	s4 =	simm.s32 $0x10  }
0x92: {  	[smem:s4], [sflag:s15] =	dma.local [hbm:s2], $0x1  }
0x93: {  	_ =	swait.eq [sflag:s15], $0x1  }
0x94: {  	[sflag:s15] =	ssyncset.done $0x0  }
0x95: {  	s16 =	sld [smem:$0x10];
	[sflag:s15] =	ssyncadd.s32 $0xFFFFFFFF  }
0x96: {  	s17 =	sld [smem:$0x11];
	(tm) =	ssettm $0x1  }
0x97: {  	s18 =	sld [smem:$0x3FFB];
	_ =	sdelay $0x3  }
0x98: {  	_ =	strace s18  }
0x99: {  	s4 =	sld [smem:$0x3FFC];
	_ =	sdelay $0x3  }
0x9a: {  	_ =	strace s4  }
0x9b: {  	s4 =	sld [smem:$0x3FFD];
	_ =	sdelay $0x3  }
0x9c: {  	_ =	strace s4  }
0x9d: {  	_ =	strace $0x8FFFFFFF  }
0x9e: {  	s19 =	sld [smem:$0x3FDB];
	_ =	sdelay $0x1  }
0x9f: {  	s5 =	simm.s32 $_scs_section_size  }
0xa0: {  	s6 =	simm.s32 $_size__tile_overlayer_lowered;
	s7 =	simm.s32 $_tile_overlayer_lowered  }
0xa1: {  	s22 =	simm.s32 $0x1BFF;
	s21 =	sshll.u32 s7, $0x1;
	s4 =	sadd.s32 s5, s19  }
0xa2: {  	s8 =	simm.s32 $0x0;
	s20 =	sshll.u32 s6, $0x1;
	s6 =	sadd.s32 s21, s4  }
0xa3: {  	[timem:s8], [sflag:s22] =	dma.local [hbm:s6], s20  }
0xa4: {  	_ =	swait.ge [sflag:s22], s20  }
0xa5: {  	s5 =	ssub.s32 $0x0, s20;
	[sflag:s22] =	ssyncset.done $0x0  }
0xa6: {  	[sflag:s22] =	ssyncadd.s32 s5;
	_ =	sdelay $0x1  }
0xa7: {  	s23 =	simm.s32 $0x1B8B  }
0xa8: {  	_ =	swait.ge [sflag:s23], $0x1  }
0xa9: {  	[sflag:s23] =	ssyncset.done $0x0  }
0xaa: {  	s25 =	simm.s32 $0x1B8E;
	s24 =	sld [smem:$0x3FFE];
	[sflag:s23] =	ssyncadd.s32 $0xFFFFFFFF  }
0xab: {  	s26 =	simm.s32 $execute0_lowered;
	[smem:$0x3FD2] =	sst s25  }
0xac: {  	s6 =	sshll.u32 s26, $0x1;
	_ =	strace $0x80000046;
	[dreg:$0x1] =	wrdreg $0xFFFFFFFF  }
0xad: {  	s28 =	simm.s32 $_size_execute0_lowered;
	s4 =	sadd.s32 s4, s6;
	[dreg:$0x0] =	wrdreg $0x0  }
0xae: {  	s6 =	sshll.u32 s28, $0x1;
	[dreg:$0x2] =	wrdreg s4  }
0xaf: {  	[dreg:$0x3] =	wrdreg s6  }
0xb0: {  	[dreg:$0x4] =	wrdreg $0xC0  }
0xb1: {  	_ =	task [dreg:s8], $0x5FFFF  }
0xb2: {  	[dreg:$0x1] =	wrdreg $0xFFFFFFFF  }
0xb3: {  	[dreg:$0x0] =	wrdreg $0x60  }
0xb4: {  	[dreg:$0x2] =	wrdreg s17  }
0xb5: {  	[dreg:$0x3] =	wrdreg s16  }
0xb6: {  	[dreg:$0x4] =	wrdreg s24  }
0xb7: {  	[dreg:$0x5] =	wrdreg $0x9  }
0xb8: {  	_ =	task.clear_ibuf [dreg:s8], $0x6FFFF;
	_ =	strace $0x90000046  }
0xb9: {  	s29 =	simm.s32 $0x9;
	_ =	strace $0x80000048  }
0xba: {  	_ =	swait.ge [sflag:s29], $0x1  }
0xbb: {  	[sflag:s29] =	ssyncadd.s32 $0xFFFFFFFF  }
0xbc: {  	_ =	strace $0x90000048  }
0xbd: {  	_ =	sfence  }
0xbe: {  	s30 =	sld [smem:$0x0];
	_ =	sdelay $0x2  }
0xbf: {  	s31 =	sshll.u32 s1, $0xD;
	s1 =	sshrl.u32 s1, $0x2  }
0xc0: {  	s3 =	sand.u32 $0x4000, s31;
	s1 =	sadd.s32 s1, s30  }
0xc1: {  	s0 =	sor.u32 s3, s0;
	s1 =	sshll.u32 s1, $0x11  }
0xc2: {  	s0 =	sor.u32 s1, s0  }
0xc3: {  	s0 =	sadd.s32 $0x8F2B, s0  }
0xc4: {  	[sflag:s0] =	ssyncadd.remote.s32 $0x1  }
0xc5: {  	_ =	sfence.sel $0xFFFF  }
0xc6: {  	[dreg:$0x0] =	wrdreg $0xFFFFFFFF;
	(pc) =	sbr.abs _section_cstart, $3  }
0xc7: {  	[dreg:$0x1] =	wrdreg $0xFFFFFFFF  }
0xc8: {  	_ =	task.clear_ibuf [dreg:s8], $0x2FFFF;
	_ =	strace $0x9FFFFFFF  }
0xc9: {  	(tm) =	ssettm $0x7FFFFFFF  }
tec
execute0_lowered:
.L_overlay_start_1:
0x0: {  	(tag) =	ssettag $0x1  }
0x1: {  	s0 =	srdreg.scid  }
0x2: {  	s2 =	stileid.u32;
	s1 =	rddreg [dreg:$0x2];
	s4 =	simm.s32 $0x0  }
0x3: {  	s11 =	simm.s32 $0x1;
	s14 =	simm.s32 $0x18000;
	s15 =	simm.s32 $0x18880  }
0x4: {  	s16 =	simm.s32 $0x19100;
	s17 =	simm.s32 $0x19980;
	s18 =	simm.s32 $0x1A200  }
0x5: {  	s19 =	simm.s32 $0x1C280;
	s0 =	sand.u32 $0x1, s0;
	s2 =	sshll.u32 s2, $0x1  }
0x6: {  	s24 =	simm.s32 $0x0;
	[smem:$0x7FF] =	sst s4;
	s2 =	sor.u32 s0, s2  }
.Ltmp0:
0x7: {  	s0 =	ssub.s32 $0x2, s0;
	s3 =	sshll.u32 s2, $0x4;
	(pc) =	sbr.rel .LBB2_1-.Ltmp0, $4  }
0x8: {  	s5 =	sshrl.u32 s0, $0x1;
	s3 =	sadd.s32 s3, s1;
	s1 =	sadd.s32 $0x1A00, s1  }
0x9: {  	v1 =	vimm.s32 $0xFFFFFFFF;
	_ =	strace $0x80000047;
	s0 =	ssub.s32 s0, s5;
	[dreg:$0x4] =	wrdreg s1  }
0xa: {  	v2 =	vimm.s32 $0x7FFFFFF;
	v3 =	vlaneseq.u32;
	v4 =	vimm.s32 $0x0;
	s31 =	sadd.s32 $0x2A00, s3;
	s7 =	sadd.s32 $0x2C00, s3;
	s8 =	sadd.s32 $0x2E00, s3  }
0xb: {  	vm1 =	vcmask $0x704;
	v5 =	vor.u32 $0x800, v3;
	v0 =	vmov s2;
	s9 =	sadd.s32 $0x3000, s3;
	s10 =	smax.u32 s0, $0x1;
	[dreg:$0x5] =	wrdreg s31  }
.LBB2_158:
0xc: {  	s3 =	simm.s32 @!p0 $0x0;
	s28 =	simm.s32 @!p0 $0xFFFFFFFF  }
0xd: {  	s28 =	simm.s32 @p0 $0x7F000000;
	s3 =	simm.s32 @p0 $0x0  }
.LBB2_204:
0xe: {  	v6 =	vmov s25;
	vm0 =	vcmask $0x300  }
0xf: {  	v7 =	vmov s26;
	v6 =	vnsel vm0, $0x0, v6  }
0x10: {  	v8 =	vmov s29;
	v7 =	vnsel vm0, $0x0, v7;
	v6 =	vsel vm1, s2, v6  }
0x11: {  	v63 =	vmov s31;
	[tilespmem:$0x1E300] =	vst v6;
	v6 =	vsel vm1, s0, v7;
	v7 =	vnsel vm0, $0x0, v8  }
0x12: {  	[tilespmem:$0x1E380] =	vst v6;
	v6 =	vsel vm1, s28, v7;
	v7 =	vnsel vm0, $0x0, v63  }
0x13: {  	[tilespmem:$0x1E400] =	vst v6;
	v6 =	vsel vm1, s3, v7  }
0x14: {  	s1 =	simm.s32 $0x1E300;
	s28 =	rddreg [dreg:$0x5];
	[tilespmem:$0x1E480] =	vst v6  }
0x15: {  	[hbm4b:s28+s4] =	stream.linear.scatter [tilespmem:s1], [sflag:$0x1], $0x80, $0x38;
	[tilespmem:$0x1E500] =	vst v63  }
0x16: {  	_ =	swait.ge [sflag:s11], $0x80  }
0x17: {  	[sflag:s11] =	ssyncset.done $0x0  }
0x18: {  	s29 =	simm.s32 $0x1E380;
	[sflag:s11] =	ssyncadd.s32 $0xFFFFFF80  }
0x19: {  	[hbm4b:s7+s4] =	stream.linear.scatter [tilespmem:s29], [sflag:$0x1], $0x80, $0x38;
	[tilespmem:$0x1E500] =	vst v63  }
0x1a: {  	_ =	swait.ge [sflag:s11], $0x80  }
0x1b: {  	[sflag:s11] =	ssyncset.done $0x0  }
0x1c: {  	s30 =	simm.s32 $0x1E400;
	[sflag:s11] =	ssyncadd.s32 $0xFFFFFF80  }
0x1d: {  	[hbm4b:s8+s4] =	stream.linear.scatter [tilespmem:s30], [sflag:$0x1], $0x80, $0x38;
	[tilespmem:$0x1E500] =	vst v63  }
0x1e: {  	s24 =	sadd.s32 $0x1, s24;
	_ =	swait.ge [sflag:s11], $0x80  }
0x1f: {  	p0 =	sne.s32 s24, s10;
	[sflag:s11] =	ssyncset.done $0x0  }
.Ltmp1:
0x20: {  	s31 =	simm.s32 $0x1E480;
	[sflag:s11] =	ssyncadd.s32 $0xFFFFFF80;
	(pc) =	sbr.rel @!p0 .LBB2_205-.Ltmp1, $4  }
0x21: {  	[hbm4b:s9+s4] =	stream.linear.scatter [tilespmem:s31], [sflag:$0x1], $0x80, $0x38;
	[tilespmem:$0x1E500] =	vst v63  }
0x22: {  	_ =	swait.ge [sflag:s11], $0x80  }
0x23: {  	[sflag:s11] =	ssyncset.done $0x0  }
0x24: {  	[sflag:s11] =	ssyncadd.s32 $0xFFFFFF80  }
.LBB2_1:
0x25: {  	s0 =	rddreg [dreg:$0x0]  }
0x26: {  	[tilespmem:s4], [sflag:$0x1] =	stream.linear.gather [hbm4b:s0+s4], $0x8000, $0x38;
	[tilespmem:$0x1E500] =	vst v63  }
0x27: {  	_ =	swait.ge [sflag:s11], $0x8000  }
0x28: {  	[sflag:s11] =	ssyncset.done $0x0  }
0x29: {  	[sflag:s11] =	ssyncadd.s32 $0xFFFF8000  }
0x2a: {  	s1 =	simm.s32 $0x8000;
	s29 =	rddreg [dreg:$0x1]  }
0x2b: {  	[tilespmem:s1], [sflag:$0x1] =	stream.linear.gather [hbm4b:s29+s4], $0x8000, $0x38;
	[tilespmem:$0x1E500] =	vst v63  }
0x2c: {  	_ =	swait.ge [sflag:s11], $0x8000  }
0x2d: {  	[sflag:s11] =	ssyncset.done $0x0  }
0x2e: {  	s31 =	simm.s32 $0x10000;
	s30 =	rddreg [dreg:$0x4];
	[sflag:s11] =	ssyncadd.s32 $0xFFFF8000  }
0x2f: {  	[tilespmem:s31], [sflag:$0x1] =	stream.linear.gather [hbm4b:s30+s4], $0x8000, $0x38;
	[tilespmem:$0x1E500] =	vst v63  }
0x30: {  	_ =	swait.ge [sflag:s11], $0x8000  }
0x31: {  	[sflag:s11] =	ssyncset.done $0x0  }
0x32: {  	s0 =	simm.s32 $0x0;
	s1 =	simm.s32 $0x100;
	[sflag:s11] =	ssyncadd.s32 $0xFFFF8000  }
.LBB2_2:
0x33: {  	p0 =	sne.s32 s1, $0x8000;
	[tilespmem:s0+$0x1C2B0] =	vst v2  }
0x34: {  	[tilespmem:s0+$0x1A200] =	vst v1  }
0x35: {  	[tilespmem:s0+$0x1C280] =	vst v2  }
.Ltmp2:
0x36: {  	[tilespmem:s0+$0x1A210] =	vst v1;
	(pc) =	sbr.rel @p0 .LBB2_2-.Ltmp2, $4  }
0x37: {  	[tilespmem:s0+$0x1C290] =	vst v2  }
0x38: {  	[tilespmem:s0+$0x1A220] =	vst v1  }
0x39: {  	[tilespmem:s0+$0x1C2A0] =	vst v2  }
0x3a: {  	[tilespmem:s0+$0x1A230] =	vst v1;
	s0 =	sshra.s32 s1, $0x2;
	s1 =	sadd.s32 $0x100, s1  }
0x3b: {  	[tilespmem:s0+$0x1C2B0] =	vst v2  }
0x3c: {  	[tilespmem:s0+$0x1A200] =	vst v1  }
0x3d: {  	[tilespmem:s0+$0x1C280] =	vst v2  }
0x3e: {  	[tilespmem:s0+$0x1A210] =	vst v1  }
0x3f: {  	[tilespmem:s0+$0x1C290] =	vst v2  }
0x40: {  	[tilespmem:s0+$0x1A220] =	vst v1  }
0x41: {  	[tilespmem:s0+$0x1C2A0] =	vst v2  }
0x42: {  	s25 =	simm.s32 $0x0;
	[tilespmem:s0+$0x1A230] =	vst v1;
	s2 =	simm.s32 $0x0;
	s0 =	simm.s32 $0x100  }
.LBB2_4:
0x43: {  	p0 =	sne.s32 s0, $0x2000;
	[tilespmem:s2+$0x199B0] =	vst v2  }
0x44: {  	[tilespmem:s2+$0x18880] =	vst v2  }
0x45: {  	[tilespmem:s2+$0x19980] =	vst v2  }
.Ltmp3:
0x46: {  	[tilespmem:s2+$0x18890] =	vst v2;
	(pc) =	sbr.rel @p0 .LBB2_4-.Ltmp3, $4  }
0x47: {  	[tilespmem:s2+$0x19990] =	vst v2  }
0x48: {  	[tilespmem:s2+$0x188A0] =	vst v2  }
0x49: {  	[tilespmem:s2+$0x199A0] =	vst v2  }
0x4a: {  	[tilespmem:s2+$0x188B0] =	vst v2;
	s2 =	sshra.s32 s0, $0x2;
	s0 =	sadd.s32 $0x100, s0  }
0x4b: {  	[tilespmem:s2+$0x199B0] =	vst v2  }
0x4c: {  	[tilespmem:s2+$0x18880] =	vst v2  }
0x4d: {  	[tilespmem:s2+$0x19980] =	vst v2  }
0x4e: {  	[tilespmem:s2+$0x18890] =	vst v2  }
0x4f: {  	[tilespmem:s2+$0x19990] =	vst v2  }
0x50: {  	[tilespmem:s2+$0x188A0] =	vst v2  }
0x51: {  	[tilespmem:s2+$0x199A0] =	vst v2;
	s0 =	simm.s32 $0x70;
	s1 =	simm.s32 $0x8040  }
0x52: {  	[tilespmem:s2+$0x188B0] =	vst v2;
	s2 =	simm.s32 $0x40;
	s3 =	simm.s32 $0x10040;
	s26 =	simm.s32 $0x0  }
.LBB2_6:
0x53: {  	v6 =	vld [tilespmem:s2+$0xFFFFFFC0]  }
0x54: {  	v7 =	vld [tilespmem:s1+$0xFFFFFFC0];
	s5 =	sadd.s32 $0xFFFFFF90, s0  }
0x55: {  	v11 =	vld [tilespmem:s1+$0xFFFFFFD0];
	s23 =	sadd.s32 $0xFFFFFFA0, s0;
	s28 =	sadd.s32 $0xFFFFFFB0, s0;
	s29 =	sadd.s32 $0xFFFFFFC0, s0  }
0x56: {  	v13 =	vld [tilespmem:s2+$0xFFFFFFE0];
	s30 =	sadd.s32 $0xFFFFFFD0, s0;
	p0 =	slt.s32 s26, $0x760;
	s13 =	smov.u32 s26  }
0x57: {  	v14 =	vld [tilespmem:s2+$0xFFFFFFF0];
	s12 =	smov.u32 s25;
	v12 =	vor.u32 s5, v3;
	v33 =	vor.u32 s23, v3;
	v37 =	vor.u32 s28, v3;
	s13 =	simm.s32 @!p0 $0x760;
	p0 =	slt.s32 s25, $0x760  }
0x58: {  	v43 =	vor.u32 s29, v3;
	v47 =	vor.u32 s30, v3;
	s12 =	simm.s32 @!p0 $0x760;
	v55 =	vmov s13  }
0x59: {  	v8 =	vld [tilespmem:s2+$0xFFFFFFD0];
	v56 =	vadd.s32 $0xFFFFFFFF, v55;
	v57 =	vmov s12;
	v9 =	vshra.s32 v6, $0x1  }
0x5a: {  	v10 =	vshra.s32 v7, $0x1;
	v6 =	vshll.u32 v6, $0xF;
	v7 =	vshll.u32 v7, $0xF  }
0x5b: {  	v34 =	vshll.u32 v11, $0xF;
	v38 =	vshra.s32 v13, $0x1;
	v39 =	vshll.u32 v13, $0xF  }
0x5c: {  	v45 =	vshll.u32 v14, $0xF;
	vm0 =	veq.s32 v9, v0;
	v7 =	vand.u32 $0x8000, v7  }
0x5d: {  	vm15 =	veq.s32 v10, v0;
	v6 =	vand.u32 $0x8000, v6;
	v18 =	vor.u32 v12, v7;
	v7 =	vld [tilespmem:s1+$0xFFFFFFE0]  }
0x5e: {  	vm13 =	veq.s32 v38, v0;
	v21 =	vor.u32 v12, v6;
	v6 =	vshra.s32 v8, $0x1  }
0x5f: {  	v9 =	vsel vm0, $0x1, v4;
	vm14 =	veq.s32 v6, v0;
	v6 =	vshra.s32 v11, $0x1  }
0x60: {  	v10 =	vsel vm15, $0x1, v4;
	(xrf0) =	vadd.scan.msk.s32 $0xffff, v9;
	vm9 =	veq.s32 v6, v0;
	v6 =	vshll.u32 v8, $0xF  }
0x61: {  	v40 =	vsel vm13, $0x1, v4;
	v35 =	vsel vm14, $0x1, v4;
	(xrf0) =	vadd.scan.msk.s32 $0xffff, v10;
	v6 =	vand.u32 $0x8000, v6  }
0x62: {  	(xrf0) =	vadd.scan.msk.s32 $0xffff, v35;
	v20 =	vor.u32 v33, v6;
	v6 =	vld [tilespmem:s1+$0xFFFFFFF0];
	v16 =	vshra.s32 v7, $0x1;
	v7 =	vshll.u32 v7, $0xF  }
0x63: {  	v8 =	vand.u32 $0x8000, v34;
	v10 =	vand.u32 $0x8000, v39;
	v7 =	vand.u32 $0x8000, v7  }
0x64: {  	v19 =	vld [tilespmem:s2+$0x0];
	v36 =	vsel vm9, $0x1, v4;
	v12 =	vor.u32 v37, v7;
	v7 =	vshra.s32 v14, $0x1  }
0x65: {  	v15 =	vor.u32 v33, v8;
	(xrf0) =	vadd.scan.msk.s32 $0xffff, v36;
	vm6 =	veq.s32 v16, v0;
	vm10 =	veq.s32 v7, v0;
	v7 =	vld [tilespmem:s1+$0x0]  }
0x66: {  	v16 =	vor.u32 v37, v10;
	v10 =	vand.u32 $0x8000, v45;
	v41 =	vsel vm6, $0x1, v4;
	v23, _, _ =	vpop (xrf0)  }
0x67: {  	(v2sf) =	vpush v23, $0xF;
	v24, _, _ =	vpop (xrf0);
	(xrf0) =	vadd.scan.msk.s32 $0xffff, v40;
	v42 =	vshra.s32 v6, $0x1;
	v6 =	vshll.u32 v6, $0xF  }
0x68: {  	v22 =	vld [tilespmem:s2+$0x10];
	v17 =	vor.u32 v43, v10;
	v26, _, _ =	vpop (xrf0);
	(v2sf) =	vpush v24, $0xF;
	v6 =	vand.u32 $0x8000, v6  }
0x69: {  	v8 =	vld [tilespmem:s2+$0x20];
	(xrf0) =	vadd.scan.msk.s32 $0xffff, v41;
	(v2sf) =	vpush v26, $0xF;
	v11 =	vor.u32 v43, v6;
	v6 =	vshra.s32 v19, $0x1  }
0x6a: {  	v44 =	vsel vm10, $0x1, v4;
	vm11 =	veq.s32 v6, v0;
	v6 =	vshra.s32 v7, $0x1  }
0x6b: {  	v10 =	vld [tilespmem:s1+$0x10];
	vm4 =	veq.s32 v42, v0;
	v27, _, _ =	vpop (xrf0);
	(xrf0) =	vadd.scan.msk.s32 $0xffff, v44;
	vm8 =	veq.s32 v6, v0;
	v6 =	vshll.u32 v19, $0xF  }
0x6c: {  	s31 =	sadd.s32 $0xFFFFFFE0, s0;
	v46 =	vsel vm4, $0x1, v4;
	(v2sf) =	vpush v27, $0xF;
	v49 =	vand.u32 $0x8000, v6;
	v6 =	vld [tilespmem:s1+$0x20]  }
0x6d: {  	v50 =	vshra.s32 v22, $0x1;
	v13 =	vor.u32 s31, v3;
	(xrf0) =	vadd.scan.msk.s32 $0xffff, v46;
	v48 =	vsel vm11, $0x1, v4;
	v28, _, _ =	vpop (xrf0)  }
0x6e: {  	vm12 =	veq.s32 v50, v0;
	v32 =	vshra.s32 v8, $0x1;
	(xrf0) =	vadd.scan.msk.s32 $0xffff, v48;
	(v2sf) =	vpush v28, $0xF  }
0x6f: {  	v30 =	vsel vm12, $0x1, v4;
	vm7 =	veq.s32 v32, v0;
	v32 =	vadd.s32 $0xFFFFFFFF, v57;
	v29, _, _ =	vpop (xrf0)  }
0x70: {  	v9 =	vld [tilespmem:s1+$0x30];
	v7 =	vshll.u32 v7, $0xF;
	v25 =	vsel vm8, $0x1, v4;
	(v2sf) =	vpush v29, $0xF  }
0x71: {  	v51 =	vshra.s32 v10, $0x1;
	v7 =	vand.u32 $0x8000, v7;
	v31, _, _ =	vpop (xrf0);
	(xrf0) =	vadd.scan.msk.s32 $0xffff, v25;
	v33 =	vshra.s32 v6, $0x1  }
0x72: {  	vm5 =	veq.s32 v51, v0;
	v14 =	vor.u32 v47, v7;
	v7 =	vld [tilespmem:s2+$0x30];
	(v2sf) =	vpush v31, $0xF  }
0x73: {  	v22 =	vshll.u32 v22, $0xF;
	v32 =	vbroadcast v32, $0x0;
	v52 =	vsel vm5, $0x1, v4;
	v34, _, _ =	vpop (xrf0);
	(xrf0) =	vadd.scan.msk.s32 $0xffff, v30  }
0x74: {  	v25 =	vbroadcast v56, $0x0;
	(v2sf) =	vpush v34, $0xF;
	(xrf0) =	vadd.scan.msk.s32 $0xffff, v52;
	vm2 =	veq.s32 v33, v0;
	v33, _, _ =	vpop (xrf0)  }
0x75: {  	v37 =	vshra.s32 v9, $0x1;
	v61 =	vadd.s32 v24, v32;
	(v2sf) =	vpush v33, $0xF  }
0x76: {  	v53 =	vsel vm7, $0x1, v4;
	v43 =	vsel vm15, v61, v5;
	v23 =	vadd.s32 v23, v25;
	s6 =	spop (v2sf)  }
0x77: {  	v38 =	vld [tilespmem:s3+$0xFFFFFFD0];
	v19 =	vor.u32 v47, v49;
	v60 =	vsel vm0, v23, v5;
	v54 =	vshra.s32 v7, $0x1;
	s20 =	sadd.s32 s13, s6;
	v39, _, _ =	vpop (xrf0);
	(xrf0) =	vadd.scan.msk.s32 $0xffff, v53;
	s21 =	spop (v2sf)  }
0x78: {  	v36 =	vld [tilespmem:s3+$0xFFFFFFC0];
	v35 =	vsel vm2, $0x1, v4;
	v40 =	vmov s20;
	s22 =	spop (v2sf);
	(v2sf) =	vpush v39, $0xF  }
0x79: {  	v41 =	vld [tilespmem:s3+$0xFFFFFFE0];
	vm0 =	veq.s32 v37, v0;
	vm3 =	veq.s32 v54, v0;
	v42, _, _ =	vpop (xrf0);
	(xrf0) =	vadd.scan.msk.s32 $0xffff, v35;
	s23 =	sadd.s32 s12, s21;
	v59 =	vadd.s32 $0xFFFFFFFF, v40;
	s5 =	sadd.s32 s6, s22  }
0x7a: {  	v32 =	vld [tilespmem:s3+$0x0];
	v63 =	vmov s23;
	(v2sf) =	vpush v42, $0xF;
	v44, _, _ =	vpop (xrf0);
	v62 =	vbroadcast v59, $0x0;
	s28 =	sadd.s32 s13, s5  }
0x7b: {  	v24 =	vld [tilespmem:s3+$0x20];
	s22 =	spop (v2sf);
	v23 =	vadd.s32 $0xFFFFFFFF, v63;
	(v2sf) =	vpush v44, $0xF;
	v45 =	vmov s28  }
0x7c: {  	v25 =	vld [tilespmem:s3+$0x10];
	s29 =	sadd.s32 s21, s22;
	v46 =	vbroadcast v23, $0x0;
	v26 =	vadd.s32 v26, v62;
	v45 =	vadd.s32 $0xFFFFFFFF, v45  }
0x7d: {  	v54 =	vsel vm0, $0x1, v4;
	v40 =	vld [tilespmem:s3+$0xFFFFFFF0];
	s22 =	sadd.s32 s12, s29;
	v47, _, _ =	vpop (xrf0);
	v26 =	vsel vm14, v26, v5;
	v48 =	vbroadcast v45, $0x0;
	s30 =	spop (v2sf)  }
0x7e: {  	v23 =	vld [tilespmem:s3+$0x30];
	[tilespmem:v60+s14+$0x0] =	vst.idx.msk $0xffff, v36;
	v49 =	vmov s22;
	v27 =	vadd.s32 v27, v46;
	s5 =	sadd.s32 s5, s30;
	(v2sf) =	vpush v47, $0xF  }
0x7f: {  	[tilespmem:v60+s15+$0x0] =	vst.idx.msk $0xffff, v21;
	v52 =	vadd.s32 $0xFFFFFFFF, v49;
	v50 =	vsel vm9, v27, v5;
	s31 =	spop (v2sf);
	v45, _, _ =	vpop (xrf0);
	v51 =	vadd.s32 v28, v48;
	s6 =	sadd.s32 s13, s5  }
0x80: {  	[tilespmem:v43+s16+$0x0] =	vst.idx.msk $0xffff, v36;
	v28 =	vbroadcast v52, $0x0;
	s20 =	sadd.s32 s29, s31;
	v53 =	vmov s6;
	(v2sf) =	vpush v45, $0xF  }
0x81: {  	v58 =	vsel vm3, $0x1, v4;
	[tilespmem:v43+s17+$0x0] =	vst.idx.msk $0xffff, v18;
	s23 =	spop (v2sf);
	v55 =	vsel vm13, v51, v5;
	s28 =	sadd.s32 s12, s20;
	v56 =	vadd.s32 $0xFFFFFFFF, v53  }
0x82: {  	s5 =	sadd.s32 s5, s23;
	v28 =	vadd.s32 v29, v28;
	v57 =	vmov s28;
	[tilespmem:v26+s14+$0x0] =	vst.idx.msk $0xffff, v38;
	v27 =	vbroadcast v56, $0x0  }
0x83: {  	(xrf0) =	vadd.scan.msk.s32 $0xffff, v58;
	s29 =	spop (v2sf);
	s30 =	sadd.s32 s13, s5;
	v58 =	vsel vm6, v28, v5;
	v59 =	vadd.s32 $0xFFFFFFFF, v57;
	[tilespmem:v26+s15+$0x0] =	vst.idx.msk $0xffff, v20  }
0x84: {  	s20 =	sadd.s32 s20, s29;
	v60 =	vmov s30;
	v26 =	vbroadcast v59, $0x0;
	[tilespmem:v50+s16+$0x0] =	vst.idx.msk $0xffff, v38;
	v27 =	vadd.s32 v31, v27;
	s31 =	spop (v2sf)  }
0x85: {  	(xrf0) =	vadd.scan.msk.s32 $0xffff, v54;
	s6 =	sadd.s32 s12, s20;
	v62 =	vadd.s32 $0xFFFFFFFF, v60;
	[tilespmem:v50+s17+$0x0] =	vst.idx.msk $0xffff, v15;
	v61 =	vsel vm10, v27, v5;
	s5 =	sadd.s32 s5, s31  }
0x86: {  	v63 =	vmov s6;
	v21 =	vbroadcast v62, $0x0;
	v26 =	vadd.s32 v34, v26;
	[tilespmem:v55+s14+$0x0] =	vst.idx.msk $0xffff, v41;
	s22 =	sadd.s32 s13, s5  }
0x87: {  	v27 =	vadd.s32 $0xFFFFFFFF, v63;
	v30 =	vsel vm4, v26, v5;
	s23 =	spop (v2sf);
	[tilespmem:v55+s15+$0x0] =	vst.idx.msk $0xffff, v16;
	v34 =	vmov s22  }
0x88: {  	v31 =	vbroadcast v27, $0x0;
	v21 =	vadd.s32 v33, v21;
	[tilespmem:v58+s16+$0x0] =	vst.idx.msk $0xffff, v41;
	s20 =	sadd.s32 s20, s23;
	v26 =	vadd.s32 $0xFFFFFFFF, v34  }
0x89: {  	v22 =	vand.u32 $0x8000, v22;
	v35 =	vsel vm11, v21, v5;
	s28 =	spop (v2sf);
	[tilespmem:v58+s17+$0x0] =	vst.idx.msk $0xffff, v12;
	s22 =	sadd.s32 s12, s20;
	v36 =	vbroadcast v26, $0x0  }
0x8a: {  	v22 =	vor.u32 v13, v22;
	v18 =	vadd.s32 v39, v31;
	s5 =	sadd.s32 s5, s28;
	[tilespmem:v61+s14+$0x0] =	vst.idx.msk $0xffff, v40;
	v38 =	vmov s22  }
0x8b: {  	v37, _, _ =	vpop (xrf0);
	v18 =	vsel vm8, v18, v5;
	s29 =	spop (v2sf);
	s30 =	sadd.s32 s13, s5;
	[tilespmem:v61+s15+$0x0] =	vst.idx.msk $0xffff, v17;
	v41 =	vadd.s32 v42, v36;
	v42 =	vadd.s32 $0xFFFFFFFF, v38  }
0x8c: {  	v39, _, _ =	vpop (xrf0);
	(v2sf) =	vpush v37, $0xF;
	s20 =	sadd.s32 s20, s29;
	v43 =	vmov s30;
	[tilespmem:v30+s16+$0x0] =	vst.idx.msk $0xffff, v40;
	v17 =	vbroadcast v42, $0x0  }
0x8d: {  	(v2sf) =	vpush v39, $0xF;
	s6 =	sadd.s32 s12, s20;
	v48 =	vadd.s32 $0xFFFFFFFF, v43;
	s31 =	spop (v2sf);
	[tilespmem:v30+s17+$0x0] =	vst.idx.msk $0xffff, v11;
	v46 =	vsel vm12, v41, v5  }
0x8e: {  	v50 =	vmov s6;
	v15 =	vbroadcast v48, $0x0;
	s5 =	sadd.s32 s5, s31;
	[tilespmem:v35+s14+$0x0] =	vst.idx.msk $0xffff, v32;
	v49 =	vadd.s32 v44, v17  }
0x8f: {  	v8 =	vshll.u32 v8, $0xF;
	v52 =	vadd.s32 $0xFFFFFFFF, v50;
	s23 =	spop (v2sf);
	[tilespmem:v35+s15+$0x0] =	vst.idx.msk $0xffff, v19;
	s13 =	sadd.s32 s13, s5;
	v51 =	vsel vm5, v49, v5  }
0x90: {  	v16 =	vbroadcast v52, $0x0;
	v15 =	vadd.s32 v47, v15;
	[tilespmem:v18+s16+$0x0] =	vst.idx.msk $0xffff, v32;
	s20 =	sadd.s32 s20, s23;
	v53 =	vmov s13  }
0x91: {  	v10 =	vshll.u32 v10, $0xF;
	v54 =	vsel vm7, v15, v5;
	[tilespmem:v18+s17+$0x0] =	vst.idx.msk $0xffff, v14;
	v55 =	vadd.s32 $0xFFFFFFFF, v53;
	s12 =	sadd.s32 s12, s20  }
0x92: {  	v16 =	vadd.s32 v45, v16;
	v15 =	vbroadcast v55, $0x0;
	v56 =	vmov s12;
	[tilespmem:v46+s14+$0x0] =	vst.idx.msk $0xffff, v25  }
0x93: {  	v10 =	vand.u32 $0x8000, v10;
	v57 =	vsel vm2, v16, v5;
	v58 =	vadd.s32 $0xFFFFFFFF, v56;
	[tilespmem:v46+s15+$0x0] =	vst.idx.msk $0xffff, v22  }
0x94: {  	v10 =	vor.u32 v13, v10;
	s28 =	sadd.s32 $0xFFFFFFF0, s0;
	v15 =	vadd.s32 v37, v15;
	v13 =	vbroadcast v58, $0x0;
	[tilespmem:v51+s16+$0x0] =	vst.idx.msk $0xffff, v25  }
0x95: {  	v8 =	vand.u32 $0x8000, v8;
	v59 =	vor.u32 s28, v3;
	v60 =	vsel vm3, v15, v5;
	[tilespmem:v51+s17+$0x0] =	vst.idx.msk $0xffff, v10  }
0x96: {  	v6 =	vshll.u32 v6, $0xF;
	v8 =	vor.u32 v59, v8;
	v61 =	vadd.s32 v39, v13;
	[tilespmem:v54+s14+$0x0] =	vst.idx.msk $0xffff, v24  }
0x97: {  	v6 =	vand.u32 $0x8000, v6;
	v62 =	vsel vm0, v61, v5;
	[tilespmem:v54+s15+$0x0] =	vst.idx.msk $0xffff, v8  }
0x98: {  	p0 =	sne.s32 s0, $0x7FF0;
	v7 =	vshll.u32 v7, $0xF;
	v6 =	vor.u32 v59, v6;
	[tilespmem:v57+s16+$0x0] =	vst.idx.msk $0xffff, v24  }
.Ltmp4:
0x99: {  	v7 =	vand.u32 $0x8000, v7;
	v63 =	vor.u32 s0, v3;
	[tilespmem:v57+s17+$0x0] =	vst.idx.msk $0xffff, v6;
	(pc) =	sbr.rel @p0 .LBB2_6-.Ltmp4, $4  }
0x9a: {  	s1 =	sadd.s32 $0x80, s1;
	v6 =	vor.u32 v63, v7;
	v7 =	vshll.u32 v9, $0xF;
	[tilespmem:v60+s14+$0x0] =	vst.idx.msk $0xffff, v23  }
0x9b: {  	s2 =	sadd.s32 $0x80, s2;
	s3 =	sadd.s32 $0x80, s3;
	s29 =	spop (v2sf);
	v7 =	vand.u32 $0x8000, v7;
	[tilespmem:v60+s15+$0x0] =	vst.idx.msk $0xffff, v6  }
0x9c: {  	s5 =	sadd.s32 s26, s5;
	s31 =	sadd.s32 s25, s20;
	s30 =	spop (v2sf);
	v6 =	vor.u32 v63, v7;
	[tilespmem:v62+s16+$0x0] =	vst.idx.msk $0xffff, v23  }
0x9d: {  	s0 =	sadd.s32 $0x80, s0;
	s26 =	sadd.s32 s29, s5;
	s25 =	sadd.s32 s30, s31;
	[tilespmem:v62+s17+$0x0] =	vst.idx.msk $0xffff, v6  }
0x9e: {  	p0 =	slt.s32 s26, $0x800  }
0x9f: {  	p1 =	slt.s32 s26, $0xFFFFFFF2;
	s26 =	simm.s32 @!p0 $0x800  }
0xa0: {  	s0 =	sadd.s32 $0xF, s26  }
0xa1: {  	s1 =	sand.u32 $0xF, s0  }
0xa2: {  	s2 =	sshra.s32 s0, $0x1F;
	p6 =	sne.s32 s1, $0x0  }
0xa3: {  	s31 =	sshrl.u32 s2, $0x1C;
	p0 =	por !p1, !p6  }
0xa4: {  	s1 =	simm.s32 $0x1;
	s0 =	sadd.s32 s31, s0;
	p0 =	por !p0, !p0  }
0xa5: {  	s0 =	sshra.s32 s0, $0x4;
	s1 =	simm.s32 @!p0 $0x0  }
0xa6: {  	s1 =	ssub.s32 s0, s1  }
0xa7: {  	p0 =	slt.s32 s1, $0x1  }
.Ltmp5:
0xa8: {  	_ = 	snop;
	(pc) =	sbr.rel @p0 .LBB2_14-.Ltmp5, $2  }
0xa9: {  	_ =	sdelay $0x2  }
0xaa: {  	s28 =	simm.s32 $0x0;
	s2 =	simm.s32 $0x0;
	s0 =	simm.s32 $0x0  }
0xab: {  	s0 =	simm.s32 $0x18880  }
0xac: {  	p1 =	sne.s32 s1, $0x1;
	v6 =	vld [tilespmem:s0+$0x0]  }
.Ltmp6:
0xad: {  	_ = 	snop;
	(pc) =	sbr.rel @!p1 .LBB2_9-.Ltmp6, $2  }
0xae: {  	_ =	sdelay $0x2  }
0xaf: {  	s1 =	sadd.s32 $0xFFFFFFFF, s1;
	p0 =	por $0x0, $0x0;
	s0 =	simm.s32 $0x18000;
	v8 =	vshra.s32 v6, $0xF  }
0xb0: {  	vm0 =	veq.s32 v8, $0x0  }
0xb1: {  	v7 =	vsel vm0, $0x1, v4  }
0xb2: {  	(xrf0) =	vadd.scan.msk.s32 $0xffff, v7;
	_ =	sdelay $0x5  }
0xb3: {  	v9, _, _ =	vpop (xrf0)  }
0xb4: {  	(v2sf) =	vpush v9, $0xF;
	_ =	sdelay $0x5  }
0xb5: {  	vm2 =	veq.s32 v8, $0x1  }
0xb6: {  	v7 =	vsel vm2, $0x1, v4  }
0xb7: {  	p0 =	por $0x1, $0x1;
	s3 =	simm.s32 $0x0;
	(xrf0) =	vadd.scan.msk.s32 $0xffff, v7  }
0xb8: {  	s3 =	simm.s32 @!p0 $0x7F0  }
0xb9: {  	v7 =	vmov s3  }
0xba: {  	s3 =	sadd.s32 $0x800, s3;
	v7 =	vadd.s32 $0xFFFFFFFF, v7  }
0xbb: {  	v8 =	vmov s3;
	v7 =	vbroadcast v7, $0x0  }
0xbc: {  	v8 =	vadd.s32 $0xFFFFFFFF, v8  }
0xbd: {  	v8 =	vbroadcast v8, $0x0;
	v9 =	vadd.s32 v9, v7;
	v7 =	vor.u32 $0x2000, v3;
	v10, _, _ =	vpop (xrf0)  }
0xbe: {  	v11 =	vld [tilespmem:s0+$0x0];
	v9 =	vsel vm0, v9, v7;
	s5 =	spop (v2sf);
	(v2sf) =	vpush v10, $0xF  }
0xbf: {  	v8 =	vadd.s32 v10, v8  }
0xc0: {  	v8 =	vsel vm2, v8, v7;
	_ =	sdelay $0x2  }
0xc1: {  	v6 =	vand.u32 $0x7FFF, v6;
	[tilespmem:v9+s18+$0x0] =	vst.idx.msk $0xffff, v11  }
0xc2: {  	[tilespmem:v9+s19+$0x0] =	vst.idx.msk $0xffff, v6  }
0xc3: {  	[tilespmem:v8+s18+$0x0] =	vst.idx.msk $0xffff, v11  }
0xc4: {  	s13 =	simm.s32 $0x18890;
	[tilespmem:v8+s19+$0x0] =	vst.idx.msk $0xffff, v6  }
0xc5: {  	p1 =	sne.s32 s1, $0x1;
	v6 =	vld [tilespmem:s13+$0x0]  }
.Ltmp7:
0xc6: {  	_ = 	snop;
	(pc) =	sbr.rel @!p1 .LBB2_11-.Ltmp7, $3  }
0xc7: {  	_ =	sdelay $0x1  }
0xc8: {  	s20 =	sadd.s32 $0xFFFFFFFF, s1;
	s1 =	simm.s32 $0x18000  }
0xc9: {  	s12 =	simm.s32 $0x0;
	p0 =	por $0x1, $0x1;
	s3 =	simm.s32 $0x0;
	v8 =	vshra.s32 v6, $0xF  }
.LBB2_12:
0xca: {  	s3 =	sadd.s32 s3, s5;
	s1 =	sadd.s32 $0x10, s1;
	s5 =	spop (v2sf)  }
0xcb: {  	vm2 =	veq.s32 v8, $0x0;
	vm0 =	veq.s32 v8, $0x1;
	p2 =	slt.s32 s3, $0x7F0;
	s12 =	sadd.s32 s12, s5;
	s5 =	smov.u32 s3  }
0xcc: {  	p1 =	sne.s32 s20, $0x1;
	v8 =	vsel vm2, $0x1, v4;
	v9 =	vsel vm0, $0x1, v4;
	s5 =	simm.s32 @!p2 $0x7F0  }
0xcd: {  	s20 =	sadd.s32 $0xFFFFFFFF, s20;
	p2 =	slt.s32 s12, $0x7F0;
	(xrf0) =	vadd.scan.msk.s32 $0xffff, v8;
	v8 =	vmov s5;
	s5 =	smov.u32 s12  }
0xce: {  	(xrf0) =	vadd.scan.msk.s32 $0xffff, v9;
	s5 =	simm.s32 @!p2 $0x7F0  }
0xcf: {  	v8 =	vadd.s32 $0xFFFFFFFF, v8;
	s5 =	sadd.s32 $0x800, s5  }
0xd0: {  	v9 =	vmov s5  }
0xd1: {  	v9 =	vadd.s32 $0xFFFFFFFF, v9  }
0xd2: {  	v8 =	vbroadcast v8, $0x0  }
0xd3: {  	v9 =	vbroadcast v9, $0x0;
	v10, _, _ =	vpop (xrf0)  }
0xd4: {  	v8 =	vadd.s32 v10, v8;
	(v2sf) =	vpush v10, $0xF;
	v10, _, _ =	vpop (xrf0)  }
0xd5: {  	v11 =	vld [tilespmem:s1+$0x0];
	v8 =	vsel vm2, v8, v7;
	v9 =	vadd.s32 v10, v9;
	(v2sf) =	vpush v10, $0xF;
	_ =	sdelay $0x1  }
0xd6: {  	v9 =	vsel vm0, v9, v7;
	_ =	sdelay $0x2  }
0xd7: {  	v6 =	vand.u32 $0x7FFF, v6;
	[tilespmem:v8+s18+$0x0] =	vst.idx.msk $0xffff, v11  }
0xd8: {  	[tilespmem:v8+s19+$0x0] =	vst.idx.msk $0xffff, v6  }
0xd9: {  	[tilespmem:v9+s18+$0x0] =	vst.idx.msk $0xffff, v11  }
0xda: {  	s13 =	sadd.s32 $0x10, s13;
	[tilespmem:v9+s19+$0x0] =	vst.idx.msk $0xffff, v6  }
0xdb: {  	v6 =	vld [tilespmem:s13+$0x0]  }
.Ltmp8:
0xdc: {  	(pc) =	sbr.rel @p1 .LBB2_12-.Ltmp8, $2  }
0xdd: {  	_ =	sdelay $0x2  }
0xde: {  	v8 =	vshra.s32 v6, $0xF;
	s5 =	spop (v2sf)  }
.LBB2_13:
0xdf: {  	vm2 =	veq.s32 v8, $0x0  }
0xe0: {  	vm0 =	veq.s32 v8, $0x1;
	v7 =	vsel vm2, $0x1, v4  }
0xe1: {  	v8 =	vsel vm0, $0x1, v4;
	(xrf0) =	vadd.scan.msk.s32 $0xffff, v7  }
0xe2: {  	(xrf0) =	vadd.scan.msk.s32 $0xffff, v8;
	_ =	sdelay $0x4  }
0xe3: {  	v7, _, _ =	vpop (xrf0)  }
0xe4: {  	s3 =	sadd.s32 @p0 s3, s5;
	s5 =	spop @p0 (v2sf);
	s13 =	simm.s32 $0x0;
	(v2sf) =	vpush v7, $0xF;
	v8, _, _ =	vpop (xrf0)  }
0xe5: {  	s13 =	smov.u32 @p0 s3;
	s3 =	sadd.s32 @p0 s12, s5;
	s5 =	simm.s32 $0x0;
	(v2sf) =	vpush v8, $0xF  }
0xe6: {  	p1 =	slt.s32 s13, $0x7F0;
	s12 =	smov.u32 s13;
	s5 =	smov.u32 @p0 s3  }
0xe7: {  	s12 =	simm.s32 @!p1 $0x7F0;
	p1 =	slt.s32 s5, $0x7F0;
	s3 =	smov.u32 s5  }
0xe8: {  	v9 =	vmov s12;
	s3 =	simm.s32 @!p1 $0x7F0  }
0xe9: {  	v9 =	vadd.s32 $0xFFFFFFFF, v9;
	s3 =	sadd.s32 $0x800, s3  }
0xea: {  	v10 =	vmov s3;
	v9 =	vbroadcast v9, $0x0  }
0xeb: {  	s1 =	sadd.s32 @p0 $0x10, s1;
	v10 =	vadd.s32 $0xFFFFFFFF, v10  }
0xec: {  	v63 =	vor.u32 $0x2000, v3;
	s0 =	smov.u32 @p0 s1;
	v10 =	vbroadcast v10, $0x0;
	v7 =	vadd.s32 v7, v9  }
0xed: {  	v11 =	vld [tilespmem:s0+$0x0];
	v7 =	vsel vm2, v7, v63  }
0xee: {  	v8 =	vadd.s32 v8, v10  }
0xef: {  	v8 =	vsel vm0, v8, v63;
	_ =	sdelay $0x2  }
0xf0: {  	v6 =	vand.u32 $0x7FFF, v6;
	[tilespmem:v7+s18+$0x0] =	vst.idx.msk $0xffff, v11  }
0xf1: {  	[tilespmem:v7+s19+$0x0] =	vst.idx.msk $0xffff, v6;
	s30 =	spop (v2sf)  }
0xf2: {  	[tilespmem:v8+s18+$0x0] =	vst.idx.msk $0xffff, v11;
	s31 =	spop (v2sf)  }
0xf3: {  	[tilespmem:v8+s19+$0x0] =	vst.idx.msk $0xffff, v6;
	s0 =	sadd.s32 s13, s30;
	s28 =	sadd.s32 s5, s31  }
.LBB2_14:
0xf4: {  	p0 =	slt.s32 s25, $0x800  }
0xf5: {  	p1 =	slt.s32 s25, $0xFFFFFFF2;
	s25 =	simm.s32 @!p0 $0x800  }
0xf6: {  	s1 =	sadd.s32 $0xF, s25  }
0xf7: {  	s3 =	sand.u32 $0xF, s1  }
0xf8: {  	s31 =	sshra.s32 s1, $0x1F;
	p6 =	sne.s32 s3, $0x0  }
0xf9: {  	s3 =	sshrl.u32 s31, $0x1C;
	p0 =	por !p1, !p6  }
0xfa: {  	s1 =	sadd.s32 s3, s1;
	s3 =	simm.s32 $0x1;
	p0 =	por !p0, !p0  }
0xfb: {  	s1 =	sshra.s32 s1, $0x4;
	s3 =	simm.s32 @!p0 $0x0  }
0xfc: {  	s3 =	ssub.s32 s1, s3  }
0xfd: {  	p0 =	slt.s32 s3, $0x1  }
.Ltmp9:
0xfe: {  	_ = 	snop;
	(pc) =	sbr.rel @p0 .LBB2_15-.Ltmp9, $1  }
0xff: {  	_ =	sdelay $0x3  }
0x100: {  	s1 =	simm.s32 $0x19980  }
0x101: {  	p1 =	sne.s32 s3, $0x1;
	v6 =	vld [tilespmem:s1+$0x0]  }
.Ltmp10:
0x102: {  	_ = 	snop;
	(pc) =	sbr.rel @!p1 .LBB2_17-.Ltmp10, $2  }
0x103: {  	_ =	sdelay $0x2  }
0x104: {  	s3 =	sadd.s32 $0xFFFFFFFF, s3;
	p0 =	por $0x0, $0x0;
	s1 =	simm.s32 $0x19100;
	v8 =	vshra.s32 v6, $0xF  }
0x105: {  	vm0 =	veq.s32 v8, $0x0  }
0x106: {  	v7 =	vsel vm0, $0x1, v4  }
0x107: {  	(xrf0) =	vadd.scan.msk.s32 $0xffff, v7;
	_ =	sdelay $0x5  }
0x108: {  	v9, _, _ =	vpop (xrf0)  }
0x109: {  	(v2sf) =	vpush v9, $0xF;
	_ =	sdelay $0x5  }
0x10a: {  	vm2 =	veq.s32 v8, $0x1;
	p0 =	por $0x1, $0x1;
	s5 =	simm.s32 $0x0  }
0x10b: {  	s5 =	simm.s32 @!p0 $0x7F0;
	v7 =	vsel vm2, $0x1, v4  }
0x10c: {  	s12 =	sadd.s32 $0x1000, s5;
	(xrf0) =	vadd.scan.msk.s32 $0xffff, v7  }
0x10d: {  	v7 =	vmov s12  }
0x10e: {  	s5 =	sadd.s32 $0x1800, s5;
	v7 =	vadd.s32 $0xFFFFFFFF, v7  }
0x10f: {  	v8 =	vmov s5;
	v7 =	vbroadcast v7, $0x0  }
0x110: {  	v8 =	vadd.s32 $0xFFFFFFFF, v8  }
0x111: {  	v8 =	vbroadcast v8, $0x0;
	v9 =	vadd.s32 v9, v7;
	v7 =	vor.u32 $0x2000, v3  }
0x112: {  	v11 =	vld [tilespmem:s1+$0x0];
	v10, _, _ =	vpop (xrf0);
	v9 =	vsel vm0, v9, v7  }
0x113: {  	v8 =	vadd.s32 v10, v8;
	s5 =	spop (v2sf);
	(v2sf) =	vpush v10, $0xF  }
0x114: {  	v8 =	vsel vm2, v8, v7;
	_ =	sdelay $0x2  }
0x115: {  	v6 =	vand.u32 $0x7FFF, v6;
	[tilespmem:v9+s18+$0x0] =	vst.idx.msk $0xffff, v11  }
0x116: {  	[tilespmem:v9+s19+$0x0] =	vst.idx.msk $0xffff, v6  }
0x117: {  	[tilespmem:v8+s18+$0x0] =	vst.idx.msk $0xffff, v11  }
0x118: {  	s20 =	simm.s32 $0x19990;
	[tilespmem:v8+s19+$0x0] =	vst.idx.msk $0xffff, v6  }
0x119: {  	p1 =	sne.s32 s3, $0x1;
	v6 =	vld [tilespmem:s20+$0x0]  }
.Ltmp11:
0x11a: {  	_ = 	snop;
	(pc) =	sbr.rel @!p1 .LBB2_19-.Ltmp11, $3  }
0x11b: {  	_ =	sdelay $0x1  }
0x11c: {  	s21 =	sadd.s32 $0xFFFFFFFF, s3;
	s13 =	simm.s32 $0x0  }
0x11d: {  	s3 =	simm.s32 $0x19100;
	p0 =	por $0x1, $0x1;
	s12 =	simm.s32 $0x0;
	v8 =	vshra.s32 v6, $0xF  }
.LBB2_20:
0x11e: {  	s13 =	sadd.s32 s13, s5;
	s3 =	sadd.s32 $0x10, s3  }
0x11f: {  	vm2 =	veq.s32 v8, $0x0;
	vm0 =	veq.s32 v8, $0x1;
	s5 =	spop (v2sf);
	p1 =	sne.s32 s21, $0x1;
	s21 =	sadd.s32 $0xFFFFFFFF, s21  }
0x120: {  	v8 =	vsel vm2, $0x1, v4;
	p2 =	slt.s32 s13, $0x7F0;
	v9 =	vsel vm0, $0x1, v4;
	s12 =	sadd.s32 s12, s5;
	s5 =	smov.u32 s13  }
0x121: {  	s5 =	simm.s32 @!p2 $0x7F0;
	p2 =	slt.s32 s12, $0x7F0;
	(xrf0) =	vadd.scan.msk.s32 $0xffff, v8;
	s22 =	smov.u32 s12  }
0x122: {  	s5 =	sadd.s32 $0x1000, s5;
	s22 =	simm.s32 @!p2 $0x7F0;
	(xrf0) =	vadd.scan.msk.s32 $0xffff, v9  }
0x123: {  	v8 =	vmov s5;
	s5 =	sadd.s32 $0x1800, s22  }
0x124: {  	v8 =	vadd.s32 $0xFFFFFFFF, v8;
	v9 =	vmov s5  }
0x125: {  	v9 =	vadd.s32 $0xFFFFFFFF, v9  }
0x126: {  	v8 =	vbroadcast v8, $0x0  }
0x127: {  	v9 =	vbroadcast v9, $0x0;
	v10, _, _ =	vpop (xrf0)  }
0x128: {  	v8 =	vadd.s32 v10, v8;
	(v2sf) =	vpush v10, $0xF;
	v10, _, _ =	vpop (xrf0)  }
0x129: {  	v11 =	vld [tilespmem:s3+$0x0];
	v8 =	vsel vm2, v8, v7;
	v9 =	vadd.s32 v10, v9;
	(v2sf) =	vpush v10, $0xF;
	_ =	sdelay $0x1  }
0x12a: {  	v9 =	vsel vm0, v9, v7;
	_ =	sdelay $0x2  }
0x12b: {  	v6 =	vand.u32 $0x7FFF, v6;
	[tilespmem:v8+s18+$0x0] =	vst.idx.msk $0xffff, v11  }
0x12c: {  	[tilespmem:v8+s19+$0x0] =	vst.idx.msk $0xffff, v6  }
0x12d: {  	[tilespmem:v9+s18+$0x0] =	vst.idx.msk $0xffff, v11  }
0x12e: {  	s20 =	sadd.s32 $0x10, s20;
	[tilespmem:v9+s19+$0x0] =	vst.idx.msk $0xffff, v6  }
0x12f: {  	v6 =	vld [tilespmem:s20+$0x0]  }
.Ltmp12:
0x130: {  	(pc) =	sbr.rel @p1 .LBB2_20-.Ltmp12, $2  }
0x131: {  	_ =	sdelay $0x2  }
0x132: {  	v8 =	vshra.s32 v6, $0xF;
	s5 =	spop (v2sf)  }
.LBB2_21:
0x133: {  	vm2 =	veq.s32 v8, $0x0  }
0x134: {  	vm0 =	veq.s32 v8, $0x1;
	v7 =	vsel vm2, $0x1, v4  }
0x135: {  	v8 =	vsel vm0, $0x1, v4;
	(xrf0) =	vadd.scan.msk.s32 $0xffff, v7  }
0x136: {  	(xrf0) =	vadd.scan.msk.s32 $0xffff, v8;
	_ =	sdelay $0x4  }
0x137: {  	s5 =	sadd.s32 @p0 s13, s5;
	s13 =	simm.s32 $0x0;
	v7, _, _ =	vpop (xrf0)  }
0x138: {  	s20 =	spop @p0 (v2sf);
	s13 =	smov.u32 @p0 s5;
	(v2sf) =	vpush v7, $0xF;
	v8, _, _ =	vpop (xrf0)  }
0x139: {  	s5 =	sadd.s32 @p0 s12, s20;
	p1 =	slt.s32 s13, $0x7F0;
	s12 =	smov.u32 s13;
	(v2sf) =	vpush v8, $0xF  }
0x13a: {  	s2 =	smov.u32 @p0 s5;
	s12 =	simm.s32 @!p1 $0x7F0  }
0x13b: {  	p1 =	slt.s32 s2, $0x7F0;
	s25 =	sadd.s32 $0x1000, s12;
	s12 =	smov.u32 s2  }
0x13c: {  	s12 =	simm.s32 @!p1 $0x7F0;
	v9 =	vmov s25  }
0x13d: {  	s26 =	sadd.s32 $0x1800, s12;
	v9 =	vadd.s32 $0xFFFFFFFF, v9  }
0x13e: {  	v10 =	vmov s26;
	v9 =	vbroadcast v9, $0x0  }
0x13f: {  	s3 =	sadd.s32 @p0 $0x10, s3;
	v10 =	vadd.s32 $0xFFFFFFFF, v10  }
0x140: {  	v63 =	vor.u32 $0x2000, v3;
	s1 =	smov.u32 @p0 s3;
	v10 =	vbroadcast v10, $0x0;
	v7 =	vadd.s32 v7, v9  }
0x141: {  	v11 =	vld [tilespmem:s1+$0x0];
	v7 =	vsel vm2, v7, v63  }
0x142: {  	v8 =	vadd.s32 v8, v10  }
0x143: {  	v8 =	vsel vm0, v8, v63;
	_ =	sdelay $0x1  }
.Ltmp13:
0x144: {  	_ = 	snop;
	(pc) =	sbr.rel .LBB2_22-.Ltmp13, $4  }
0x145: {  	v6 =	vand.u32 $0x7FFF, v6;
	[tilespmem:v7+s18+$0x0] =	vst.idx.msk $0xffff, v11  }
0x146: {  	[tilespmem:v7+s19+$0x0] =	vst.idx.msk $0xffff, v6;
	s29 =	spop (v2sf)  }
0x147: {  	[tilespmem:v8+s18+$0x0] =	vst.idx.msk $0xffff, v11;
	s31 =	spop (v2sf);
	s1 =	sadd.s32 s13, s29  }
0x148: {  	[tilespmem:v8+s19+$0x0] =	vst.idx.msk $0xffff, v6;
	s30 =	sadd.s32 s2, s31;
	s2 =	smov.u32 s1  }
.LBB2_15:
0x149: {  	s30 =	simm.s32 $0x0  }
.LBB2_22:
0x14a: {  	p0 =	slt.s32 s0, $0x401  }
.Ltmp14:
0x14b: {  	_ = 	snop;
	(pc) =	sbr.rel @!p0 .LBB2_24-.Ltmp14, $1  }
0x14c: {  	_ =	sdelay $0x3  }
0x14d: {  	s26 =	simm.s32 $0x0;
	s25 =	simm.s32 $0xFFFFFFFF  }
.LBB2_63:
0x14e: {  	s1 =	ssub.s32 $0x400, s0  }
0x14f: {  	p0 =	slt.s32 s1, $0x1  }
0x150: {  	p1 =	sge.s32 @!p0 s1, s2  }
0x151: {  	p1 =	por p0, p1  }
.Ltmp15:
0x152: {  	_ = 	snop;
	(pc) =	sbr.rel @p1 .LBB2_64-.Ltmp15, $1  }
0x153: {  	_ =	sdelay $0x3  }
0x154: {  	p0 =	slt.s32 s2, $0x800  }
0x155: {  	s2 =	simm.s32 @!p0 $0x800  }
0x156: {  	s0 =	sadd.s32 $0xF, s2  }
0x157: {  	s2 =	sshra.s32 s0, $0x1F  }
0x158: {  	s2 =	sshrl.u32 s2, $0x1C  }
0x159: {  	s0 =	sadd.s32 s2, s0  }
0x15a: {  	s0 =	sshra.s32 s0, $0x4  }
0x15b: {  	p0 =	sgt.s32 s0, $0x1  }
0x15c: {  	s3 =	simm.s32 $0x3F800001;
	s29 =	simm.s32 $0x0;
	s0 =	simm.s32 @!p0 $0x1  }
0x15d: {  	s12 =	simm.s32 $0x0;
	s2 =	simm.s32 $0x0;
	s0 =	sshll.u32 s0, $0x4  }
.LBB2_66:
0x15e: {  	s5 =	sadd.s32 s29, s3  }
0x15f: {  	p5 =	sne.s32 s0, $0x10;
	s13 =	sand.u32 $0x1, s5  }
0x160: {  	s20 =	sand.u32 $0xFFFFFFF0, s2;
	p0 =	slt.s32 s5, $0x1;
	p1 =	seq.s32 s13, $0x1  }
.Ltmp16:
0x161: {  	s31 =	sshrl.u32 s5, $0x1F;
	p0 =	por !p0, !p1;
	(pc) =	sbr.rel @!p5 .LBB2_67-.Ltmp16, $4  }
0x162: {  	s5 =	sadd.s32 s31, s5;
	s13 =	simm.s32 $0x1;
	p0 =	por !p0, !p0  }
0x163: {  	p2 =	por $0x0, $0x0;
	s5 =	sshra.s32 s5, $0x1;
	s13 =	simm.s32 @!p0 $0x0  }
0x164: {  	p3 =	por $0x0, $0x0;
	p4 =	por $0x0, $0x0;
	s13 =	ssub.s32 s5, s13  }
0x165: {  	p1 =	por $0x0, $0x0;
	p0 =	por $0x0, $0x0;
	s5 =	simm.s32 $0x10;
	v6 =	vmov s13  }
0x166: {  	v7 =	vld [tilespmem:s20+$0x1B200];
	p5 =	sne.s32 s0, $0x20  }
.Ltmp17:
0x167: {  	_ = 	snop;
	(pc) =	sbr.rel @!p5 .LBB2_69-.Ltmp17, $2  }
0x168: {  	_ =	sdelay $0x2  }
0x169: {  	s22 =	simm.s32 $0x20;
	s20 =	sand.u32 $0xFFFFFFF0, s5;
	p0 =	por $0x1, $0x1;
	vm0 =	vgt.s32 v7, v6  }
0x16a: {  	v7 =	vld [tilespmem:s20+$0x1B200];
	p5 =	sne.s32 s0, $0x30  }
.Ltmp18:
0x16b: {  	_ = 	snop;
	(pc) =	sbr.rel @!p5 .LBB2_71-.Ltmp18, $3  }
0x16c: {  	_ =	sdelay $0x1  }
0x16d: {  	v8 =	vsel vm0, $0x1, v4  }
0x16e: {  	s21 =	simm.s32 $0x30;
	s20 =	sand.u32 $0xFFFFFFF0, s22;
	p1 =	por $0x1, $0x1;
	(xrf0) =	vadd.scan.msk.s32 $0xffff, v8;
	vm0 =	vgt.s32 v7, v6  }
0x16f: {  	_ = 	snop  }
0x170: {  	v7 =	vld [tilespmem:s20+$0x1B200];
	p5 =	sne.s32 s0, $0x40  }
.Ltmp19:
0x171: {  	_ = 	snop;
	(pc) =	sbr.rel @!p5 .LBB2_73-.Ltmp19, $3  }
0x172: {  	_ =	sdelay $0x1  }
0x173: {  	v8 =	vsel vm0, $0x1, v4;
	v9, _, _ =	vpop (xrf0)  }
0x174: {  	s5 =	simm.s32 $0x40;
	s20 =	sand.u32 $0xFFFFFFF0, s21;
	p2 =	por $0x1, $0x1;
	(xrf0) =	vadd.scan.msk.s32 $0xffff, v8;
	vm0 =	vgt.s32 v7, v6;
	(v2sf) =	vpush v9, $0xF  }
0x175: {  	_ =	sdelay $0x4  }
0x176: {  	v9, _, _ =	vpop (xrf0)  }
0x177: {  	(v2sf) =	vpush v9, $0xF;
	_ =	sdelay $0x2  }
0x178: {  	v7 =	vld [tilespmem:s20+$0x1B200];
	p5 =	sne.s32 s0, $0x50  }
.Ltmp20:
0x179: {  	_ = 	snop;
	(pc) =	sbr.rel @!p5 .LBB2_75-.Ltmp20, $3  }
0x17a: {  	_ =	sdelay $0x1  }
0x17b: {  	v8 =	vsel vm0, $0x1, v4  }
0x17c: {  	s21 =	simm.s32 $0x50;
	s20 =	sand.u32 $0xFFFFFFF0, s5;
	p3 =	por $0x1, $0x1;
	(xrf0) =	vadd.scan.msk.s32 $0xffff, v8;
	vm0 =	vgt.s32 v7, v6  }
0x17d: {  	_ =	sdelay $0x4  }
0x17e: {  	v9, _, _ =	vpop (xrf0)  }
0x17f: {  	(v2sf) =	vpush v9, $0xF;
	_ =	sdelay $0x2  }
0x180: {  	v7 =	vld [tilespmem:s20+$0x1B200];
	p5 =	sne.s32 s0, $0x60  }
.Ltmp21:
0x181: {  	v8 =	vsel vm0, $0x1, v4;
	(pc) =	sbr.rel @!p5 .LBB2_77-.Ltmp21, $3  }
0x182: {  	(xrf0) =	vadd.scan.msk.s32 $0xffff, v8;
	_ =	sdelay $0x1  }
0x183: {  	s23 =	simm.s32 $0x60;
	s20 =	sand.u32 $0xFFFFFFF0, s21  }
0x184: {  	s22 =	spop (v2sf);
	p4 =	por $0x1, $0x1;
	s21 =	simm.s32 $0x0;
	vm0 =	vgt.s32 v7, v6  }
.LBB2_78:
0x185: {  	s5 =	smov.u32 s23;
	s23 =	sadd.s32 $0x10, s23  }
0x186: {  	v7 =	vld [tilespmem:s20+$0x1B200];
	v9 =	vsel vm0, $0x1, v4;
	s21 =	sadd.s32 s21, s22;
	p5 =	sne.s32 s0, s23  }
.Ltmp22:
0x187: {  	(xrf0) =	vadd.scan.msk.s32 $0xffff, v9;
	v8, _, _ =	vpop (xrf0);
	(pc) =	sbr.rel @p5 .LBB2_78-.Ltmp22, $2  }
0x188: {  	(v2sf) =	vpush v8, $0xF;
	_ =	sdelay $0x2  }
0x189: {  	s20 =	sand.u32 $0xFFFFFFF0, s5;
	vm0 =	vgt.s32 v7, v6;
	s22 =	spop (v2sf)  }
0x18a: {  	_ = 	snop  }
.LBB2_80:
0x18b: {  	v7 =	vld [tilespmem:s20+$0x1B200];
	_ =	sdelay $0x3  }
0x18c: {  	v8 =	vsel @p0 vm0, $0x1, v4  }
0x18d: {  	(xrf0) =	vadd.scan.msk.s32 @p0 $0xffff, v8;
	vm0 =	vgt.s32 v7, v6  }
0x18e: {  	v6 =	vsel vm0, $0x1, v4;
	_ =	sdelay $0x1  }
0x18f: {  	(xrf0) =	vadd.scan.msk.s32 $0xffff, v6  }
0x190: {  	v6, _, _ =	vpop @p1 (xrf0)  }
0x191: {  	(v2sf) =	vpush @p1 v6, $0xF  }
0x192: {  	v6, _, _ =	vpop @p0 (xrf0)  }
0x193: {  	(v2sf) =	vpush @p0 v6, $0xF;
	_ =	sdelay $0x1  }
0x194: {  	v6, _, _ =	vpop (xrf0)  }
0x195: {  	(v2sf) =	vpush v6, $0xF;
	_ =	sdelay $0x5  }
0x196: {  	s5 =	spop @p3 (v2sf);
	s20 =	sadd.s32 @p4 s21, s22;
	s21 =	simm.s32 $0x0  }
0x197: {  	s5 =	smov.u32 @p3 s5;
	s21 =	smov.u32 @p4 s20  }
0x198: {  	s5 =	sadd.s32 @p3 s21, s5;
	s21 =	simm.s32 $0x0;
	s20 =	spop @p2 (v2sf)  }
0x199: {  	s21 =	smov.u32 @p3 s5;
	s20 =	smov.u32 @p2 s20  }
0x19a: {  	s5 =	sadd.s32 @p2 s21, s20;
	s21 =	simm.s32 $0x0;
	s20 =	spop @p1 (v2sf)  }
0x19b: {  	s21 =	smov.u32 @p2 s5;
	s20 =	smov.u32 @p1 s20  }
0x19c: {  	s5 =	sadd.s32 @p1 s21, s20;
	s20 =	spop @p0 (v2sf);
	s21 =	simm.s32 $0x0  }
0x19d: {  	s20 =	smov.u32 @p0 s20;
	s21 =	smov.u32 @p1 s5  }
0x19e: {  	s5 =	sadd.s32 @p0 s21, s20;
	s20 =	simm.s32 $0x0  }
0x19f: {  	s31 =	spop (v2sf);
	s20 =	smov.u32 @p0 s5  }
0x1a0: {  	s12 =	sadd.s32 $0x1, s12;
	s5 =	sadd.s32 s20, s31  }
0x1a1: {  	s20 =	smov.u32 s29;
	p0 =	sge.s32 s5, s1;
	s5 =	sadd.s32 $0x1, s13  }
0x1a2: {  	s20 =	smov.u32 @p0 s5;
	s13 =	smov.u32 @p0 s3;
	p0 =	seq.s32 s12, $0x1F  }
.Ltmp23:
0x1a3: {  	_ = 	snop;
	(pc) =	sbr.rel @!p0 .LBB2_66-.Ltmp23, $4  }
.Ltmp24:
0x1a4: {  	_ = 	snop;
	(pc) =	sbr.rel @p0 .LBB2_81-.Ltmp24, $4  }
0x1a5: {  	_ = 	snop  }
0x1a6: {  	p1 =	slt.s32 s29, s3  }
0x1a7: {  	s29 =	smov.u32 @p1 s20;
	s3 =	smov.u32 @p1 s13  }
0x1a8: {  	_ = 	snop  }
.LBB2_67:
.Ltmp25:
0x1a9: {  	(pc) =	sbr.rel .LBB2_80-.Ltmp25, $2  }
0x1aa: {  	_ =	sdelay $0x2  }
0x1ab: {  	s21 =	simm.s32 $0x0  }
.LBB2_69:
.Ltmp26:
0x1ac: {  	(pc) =	sbr.rel .LBB2_80-.Ltmp26, $2  }
0x1ad: {  	_ =	sdelay $0x2  }
0x1ae: {  	s21 =	simm.s32 $0x0  }
.LBB2_71:
.Ltmp27:
0x1af: {  	(pc) =	sbr.rel .LBB2_80-.Ltmp27, $2  }
0x1b0: {  	_ =	sdelay $0x2  }
0x1b1: {  	s21 =	simm.s32 $0x0  }
.LBB2_73:
.Ltmp28:
0x1b2: {  	(pc) =	sbr.rel .LBB2_80-.Ltmp28, $2  }
0x1b3: {  	_ =	sdelay $0x2  }
0x1b4: {  	s21 =	simm.s32 $0x0  }
.LBB2_75:
.Ltmp29:
0x1b5: {  	(pc) =	sbr.rel .LBB2_80-.Ltmp29, $2  }
0x1b6: {  	_ =	sdelay $0x2  }
0x1b7: {  	s21 =	simm.s32 $0x0  }
.LBB2_77:
.Ltmp30:
0x1b8: {  	(pc) =	sbr.rel .LBB2_80-.Ltmp30, $2  }
0x1b9: {  	_ =	sdelay $0x2  }
0x1ba: {  	s21 =	simm.s32 $0x0  }
.LBB2_24:
0x1bb: {  	s1 =	smin.u32 s0, $0x800  }
0x1bc: {  	s25 =	simm.s32 $0x0;
	s1 =	sadd.s32 $0xF, s1  }
0x1bd: {  	s12 =	simm.s32 $0x3F800001;
	s13 =	simm.s32 $0x0;
	s3 =	sshrl.u32 s1, $0x4  }
.LBB2_25:
0x1be: {  	s1 =	sadd.s32 s25, s12  }
0x1bf: {  	s5 =	sand.u32 $0x1, s1  }
0x1c0: {  	p0 =	slt.s32 s1, $0x1;
	p1 =	seq.s32 s5, $0x1  }
0x1c1: {  	p0 =	por !p0, !p1  }
0x1c2: {  	s31 =	simm.s32 $0x1A200;
	s5 =	simm.s32 $0x1;
	p0 =	por !p0, !p0  }
0x1c3: {  	s20 =	sshrl.u32 s1, $0x1F;
	v7 =	vld [tilespmem:s31+$0x0];
	s5 =	simm.s32 @!p0 $0x0;
	p0 =	sne.s32 s3, $0x1  }
.Ltmp31:
0x1c4: {  	s1 =	sadd.s32 s20, s1;
	(pc) =	sbr.rel @!p0 .LBB2_26-.Ltmp31, $4  }
0x1c5: {  	s1 =	sshra.s32 s1, $0x1  }
0x1c6: {  	s20 =	ssub.s32 s1, s5  }
0x1c7: {  	p2 =	por $0x0, $0x0;
	p3 =	por $0x0, $0x0;
	p4 =	por $0x0, $0x0;
	v6 =	vmov s20  }
0x1c8: {  	p1 =	por $0x0, $0x0;
	s1 =	sadd.s32 $0xFFFFFFFF, s3;
	s5 =	simm.s32 $0x1A210;
	vm0 =	vgt.s32 v7, v6  }
0x1c9: {  	v7 =	vld [tilespmem:s5+$0x0];
	p5 =	sne.s32 s1, $0x1  }
.Ltmp32:
0x1ca: {  	_ = 	snop;
	(pc) =	sbr.rel @!p5 .LBB2_28-.Ltmp32, $3  }
0x1cb: {  	_ =	sdelay $0x1  }
0x1cc: {  	v8 =	vsel vm0, $0x1, v4  }
0x1cd: {  	s5 =	sadd.s32 $0xFFFFFFFF, s1;
	s21 =	simm.s32 $0x1A220;
	p1 =	por $0x1, $0x1;
	(xrf0) =	vadd.scan.msk.s32 $0xffff, v8;
	vm0 =	vgt.s32 v7, v6  }
0x1ce: {  	_ = 	snop  }
0x1cf: {  	v7 =	vld [tilespmem:s21+$0x0];
	p5 =	sne.s32 s5, $0x1  }
.Ltmp33:
0x1d0: {  	_ = 	snop;
	(pc) =	sbr.rel @!p5 .LBB2_30-.Ltmp33, $3  }
0x1d1: {  	_ =	sdelay $0x1  }
0x1d2: {  	v8 =	vsel vm0, $0x1, v4;
	v9, _, _ =	vpop (xrf0)  }
0x1d3: {  	s5 =	sadd.s32 $0xFFFFFFFF, s5;
	s21 =	simm.s32 $0x1A230;
	p2 =	por $0x1, $0x1;
	(xrf0) =	vadd.scan.msk.s32 $0xffff, v8;
	vm0 =	vgt.s32 v7, v6;
	(v2sf) =	vpush v9, $0xF  }
0x1d4: {  	_ =	sdelay $0x4  }
0x1d5: {  	v9, _, _ =	vpop (xrf0)  }
0x1d6: {  	(v2sf) =	vpush v9, $0xF;
	_ =	sdelay $0x3  }
0x1d7: {  	v7 =	vld [tilespmem:s21+$0x0];
	p5 =	sne.s32 s5, $0x1  }
.Ltmp34:
0x1d8: {  	_ = 	snop;
	(pc) =	sbr.rel @!p5 .LBB2_32-.Ltmp34, $3  }
0x1d9: {  	_ =	sdelay $0x1  }
0x1da: {  	v8 =	vsel vm0, $0x1, v4  }
0x1db: {  	s5 =	sadd.s32 $0xFFFFFFFF, s5;
	s21 =	simm.s32 $0x1A240;
	p3 =	por $0x1, $0x1;
	(xrf0) =	vadd.scan.msk.s32 $0xffff, v8;
	vm0 =	vgt.s32 v7, v6  }
0x1dc: {  	_ =	sdelay $0x4  }
0x1dd: {  	v9, _, _ =	vpop (xrf0)  }
0x1de: {  	(v2sf) =	vpush v9, $0xF;
	_ =	sdelay $0x2  }
0x1df: {  	v7 =	vld [tilespmem:s21+$0x0];
	p5 =	sne.s32 s5, $0x1;
	v8 =	vsel vm0, $0x1, v4  }
.Ltmp35:
0x1e0: {  	(xrf0) =	vadd.scan.msk.s32 $0xffff, v8;
	(pc) =	sbr.rel @!p5 .LBB2_34-.Ltmp35, $3  }
0x1e1: {  	_ =	sdelay $0x1  }
0x1e2: {  	s5 =	sadd.s32 $0xFFFFFFFF, s5;
	s23 =	simm.s32 $0x1A250  }
0x1e3: {  	s22 =	spop (v2sf);
	p4 =	por $0x1, $0x1;
	s21 =	simm.s32 $0x0;
	vm0 =	vgt.s32 v7, v6  }
.LBB2_35:
0x1e4: {  	v7 =	vld [tilespmem:s23+$0x0];
	p5 =	sne.s32 s5, $0x1;
	s5 =	sadd.s32 $0xFFFFFFFF, s5;
	v9 =	vsel vm0, $0x1, v4;
	s21 =	sadd.s32 s21, s22  }
.Ltmp36:
0x1e5: {  	(xrf0) =	vadd.scan.msk.s32 $0xffff, v9;
	v8, _, _ =	vpop (xrf0);
	(pc) =	sbr.rel @p5 .LBB2_35-.Ltmp36, $2  }
0x1e6: {  	(v2sf) =	vpush v8, $0xF;
	_ =	sdelay $0x3  }
0x1e7: {  	s23 =	sadd.s32 $0x10, s23;
	vm0 =	vgt.s32 v7, v6;
	s22 =	spop (v2sf)  }
0x1e8: {  	_ = 	snop  }
.LBB2_37:
0x1e9: {  	v6 =	vsel vm0, $0x1, v4  }
0x1ea: {  	(xrf0) =	vadd.scan.msk.s32 $0xffff, v6;
	_ =	sdelay $0x2  }
0x1eb: {  	v6, _, _ =	vpop @p1 (xrf0)  }
0x1ec: {  	(v2sf) =	vpush @p1 v6, $0xF;
	_ =	sdelay $0x1  }
0x1ed: {  	v6, _, _ =	vpop (xrf0)  }
0x1ee: {  	(v2sf) =	vpush v6, $0xF;
	_ =	sdelay $0x7  }
0x1ef: {  	s5 =	spop @p3 (v2sf);
	s21 =	sadd.s32 @p4 s21, s22;
	s22 =	simm.s32 $0x0  }
0x1f0: {  	s5 =	smov.u32 @p3 s5;
	s22 =	smov.u32 @p4 s21  }
0x1f1: {  	s5 =	sadd.s32 @p3 s22, s5;
	s22 =	simm.s32 $0x0;
	s21 =	spop @p2 (v2sf)  }
0x1f2: {  	s22 =	smov.u32 @p3 s5;
	s21 =	smov.u32 @p2 s21  }
0x1f3: {  	s5 =	sadd.s32 @p2 s22, s21;
	s22 =	simm.s32 $0x0;
	s21 =	spop @p1 (v2sf)  }
0x1f4: {  	s22 =	smov.u32 @p2 s5;
	s21 =	smov.u32 @p1 s21  }
0x1f5: {  	s5 =	sadd.s32 @p1 s22, s21;
	s21 =	simm.s32 $0x0  }
0x1f6: {  	s21 =	smov.u32 @p1 s5;
	s31 =	spop (v2sf)  }
0x1f7: {  	s13 =	sadd.s32 $0x1, s13;
	s5 =	sadd.s32 s21, s31  }
0x1f8: {  	s21 =	smov.u32 s25;
	p1 =	sgt.s32 s5, $0x3FF;
	s5 =	sadd.s32 $0x1, s20  }
0x1f9: {  	s21 =	smov.u32 @p1 s5;
	s20 =	smov.u32 @p1 s12;
	p1 =	seq.s32 s13, $0x1F  }
.Ltmp37:
0x1fa: {  	_ = 	snop;
	(pc) =	sbr.rel @!p1 .LBB2_25-.Ltmp37, $4  }
.Ltmp38:
0x1fb: {  	_ = 	snop;
	(pc) =	sbr.rel @p1 .LBB2_38-.Ltmp38, $4  }
0x1fc: {  	_ = 	snop  }
0x1fd: {  	p2 =	slt.s32 s25, s12  }
0x1fe: {  	s25 =	smov.u32 @p2 s21;
	s12 =	smov.u32 @p2 s20  }
0x1ff: {  	_ = 	snop  }
.LBB2_26:
.Ltmp39:
0x200: {  	(pc) =	sbr.rel .LBB2_37-.Ltmp39, $2  }
0x201: {  	_ =	sdelay $0x2  }
0x202: {  	s21 =	simm.s32 $0x0  }
.LBB2_28:
.Ltmp40:
0x203: {  	(pc) =	sbr.rel .LBB2_37-.Ltmp40, $2  }
0x204: {  	_ =	sdelay $0x2  }
0x205: {  	s21 =	simm.s32 $0x0  }
.LBB2_30:
.Ltmp41:
0x206: {  	(pc) =	sbr.rel .LBB2_37-.Ltmp41, $2  }
0x207: {  	_ =	sdelay $0x2  }
0x208: {  	s21 =	simm.s32 $0x0  }
.LBB2_32:
.Ltmp42:
0x209: {  	(pc) =	sbr.rel .LBB2_37-.Ltmp42, $2  }
0x20a: {  	_ =	sdelay $0x2  }
0x20b: {  	s21 =	simm.s32 $0x0  }
.LBB2_34:
.Ltmp43:
0x20c: {  	(pc) =	sbr.rel .LBB2_37-.Ltmp43, $2  }
0x20d: {  	_ =	sdelay $0x2  }
0x20e: {  	s21 =	simm.s32 $0x0  }
.LBB2_64:
0x20f: {  	s31 =	simm.s32 @!p0 $0x0;
	s29 =	simm.s32 @!p0 $0xFFFFFFFF  }
0x210: {  	s29 =	simm.s32 @p0 $0x7F000000;
	s31 =	simm.s32 @p0 $0x0  }
.LBB2_110:
0x211: {  	p0 =	slt.s32 s28, $0x401  }
.Ltmp44:
0x212: {  	_ = 	snop;
	(pc) =	sbr.rel @!p0 .LBB2_112-.Ltmp44, $1  }
0x213: {  	_ =	sdelay $0x3  }
0x214: {  	s0 =	simm.s32 $0x0;
	s2 =	simm.s32 $0xFFFFFFFF  }
.LBB2_157:
0x215: {  	s3 =	ssub.s32 $0x400, s28  }
0x216: {  	p0 =	slt.s32 s3, $0x1  }
0x217: {  	p1 =	sge.s32 @!p0 s3, s30  }
0x218: {  	p1 =	por p0, p1  }
.Ltmp45:
0x219: {  	_ = 	snop;
	(pc) =	sbr.rel @p1 .LBB2_158-.Ltmp45, $1  }
0x21a: {  	_ =	sdelay $0x3  }
0x21b: {  	p0 =	slt.s32 s30, $0x800  }
0x21c: {  	s30 =	simm.s32 @!p0 $0x800  }
0x21d: {  	s1 =	sadd.s32 $0xF, s30  }
0x21e: {  	s5 =	sshra.s32 s1, $0x1F  }
0x21f: {  	s5 =	sshrl.u32 s5, $0x1C  }
0x220: {  	s1 =	sadd.s32 s5, s1  }
0x221: {  	s1 =	sshra.s32 s1, $0x4  }
0x222: {  	p0 =	sgt.s32 s1, $0x1  }
0x223: {  	s12 =	simm.s32 $0x0;
	s13 =	simm.s32 $0x3F800001;
	s1 =	simm.s32 @!p0 $0x1  }
0x224: {  	s28 =	simm.s32 $0x0;
	s20 =	simm.s32 $0x0;
	s1 =	sshll.u32 s1, $0x4  }
.LBB2_160:
0x225: {  	s5 =	sadd.s32 s28, s13  }
0x226: {  	p5 =	sne.s32 s1, $0x10;
	s6 =	sand.u32 $0x1, s5  }
0x227: {  	s22 =	sand.u32 $0xFFFFFFF0, s12;
	p0 =	slt.s32 s5, $0x1;
	p1 =	seq.s32 s6, $0x1  }
.Ltmp46:
0x228: {  	s30 =	sshrl.u32 s5, $0x1F;
	p0 =	por !p0, !p1;
	(pc) =	sbr.rel @!p5 .LBB2_161-.Ltmp46, $4  }
0x229: {  	s5 =	sadd.s32 s30, s5;
	s6 =	simm.s32 $0x1;
	p0 =	por !p0, !p0  }
0x22a: {  	p2 =	por $0x0, $0x0;
	s5 =	sshra.s32 s5, $0x1;
	s6 =	simm.s32 @!p0 $0x0  }
0x22b: {  	p3 =	por $0x0, $0x0;
	p4 =	por $0x0, $0x0;
	s21 =	ssub.s32 s5, s6  }
0x22c: {  	p1 =	por $0x0, $0x0;
	p0 =	por $0x0, $0x0;
	s5 =	simm.s32 $0x10;
	v6 =	vmov s21  }
0x22d: {  	v7 =	vld [tilespmem:s22+$0x1BA00];
	p5 =	sne.s32 s1, $0x20  }
.Ltmp47:
0x22e: {  	_ = 	snop;
	(pc) =	sbr.rel @!p5 .LBB2_163-.Ltmp47, $2  }
0x22f: {  	_ =	sdelay $0x2  }
0x230: {  	s30 =	simm.s32 $0x20;
	s22 =	sand.u32 $0xFFFFFFF0, s5;
	p0 =	por $0x1, $0x1;
	vm0 =	vgt.s32 v7, v6  }
0x231: {  	v7 =	vld [tilespmem:s22+$0x1BA00];
	p5 =	sne.s32 s1, $0x30  }
.Ltmp48:
0x232: {  	_ = 	snop;
	(pc) =	sbr.rel @!p5 .LBB2_165-.Ltmp48, $3  }
0x233: {  	_ =	sdelay $0x1  }
0x234: {  	v8 =	vsel vm0, $0x1, v4  }
0x235: {  	s23 =	simm.s32 $0x30;
	s22 =	sand.u32 $0xFFFFFFF0, s30;
	p1 =	por $0x1, $0x1;
	(xrf0) =	vadd.scan.msk.s32 $0xffff, v8;
	vm0 =	vgt.s32 v7, v6  }
0x236: {  	_ = 	snop  }
0x237: {  	v7 =	vld [tilespmem:s22+$0x1BA00];
	p5 =	sne.s32 s1, $0x40  }
.Ltmp49:
0x238: {  	_ = 	snop;
	(pc) =	sbr.rel @!p5 .LBB2_167-.Ltmp49, $3  }
0x239: {  	_ =	sdelay $0x1  }
0x23a: {  	v8 =	vsel vm0, $0x1, v4;
	v9, _, _ =	vpop (xrf0)  }
0x23b: {  	s5 =	simm.s32 $0x40;
	s22 =	sand.u32 $0xFFFFFFF0, s23;
	p2 =	por $0x1, $0x1;
	(xrf0) =	vadd.scan.msk.s32 $0xffff, v8;
	vm0 =	vgt.s32 v7, v6;
	(v2sf) =	vpush v9, $0xF  }
0x23c: {  	_ =	sdelay $0x4  }
0x23d: {  	v9, _, _ =	vpop (xrf0)  }
0x23e: {  	(v2sf) =	vpush v9, $0xF;
	_ =	sdelay $0x2  }
0x23f: {  	v7 =	vld [tilespmem:s22+$0x1BA00];
	p5 =	sne.s32 s1, $0x50  }
.Ltmp50:
0x240: {  	_ = 	snop;
	(pc) =	sbr.rel @!p5 .LBB2_169-.Ltmp50, $3  }
0x241: {  	_ =	sdelay $0x1  }
0x242: {  	v8 =	vsel vm0, $0x1, v4  }
0x243: {  	s23 =	simm.s32 $0x50;
	s22 =	sand.u32 $0xFFFFFFF0, s5;
	p3 =	por $0x1, $0x1;
	(xrf0) =	vadd.scan.msk.s32 $0xffff, v8;
	vm0 =	vgt.s32 v7, v6  }
0x244: {  	_ =	sdelay $0x4  }
0x245: {  	v9, _, _ =	vpop (xrf0)  }
0x246: {  	(v2sf) =	vpush v9, $0xF;
	_ =	sdelay $0x2  }
0x247: {  	v7 =	vld [tilespmem:s22+$0x1BA00];
	p5 =	sne.s32 s1, $0x60  }
.Ltmp51:
0x248: {  	v8 =	vsel vm0, $0x1, v4;
	(pc) =	sbr.rel @!p5 .LBB2_171-.Ltmp51, $3  }
0x249: {  	(xrf0) =	vadd.scan.msk.s32 $0xffff, v8;
	_ =	sdelay $0x1  }
0x24a: {  	s5 =	simm.s32 $0x60;
	s22 =	sand.u32 $0xFFFFFFF0, s23  }
0x24b: {  	s23 =	spop (v2sf);
	p4 =	por $0x1, $0x1;
	s30 =	simm.s32 $0x0;
	vm0 =	vgt.s32 v7, v6  }
.LBB2_172:
0x24c: {  	s6 =	smov.u32 s5;
	s5 =	sadd.s32 $0x10, s5  }
0x24d: {  	v7 =	vld [tilespmem:s22+$0x1BA00];
	v9 =	vsel vm0, $0x1, v4;
	s30 =	sadd.s32 s30, s23;
	p5 =	sne.s32 s1, s5  }
.Ltmp52:
0x24e: {  	(xrf0) =	vadd.scan.msk.s32 $0xffff, v9;
	v8, _, _ =	vpop (xrf0);
	(pc) =	sbr.rel @p5 .LBB2_172-.Ltmp52, $2  }
0x24f: {  	(v2sf) =	vpush v8, $0xF;
	_ =	sdelay $0x2  }
0x250: {  	s22 =	sand.u32 $0xFFFFFFF0, s6;
	vm0 =	vgt.s32 v7, v6;
	s23 =	spop (v2sf)  }
0x251: {  	_ = 	snop  }
.LBB2_174:
0x252: {  	v7 =	vld [tilespmem:s22+$0x1BA00];
	_ =	sdelay $0x3  }
0x253: {  	v8 =	vsel @p0 vm0, $0x1, v4  }
0x254: {  	(xrf0) =	vadd.scan.msk.s32 @p0 $0xffff, v8;
	vm0 =	vgt.s32 v7, v6  }
0x255: {  	v6 =	vsel vm0, $0x1, v4;
	_ =	sdelay $0x1  }
0x256: {  	(xrf0) =	vadd.scan.msk.s32 $0xffff, v6  }
0x257: {  	v6, _, _ =	vpop @p1 (xrf0)  }
0x258: {  	(v2sf) =	vpush @p1 v6, $0xF  }
0x259: {  	v6, _, _ =	vpop @p0 (xrf0)  }
0x25a: {  	(v2sf) =	vpush @p0 v6, $0xF;
	_ =	sdelay $0x1  }
0x25b: {  	v6, _, _ =	vpop (xrf0)  }
0x25c: {  	(v2sf) =	vpush v6, $0xF;
	_ =	sdelay $0x5  }
0x25d: {  	s5 =	spop @p3 (v2sf);
	s6 =	sadd.s32 @p4 s30, s23;
	s22 =	simm.s32 $0x0  }
0x25e: {  	s5 =	smov.u32 @p3 s5;
	s22 =	smov.u32 @p4 s6  }
0x25f: {  	s5 =	sadd.s32 @p3 s22, s5;
	s22 =	simm.s32 $0x0;
	s6 =	spop @p2 (v2sf)  }
0x260: {  	s22 =	smov.u32 @p3 s5;
	s6 =	smov.u32 @p2 s6  }
0x261: {  	s5 =	sadd.s32 @p2 s22, s6;
	s22 =	simm.s32 $0x0;
	s6 =	spop @p1 (v2sf)  }
0x262: {  	s22 =	smov.u32 @p2 s5;
	s6 =	smov.u32 @p1 s6  }
0x263: {  	s5 =	sadd.s32 @p1 s22, s6;
	s6 =	spop @p0 (v2sf);
	s22 =	simm.s32 $0x0  }
0x264: {  	s6 =	smov.u32 @p0 s6;
	s22 =	smov.u32 @p1 s5  }
0x265: {  	s5 =	sadd.s32 @p0 s22, s6;
	s6 =	simm.s32 $0x0  }
0x266: {  	s30 =	spop (v2sf);
	s6 =	smov.u32 @p0 s5  }
0x267: {  	s20 =	sadd.s32 $0x1, s20;
	s5 =	sadd.s32 s6, s30  }
0x268: {  	s6 =	smov.u32 s28;
	p0 =	sge.s32 s5, s3;
	s5 =	sadd.s32 $0x1, s21  }
0x269: {  	s6 =	smov.u32 @p0 s5;
	s21 =	smov.u32 @p0 s13;
	p0 =	seq.s32 s20, $0x1F  }
.Ltmp53:
0x26a: {  	_ = 	snop;
	(pc) =	sbr.rel @!p0 .LBB2_160-.Ltmp53, $4  }
.Ltmp54:
0x26b: {  	_ = 	snop;
	(pc) =	sbr.rel @p0 .LBB2_175-.Ltmp54, $4  }
0x26c: {  	_ = 	snop  }
0x26d: {  	p1 =	slt.s32 s28, s13  }
0x26e: {  	s28 =	smov.u32 @p1 s6;
	s13 =	smov.u32 @p1 s21  }
0x26f: {  	_ = 	snop  }
.LBB2_161:
.Ltmp55:
0x270: {  	(pc) =	sbr.rel .LBB2_174-.Ltmp55, $2  }
0x271: {  	_ =	sdelay $0x2  }
0x272: {  	s30 =	simm.s32 $0x0  }
.LBB2_163:
.Ltmp56:
0x273: {  	(pc) =	sbr.rel .LBB2_174-.Ltmp56, $2  }
0x274: {  	_ =	sdelay $0x2  }
0x275: {  	s30 =	simm.s32 $0x0  }
.LBB2_165:
.Ltmp57:
0x276: {  	(pc) =	sbr.rel .LBB2_174-.Ltmp57, $2  }
0x277: {  	_ =	sdelay $0x2  }
0x278: {  	s30 =	simm.s32 $0x0  }
.LBB2_167:
.Ltmp58:
0x279: {  	(pc) =	sbr.rel .LBB2_174-.Ltmp58, $2  }
0x27a: {  	_ =	sdelay $0x2  }
0x27b: {  	s30 =	simm.s32 $0x0  }
.LBB2_169:
.Ltmp59:
0x27c: {  	(pc) =	sbr.rel .LBB2_174-.Ltmp59, $2  }
0x27d: {  	_ =	sdelay $0x2  }
0x27e: {  	s30 =	simm.s32 $0x0  }
.LBB2_171:
.Ltmp60:
0x27f: {  	(pc) =	sbr.rel .LBB2_174-.Ltmp60, $2  }
0x280: {  	_ =	sdelay $0x2  }
0x281: {  	s30 =	simm.s32 $0x0  }
.LBB2_81:
0x282: {  	p5 =	sne.s32 s0, $0x10  }
.Ltmp61:
0x283: {  	_ = 	snop;
	(pc) =	sbr.rel @!p5 .LBB2_82-.Ltmp61, $4  }
0x284: {  	_ = 	snop  }
0x285: {  	s2 =	simm.s32 $0x0;
	s5 =	simm.s32 $0x10  }
0x286: {  	p0 =	por $0x0, $0x0;
	p1 =	por $0x0, $0x0;
	p2 =	por $0x0, $0x0  }
0x287: {  	v6 =	vmov s29;
	p3 =	por $0x0, $0x0;
	p4 =	por $0x0, $0x0;
	s3 =	sand.u32 $0xFFFFFFF0, s2  }
0x288: {  	v7 =	vld [tilespmem:s3+$0x1B200];
	p5 =	sne.s32 s0, $0x20  }
.Ltmp62:
0x289: {  	_ = 	snop;
	(pc) =	sbr.rel @!p5 .LBB2_84-.Ltmp62, $2  }
0x28a: {  	_ =	sdelay $0x2  }
0x28b: {  	s13 =	simm.s32 $0x20;
	s3 =	sand.u32 $0xFFFFFFF0, s5;
	p0 =	por $0x1, $0x1;
	vm0 =	vgt.s32 v7, v6  }
0x28c: {  	v7 =	vld [tilespmem:s3+$0x1B200];
	p5 =	sne.s32 s0, $0x30  }
.Ltmp63:
0x28d: {  	_ = 	snop;
	(pc) =	sbr.rel @!p5 .LBB2_86-.Ltmp63, $3  }
0x28e: {  	_ =	sdelay $0x1  }
0x28f: {  	v8 =	vsel vm0, $0x1, v4  }
0x290: {  	s12 =	simm.s32 $0x30;
	s3 =	sand.u32 $0xFFFFFFF0, s13;
	p1 =	por $0x1, $0x1;
	(xrf0) =	vadd.scan.msk.s32 $0xffff, v8;
	vm0 =	vgt.s32 v7, v6  }
0x291: {  	_ = 	snop  }
0x292: {  	v7 =	vld [tilespmem:s3+$0x1B200];
	p5 =	sne.s32 s0, $0x40  }
.Ltmp64:
0x293: {  	_ = 	snop;
	(pc) =	sbr.rel @!p5 .LBB2_88-.Ltmp64, $3  }
0x294: {  	_ =	sdelay $0x1  }
0x295: {  	v8 =	vsel vm0, $0x1, v4;
	v9, _, _ =	vpop (xrf0)  }
0x296: {  	s5 =	simm.s32 $0x40;
	s3 =	sand.u32 $0xFFFFFFF0, s12;
	p2 =	por $0x1, $0x1;
	(xrf0) =	vadd.scan.msk.s32 $0xffff, v8;
	vm0 =	vgt.s32 v7, v6;
	(v2sf) =	vpush v9, $0xF  }
0x297: {  	_ =	sdelay $0x4  }
0x298: {  	v9, _, _ =	vpop (xrf0)  }
0x299: {  	(v2sf) =	vpush v9, $0xF;
	_ =	sdelay $0x2  }
0x29a: {  	v7 =	vld [tilespmem:s3+$0x1B200];
	p5 =	sne.s32 s0, $0x50  }
.Ltmp65:
0x29b: {  	_ = 	snop;
	(pc) =	sbr.rel @!p5 .LBB2_90-.Ltmp65, $3  }
0x29c: {  	_ =	sdelay $0x1  }
0x29d: {  	v8 =	vsel vm0, $0x1, v4  }
0x29e: {  	s12 =	simm.s32 $0x50;
	s3 =	sand.u32 $0xFFFFFFF0, s5;
	p3 =	por $0x1, $0x1;
	(xrf0) =	vadd.scan.msk.s32 $0xffff, v8;
	vm0 =	vgt.s32 v7, v6  }
0x29f: {  	_ =	sdelay $0x4  }
0x2a0: {  	v9, _, _ =	vpop (xrf0)  }
0x2a1: {  	(v2sf) =	vpush v9, $0xF;
	_ =	sdelay $0x2  }
0x2a2: {  	v7 =	vld [tilespmem:s3+$0x1B200];
	p5 =	sne.s32 s0, $0x60  }
.Ltmp66:
0x2a3: {  	v8 =	vsel vm0, $0x1, v4;
	(pc) =	sbr.rel @!p5 .LBB2_92-.Ltmp66, $3  }
0x2a4: {  	(xrf0) =	vadd.scan.msk.s32 $0xffff, v8;
	_ =	sdelay $0x1  }
0x2a5: {  	s20 =	simm.s32 $0x60;
	s3 =	sand.u32 $0xFFFFFFF0, s12  }
0x2a6: {  	s13 =	spop (v2sf);
	p4 =	por $0x1, $0x1;
	s12 =	simm.s32 $0x0;
	vm0 =	vgt.s32 v7, v6  }
.LBB2_93:
0x2a7: {  	v7 =	vld [tilespmem:s3+$0x1B200];
	s3 =	smov.u32 s20;
	s20 =	sadd.s32 $0x10, s20  }
0x2a8: {  	v9 =	vsel vm0, $0x1, v4;
	s12 =	sadd.s32 s12, s13;
	p5 =	sne.s32 s0, s20  }
.Ltmp67:
0x2a9: {  	(xrf0) =	vadd.scan.msk.s32 $0xffff, v9;
	v8, _, _ =	vpop (xrf0);
	(pc) =	sbr.rel @p5 .LBB2_93-.Ltmp67, $2  }
0x2aa: {  	(v2sf) =	vpush v8, $0xF;
	_ =	sdelay $0x2  }
0x2ab: {  	s3 =	sand.u32 $0xFFFFFFF0, s3;
	vm0 =	vgt.s32 v7, v6;
	s13 =	spop (v2sf)  }
0x2ac: {  	_ = 	snop  }
.LBB2_95:
0x2ad: {  	v7 =	vld [tilespmem:s3+$0x1B200];
	_ =	sdelay $0x3  }
0x2ae: {  	v8 =	vsel @p0 vm0, $0x1, v4  }
0x2af: {  	(xrf0) =	vadd.scan.msk.s32 @p0 $0xffff, v8;
	vm0 =	vgt.s32 v7, v6  }
0x2b0: {  	v7 =	vsel vm0, $0x1, v4;
	_ =	sdelay $0x1  }
0x2b1: {  	(xrf0) =	vadd.scan.msk.s32 $0xffff, v7  }
0x2b2: {  	v7, _, _ =	vpop @p1 (xrf0)  }
0x2b3: {  	(v2sf) =	vpush @p1 v7, $0xF  }
0x2b4: {  	v7, _, _ =	vpop @p0 (xrf0)  }
0x2b5: {  	(v2sf) =	vpush @p0 v7, $0xF;
	_ =	sdelay $0x1  }
0x2b6: {  	v7, _, _ =	vpop (xrf0)  }
0x2b7: {  	(v2sf) =	vpush v7, $0xF;
	_ =	sdelay $0x5  }
0x2b8: {  	s3 =	spop @p3 (v2sf);
	s5 =	sadd.s32 @p4 s12, s13;
	s12 =	simm.s32 $0x0  }
0x2b9: {  	s3 =	smov.u32 @p3 s3;
	s12 =	smov.u32 @p4 s5  }
0x2ba: {  	s3 =	sadd.s32 @p3 s12, s3;
	s12 =	simm.s32 $0x0;
	s5 =	spop @p2 (v2sf)  }
0x2bb: {  	s12 =	smov.u32 @p3 s3;
	s5 =	smov.u32 @p2 s5  }
0x2bc: {  	s3 =	sadd.s32 @p2 s12, s5;
	s12 =	simm.s32 $0x0;
	s5 =	spop @p1 (v2sf)  }
0x2bd: {  	s12 =	smov.u32 @p2 s3;
	s5 =	smov.u32 @p1 s5  }
0x2be: {  	s3 =	sadd.s32 @p1 s12, s5;
	s5 =	spop @p0 (v2sf);
	s12 =	simm.s32 $0x0  }
0x2bf: {  	s5 =	smov.u32 @p0 s5;
	s12 =	smov.u32 @p1 s3  }
0x2c0: {  	s3 =	sadd.s32 @p0 s12, s5  }
0x2c1: {  	s23 =	spop (v2sf);
	s2 =	smov.u32 @p0 s3  }
0x2c2: {  	s31 =	simm.s32 $0x0;
	s12 =	simm.s32 $0x0;
	s2 =	sadd.s32 s2, s23  }
0x2c3: {  	s3 =	simm.s32 $0x7FFF;
	s1 =	ssub.s32 s1, s2;
	s2 =	simm.s32 $0x0  }
.LBB2_96:
0x2c4: {  	s5 =	sadd.s32 s31, s3  }
0x2c5: {  	p5 =	sne.s32 s0, $0x10;
	s13 =	sand.u32 $0x1, s5  }
0x2c6: {  	s20 =	sand.u32 $0xFFFFFFF0, s2;
	p0 =	slt.s32 s5, $0x1;
	p1 =	seq.s32 s13, $0x1  }
.Ltmp68:
0x2c7: {  	s23 =	sshrl.u32 s5, $0x1F;
	p0 =	por !p0, !p1;
	(pc) =	sbr.rel @!p5 .LBB2_97-.Ltmp68, $4  }
0x2c8: {  	s5 =	sadd.s32 s23, s5;
	s13 =	simm.s32 $0x1;
	p0 =	por !p0, !p0  }
0x2c9: {  	p2 =	por $0x0, $0x0;
	s5 =	sshra.s32 s5, $0x1;
	s13 =	simm.s32 @!p0 $0x0  }
0x2ca: {  	p3 =	por $0x0, $0x0;
	p4 =	por $0x0, $0x0;
	s13 =	ssub.s32 s5, s13  }
0x2cb: {  	v8 =	vld [tilespmem:s20+$0x1B200];
	p1 =	por $0x0, $0x0;
	p0 =	por $0x0, $0x0;
	s5 =	simm.s32 $0x10;
	v7 =	vmov s13  }
0x2cc: {  	v9 =	vld [tilespmem:s20+$0x1D280];
	p5 =	sne.s32 s0, $0x20  }
.Ltmp69:
0x2cd: {  	_ = 	snop;
	(pc) =	sbr.rel @!p5 .LBB2_99-.Ltmp69, $3  }
0x2ce: {  	_ =	sdelay $0x1  }
0x2cf: {  	s20 =	sand.u32 $0xFFFFFFF0, s5  }
0x2d0: {  	s5 =	simm.s32 $0x20;
	p0 =	por $0x1, $0x1;
	vm0 =	veq.s32 v8, v6;
	v8 =	vld [tilespmem:s20+$0x1B200];
	vm2 =	vle.s32 v9, v7  }
0x2d1: {  	v9 =	vld [tilespmem:s20+$0x1D280];
	p5 =	sne.s32 s0, $0x30  }
.Ltmp70:
0x2d2: {  	_ = 	snop;
	(pc) =	sbr.rel @!p5 .LBB2_101-.Ltmp70, $4  }
0x2d3: {  	_ = 	snop  }
0x2d4: {  	vm0 =	vmand vm0, vm2  }
0x2d5: {  	s20 =	sand.u32 $0xFFFFFFF0, s5;
	v10 =	vsel vm0, $0x1, v4  }
0x2d6: {  	s5 =	simm.s32 $0x30;
	p1 =	por $0x1, $0x1;
	(xrf0) =	vadd.scan.msk.s32 $0xffff, v10;
	vm0 =	veq.s32 v8, v6;
	v8 =	vld [tilespmem:s20+$0x1B200];
	vm2 =	vle.s32 v9, v7  }
0x2d7: {  	_ =	sdelay $0x4  }
0x2d8: {  	v11, _, _ =	vpop (xrf0)  }
0x2d9: {  	(v2sf) =	vpush v11, $0xF;
	_ =	sdelay $0x7  }
0x2da: {  	v9 =	vld [tilespmem:s20+$0x1D280];
	p5 =	sne.s32 s0, $0x40  }
.Ltmp71:
0x2db: {  	_ = 	snop;
	(pc) =	sbr.rel @!p5 .LBB2_103-.Ltmp71, $4  }
0x2dc: {  	_ = 	snop  }
0x2dd: {  	vm0 =	vmand vm0, vm2  }
0x2de: {  	s20 =	sand.u32 $0xFFFFFFF0, s5;
	v10 =	vsel vm0, $0x1, v4  }
0x2df: {  	s5 =	simm.s32 $0x40;
	p2 =	por $0x1, $0x1;
	vm0 =	veq.s32 v8, v6;
	v8 =	vld [tilespmem:s20+$0x1B200];
	(xrf0) =	vadd.scan.msk.s32 $0xffff, v10;
	vm2 =	vle.s32 v9, v7  }
0x2e0: {  	_ =	sdelay $0x4  }
0x2e1: {  	v11, _, _ =	vpop (xrf0)  }
0x2e2: {  	(v2sf) =	vpush v11, $0xF;
	_ =	sdelay $0x2  }
0x2e3: {  	v9 =	vld [tilespmem:s20+$0x1D280];
	p5 =	sne.s32 s0, $0x50  }
.Ltmp72:
0x2e4: {  	_ = 	snop;
	(pc) =	sbr.rel @!p5 .LBB2_105-.Ltmp72, $4  }
0x2e5: {  	_ = 	snop  }
0x2e6: {  	vm0 =	vmand vm0, vm2  }
0x2e7: {  	s20 =	sand.u32 $0xFFFFFFF0, s5;
	v10 =	vsel vm0, $0x1, v4  }
0x2e8: {  	s5 =	simm.s32 $0x50;
	p3 =	por $0x1, $0x1;
	vm0 =	veq.s32 v8, v6;
	v8 =	vld [tilespmem:s20+$0x1B200];
	(xrf0) =	vadd.scan.msk.s32 $0xffff, v10;
	vm2 =	vle.s32 v9, v7  }
0x2e9: {  	_ =	sdelay $0x4  }
0x2ea: {  	v11, _, _ =	vpop (xrf0)  }
0x2eb: {  	(v2sf) =	vpush v11, $0xF;
	_ =	sdelay $0x2  }
0x2ec: {  	v9 =	vld [tilespmem:s20+$0x1D280];
	p5 =	sne.s32 s0, $0x60  }
.Ltmp73:
0x2ed: {  	vm0 =	vmand vm0, vm2;
	(pc) =	sbr.rel @!p5 .LBB2_107-.Ltmp73, $4  }
0x2ee: {  	v10 =	vsel vm0, $0x1, v4  }
0x2ef: {  	(xrf0) =	vadd.scan.msk.s32 $0xffff, v10  }
0x2f0: {  	s20 =	sand.u32 $0xFFFFFFF0, s5  }
0x2f1: {  	s22 =	simm.s32 $0x60;
	p4 =	por $0x1, $0x1;
	s21 =	simm.s32 $0x0;
	vm0 =	veq.s32 v8, v6;
	v8 =	vld [tilespmem:s20+$0x1B200];
	vm2 =	vle.s32 v9, v7  }
.LBB2_108:
0x2f2: {  	v9 =	vld [tilespmem:s20+$0x1D280];
	s20 =	smov.u32 s22;
	s22 =	sadd.s32 $0x10, s22  }
0x2f3: {  	vm0 =	vmand vm0, vm2;
	s5 =	spop (v2sf);
	p5 =	sne.s32 s0, s22  }
.Ltmp74:
0x2f4: {  	v11 =	vsel vm0, $0x1, v4;
	s21 =	sadd.s32 s21, s5;
	(pc) =	sbr.rel @p5 .LBB2_108-.Ltmp74, $4  }
0x2f5: {  	(xrf0) =	vadd.scan.msk.s32 $0xffff, v11;
	v10, _, _ =	vpop (xrf0)  }
0x2f6: {  	(v2sf) =	vpush v10, $0xF  }
0x2f7: {  	s20 =	sand.u32 $0xFFFFFFF0, s20;
	vm0 =	veq.s32 v8, v6  }
0x2f8: {  	v8 =	vld [tilespmem:s20+$0x1B200];
	vm2 =	vle.s32 v9, v7  }
.LBB2_109:
0x2f9: {  	v9 =	vld [tilespmem:s20+$0x1D280];
	_ =	sdelay $0x3  }
0x2fa: {  	vm0 =	vmand @p0 vm0, vm2  }
0x2fb: {  	v10 =	vsel @p0 vm0, $0x1, v4;
	vm0 =	veq.s32 v8, v6;
	vm2 =	vle.s32 v9, v7  }
0x2fc: {  	(xrf0) =	vadd.scan.msk.s32 @p0 $0xffff, v10;
	vm0 =	vmand vm0, vm2  }
0x2fd: {  	v7 =	vsel vm0, $0x1, v4  }
0x2fe: {  	(xrf0) =	vadd.scan.msk.s32 $0xffff, v7;
	_ =	sdelay $0x1  }
0x2ff: {  	v7, _, _ =	vpop @p1 (xrf0)  }
0x300: {  	(v2sf) =	vpush @p1 v7, $0xF  }
0x301: {  	v7, _, _ =	vpop @p0 (xrf0)  }
0x302: {  	(v2sf) =	vpush @p0 v7, $0xF  }
0x303: {  	v7, _, _ =	vpop (xrf0)  }
0x304: {  	(v2sf) =	vpush v7, $0xF;
	_ =	sdelay $0x4  }
0x305: {  	s5 =	spop @p4 (v2sf)  }
0x306: {  	s20 =	simm.s32 $0x0;
	s5 =	sadd.s32 @p4 s21, s5  }
0x307: {  	s20 =	smov.u32 @p4 s5;
	s5 =	spop @p3 (v2sf)  }
0x308: {  	s5 =	sadd.s32 @p3 s20, s5;
	s20 =	simm.s32 $0x0  }
0x309: {  	s20 =	smov.u32 @p3 s5;
	s5 =	spop @p2 (v2sf)  }
0x30a: {  	s5 =	sadd.s32 @p2 s20, s5;
	s20 =	simm.s32 $0x0  }
0x30b: {  	s20 =	smov.u32 @p2 s5;
	s5 =	spop @p1 (v2sf)  }
0x30c: {  	s5 =	sadd.s32 @p1 s20, s5;
	s20 =	simm.s32 $0x0  }
0x30d: {  	s20 =	smov.u32 @p1 s5;
	s5 =	spop @p0 (v2sf)  }
0x30e: {  	s5 =	sadd.s32 @p0 s20, s5;
	s20 =	simm.s32 $0x0  }
0x30f: {  	s20 =	smov.u32 @p0 s5;
	s23 =	spop (v2sf)  }
0x310: {  	s12 =	sadd.s32 $0x1, s12;
	s5 =	sadd.s32 s20, s23  }
0x311: {  	s20 =	smov.u32 s31;
	p0 =	slt.s32 s5, s1;
	s5 =	sadd.s32 $0x1, s13  }
0x312: {  	s20 =	smov.u32 @p0 s5;
	s13 =	smov.u32 @p0 s3;
	p0 =	sne.s32 s12, $0x10  }
.Ltmp75:
0x313: {  	_ = 	snop;
	(pc) =	sbr.rel @p0 .LBB2_96-.Ltmp75, $4  }
.Ltmp76:
0x314: {  	_ = 	snop;
	(pc) =	sbr.rel @!p0 .LBB2_110-.Ltmp76, $4  }
0x315: {  	_ = 	snop  }
0x316: {  	p1 =	slt.s32 s31, s3  }
0x317: {  	s31 =	smov.u32 @p1 s20;
	s3 =	smov.u32 @p1 s13  }
0x318: {  	_ = 	snop  }
.LBB2_97:
.Ltmp77:
0x319: {  	(pc) =	sbr.rel .LBB2_109-.Ltmp77, $2  }
0x31a: {  	_ =	sdelay $0x2  }
0x31b: {  	s21 =	simm.s32 $0x0  }
.LBB2_99:
.Ltmp78:
0x31c: {  	(pc) =	sbr.rel .LBB2_109-.Ltmp78, $2  }
0x31d: {  	_ =	sdelay $0x2  }
0x31e: {  	s21 =	simm.s32 $0x0  }
.LBB2_101:
.Ltmp79:
0x31f: {  	(pc) =	sbr.rel .LBB2_109-.Ltmp79, $2  }
0x320: {  	_ =	sdelay $0x2  }
0x321: {  	s21 =	simm.s32 $0x0  }
.LBB2_103:
.Ltmp80:
0x322: {  	(pc) =	sbr.rel .LBB2_109-.Ltmp80, $2  }
0x323: {  	_ =	sdelay $0x2  }
0x324: {  	s21 =	simm.s32 $0x0  }
.LBB2_105:
.Ltmp81:
0x325: {  	(pc) =	sbr.rel .LBB2_109-.Ltmp81, $2  }
0x326: {  	_ =	sdelay $0x3  }
0x327: {  	s21 =	simm.s32 $0x0  }
.LBB2_107:
.Ltmp82:
0x328: {  	(pc) =	sbr.rel .LBB2_109-.Ltmp82, $2  }
0x329: {  	_ =	sdelay $0x2  }
0x32a: {  	s21 =	simm.s32 $0x0  }
.LBB2_38:
0x32b: {  	s5 =	simm.s32 $0x1A200  }
0x32c: {  	v7 =	vld [tilespmem:s5+$0x0]  }
.Ltmp83:
0x32d: {  	_ = 	snop;
	(pc) =	sbr.rel @!p0 .LBB2_39-.Ltmp83, $3  }
0x32e: {  	_ =	sdelay $0x1  }
0x32f: {  	v6 =	vmov s25;
	s3 =	simm.s32 $0x0;
	p1 =	por $0x0, $0x0;
	p2 =	por $0x0, $0x0  }
0x330: {  	p3 =	por $0x0, $0x0;
	p4 =	por $0x0, $0x0;
	s5 =	simm.s32 $0x1A210;
	vm0 =	vgt.s32 v7, v6  }
0x331: {  	v7 =	vld [tilespmem:s5+$0x0];
	p5 =	sne.s32 s1, $0x1  }
.Ltmp84:
0x332: {  	_ = 	snop;
	(pc) =	sbr.rel @!p5 .LBB2_41-.Ltmp84, $3  }
0x333: {  	_ =	sdelay $0x1  }
0x334: {  	v8 =	vsel vm0, $0x1, v4  }
0x335: {  	s5 =	sadd.s32 $0xFFFFFFFF, s1;
	s12 =	simm.s32 $0x1A220;
	p1 =	por $0x1, $0x1;
	(xrf0) =	vadd.scan.msk.s32 $0xffff, v8;
	vm0 =	vgt.s32 v7, v6  }
0x336: {  	_ = 	snop  }
0x337: {  	v7 =	vld [tilespmem:s12+$0x0];
	p5 =	sne.s32 s5, $0x1  }
.Ltmp85:
0x338: {  	_ = 	snop;
	(pc) =	sbr.rel @!p5 .LBB2_43-.Ltmp85, $3  }
0x339: {  	_ =	sdelay $0x1  }
0x33a: {  	v8 =	vsel vm0, $0x1, v4;
	v9, _, _ =	vpop (xrf0)  }
0x33b: {  	s5 =	sadd.s32 $0xFFFFFFFF, s5;
	s12 =	simm.s32 $0x1A230;
	p2 =	por $0x1, $0x1;
	(xrf0) =	vadd.scan.msk.s32 $0xffff, v8;
	vm0 =	vgt.s32 v7, v6;
	(v2sf) =	vpush v9, $0xF  }
0x33c: {  	_ =	sdelay $0x4  }
0x33d: {  	v9, _, _ =	vpop (xrf0)  }
0x33e: {  	(v2sf) =	vpush v9, $0xF;
	_ =	sdelay $0x3  }
0x33f: {  	v7 =	vld [tilespmem:s12+$0x0];
	p5 =	sne.s32 s5, $0x1  }
.Ltmp86:
0x340: {  	_ = 	snop;
	(pc) =	sbr.rel @!p5 .LBB2_45-.Ltmp86, $3  }
0x341: {  	_ =	sdelay $0x1  }
0x342: {  	v8 =	vsel vm0, $0x1, v4  }
0x343: {  	s5 =	sadd.s32 $0xFFFFFFFF, s5;
	s12 =	simm.s32 $0x1A240;
	p3 =	por $0x1, $0x1;
	(xrf0) =	vadd.scan.msk.s32 $0xffff, v8;
	vm0 =	vgt.s32 v7, v6  }
0x344: {  	_ =	sdelay $0x4  }
0x345: {  	v9, _, _ =	vpop (xrf0)  }
0x346: {  	(v2sf) =	vpush v9, $0xF;
	_ =	sdelay $0x2  }
0x347: {  	v7 =	vld [tilespmem:s12+$0x0];
	p5 =	sne.s32 s5, $0x1;
	v8 =	vsel vm0, $0x1, v4  }
.Ltmp87:
0x348: {  	(xrf0) =	vadd.scan.msk.s32 $0xffff, v8;
	(pc) =	sbr.rel @!p5 .LBB2_47-.Ltmp87, $3  }
0x349: {  	_ =	sdelay $0x1  }
0x34a: {  	s5 =	sadd.s32 $0xFFFFFFFF, s5;
	s20 =	simm.s32 $0x1A250  }
0x34b: {  	s13 =	spop (v2sf);
	p4 =	por $0x1, $0x1;
	s12 =	simm.s32 $0x0;
	vm0 =	vgt.s32 v7, v6  }
.LBB2_48:
0x34c: {  	v7 =	vld [tilespmem:s20+$0x0];
	p5 =	sne.s32 s5, $0x1;
	s5 =	sadd.s32 $0xFFFFFFFF, s5;
	v9 =	vsel vm0, $0x1, v4;
	s12 =	sadd.s32 s12, s13  }
.Ltmp88:
0x34d: {  	(xrf0) =	vadd.scan.msk.s32 $0xffff, v9;
	v8, _, _ =	vpop (xrf0);
	(pc) =	sbr.rel @p5 .LBB2_48-.Ltmp88, $2  }
0x34e: {  	(v2sf) =	vpush v8, $0xF;
	_ =	sdelay $0x3  }
0x34f: {  	s20 =	sadd.s32 $0x10, s20;
	vm0 =	vgt.s32 v7, v6;
	s13 =	spop (v2sf)  }
0x350: {  	_ = 	snop  }
.LBB2_50:
0x351: {  	v7 =	vsel vm0, $0x1, v4  }
0x352: {  	(xrf0) =	vadd.scan.msk.s32 $0xffff, v7;
	_ =	sdelay $0x2  }
0x353: {  	v7, _, _ =	vpop @p1 (xrf0)  }
0x354: {  	(v2sf) =	vpush @p1 v7, $0xF;
	_ =	sdelay $0x1  }
0x355: {  	v7, _, _ =	vpop (xrf0)  }
0x356: {  	(v2sf) =	vpush v7, $0xF;
	_ =	sdelay $0x7  }
0x357: {  	s5 =	spop @p3 (v2sf);
	s12 =	sadd.s32 @p4 s12, s13;
	s13 =	simm.s32 $0x0  }
0x358: {  	s5 =	smov.u32 @p3 s5;
	s13 =	smov.u32 @p4 s12  }
0x359: {  	s5 =	sadd.s32 @p3 s13, s5;
	s13 =	simm.s32 $0x0;
	s12 =	spop @p2 (v2sf)  }
0x35a: {  	s13 =	smov.u32 @p3 s5;
	s12 =	smov.u32 @p2 s12  }
0x35b: {  	s5 =	sadd.s32 @p2 s13, s12;
	s13 =	simm.s32 $0x0;
	s12 =	spop @p1 (v2sf)  }
0x35c: {  	s13 =	smov.u32 @p2 s5;
	s12 =	smov.u32 @p1 s12  }
0x35d: {  	s5 =	sadd.s32 @p1 s13, s12  }
0x35e: {  	s3 =	smov.u32 @p1 s5;
	s31 =	spop (v2sf)  }
0x35f: {  	s26 =	simm.s32 $0x0;
	s3 =	sadd.s32 s3, s31  }
0x360: {  	s12 =	simm.s32 $0x7FFF;
	s13 =	simm.s32 $0x0;
	s3 =	ssub.s32 $0x400, s3  }
.LBB2_51:
0x361: {  	s5 =	sadd.s32 s26, s12  }
0x362: {  	s20 =	sand.u32 $0x1, s5  }
0x363: {  	s31 =	simm.s32 $0x1A200;
	p1 =	slt.s32 s5, $0x1;
	p2 =	seq.s32 s20, $0x1  }
.Ltmp89:
0x364: {  	s29 =	sshrl.u32 s5, $0x1F;
	p1 =	por !p1, !p2;
	(pc) =	sbr.rel @!p0 .LBB2_52-.Ltmp89, $4  }
0x365: {  	s5 =	sadd.s32 s29, s5;
	s20 =	simm.s32 $0x1;
	p1 =	por !p1, !p1  }
0x366: {  	s21 =	simm.s32 $0x1C280;
	s5 =	sshra.s32 s5, $0x1;
	s20 =	simm.s32 @!p1 $0x0  }
0x367: {  	p3 =	por $0x0, $0x0;
	p4 =	por $0x0, $0x0;
	v9 =	vld [tilespmem:s31+$0x0];
	s20 =	ssub.s32 s5, s20  }
0x368: {  	v8 =	vld [tilespmem:s21+$0x0];
	p2 =	por $0x0, $0x0;
	p1 =	por $0x0, $0x0;
	s5 =	simm.s32 $0x1A210;
	v7 =	vmov s20  }
0x369: {  	_ =	sdelay $0x1  }
0x36a: {  	p5 =	sne.s32 s1, $0x1  }
.Ltmp90:
0x36b: {  	_ = 	snop;
	(pc) =	sbr.rel @!p5 .LBB2_54-.Ltmp90, $4  }
0x36c: {  	vm0 =	veq.s32 v9, v6;
	vm2 =	vle.s32 v8, v7  }
0x36d: {  	vm0 =	vmand vm0, vm2  }
0x36e: {  	s31 =	simm.s32 $0x1C290;
	v9 =	vld [tilespmem:s5+$0x0];
	v10 =	vsel vm0, $0x1, v4  }
0x36f: {  	s21 =	simm.s32 $0x1A220;
	p1 =	por $0x1, $0x1;
	s5 =	sadd.s32 $0xFFFFFFFF, s1;
	v8 =	vld [tilespmem:s31+$0x0];
	(xrf0) =	vadd.scan.msk.s32 $0xffff, v10  }
0x370: {  	_ =	sdelay $0x4  }
0x371: {  	v11, _, _ =	vpop (xrf0)  }
0x372: {  	(v2sf) =	vpush v11, $0xF;
	_ =	sdelay $0x7  }
0x373: {  	p5 =	sne.s32 s5, $0x1  }
.Ltmp91:
0x374: {  	_ = 	snop;
	(pc) =	sbr.rel @!p5 .LBB2_56-.Ltmp91, $4  }
0x375: {  	vm0 =	veq.s32 v9, v6;
	vm2 =	vle.s32 v8, v7  }
0x376: {  	vm0 =	vmand vm0, vm2  }
0x377: {  	s31 =	simm.s32 $0x1C2A0;
	v9 =	vld [tilespmem:s21+$0x0];
	v10 =	vsel vm0, $0x1, v4  }
0x378: {  	s5 =	sadd.s32 $0xFFFFFFFF, s5;
	p2 =	por $0x1, $0x1;
	s21 =	simm.s32 $0x1A230;
	v8 =	vld [tilespmem:s31+$0x0];
	(xrf0) =	vadd.scan.msk.s32 $0xffff, v10  }
0x379: {  	_ =	sdelay $0x4  }
0x37a: {  	v11, _, _ =	vpop (xrf0)  }
0x37b: {  	(v2sf) =	vpush v11, $0xF;
	_ =	sdelay $0x3  }
0x37c: {  	p5 =	sne.s32 s5, $0x1  }
.Ltmp92:
0x37d: {  	_ = 	snop;
	(pc) =	sbr.rel @!p5 .LBB2_58-.Ltmp92, $4  }
0x37e: {  	vm0 =	veq.s32 v9, v6;
	vm2 =	vle.s32 v8, v7  }
0x37f: {  	vm0 =	vmand vm0, vm2  }
0x380: {  	s31 =	simm.s32 $0x1C2B0;
	v9 =	vld [tilespmem:s21+$0x0];
	v10 =	vsel vm0, $0x1, v4  }
0x381: {  	s5 =	sadd.s32 $0xFFFFFFFF, s5;
	p3 =	por $0x1, $0x1;
	s21 =	simm.s32 $0x1A240;
	v8 =	vld [tilespmem:s31+$0x0];
	(xrf0) =	vadd.scan.msk.s32 $0xffff, v10  }
0x382: {  	_ =	sdelay $0x4  }
0x383: {  	v11, _, _ =	vpop (xrf0)  }
0x384: {  	(v2sf) =	vpush v11, $0xF;
	_ =	sdelay $0x3  }
0x385: {  	s22 =	simm.s32 $0x1C2C0;
	p5 =	sne.s32 s5, $0x1;
	vm0 =	veq.s32 v9, v6;
	v9 =	vld [tilespmem:s21+$0x0];
	vm2 =	vle.s32 v8, v7  }
.Ltmp93:
0x386: {  	v8 =	vld [tilespmem:s22+$0x0];
	vm0 =	vmand vm0, vm2;
	(pc) =	sbr.rel @!p5 .LBB2_60-.Ltmp93, $4  }
0x387: {  	v10 =	vsel vm0, $0x1, v4  }
0x388: {  	(xrf0) =	vadd.scan.msk.s32 $0xffff, v10  }
0x389: {  	s23 =	sadd.s32 $0xFFFFFFFF, s5  }
0x38a: {  	s5 =	simm.s32 $0x1A250;
	p4 =	por $0x1, $0x1;
	s21 =	simm.s32 $0x0  }
.LBB2_61:
0x38b: {  	vm0 =	veq.s32 v9, v6;
	v9 =	vld [tilespmem:s5+$0x0];
	vm2 =	vle.s32 v8, v7;
	s22 =	sadd.s32 $0x10, s22;
	p5 =	sne.s32 s23, $0x1  }
.Ltmp94:
0x38c: {  	s23 =	sadd.s32 $0xFFFFFFFF, s23;
	v8 =	vld [tilespmem:s22+$0x0];
	vm0 =	vmand vm0, vm2;
	s29 =	spop (v2sf);
	(pc) =	sbr.rel @p5 .LBB2_61-.Ltmp94, $4  }
0x38d: {  	v11 =	vsel vm0, $0x1, v4;
	s21 =	sadd.s32 s21, s29  }
0x38e: {  	(xrf0) =	vadd.scan.msk.s32 $0xffff, v11;
	v10, _, _ =	vpop (xrf0)  }
0x38f: {  	(v2sf) =	vpush v10, $0xF  }
0x390: {  	s5 =	sadd.s32 $0x10, s5  }
.LBB2_62:
0x391: {  	vm0 =	veq.s32 v9, v6;
	vm2 =	vle.s32 v8, v7  }
0x392: {  	vm0 =	vmand vm0, vm2  }
0x393: {  	v7 =	vsel vm0, $0x1, v4  }
0x394: {  	(xrf0) =	vadd.scan.msk.s32 $0xffff, v7;
	_ =	sdelay $0x3  }
0x395: {  	v7, _, _ =	vpop @p1 (xrf0)  }
0x396: {  	(v2sf) =	vpush @p1 v7, $0xF  }
0x397: {  	v7, _, _ =	vpop (xrf0)  }
0x398: {  	(v2sf) =	vpush v7, $0xF;
	_ =	sdelay $0x6  }
0x399: {  	s5 =	spop @p4 (v2sf)  }
0x39a: {  	s5 =	sadd.s32 @p4 s21, s5;
	s21 =	simm.s32 $0x0  }
0x39b: {  	s21 =	smov.u32 @p4 s5;
	s5 =	spop @p3 (v2sf)  }
0x39c: {  	s5 =	sadd.s32 @p3 s21, s5;
	s21 =	simm.s32 $0x0  }
0x39d: {  	s21 =	smov.u32 @p3 s5;
	s5 =	spop @p2 (v2sf)  }
0x39e: {  	s5 =	sadd.s32 @p2 s21, s5;
	s21 =	simm.s32 $0x0  }
0x39f: {  	s21 =	smov.u32 @p2 s5;
	s5 =	spop @p1 (v2sf)  }
0x3a0: {  	s5 =	sadd.s32 @p1 s21, s5;
	s21 =	simm.s32 $0x0  }
0x3a1: {  	s21 =	smov.u32 @p1 s5;
	s31 =	spop (v2sf)  }
0x3a2: {  	s13 =	sadd.s32 $0x1, s13;
	s5 =	sadd.s32 s21, s31  }
0x3a3: {  	s21 =	smov.u32 s26;
	p1 =	slt.s32 s5, s3;
	s5 =	sadd.s32 $0x1, s20  }
0x3a4: {  	s21 =	smov.u32 @p1 s5;
	s20 =	smov.u32 @p1 s12;
	p1 =	sne.s32 s13, $0x10  }
.Ltmp95:
0x3a5: {  	_ = 	snop;
	(pc) =	sbr.rel @p1 .LBB2_51-.Ltmp95, $4  }
.Ltmp96:
0x3a6: {  	_ = 	snop;
	(pc) =	sbr.rel @!p1 .LBB2_63-.Ltmp96, $4  }
0x3a7: {  	_ = 	snop  }
0x3a8: {  	p2 =	slt.s32 s26, s12  }
0x3a9: {  	s26 =	smov.u32 @p2 s21;
	s12 =	smov.u32 @p2 s20  }
0x3aa: {  	_ = 	snop  }
.LBB2_52:
.Ltmp97:
0x3ab: {  	(pc) =	sbr.rel .LBB2_62-.Ltmp97, $2  }
0x3ac: {  	_ =	sdelay $0x2  }
0x3ad: {  	s21 =	simm.s32 $0x0  }
.LBB2_54:
.Ltmp98:
0x3ae: {  	(pc) =	sbr.rel .LBB2_62-.Ltmp98, $2  }
0x3af: {  	_ =	sdelay $0x2  }
0x3b0: {  	s21 =	simm.s32 $0x0  }
.LBB2_56:
.Ltmp99:
0x3b1: {  	(pc) =	sbr.rel .LBB2_62-.Ltmp99, $2  }
0x3b2: {  	_ =	sdelay $0x2  }
0x3b3: {  	s21 =	simm.s32 $0x0  }
.LBB2_58:
.Ltmp100:
0x3b4: {  	(pc) =	sbr.rel .LBB2_62-.Ltmp100, $2  }
0x3b5: {  	_ =	sdelay $0x3  }
0x3b6: {  	s21 =	simm.s32 $0x0  }
.LBB2_60:
.Ltmp101:
0x3b7: {  	(pc) =	sbr.rel .LBB2_62-.Ltmp101, $2  }
0x3b8: {  	_ =	sdelay $0x2  }
0x3b9: {  	s21 =	simm.s32 $0x0  }
.LBB2_112:
0x3ba: {  	s0 =	smin.u32 s28, $0x800  }
0x3bb: {  	s3 =	simm.s32 $0x3F800001;
	s2 =	simm.s32 $0x0;
	s0 =	sadd.s32 $0xF, s0  }
0x3bc: {  	s12 =	simm.s32 $0x0;
	s1 =	sand.u32 $0x1FF0, s0;
	s0 =	simm.s32 $0x0  }
.LBB2_113:
0x3bd: {  	s5 =	sadd.s32 s2, s3  }
0x3be: {  	p5 =	sne.s32 s1, $0x10;
	s13 =	sand.u32 $0x1, s5  }
0x3bf: {  	s20 =	sand.u32 $0xFFFFFFF0, s0;
	p0 =	slt.s32 s5, $0x1;
	p1 =	seq.s32 s13, $0x1  }
.Ltmp102:
0x3c0: {  	s23 =	sshrl.u32 s5, $0x1F;
	p0 =	por !p0, !p1;
	(pc) =	sbr.rel @!p5 .LBB2_114-.Ltmp102, $4  }
0x3c1: {  	s5 =	sadd.s32 s23, s5;
	s13 =	simm.s32 $0x1;
	p0 =	por !p0, !p0  }
0x3c2: {  	p2 =	por $0x0, $0x0;
	s5 =	sshra.s32 s5, $0x1;
	s13 =	simm.s32 @!p0 $0x0  }
0x3c3: {  	p3 =	por $0x0, $0x0;
	p4 =	por $0x0, $0x0;
	s13 =	ssub.s32 s5, s13  }
0x3c4: {  	p1 =	por $0x0, $0x0;
	p0 =	por $0x0, $0x0;
	s5 =	simm.s32 $0x10;
	v6 =	vmov s13  }
0x3c5: {  	v7 =	vld [tilespmem:s20+$0x1AA00];
	p5 =	sne.s32 s1, $0x20  }
.Ltmp103:
0x3c6: {  	_ = 	snop;
	(pc) =	sbr.rel @!p5 .LBB2_116-.Ltmp103, $2  }
0x3c7: {  	_ =	sdelay $0x2  }
0x3c8: {  	s22 =	simm.s32 $0x20;
	s20 =	sand.u32 $0xFFFFFFF0, s5;
	p0 =	por $0x1, $0x1;
	vm0 =	vgt.s32 v7, v6  }
0x3c9: {  	v7 =	vld [tilespmem:s20+$0x1AA00];
	p5 =	sne.s32 s1, $0x30  }
.Ltmp104:
0x3ca: {  	_ = 	snop;
	(pc) =	sbr.rel @!p5 .LBB2_118-.Ltmp104, $3  }
0x3cb: {  	_ =	sdelay $0x1  }
0x3cc: {  	v8 =	vsel vm0, $0x1, v4  }
0x3cd: {  	s21 =	simm.s32 $0x30;
	s20 =	sand.u32 $0xFFFFFFF0, s22;
	p1 =	por $0x1, $0x1;
	(xrf0) =	vadd.scan.msk.s32 $0xffff, v8;
	vm0 =	vgt.s32 v7, v6  }
0x3ce: {  	_ = 	snop  }
0x3cf: {  	v7 =	vld [tilespmem:s20+$0x1AA00];
	p5 =	sne.s32 s1, $0x40  }
.Ltmp105:
0x3d0: {  	_ = 	snop;
	(pc) =	sbr.rel @!p5 .LBB2_120-.Ltmp105, $3  }
0x3d1: {  	_ =	sdelay $0x1  }
0x3d2: {  	v8 =	vsel vm0, $0x1, v4;
	v9, _, _ =	vpop (xrf0)  }
0x3d3: {  	s5 =	simm.s32 $0x40;
	s20 =	sand.u32 $0xFFFFFFF0, s21;
	p2 =	por $0x1, $0x1;
	(xrf0) =	vadd.scan.msk.s32 $0xffff, v8;
	vm0 =	vgt.s32 v7, v6;
	(v2sf) =	vpush v9, $0xF  }
0x3d4: {  	_ =	sdelay $0x4  }
0x3d5: {  	v9, _, _ =	vpop (xrf0)  }
0x3d6: {  	(v2sf) =	vpush v9, $0xF;
	_ =	sdelay $0x2  }
0x3d7: {  	v7 =	vld [tilespmem:s20+$0x1AA00];
	p5 =	sne.s32 s1, $0x50  }
.Ltmp106:
0x3d8: {  	_ = 	snop;
	(pc) =	sbr.rel @!p5 .LBB2_122-.Ltmp106, $3  }
0x3d9: {  	_ =	sdelay $0x1  }
0x3da: {  	v8 =	vsel vm0, $0x1, v4  }
0x3db: {  	s21 =	simm.s32 $0x50;
	s20 =	sand.u32 $0xFFFFFFF0, s5;
	p3 =	por $0x1, $0x1;
	(xrf0) =	vadd.scan.msk.s32 $0xffff, v8;
	vm0 =	vgt.s32 v7, v6  }
0x3dc: {  	_ =	sdelay $0x4  }
0x3dd: {  	v9, _, _ =	vpop (xrf0)  }
0x3de: {  	(v2sf) =	vpush v9, $0xF;
	_ =	sdelay $0x2  }
0x3df: {  	v7 =	vld [tilespmem:s20+$0x1AA00];
	p5 =	sne.s32 s1, $0x60  }
.Ltmp107:
0x3e0: {  	v8 =	vsel vm0, $0x1, v4;
	(pc) =	sbr.rel @!p5 .LBB2_124-.Ltmp107, $3  }
0x3e1: {  	(xrf0) =	vadd.scan.msk.s32 $0xffff, v8;
	_ =	sdelay $0x1  }
0x3e2: {  	s23 =	simm.s32 $0x60;
	s20 =	sand.u32 $0xFFFFFFF0, s21  }
0x3e3: {  	s22 =	spop (v2sf);
	p4 =	por $0x1, $0x1;
	s21 =	simm.s32 $0x0;
	vm0 =	vgt.s32 v7, v6  }
.LBB2_125:
0x3e4: {  	s5 =	smov.u32 s23;
	s23 =	sadd.s32 $0x10, s23  }
0x3e5: {  	v7 =	vld [tilespmem:s20+$0x1AA00];
	v9 =	vsel vm0, $0x1, v4;
	s21 =	sadd.s32 s21, s22;
	p5 =	sne.s32 s1, s23  }
.Ltmp108:
0x3e6: {  	(xrf0) =	vadd.scan.msk.s32 $0xffff, v9;
	v8, _, _ =	vpop (xrf0);
	(pc) =	sbr.rel @p5 .LBB2_125-.Ltmp108, $2  }
0x3e7: {  	(v2sf) =	vpush v8, $0xF;
	_ =	sdelay $0x2  }
0x3e8: {  	s20 =	sand.u32 $0xFFFFFFF0, s5;
	vm0 =	vgt.s32 v7, v6;
	s22 =	spop (v2sf)  }
0x3e9: {  	_ = 	snop  }
.LBB2_127:
0x3ea: {  	v7 =	vld [tilespmem:s20+$0x1AA00];
	_ =	sdelay $0x3  }
0x3eb: {  	v8 =	vsel @p0 vm0, $0x1, v4  }
0x3ec: {  	(xrf0) =	vadd.scan.msk.s32 @p0 $0xffff, v8;
	vm0 =	vgt.s32 v7, v6  }
0x3ed: {  	v6 =	vsel vm0, $0x1, v4;
	_ =	sdelay $0x1  }
0x3ee: {  	(xrf0) =	vadd.scan.msk.s32 $0xffff, v6  }
0x3ef: {  	v6, _, _ =	vpop @p1 (xrf0)  }
0x3f0: {  	(v2sf) =	vpush @p1 v6, $0xF  }
0x3f1: {  	v6, _, _ =	vpop @p0 (xrf0)  }
0x3f2: {  	(v2sf) =	vpush @p0 v6, $0xF;
	_ =	sdelay $0x1  }
0x3f3: {  	v6, _, _ =	vpop (xrf0)  }
0x3f4: {  	(v2sf) =	vpush v6, $0xF;
	_ =	sdelay $0x5  }
0x3f5: {  	s5 =	spop @p3 (v2sf);
	s20 =	sadd.s32 @p4 s21, s22;
	s21 =	simm.s32 $0x0  }
0x3f6: {  	s5 =	smov.u32 @p3 s5;
	s21 =	smov.u32 @p4 s20  }
0x3f7: {  	s5 =	sadd.s32 @p3 s21, s5;
	s21 =	simm.s32 $0x0;
	s20 =	spop @p2 (v2sf)  }
0x3f8: {  	s21 =	smov.u32 @p3 s5;
	s20 =	smov.u32 @p2 s20  }
0x3f9: {  	s5 =	sadd.s32 @p2 s21, s20;
	s21 =	simm.s32 $0x0;
	s20 =	spop @p1 (v2sf)  }
0x3fa: {  	s21 =	smov.u32 @p2 s5;
	s20 =	smov.u32 @p1 s20  }
0x3fb: {  	s5 =	sadd.s32 @p1 s21, s20;
	s20 =	spop @p0 (v2sf);
	s21 =	simm.s32 $0x0  }
0x3fc: {  	s20 =	smov.u32 @p0 s20;
	s21 =	smov.u32 @p1 s5  }
0x3fd: {  	s5 =	sadd.s32 @p0 s21, s20;
	s20 =	simm.s32 $0x0  }
0x3fe: {  	s23 =	spop (v2sf);
	s20 =	smov.u32 @p0 s5  }
0x3ff: {  	s12 =	sadd.s32 $0x1, s12;
	s5 =	sadd.s32 s20, s23  }
0x400: {  	s20 =	smov.u32 s2;
	p0 =	sgt.s32 s5, $0x3FF;
	s5 =	sadd.s32 $0x1, s13  }
0x401: {  	s20 =	smov.u32 @p0 s5;
	s13 =	smov.u32 @p0 s3;
	p0 =	seq.s32 s12, $0x1F  }
.Ltmp109:
0x402: {  	_ = 	snop;
	(pc) =	sbr.rel @!p0 .LBB2_113-.Ltmp109, $4  }
.Ltmp110:
0x403: {  	_ = 	snop;
	(pc) =	sbr.rel @p0 .LBB2_128-.Ltmp110, $4  }
0x404: {  	_ = 	snop  }
0x405: {  	p1 =	slt.s32 s2, s3  }
0x406: {  	s2 =	smov.u32 @p1 s20;
	s3 =	smov.u32 @p1 s13  }
0x407: {  	_ = 	snop  }
.LBB2_114:
.Ltmp111:
0x408: {  	(pc) =	sbr.rel .LBB2_127-.Ltmp111, $2  }
0x409: {  	_ =	sdelay $0x2  }
0x40a: {  	s21 =	simm.s32 $0x0  }
.LBB2_116:
.Ltmp112:
0x40b: {  	(pc) =	sbr.rel .LBB2_127-.Ltmp112, $2  }
0x40c: {  	_ =	sdelay $0x2  }
0x40d: {  	s21 =	simm.s32 $0x0  }
.LBB2_118:
.Ltmp113:
0x40e: {  	(pc) =	sbr.rel .LBB2_127-.Ltmp113, $2  }
0x40f: {  	_ =	sdelay $0x2  }
0x410: {  	s21 =	simm.s32 $0x0  }
.LBB2_120:
.Ltmp114:
0x411: {  	(pc) =	sbr.rel .LBB2_127-.Ltmp114, $2  }
0x412: {  	_ =	sdelay $0x2  }
0x413: {  	s21 =	simm.s32 $0x0  }
.LBB2_122:
.Ltmp115:
0x414: {  	(pc) =	sbr.rel .LBB2_127-.Ltmp115, $2  }
0x415: {  	_ =	sdelay $0x2  }
0x416: {  	s21 =	simm.s32 $0x0  }
.LBB2_124:
.Ltmp116:
0x417: {  	(pc) =	sbr.rel .LBB2_127-.Ltmp116, $2  }
0x418: {  	_ =	sdelay $0x2  }
0x419: {  	s21 =	simm.s32 $0x0  }
.LBB2_175:
0x41a: {  	p5 =	sne.s32 s1, $0x10  }
.Ltmp117:
0x41b: {  	_ = 	snop;
	(pc) =	sbr.rel @!p5 .LBB2_176-.Ltmp117, $4  }
0x41c: {  	_ = 	snop  }
0x41d: {  	s12 =	simm.s32 $0x0;
	s5 =	simm.s32 $0x10  }
0x41e: {  	p0 =	por $0x0, $0x0;
	p1 =	por $0x0, $0x0;
	p2 =	por $0x0, $0x0  }
0x41f: {  	v6 =	vmov s28;
	p3 =	por $0x0, $0x0;
	p4 =	por $0x0, $0x0;
	s13 =	sand.u32 $0xFFFFFFF0, s12  }
0x420: {  	v7 =	vld [tilespmem:s13+$0x1BA00];
	p5 =	sne.s32 s1, $0x20  }
.Ltmp118:
0x421: {  	_ = 	snop;
	(pc) =	sbr.rel @!p5 .LBB2_178-.Ltmp118, $2  }
0x422: {  	_ =	sdelay $0x2  }
0x423: {  	s21 =	simm.s32 $0x20;
	s13 =	sand.u32 $0xFFFFFFF0, s5;
	p0 =	por $0x1, $0x1;
	vm0 =	vgt.s32 v7, v6  }
0x424: {  	v7 =	vld [tilespmem:s13+$0x1BA00];
	p5 =	sne.s32 s1, $0x30  }
.Ltmp119:
0x425: {  	_ = 	snop;
	(pc) =	sbr.rel @!p5 .LBB2_180-.Ltmp119, $3  }
0x426: {  	_ =	sdelay $0x1  }
0x427: {  	v8 =	vsel vm0, $0x1, v4  }
0x428: {  	s20 =	simm.s32 $0x30;
	s13 =	sand.u32 $0xFFFFFFF0, s21;
	p1 =	por $0x1, $0x1;
	(xrf0) =	vadd.scan.msk.s32 $0xffff, v8;
	vm0 =	vgt.s32 v7, v6  }
0x429: {  	_ = 	snop  }
0x42a: {  	v7 =	vld [tilespmem:s13+$0x1BA00];
	p5 =	sne.s32 s1, $0x40  }
.Ltmp120:
0x42b: {  	_ = 	snop;
	(pc) =	sbr.rel @!p5 .LBB2_182-.Ltmp120, $3  }
0x42c: {  	_ =	sdelay $0x1  }
0x42d: {  	v8 =	vsel vm0, $0x1, v4;
	v9, _, _ =	vpop (xrf0)  }
0x42e: {  	s5 =	simm.s32 $0x40;
	s13 =	sand.u32 $0xFFFFFFF0, s20;
	p2 =	por $0x1, $0x1;
	(xrf0) =	vadd.scan.msk.s32 $0xffff, v8;
	vm0 =	vgt.s32 v7, v6;
	(v2sf) =	vpush v9, $0xF  }
0x42f: {  	_ =	sdelay $0x4  }
0x430: {  	v9, _, _ =	vpop (xrf0)  }
0x431: {  	(v2sf) =	vpush v9, $0xF;
	_ =	sdelay $0x2  }
0x432: {  	v7 =	vld [tilespmem:s13+$0x1BA00];
	p5 =	sne.s32 s1, $0x50  }
.Ltmp121:
0x433: {  	_ = 	snop;
	(pc) =	sbr.rel @!p5 .LBB2_184-.Ltmp121, $3  }
0x434: {  	_ =	sdelay $0x1  }
0x435: {  	v8 =	vsel vm0, $0x1, v4  }
0x436: {  	s20 =	simm.s32 $0x50;
	s13 =	sand.u32 $0xFFFFFFF0, s5;
	p3 =	por $0x1, $0x1;
	(xrf0) =	vadd.scan.msk.s32 $0xffff, v8;
	vm0 =	vgt.s32 v7, v6  }
0x437: {  	_ =	sdelay $0x4  }
0x438: {  	v9, _, _ =	vpop (xrf0)  }
0x439: {  	(v2sf) =	vpush v9, $0xF;
	_ =	sdelay $0x2  }
0x43a: {  	v7 =	vld [tilespmem:s13+$0x1BA00];
	p5 =	sne.s32 s1, $0x60  }
.Ltmp122:
0x43b: {  	v8 =	vsel vm0, $0x1, v4;
	(pc) =	sbr.rel @!p5 .LBB2_186-.Ltmp122, $3  }
0x43c: {  	(xrf0) =	vadd.scan.msk.s32 $0xffff, v8;
	_ =	sdelay $0x1  }
0x43d: {  	s5 =	simm.s32 $0x60;
	s13 =	sand.u32 $0xFFFFFFF0, s20  }
0x43e: {  	s21 =	spop (v2sf);
	p4 =	por $0x1, $0x1;
	s20 =	simm.s32 $0x0;
	vm0 =	vgt.s32 v7, v6  }
.LBB2_187:
0x43f: {  	s6 =	smov.u32 s5;
	s5 =	sadd.s32 $0x10, s5  }
0x440: {  	v7 =	vld [tilespmem:s13+$0x1BA00];
	v9 =	vsel vm0, $0x1, v4;
	s20 =	sadd.s32 s20, s21;
	p5 =	sne.s32 s1, s5  }
.Ltmp123:
0x441: {  	(xrf0) =	vadd.scan.msk.s32 $0xffff, v9;
	v8, _, _ =	vpop (xrf0);
	(pc) =	sbr.rel @p5 .LBB2_187-.Ltmp123, $2  }
0x442: {  	(v2sf) =	vpush v8, $0xF;
	_ =	sdelay $0x2  }
0x443: {  	s13 =	sand.u32 $0xFFFFFFF0, s6;
	vm0 =	vgt.s32 v7, v6;
	s21 =	spop (v2sf)  }
0x444: {  	_ = 	snop  }
.LBB2_189:
0x445: {  	v7 =	vld [tilespmem:s13+$0x1BA00];
	_ =	sdelay $0x3  }
0x446: {  	v8 =	vsel @p0 vm0, $0x1, v4  }
0x447: {  	(xrf0) =	vadd.scan.msk.s32 @p0 $0xffff, v8;
	vm0 =	vgt.s32 v7, v6  }
0x448: {  	v7 =	vsel vm0, $0x1, v4;
	_ =	sdelay $0x1  }
0x449: {  	(xrf0) =	vadd.scan.msk.s32 $0xffff, v7  }
0x44a: {  	v7, _, _ =	vpop @p1 (xrf0)  }
0x44b: {  	(v2sf) =	vpush @p1 v7, $0xF  }
0x44c: {  	v7, _, _ =	vpop @p0 (xrf0)  }
0x44d: {  	(v2sf) =	vpush @p0 v7, $0xF;
	_ =	sdelay $0x1  }
0x44e: {  	v7, _, _ =	vpop (xrf0)  }
0x44f: {  	(v2sf) =	vpush v7, $0xF;
	_ =	sdelay $0x5  }
0x450: {  	s5 =	spop @p3 (v2sf);
	s6 =	sadd.s32 @p4 s20, s21;
	s13 =	simm.s32 $0x0  }
0x451: {  	s5 =	smov.u32 @p3 s5;
	s13 =	smov.u32 @p4 s6  }
0x452: {  	s5 =	sadd.s32 @p3 s13, s5;
	s13 =	simm.s32 $0x0;
	s6 =	spop @p2 (v2sf)  }
0x453: {  	s13 =	smov.u32 @p3 s5;
	s6 =	smov.u32 @p2 s6  }
0x454: {  	s5 =	sadd.s32 @p2 s13, s6;
	s13 =	simm.s32 $0x0;
	s6 =	spop @p1 (v2sf)  }
0x455: {  	s13 =	smov.u32 @p2 s5;
	s6 =	smov.u32 @p1 s6  }
0x456: {  	s5 =	sadd.s32 @p1 s13, s6;
	s6 =	spop @p0 (v2sf);
	s13 =	simm.s32 $0x0  }
0x457: {  	s6 =	smov.u32 @p0 s6;
	s13 =	smov.u32 @p1 s5  }
0x458: {  	s5 =	sadd.s32 @p0 s13, s6  }
0x459: {  	s23 =	spop (v2sf);
	s12 =	smov.u32 @p0 s5  }
0x45a: {  	s20 =	simm.s32 $0x0;
	s13 =	simm.s32 $0x7FFF;
	s5 =	sadd.s32 s12, s23  }
0x45b: {  	s12 =	simm.s32 $0x0;
	s30 =	ssub.s32 s3, s5;
	s3 =	simm.s32 $0x0  }
.LBB2_190:
0x45c: {  	s5 =	sadd.s32 s3, s13  }
0x45d: {  	p5 =	sne.s32 s1, $0x10;
	s6 =	sand.u32 $0x1, s5  }
0x45e: {  	s22 =	sand.u32 $0xFFFFFFF0, s12;
	p0 =	slt.s32 s5, $0x1;
	p1 =	seq.s32 s6, $0x1  }
.Ltmp124:
0x45f: {  	s23 =	sshrl.u32 s5, $0x1F;
	p0 =	por !p0, !p1;
	(pc) =	sbr.rel @!p5 .LBB2_191-.Ltmp124, $4  }
0x460: {  	s5 =	sadd.s32 s23, s5;
	s6 =	simm.s32 $0x1;
	p0 =	por !p0, !p0  }
0x461: {  	p2 =	por $0x0, $0x0;
	s5 =	sshra.s32 s5, $0x1;
	s6 =	simm.s32 @!p0 $0x0  }
0x462: {  	p3 =	por $0x0, $0x0;
	p4 =	por $0x0, $0x0;
	s21 =	ssub.s32 s5, s6  }
0x463: {  	v8 =	vld [tilespmem:s22+$0x1BA00];
	p1 =	por $0x0, $0x0;
	p0 =	por $0x0, $0x0;
	s5 =	simm.s32 $0x10;
	v7 =	vmov s21  }
0x464: {  	v9 =	vld [tilespmem:s22+$0x1DA80];
	p5 =	sne.s32 s1, $0x20  }
.Ltmp125:
0x465: {  	_ = 	snop;
	(pc) =	sbr.rel @!p5 .LBB2_193-.Ltmp125, $3  }
0x466: {  	_ =	sdelay $0x1  }
0x467: {  	s22 =	sand.u32 $0xFFFFFFF0, s5  }
0x468: {  	s5 =	simm.s32 $0x20;
	p0 =	por $0x1, $0x1;
	vm0 =	veq.s32 v8, v6;
	v8 =	vld [tilespmem:s22+$0x1BA00];
	vm2 =	vle.s32 v9, v7  }
0x469: {  	v9 =	vld [tilespmem:s22+$0x1DA80];
	p5 =	sne.s32 s1, $0x30  }
.Ltmp126:
0x46a: {  	_ = 	snop;
	(pc) =	sbr.rel @!p5 .LBB2_195-.Ltmp126, $4  }
0x46b: {  	_ = 	snop  }
0x46c: {  	vm0 =	vmand vm0, vm2  }
0x46d: {  	s22 =	sand.u32 $0xFFFFFFF0, s5;
	v10 =	vsel vm0, $0x1, v4  }
0x46e: {  	s5 =	simm.s32 $0x30;
	p1 =	por $0x1, $0x1;
	(xrf0) =	vadd.scan.msk.s32 $0xffff, v10;
	vm0 =	veq.s32 v8, v6;
	v8 =	vld [tilespmem:s22+$0x1BA00];
	vm2 =	vle.s32 v9, v7  }
0x46f: {  	_ =	sdelay $0x4  }
0x470: {  	v11, _, _ =	vpop (xrf0)  }
0x471: {  	(v2sf) =	vpush v11, $0xF;
	_ =	sdelay $0x7  }
0x472: {  	v9 =	vld [tilespmem:s22+$0x1DA80];
	p5 =	sne.s32 s1, $0x40  }
.Ltmp127:
0x473: {  	_ = 	snop;
	(pc) =	sbr.rel @!p5 .LBB2_197-.Ltmp127, $4  }
0x474: {  	_ = 	snop  }
0x475: {  	vm0 =	vmand vm0, vm2  }
0x476: {  	s22 =	sand.u32 $0xFFFFFFF0, s5;
	v10 =	vsel vm0, $0x1, v4  }
0x477: {  	s5 =	simm.s32 $0x40;
	p2 =	por $0x1, $0x1;
	vm0 =	veq.s32 v8, v6;
	v8 =	vld [tilespmem:s22+$0x1BA00];
	(xrf0) =	vadd.scan.msk.s32 $0xffff, v10;
	vm2 =	vle.s32 v9, v7  }
0x478: {  	_ =	sdelay $0x4  }
0x479: {  	v11, _, _ =	vpop (xrf0)  }
0x47a: {  	(v2sf) =	vpush v11, $0xF;
	_ =	sdelay $0x2  }
0x47b: {  	v9 =	vld [tilespmem:s22+$0x1DA80];
	p5 =	sne.s32 s1, $0x50  }
.Ltmp128:
0x47c: {  	_ = 	snop;
	(pc) =	sbr.rel @!p5 .LBB2_199-.Ltmp128, $4  }
0x47d: {  	_ = 	snop  }
0x47e: {  	vm0 =	vmand vm0, vm2  }
0x47f: {  	s22 =	sand.u32 $0xFFFFFFF0, s5;
	v10 =	vsel vm0, $0x1, v4  }
0x480: {  	s5 =	simm.s32 $0x50;
	p3 =	por $0x1, $0x1;
	vm0 =	veq.s32 v8, v6;
	v8 =	vld [tilespmem:s22+$0x1BA00];
	(xrf0) =	vadd.scan.msk.s32 $0xffff, v10;
	vm2 =	vle.s32 v9, v7  }
0x481: {  	_ =	sdelay $0x4  }
0x482: {  	v11, _, _ =	vpop (xrf0)  }
0x483: {  	(v2sf) =	vpush v11, $0xF;
	_ =	sdelay $0x2  }
0x484: {  	v9 =	vld [tilespmem:s22+$0x1DA80];
	p5 =	sne.s32 s1, $0x60  }
.Ltmp129:
0x485: {  	vm0 =	vmand vm0, vm2;
	(pc) =	sbr.rel @!p5 .LBB2_201-.Ltmp129, $4  }
0x486: {  	v10 =	vsel vm0, $0x1, v4  }
0x487: {  	(xrf0) =	vadd.scan.msk.s32 $0xffff, v10  }
0x488: {  	s22 =	sand.u32 $0xFFFFFFF0, s5  }
0x489: {  	s5 =	simm.s32 $0x60;
	p4 =	por $0x1, $0x1;
	s23 =	simm.s32 $0x0;
	vm0 =	veq.s32 v8, v6;
	v8 =	vld [tilespmem:s22+$0x1BA00];
	vm2 =	vle.s32 v9, v7  }
.LBB2_202:
0x48a: {  	v9 =	vld [tilespmem:s22+$0x1DA80];
	s22 =	smov.u32 s5;
	s5 =	sadd.s32 $0x10, s5  }
0x48b: {  	vm0 =	vmand vm0, vm2;
	s6 =	spop (v2sf);
	p5 =	sne.s32 s1, s5  }
.Ltmp130:
0x48c: {  	v11 =	vsel vm0, $0x1, v4;
	s23 =	sadd.s32 s23, s6;
	(pc) =	sbr.rel @p5 .LBB2_202-.Ltmp130, $4  }
0x48d: {  	(xrf0) =	vadd.scan.msk.s32 $0xffff, v11;
	v10, _, _ =	vpop (xrf0)  }
0x48e: {  	(v2sf) =	vpush v10, $0xF  }
0x48f: {  	s22 =	sand.u32 $0xFFFFFFF0, s22;
	vm0 =	veq.s32 v8, v6  }
0x490: {  	v8 =	vld [tilespmem:s22+$0x1BA00];
	vm2 =	vle.s32 v9, v7  }
.LBB2_203:
0x491: {  	v9 =	vld [tilespmem:s22+$0x1DA80];
	_ =	sdelay $0x3  }
0x492: {  	vm0 =	vmand @p0 vm0, vm2  }
0x493: {  	v10 =	vsel @p0 vm0, $0x1, v4;
	vm0 =	veq.s32 v8, v6;
	vm2 =	vle.s32 v9, v7  }
0x494: {  	(xrf0) =	vadd.scan.msk.s32 @p0 $0xffff, v10;
	vm0 =	vmand vm0, vm2  }
0x495: {  	v7 =	vsel vm0, $0x1, v4  }
0x496: {  	(xrf0) =	vadd.scan.msk.s32 $0xffff, v7;
	_ =	sdelay $0x1  }
0x497: {  	v7, _, _ =	vpop @p1 (xrf0)  }
0x498: {  	(v2sf) =	vpush @p1 v7, $0xF  }
0x499: {  	v7, _, _ =	vpop @p0 (xrf0)  }
0x49a: {  	(v2sf) =	vpush @p0 v7, $0xF  }
0x49b: {  	v7, _, _ =	vpop (xrf0)  }
0x49c: {  	(v2sf) =	vpush v7, $0xF;
	_ =	sdelay $0x4  }
0x49d: {  	s5 =	spop @p4 (v2sf)  }
0x49e: {  	s6 =	simm.s32 $0x0;
	s5 =	sadd.s32 @p4 s23, s5  }
0x49f: {  	s6 =	smov.u32 @p4 s5;
	s5 =	spop @p3 (v2sf)  }
0x4a0: {  	s5 =	sadd.s32 @p3 s6, s5;
	s6 =	simm.s32 $0x0  }
0x4a1: {  	s6 =	smov.u32 @p3 s5;
	s5 =	spop @p2 (v2sf)  }
0x4a2: {  	s5 =	sadd.s32 @p2 s6, s5;
	s6 =	simm.s32 $0x0  }
0x4a3: {  	s6 =	smov.u32 @p2 s5;
	s5 =	spop @p1 (v2sf)  }
0x4a4: {  	s5 =	sadd.s32 @p1 s6, s5;
	s6 =	simm.s32 $0x0  }
0x4a5: {  	s6 =	smov.u32 @p1 s5;
	s5 =	spop @p0 (v2sf)  }
0x4a6: {  	s5 =	sadd.s32 @p0 s6, s5;
	s6 =	simm.s32 $0x0  }
0x4a7: {  	s6 =	smov.u32 @p0 s5;
	s23 =	spop (v2sf)  }
0x4a8: {  	s20 =	sadd.s32 $0x1, s20;
	s5 =	sadd.s32 s6, s23  }
0x4a9: {  	s6 =	smov.u32 s3;
	p0 =	slt.s32 s5, s30;
	s5 =	sadd.s32 $0x1, s21  }
0x4aa: {  	s6 =	smov.u32 @p0 s5;
	s21 =	smov.u32 @p0 s13;
	p0 =	sne.s32 s20, $0x10  }
.Ltmp131:
0x4ab: {  	_ = 	snop;
	(pc) =	sbr.rel @p0 .LBB2_190-.Ltmp131, $4  }
.Ltmp132:
0x4ac: {  	_ = 	snop;
	(pc) =	sbr.rel @!p0 .LBB2_204-.Ltmp132, $4  }
0x4ad: {  	_ = 	snop  }
0x4ae: {  	p1 =	slt.s32 s3, s13  }
0x4af: {  	s3 =	smov.u32 @p1 s6;
	s13 =	smov.u32 @p1 s21  }
0x4b0: {  	_ = 	snop  }
.LBB2_191:
.Ltmp133:
0x4b1: {  	(pc) =	sbr.rel .LBB2_203-.Ltmp133, $2  }
0x4b2: {  	_ =	sdelay $0x2  }
0x4b3: {  	s23 =	simm.s32 $0x0  }
.LBB2_193:
.Ltmp134:
0x4b4: {  	(pc) =	sbr.rel .LBB2_203-.Ltmp134, $2  }
0x4b5: {  	_ =	sdelay $0x2  }
0x4b6: {  	s23 =	simm.s32 $0x0  }
.LBB2_195:
.Ltmp135:
0x4b7: {  	(pc) =	sbr.rel .LBB2_203-.Ltmp135, $2  }
0x4b8: {  	_ =	sdelay $0x2  }
0x4b9: {  	s23 =	simm.s32 $0x0  }
.LBB2_197:
.Ltmp136:
0x4ba: {  	(pc) =	sbr.rel .LBB2_203-.Ltmp136, $2  }
0x4bb: {  	_ =	sdelay $0x2  }
0x4bc: {  	s23 =	simm.s32 $0x0  }
.LBB2_199:
.Ltmp137:
0x4bd: {  	(pc) =	sbr.rel .LBB2_203-.Ltmp137, $2  }
0x4be: {  	_ =	sdelay $0x3  }
0x4bf: {  	s23 =	simm.s32 $0x0  }
.LBB2_201:
.Ltmp138:
0x4c0: {  	(pc) =	sbr.rel .LBB2_203-.Ltmp138, $2  }
0x4c1: {  	_ =	sdelay $0x2  }
0x4c2: {  	s23 =	simm.s32 $0x0  }
.LBB2_128:
0x4c3: {  	p5 =	sne.s32 s1, $0x10  }
.Ltmp139:
0x4c4: {  	_ = 	snop;
	(pc) =	sbr.rel @!p5 .LBB2_129-.Ltmp139, $4  }
0x4c5: {  	_ = 	snop  }
0x4c6: {  	s0 =	simm.s32 $0x0;
	s5 =	simm.s32 $0x10  }
0x4c7: {  	p0 =	por $0x0, $0x0;
	p1 =	por $0x0, $0x0;
	p2 =	por $0x0, $0x0  }
0x4c8: {  	v6 =	vmov s2;
	p3 =	por $0x0, $0x0;
	p4 =	por $0x0, $0x0;
	s3 =	sand.u32 $0xFFFFFFF0, s0  }
0x4c9: {  	v7 =	vld [tilespmem:s3+$0x1AA00];
	p5 =	sne.s32 s1, $0x20  }
.Ltmp140:
0x4ca: {  	_ = 	snop;
	(pc) =	sbr.rel @!p5 .LBB2_131-.Ltmp140, $2  }
0x4cb: {  	_ =	sdelay $0x2  }
0x4cc: {  	s13 =	simm.s32 $0x20;
	s3 =	sand.u32 $0xFFFFFFF0, s5;
	p0 =	por $0x1, $0x1;
	vm0 =	vgt.s32 v7, v6  }
0x4cd: {  	v7 =	vld [tilespmem:s3+$0x1AA00];
	p5 =	sne.s32 s1, $0x30  }
.Ltmp141:
0x4ce: {  	_ = 	snop;
	(pc) =	sbr.rel @!p5 .LBB2_133-.Ltmp141, $3  }
0x4cf: {  	_ =	sdelay $0x1  }
0x4d0: {  	v8 =	vsel vm0, $0x1, v4  }
0x4d1: {  	s12 =	simm.s32 $0x30;
	s3 =	sand.u32 $0xFFFFFFF0, s13;
	p1 =	por $0x1, $0x1;
	(xrf0) =	vadd.scan.msk.s32 $0xffff, v8;
	vm0 =	vgt.s32 v7, v6  }
0x4d2: {  	_ = 	snop  }
0x4d3: {  	v7 =	vld [tilespmem:s3+$0x1AA00];
	p5 =	sne.s32 s1, $0x40  }
.Ltmp142:
0x4d4: {  	_ = 	snop;
	(pc) =	sbr.rel @!p5 .LBB2_135-.Ltmp142, $3  }
0x4d5: {  	_ =	sdelay $0x1  }
0x4d6: {  	v8 =	vsel vm0, $0x1, v4;
	v9, _, _ =	vpop (xrf0)  }
0x4d7: {  	s5 =	simm.s32 $0x40;
	s3 =	sand.u32 $0xFFFFFFF0, s12;
	p2 =	por $0x1, $0x1;
	(xrf0) =	vadd.scan.msk.s32 $0xffff, v8;
	vm0 =	vgt.s32 v7, v6;
	(v2sf) =	vpush v9, $0xF  }
0x4d8: {  	_ =	sdelay $0x4  }
0x4d9: {  	v9, _, _ =	vpop (xrf0)  }
0x4da: {  	(v2sf) =	vpush v9, $0xF;
	_ =	sdelay $0x2  }
0x4db: {  	v7 =	vld [tilespmem:s3+$0x1AA00];
	p5 =	sne.s32 s1, $0x50  }
.Ltmp143:
0x4dc: {  	_ = 	snop;
	(pc) =	sbr.rel @!p5 .LBB2_137-.Ltmp143, $3  }
0x4dd: {  	_ =	sdelay $0x1  }
0x4de: {  	v8 =	vsel vm0, $0x1, v4  }
0x4df: {  	s12 =	simm.s32 $0x50;
	s3 =	sand.u32 $0xFFFFFFF0, s5;
	p3 =	por $0x1, $0x1;
	(xrf0) =	vadd.scan.msk.s32 $0xffff, v8;
	vm0 =	vgt.s32 v7, v6  }
0x4e0: {  	_ =	sdelay $0x4  }
0x4e1: {  	v9, _, _ =	vpop (xrf0)  }
0x4e2: {  	(v2sf) =	vpush v9, $0xF;
	_ =	sdelay $0x2  }
0x4e3: {  	v7 =	vld [tilespmem:s3+$0x1AA00];
	p5 =	sne.s32 s1, $0x60  }
.Ltmp144:
0x4e4: {  	v8 =	vsel vm0, $0x1, v4;
	(pc) =	sbr.rel @!p5 .LBB2_139-.Ltmp144, $3  }
0x4e5: {  	(xrf0) =	vadd.scan.msk.s32 $0xffff, v8;
	_ =	sdelay $0x1  }
0x4e6: {  	s20 =	simm.s32 $0x60;
	s3 =	sand.u32 $0xFFFFFFF0, s12  }
0x4e7: {  	s13 =	spop (v2sf);
	p4 =	por $0x1, $0x1;
	s12 =	simm.s32 $0x0;
	vm0 =	vgt.s32 v7, v6  }
.LBB2_140:
0x4e8: {  	v7 =	vld [tilespmem:s3+$0x1AA00];
	s3 =	smov.u32 s20;
	s20 =	sadd.s32 $0x10, s20  }
0x4e9: {  	v9 =	vsel vm0, $0x1, v4;
	s12 =	sadd.s32 s12, s13;
	p5 =	sne.s32 s1, s20  }
.Ltmp145:
0x4ea: {  	(xrf0) =	vadd.scan.msk.s32 $0xffff, v9;
	v8, _, _ =	vpop (xrf0);
	(pc) =	sbr.rel @p5 .LBB2_140-.Ltmp145, $2  }
0x4eb: {  	(v2sf) =	vpush v8, $0xF;
	_ =	sdelay $0x2  }
0x4ec: {  	s3 =	sand.u32 $0xFFFFFFF0, s3;
	vm0 =	vgt.s32 v7, v6;
	s13 =	spop (v2sf)  }
0x4ed: {  	_ = 	snop  }
.LBB2_142:
0x4ee: {  	v7 =	vld [tilespmem:s3+$0x1AA00];
	_ =	sdelay $0x3  }
0x4ef: {  	v8 =	vsel @p0 vm0, $0x1, v4  }
0x4f0: {  	(xrf0) =	vadd.scan.msk.s32 @p0 $0xffff, v8;
	vm0 =	vgt.s32 v7, v6  }
0x4f1: {  	v7 =	vsel vm0, $0x1, v4;
	_ =	sdelay $0x1  }
0x4f2: {  	(xrf0) =	vadd.scan.msk.s32 $0xffff, v7  }
0x4f3: {  	v7, _, _ =	vpop @p1 (xrf0)  }
0x4f4: {  	(v2sf) =	vpush @p1 v7, $0xF  }
0x4f5: {  	v7, _, _ =	vpop @p0 (xrf0)  }
0x4f6: {  	(v2sf) =	vpush @p0 v7, $0xF;
	_ =	sdelay $0x1  }
0x4f7: {  	v7, _, _ =	vpop (xrf0)  }
0x4f8: {  	(v2sf) =	vpush v7, $0xF;
	_ =	sdelay $0x5  }
0x4f9: {  	s3 =	spop @p3 (v2sf);
	s5 =	sadd.s32 @p4 s12, s13;
	s12 =	simm.s32 $0x0  }
0x4fa: {  	s3 =	smov.u32 @p3 s3;
	s12 =	smov.u32 @p4 s5  }
0x4fb: {  	s3 =	sadd.s32 @p3 s12, s3;
	s12 =	simm.s32 $0x0;
	s5 =	spop @p2 (v2sf)  }
0x4fc: {  	s12 =	smov.u32 @p3 s3;
	s5 =	smov.u32 @p2 s5  }
0x4fd: {  	s3 =	sadd.s32 @p2 s12, s5;
	s12 =	simm.s32 $0x0;
	s5 =	spop @p1 (v2sf)  }
0x4fe: {  	s12 =	smov.u32 @p2 s3;
	s5 =	smov.u32 @p1 s5  }
0x4ff: {  	s3 =	sadd.s32 @p1 s12, s5;
	s5 =	spop @p0 (v2sf);
	s12 =	simm.s32 $0x0  }
0x500: {  	s5 =	smov.u32 @p0 s5;
	s12 =	smov.u32 @p1 s3  }
0x501: {  	s3 =	sadd.s32 @p0 s12, s5  }
0x502: {  	s23 =	spop (v2sf);
	s0 =	smov.u32 @p0 s3  }
0x503: {  	s13 =	simm.s32 $0x7FFF;
	s20 =	simm.s32 $0x0;
	s0 =	sadd.s32 s0, s23  }
0x504: {  	s12 =	simm.s32 $0x0;
	s3 =	ssub.s32 $0x400, s0;
	s0 =	simm.s32 $0x0  }
.LBB2_143:
0x505: {  	s5 =	sadd.s32 s0, s13  }
0x506: {  	p5 =	sne.s32 s1, $0x10;
	s21 =	sand.u32 $0x1, s5  }
0x507: {  	s22 =	sand.u32 $0xFFFFFFF0, s12;
	p0 =	slt.s32 s5, $0x1;
	p1 =	seq.s32 s21, $0x1  }
.Ltmp146:
0x508: {  	s23 =	sshrl.u32 s5, $0x1F;
	p0 =	por !p0, !p1;
	(pc) =	sbr.rel @!p5 .LBB2_144-.Ltmp146, $4  }
0x509: {  	s5 =	sadd.s32 s23, s5;
	s21 =	simm.s32 $0x1;
	p0 =	por !p0, !p0  }
0x50a: {  	p2 =	por $0x0, $0x0;
	s5 =	sshra.s32 s5, $0x1;
	s21 =	simm.s32 @!p0 $0x0  }
0x50b: {  	p3 =	por $0x0, $0x0;
	p4 =	por $0x0, $0x0;
	s21 =	ssub.s32 s5, s21  }
0x50c: {  	v8 =	vld [tilespmem:s22+$0x1AA00];
	p1 =	por $0x0, $0x0;
	p0 =	por $0x0, $0x0;
	s5 =	simm.s32 $0x10;
	v7 =	vmov s21  }
0x50d: {  	v9 =	vld [tilespmem:s22+$0x1CA80];
	p5 =	sne.s32 s1, $0x20  }
.Ltmp147:
0x50e: {  	_ = 	snop;
	(pc) =	sbr.rel @!p5 .LBB2_146-.Ltmp147, $3  }
0x50f: {  	_ =	sdelay $0x1  }
0x510: {  	s22 =	sand.u32 $0xFFFFFFF0, s5  }
0x511: {  	s5 =	simm.s32 $0x20;
	p0 =	por $0x1, $0x1;
	vm0 =	veq.s32 v8, v6;
	v8 =	vld [tilespmem:s22+$0x1AA00];
	vm2 =	vle.s32 v9, v7  }
0x512: {  	v9 =	vld [tilespmem:s22+$0x1CA80];
	p5 =	sne.s32 s1, $0x30  }
.Ltmp148:
0x513: {  	_ = 	snop;
	(pc) =	sbr.rel @!p5 .LBB2_148-.Ltmp148, $4  }
0x514: {  	_ = 	snop  }
0x515: {  	vm0 =	vmand vm0, vm2  }
0x516: {  	s22 =	sand.u32 $0xFFFFFFF0, s5;
	v10 =	vsel vm0, $0x1, v4  }
0x517: {  	s5 =	simm.s32 $0x30;
	p1 =	por $0x1, $0x1;
	(xrf0) =	vadd.scan.msk.s32 $0xffff, v10;
	vm0 =	veq.s32 v8, v6;
	v8 =	vld [tilespmem:s22+$0x1AA00];
	vm2 =	vle.s32 v9, v7  }
0x518: {  	_ =	sdelay $0x4  }
0x519: {  	v11, _, _ =	vpop (xrf0)  }
0x51a: {  	(v2sf) =	vpush v11, $0xF;
	_ =	sdelay $0x7  }
0x51b: {  	v9 =	vld [tilespmem:s22+$0x1CA80];
	p5 =	sne.s32 s1, $0x40  }
.Ltmp149:
0x51c: {  	_ = 	snop;
	(pc) =	sbr.rel @!p5 .LBB2_150-.Ltmp149, $4  }
0x51d: {  	_ = 	snop  }
0x51e: {  	vm0 =	vmand vm0, vm2  }
0x51f: {  	s22 =	sand.u32 $0xFFFFFFF0, s5;
	v10 =	vsel vm0, $0x1, v4  }
0x520: {  	s5 =	simm.s32 $0x40;
	p2 =	por $0x1, $0x1;
	vm0 =	veq.s32 v8, v6;
	v8 =	vld [tilespmem:s22+$0x1AA00];
	(xrf0) =	vadd.scan.msk.s32 $0xffff, v10;
	vm2 =	vle.s32 v9, v7  }
0x521: {  	_ =	sdelay $0x4  }
0x522: {  	v11, _, _ =	vpop (xrf0)  }
0x523: {  	(v2sf) =	vpush v11, $0xF;
	_ =	sdelay $0x2  }
0x524: {  	v9 =	vld [tilespmem:s22+$0x1CA80];
	p5 =	sne.s32 s1, $0x50  }
.Ltmp150:
0x525: {  	_ = 	snop;
	(pc) =	sbr.rel @!p5 .LBB2_152-.Ltmp150, $4  }
0x526: {  	_ = 	snop  }
0x527: {  	vm0 =	vmand vm0, vm2  }
0x528: {  	s22 =	sand.u32 $0xFFFFFFF0, s5;
	v10 =	vsel vm0, $0x1, v4  }
0x529: {  	s5 =	simm.s32 $0x50;
	p3 =	por $0x1, $0x1;
	vm0 =	veq.s32 v8, v6;
	v8 =	vld [tilespmem:s22+$0x1AA00];
	(xrf0) =	vadd.scan.msk.s32 $0xffff, v10;
	vm2 =	vle.s32 v9, v7  }
0x52a: {  	_ =	sdelay $0x4  }
0x52b: {  	v11, _, _ =	vpop (xrf0)  }
0x52c: {  	(v2sf) =	vpush v11, $0xF;
	_ =	sdelay $0x2  }
0x52d: {  	v9 =	vld [tilespmem:s22+$0x1CA80];
	p5 =	sne.s32 s1, $0x60  }
.Ltmp151:
0x52e: {  	vm0 =	vmand vm0, vm2;
	(pc) =	sbr.rel @!p5 .LBB2_154-.Ltmp151, $4  }
0x52f: {  	v10 =	vsel vm0, $0x1, v4  }
0x530: {  	(xrf0) =	vadd.scan.msk.s32 $0xffff, v10  }
0x531: {  	s22 =	sand.u32 $0xFFFFFFF0, s5  }
0x532: {  	s5 =	simm.s32 $0x60;
	p4 =	por $0x1, $0x1;
	s23 =	simm.s32 $0x0;
	vm0 =	veq.s32 v8, v6;
	v8 =	vld [tilespmem:s22+$0x1AA00];
	vm2 =	vle.s32 v9, v7  }
.LBB2_155:
0x533: {  	s6 =	smov.u32 s5;
	s5 =	sadd.s32 $0x10, s5  }
0x534: {  	v9 =	vld [tilespmem:s22+$0x1CA80];
	vm0 =	vmand vm0, vm2;
	s22 =	spop (v2sf);
	p5 =	sne.s32 s1, s5  }
.Ltmp152:
0x535: {  	v11 =	vsel vm0, $0x1, v4;
	s23 =	sadd.s32 s23, s22;
	(pc) =	sbr.rel @p5 .LBB2_155-.Ltmp152, $4  }
0x536: {  	(xrf0) =	vadd.scan.msk.s32 $0xffff, v11;
	v10, _, _ =	vpop (xrf0)  }
0x537: {  	(v2sf) =	vpush v10, $0xF  }
0x538: {  	s22 =	sand.u32 $0xFFFFFFF0, s6;
	vm0 =	veq.s32 v8, v6  }
0x539: {  	v8 =	vld [tilespmem:s22+$0x1AA00];
	vm2 =	vle.s32 v9, v7  }
.LBB2_156:
0x53a: {  	v9 =	vld [tilespmem:s22+$0x1CA80];
	_ =	sdelay $0x3  }
0x53b: {  	vm0 =	vmand @p0 vm0, vm2  }
0x53c: {  	v10 =	vsel @p0 vm0, $0x1, v4;
	vm0 =	veq.s32 v8, v6;
	vm2 =	vle.s32 v9, v7  }
0x53d: {  	(xrf0) =	vadd.scan.msk.s32 @p0 $0xffff, v10;
	vm0 =	vmand vm0, vm2  }
0x53e: {  	v7 =	vsel vm0, $0x1, v4  }
0x53f: {  	(xrf0) =	vadd.scan.msk.s32 $0xffff, v7;
	_ =	sdelay $0x1  }
0x540: {  	v7, _, _ =	vpop @p1 (xrf0)  }
0x541: {  	(v2sf) =	vpush @p1 v7, $0xF  }
0x542: {  	v7, _, _ =	vpop @p0 (xrf0)  }
0x543: {  	(v2sf) =	vpush @p0 v7, $0xF  }
0x544: {  	v7, _, _ =	vpop (xrf0)  }
0x545: {  	(v2sf) =	vpush v7, $0xF;
	_ =	sdelay $0x4  }
0x546: {  	s5 =	spop @p4 (v2sf)  }
0x547: {  	s6 =	simm.s32 $0x0;
	s5 =	sadd.s32 @p4 s23, s5  }
0x548: {  	s6 =	smov.u32 @p4 s5;
	s5 =	spop @p3 (v2sf)  }
0x549: {  	s5 =	sadd.s32 @p3 s6, s5;
	s6 =	simm.s32 $0x0  }
0x54a: {  	s6 =	smov.u32 @p3 s5;
	s5 =	spop @p2 (v2sf)  }
0x54b: {  	s5 =	sadd.s32 @p2 s6, s5;
	s6 =	simm.s32 $0x0  }
0x54c: {  	s6 =	smov.u32 @p2 s5;
	s5 =	spop @p1 (v2sf)  }
0x54d: {  	s5 =	sadd.s32 @p1 s6, s5;
	s6 =	simm.s32 $0x0  }
0x54e: {  	s6 =	smov.u32 @p1 s5;
	s5 =	spop @p0 (v2sf)  }
0x54f: {  	s5 =	sadd.s32 @p0 s6, s5;
	s6 =	simm.s32 $0x0  }
0x550: {  	s6 =	smov.u32 @p0 s5;
	s23 =	spop (v2sf)  }
0x551: {  	s20 =	sadd.s32 $0x1, s20;
	s5 =	sadd.s32 s6, s23  }
0x552: {  	s6 =	smov.u32 s0;
	p0 =	slt.s32 s5, s3;
	s5 =	sadd.s32 $0x1, s21  }
0x553: {  	s6 =	smov.u32 @p0 s5;
	s21 =	smov.u32 @p0 s13;
	p0 =	sne.s32 s20, $0x10  }
.Ltmp153:
0x554: {  	_ = 	snop;
	(pc) =	sbr.rel @p0 .LBB2_143-.Ltmp153, $4  }
.Ltmp154:
0x555: {  	_ = 	snop;
	(pc) =	sbr.rel @!p0 .LBB2_157-.Ltmp154, $4  }
0x556: {  	_ = 	snop  }
0x557: {  	p1 =	slt.s32 s0, s13  }
0x558: {  	s0 =	smov.u32 @p1 s6;
	s13 =	smov.u32 @p1 s21  }
0x559: {  	_ = 	snop  }
.LBB2_144:
.Ltmp155:
0x55a: {  	(pc) =	sbr.rel .LBB2_156-.Ltmp155, $2  }
0x55b: {  	_ =	sdelay $0x2  }
0x55c: {  	s23 =	simm.s32 $0x0  }
.LBB2_146:
.Ltmp156:
0x55d: {  	(pc) =	sbr.rel .LBB2_156-.Ltmp156, $2  }
0x55e: {  	_ =	sdelay $0x2  }
0x55f: {  	s23 =	simm.s32 $0x0  }
.LBB2_148:
.Ltmp157:
0x560: {  	(pc) =	sbr.rel .LBB2_156-.Ltmp157, $2  }
0x561: {  	_ =	sdelay $0x2  }
0x562: {  	s23 =	simm.s32 $0x0  }
.LBB2_150:
.Ltmp158:
0x563: {  	(pc) =	sbr.rel .LBB2_156-.Ltmp158, $2  }
0x564: {  	_ =	sdelay $0x2  }
0x565: {  	s23 =	simm.s32 $0x0  }
.LBB2_152:
.Ltmp159:
0x566: {  	(pc) =	sbr.rel .LBB2_156-.Ltmp159, $2  }
0x567: {  	_ =	sdelay $0x3  }
0x568: {  	s23 =	simm.s32 $0x0  }
.LBB2_154:
.Ltmp160:
0x569: {  	(pc) =	sbr.rel .LBB2_156-.Ltmp160, $2  }
0x56a: {  	_ =	sdelay $0x2  }
0x56b: {  	s23 =	simm.s32 $0x0  }
.LBB2_9:
.Ltmp161:
0x56c: {  	(pc) =	sbr.rel .LBB2_13-.Ltmp161, $2  }
0x56d: {  	_ =	sdelay $0x2  }
0x56e: {  	s3 =	simm.s32 $0x0;
	s1 =	simm.s32 $0x18000;
	s12 =	simm.s32 $0x0  }
.LBB2_17:
.Ltmp162:
0x56f: {  	(pc) =	sbr.rel .LBB2_21-.Ltmp162, $2  }
0x570: {  	_ =	sdelay $0x2  }
0x571: {  	s13 =	simm.s32 $0x0;
	s3 =	simm.s32 $0x19100;
	s12 =	simm.s32 $0x0  }
.LBB2_11:
.Ltmp163:
0x572: {  	(pc) =	sbr.rel .LBB2_13-.Ltmp163, $2  }
0x573: {  	_ =	sdelay $0x2  }
0x574: {  	s3 =	simm.s32 $0x0;
	s1 =	simm.s32 $0x18000;
	s12 =	simm.s32 $0x0  }
.LBB2_19:
.Ltmp164:
0x575: {  	(pc) =	sbr.rel .LBB2_21-.Ltmp164, $2  }
0x576: {  	_ =	sdelay $0x2  }
0x577: {  	s13 =	simm.s32 $0x0;
	s3 =	simm.s32 $0x19100;
	s12 =	simm.s32 $0x0  }
.LBB2_82:
.Ltmp165:
0x578: {  	(pc) =	sbr.rel .LBB2_95-.Ltmp165, $2  }
0x579: {  	_ =	sdelay $0x2  }
0x57a: {  	s12 =	simm.s32 $0x0  }
.LBB2_39:
.Ltmp166:
0x57b: {  	(pc) =	sbr.rel .LBB2_50-.Ltmp166, $2  }
0x57c: {  	_ =	sdelay $0x2  }
0x57d: {  	s12 =	simm.s32 $0x0  }
.LBB2_176:
.Ltmp167:
0x57e: {  	(pc) =	sbr.rel .LBB2_189-.Ltmp167, $2  }
0x57f: {  	_ =	sdelay $0x2  }
0x580: {  	s20 =	simm.s32 $0x0  }
.LBB2_129:
.Ltmp168:
0x581: {  	(pc) =	sbr.rel .LBB2_142-.Ltmp168, $2  }
0x582: {  	_ =	sdelay $0x2  }
0x583: {  	s12 =	simm.s32 $0x0  }
.LBB2_84:
.Ltmp169:
0x584: {  	(pc) =	sbr.rel .LBB2_95-.Ltmp169, $2  }
0x585: {  	_ =	sdelay $0x2  }
0x586: {  	s12 =	simm.s32 $0x0  }
.LBB2_41:
.Ltmp170:
0x587: {  	(pc) =	sbr.rel .LBB2_50-.Ltmp170, $2  }
0x588: {  	_ =	sdelay $0x2  }
0x589: {  	s12 =	simm.s32 $0x0  }
.LBB2_178:
.Ltmp171:
0x58a: {  	(pc) =	sbr.rel .LBB2_189-.Ltmp171, $2  }
0x58b: {  	_ =	sdelay $0x2  }
0x58c: {  	s20 =	simm.s32 $0x0  }
.LBB2_131:
.Ltmp172:
0x58d: {  	(pc) =	sbr.rel .LBB2_142-.Ltmp172, $2  }
0x58e: {  	_ =	sdelay $0x2  }
0x58f: {  	s12 =	simm.s32 $0x0  }
.LBB2_86:
.Ltmp173:
0x590: {  	(pc) =	sbr.rel .LBB2_95-.Ltmp173, $2  }
0x591: {  	_ =	sdelay $0x2  }
0x592: {  	s12 =	simm.s32 $0x0  }
.LBB2_43:
.Ltmp174:
0x593: {  	(pc) =	sbr.rel .LBB2_50-.Ltmp174, $2  }
0x594: {  	_ =	sdelay $0x2  }
0x595: {  	s12 =	simm.s32 $0x0  }
.LBB2_180:
.Ltmp175:
0x596: {  	(pc) =	sbr.rel .LBB2_189-.Ltmp175, $2  }
0x597: {  	_ =	sdelay $0x2  }
0x598: {  	s20 =	simm.s32 $0x0  }
.LBB2_133:
.Ltmp176:
0x599: {  	(pc) =	sbr.rel .LBB2_142-.Ltmp176, $2  }
0x59a: {  	_ =	sdelay $0x2  }
0x59b: {  	s12 =	simm.s32 $0x0  }
.LBB2_88:
.Ltmp177:
0x59c: {  	(pc) =	sbr.rel .LBB2_95-.Ltmp177, $2  }
0x59d: {  	_ =	sdelay $0x2  }
0x59e: {  	s12 =	simm.s32 $0x0  }
.LBB2_45:
.Ltmp178:
0x59f: {  	(pc) =	sbr.rel .LBB2_50-.Ltmp178, $2  }
0x5a0: {  	_ =	sdelay $0x2  }
0x5a1: {  	s12 =	simm.s32 $0x0  }
.LBB2_182:
.Ltmp179:
0x5a2: {  	(pc) =	sbr.rel .LBB2_189-.Ltmp179, $2  }
0x5a3: {  	_ =	sdelay $0x2  }
0x5a4: {  	s20 =	simm.s32 $0x0  }
.LBB2_135:
.Ltmp180:
0x5a5: {  	(pc) =	sbr.rel .LBB2_142-.Ltmp180, $2  }
0x5a6: {  	_ =	sdelay $0x2  }
0x5a7: {  	s12 =	simm.s32 $0x0  }
.LBB2_90:
.Ltmp181:
0x5a8: {  	(pc) =	sbr.rel .LBB2_95-.Ltmp181, $2  }
0x5a9: {  	_ =	sdelay $0x2  }
0x5aa: {  	s12 =	simm.s32 $0x0  }
.LBB2_47:
.Ltmp182:
0x5ab: {  	(pc) =	sbr.rel .LBB2_50-.Ltmp182, $2  }
0x5ac: {  	_ =	sdelay $0x2  }
0x5ad: {  	s12 =	simm.s32 $0x0  }
.LBB2_184:
.Ltmp183:
0x5ae: {  	(pc) =	sbr.rel .LBB2_189-.Ltmp183, $2  }
0x5af: {  	_ =	sdelay $0x2  }
0x5b0: {  	s20 =	simm.s32 $0x0  }
.LBB2_137:
.Ltmp184:
0x5b1: {  	(pc) =	sbr.rel .LBB2_142-.Ltmp184, $2  }
0x5b2: {  	_ =	sdelay $0x2  }
0x5b3: {  	s12 =	simm.s32 $0x0  }
.LBB2_92:
.Ltmp185:
0x5b4: {  	(pc) =	sbr.rel .LBB2_95-.Ltmp185, $2  }
0x5b5: {  	_ =	sdelay $0x2  }
0x5b6: {  	s12 =	simm.s32 $0x0  }
.LBB2_186:
.Ltmp186:
0x5b7: {  	(pc) =	sbr.rel .LBB2_189-.Ltmp186, $2  }
0x5b8: {  	_ =	sdelay $0x2  }
0x5b9: {  	s20 =	simm.s32 $0x0  }
.LBB2_139:
.Ltmp187:
0x5ba: {  	(pc) =	sbr.rel .LBB2_142-.Ltmp187, $2  }
0x5bb: {  	_ =	sdelay $0x2  }
0x5bc: {  	s12 =	simm.s32 $0x0  }
.LBB2_205:
0x5bd: {  	_ =	sfence.sel $0x180000  }
0x5be: {  	[bflag:$0x0] =	sbarrier.arrive $0xFFFF  }
0x5bf: {  	_ =	strace $0x90000047  }
0x5c0: {  	s0 =	stileid.u32;
	[bflag:$0x2] =	sbarrier.arrive $0xFFFF  }
0x5c1: {  	p0 =	sne.s32 s0, $0x0;
	s0 =	rddreg [dreg:$0x3]  }
0x5c2: {  	s0 =	sadd.s32 @!p0 $0x100000, s0  }
0x5c3: {  	[sflag:s0] =	ssyncadd.tile.s32 @!p0 $0x1;
	_ =	shalt  }
.Lfunc_end2:
_tile_overlayer_lowered:
.L_overlay_start_2:
0x5c4: {  	(tag) =	ssettag $0x2  }
0x5c5: {  	s0 =	rddreg [dreg:$0x0];
	s2 =	stileid.u32  }
0x5c6: {  	s1 =	rddreg [dreg:$0x1];
	p0 =	sne.s32 s2, $0x0  }
0x5c7: {  	s3 =	rddreg [dreg:$0x2];
	[bflag:$0x3] =	sbarrier.arrive $0xFFFF;
	s2 =	simm.s32 @!p0 $0x1C01  }
0x5c8: {  	[timem:s3], [sflag:s2] =	dma.local @!p0 [hbm:s0], s1  }
0x5c9: {  	s0 =	simm.s32 @!p0 $0x1  }
0x5ca: {  	_ =	swait.ge @!p0 [sflag:s0], s1  }
0x5cb: {  	s1 =	ssub.s32 @!p0 $0x0, s1;
	[sflag:s0] =	ssyncset.done @!p0 $0x0  }
0x5cc: {  	[sflag:s0] =	ssyncadd.s32 @!p0 s1  }
0x5cd: {  	[bflag:$0x3] =	sbarrier.arrive $0xFFFF  }
0x5ce: {  	_ =	shalt  }

</sc_bundles>
